<compile_context>
chip_gen: v7x
topology: tpu7x:2x2x1
jax: 0.10.2.dev20260603
libtpu: 0.0.44.dev20260713+nightly
codegen_flags: <defaults>
</compile_context>

<pallas_src>
import jax
import jax.numpy as jnp
from jax import lax
from jax.experimental import pallas as pl
from jax.experimental.pallas import tpu as pltpu
from jax.experimental.pallas import tpu_sc as plsc

N = 10000
D = 128
K = 128
E = 160000

NC = 2
NS = 16
NW = NC * NS
CB = 125
NCHUNK = 40
EPAD = NW * NCHUNK * CB
NP = 10240
RPT = NP // NS
ZCH = 80
NZ = RPT // ZCH

NBUF = 2

BLK = 5000
GRID = N // BLK

_SELU_SCALE = 1.0507009873554805
_SELU_ALPHA = 1.6732632423543772



def _make_sc_body(grow, srow):
    def body(table, cei, zeros, out, gidx_v, sidx_v, rows_v, agg_sh, sem, zsem):
        c = lax.axis_index("c")
        s = lax.axis_index("s")
        w = c * NS + s

        pltpu.sync_copy(cei.at[grow, w], gidx_v)
        pltpu.sync_copy(cei.at[srow, w], sidx_v)

        pltpu.async_copy(table.at[gidx_v.at[0]], rows_v.at[1], sem)
        zbuf = rows_v.at[0, pl.ds(0, ZCH)]
        pltpu.sync_copy(zeros, zbuf)
        rbase = s * RPT
        zd = [pltpu.async_copy(zbuf, agg_sh.at[pl.ds(rbase + j * ZCH, ZCH)], zsem)
              for j in range(NZ)]
        for d in zd:
            d.wait()
        for p in range(1, NBUF):
            pltpu.async_copy(table.at[gidx_v.at[p]], rows_v.at[(p + 1) % NBUF], sem)
        plsc.subcore_barrier()

        def chunk(j, carry):
            buf = rows_v.at[lax.rem(j + 1, NBUF)]
            pltpu.make_async_copy(table.at[gidx_v.at[0]], buf, sem).wait()
            pltpu.sync_copy(buf, agg_sh.at[sidx_v.at[j]], add=True)

            @pl.when(j + NBUF < NCHUNK)
            def _next():
                jn = j + NBUF
                pltpu.async_copy(table.at[gidx_v.at[jn]], rows_v.at[lax.rem(jn + 1, NBUF)], sem)

            return carry

        lax.fori_loop(0, NCHUNK, chunk, 0)
        plsc.subcore_barrier()

        wd = []
        for j in range(NZ):
            b = j % NBUF
            if j >= NBUF:
                wd[j - NBUF].wait()
            bb = rows_v.at[b, pl.ds(0, ZCH)]
            pltpu.sync_copy(agg_sh.at[pl.ds(rbase + j * ZCH, ZCH)], bb)
            wd.append(pltpu.async_copy(bb, out.at[c, pl.ds(rbase + j * ZCH, ZCH)], zsem))
        for d in wd[-NBUF:]:
            d.wait()

    return body


_SC_MESH = plsc.VectorSubcoreMesh(
    core_axis_name="c", subcore_axis_name="s", num_cores=NC, num_subcores=NS)


def _sc_scatter(table, cei, grow, srow):
    zeros = jnp.zeros((ZCH, D), jnp.float32)
    return pl.kernel(
        _make_sc_body(grow, srow),
        out_type=jax.ShapeDtypeStruct((NC, NP, D), jnp.float32),
        mesh=_SC_MESH,
        scratch_types=[
            pltpu.VMEM((NCHUNK, CB), jnp.int32),
            pltpu.VMEM((NCHUNK, CB), jnp.int32),
            pltpu.VMEM((NBUF, CB, D), jnp.float32),
            pltpu.VMEM_SHARED((NP, D), jnp.float32),
            pltpu.SemaphoreType.DMA,
            pltpu.SemaphoreType.DMA,
        ],
        name="sc_edge_scatter",
    )(table, cei, zeros)



_F32 = jnp.float32


def _row_spec():
    return pl.BlockSpec((BLK, D), lambda i: (i, 0))


def _part_specs():
    return [pl.BlockSpec((1, BLK, D), lambda i: (0, i, 0)),
            pl.BlockSpec((1, BLK, D), lambda i: (1, i, 0))]


def _full_spec():
    return pl.BlockSpec((D, D), lambda i: (0, 0))


def _vec_spec():
    return pl.BlockSpec((1, D), lambda i: (0, 0))


def _tc_mm_body(v_ref, w_ref, o_ref):
    o_ref[...] = jnp.dot(v_ref[...], w_ref[...], preferred_element_type=_F32)


def _tc_mm(v, w):
    return pl.pallas_call(
        _tc_mm_body,
        grid=(GRID,),
        in_specs=[_row_spec(), _full_spec()],
        out_specs=_row_spec(),
        out_shape=jax.ShapeDtypeStruct((N, D), _F32),
    )(v, w)


def _tc_conv1_body(parts0, parts1, xr_ref, wrel_ref, brel_ref, h1_ref):
    agg = parts0[0] + parts1[0]
    h1 = (jnp.dot(agg, wrel_ref[...], preferred_element_type=_F32)
          + brel_ref[...] + xr_ref[...])
    h1_ref[...] = jnp.maximum(h1, 0.0)


def _tc_conv1(parts, xr, w_rel, b_rel):
    return pl.pallas_call(
        _tc_conv1_body,
        grid=(GRID,),
        in_specs=_part_specs() + [_row_spec(), _full_spec(), _vec_spec()],
        out_specs=_row_spec(),
        out_shape=jax.ShapeDtypeStruct((N, D), _F32),
    )(parts, parts, xr, w_rel, b_rel)


def _tc_conv2_body(parts0, parts1, h1r_ref, wrel_ref, brel_ref,
                   w1_ref, b1_ref, w2_ref, b2_ref,
                   h_ref, s_ref, n2c_ref):
    agg = parts0[0] + parts1[0]
    h = (jnp.dot(agg, wrel_ref[...], preferred_element_type=_F32)
         + brel_ref[...] + h1r_ref[...])
    h_ref[...] = h
    l1 = jnp.dot(h, w1_ref[...], preferred_element_type=_F32) + b1_ref[...]
    lg = jnp.dot(l1, w2_ref[...], preferred_element_type=_F32) + b2_ref[...]
    mx = jnp.max(lg, axis=1, keepdims=True)
    ex = jnp.exp(lg - mx)
    sm = ex / jnp.sum(ex, axis=1, keepdims=True)
    s_ref[...] = sm
    iota = lax.broadcasted_iota(jnp.int32, (BLK, K), 1)
    mxs = jnp.max(sm, axis=1, keepdims=True)
    n2c = jnp.min(jnp.where(sm == mxs, iota, K), axis=1)
    n2c_ref[...] = jnp.broadcast_to(n2c[:, None], (BLK, 8))


def _tc_conv2(parts, h1r, w_rel, b_rel, w1, b1, w2, b2):
    return pl.pallas_call(
        _tc_conv2_body,
        grid=(GRID,),
        in_specs=_part_specs() + [_row_spec(), _full_spec(), _vec_spec(),
                                  _full_spec(), _vec_spec(), _full_spec(), _vec_spec()],
        out_specs=[
            _row_spec(),
            _row_spec(),
            pl.BlockSpec((BLK, 8), lambda i: (i, 0)),
        ],
        out_shape=[
            jax.ShapeDtypeStruct((N, D), _F32),
            jax.ShapeDtypeStruct((N, K), _F32),
            jax.ShapeDtypeStruct((N, 8), jnp.int32),
        ],
    )(parts, parts, h1r, w_rel, b_rel, w1, b1, w2, b2)


def _tc_contract_body(s_ref, h_ref, ss_ref, sth_ref, cs_ref):
    i = pl.program_id(0)
    sm = s_ref[...]
    ssb = lax.dot_general(sm, sm, (((0,), (0,)), ((), ())),
                          preferred_element_type=_F32)
    sthb = lax.dot_general(sm, h_ref[...], (((0,), (0,)), ((), ())),
                           preferred_element_type=_F32)
    csb = jnp.sum(sm, axis=0, keepdims=True)

    @pl.when(i == 0)
    def _init():
        ss_ref[...] = ssb
        sth_ref[...] = sthb
        cs_ref[...] = csb

    @pl.when(i > 0)
    def _acc():
        ss_ref[...] += ssb
        sth_ref[...] += sthb
        cs_ref[...] += csb


def _tc_contract(s, h):
    return pl.pallas_call(
        _tc_contract_body,
        grid=(GRID,),
        in_specs=[_row_spec(), _row_spec()],
        out_specs=[
            pl.BlockSpec((K, K), lambda i: (0, 0)),
            pl.BlockSpec((K, D), lambda i: (0, 0)),
            pl.BlockSpec((1, K), lambda i: (0, 0)),
        ],
        out_shape=[
            jax.ShapeDtypeStruct((K, K), _F32),
            jax.ShapeDtypeStruct((K, D), _F32),
            jax.ShapeDtypeStruct((1, K), _F32),
        ],
    )(s, h)


def _tc3_body(t0_ref, t1_ref, s_ref, ss_ref, sth_ref, cs_ref,
              emb_ref, closs_ref, oadj_acc, ca_acc, m_acc):
    i = pl.program_id(0)

    @pl.when(i == 0)
    def _init():
        oadj_acc[...] = jnp.zeros_like(oadj_acc)
        ca_acc[...] = jnp.zeros_like(ca_acc)
        m_acc[0] = 0.0

    t = t0_ref[0] + t1_ref[0]
    sm = s_ref[...]
    deg = jnp.sum(t, axis=1, keepdims=True)
    oadj_acc[...] += lax.dot_general(sm, t, (((0,), (0,)), ((), ())),
                                     preferred_element_type=_F32)
    ca_acc[...] += jnp.sum(sm * deg, axis=0, keepdims=True)
    m_acc[0] += jnp.sum(deg)

    @pl.when(i == GRID - 1)
    def _fin():
        oadj = oadj_acc[...]
        ca = ca_acc[...]
        m = m_acc[0] * 0.5
        eye = (lax.broadcasted_iota(jnp.int32, (K, K), 0)
               == lax.broadcasted_iota(jnp.int32, (K, K), 1)).astype(_F32)
        tr_out = jnp.sum(oadj * eye)
        tr_norm = jnp.sum(ca * ca) / (2.0 * m)
        spectral = -(tr_out - tr_norm) / (2.0 * m)
        ss = ss_ref[...]
        ssn = jnp.sqrt(jnp.sum(ss * ss))
        dmat = ss / ssn - eye / jnp.sqrt(jnp.float32(K))
        ortho = jnp.sqrt(jnp.sum(dmat * dmat))
        cs = cs_ref[...]
        cluster = jnp.sqrt(jnp.sum(cs * cs)) / N * jnp.sqrt(jnp.float32(K)) - 1.0
        closs_ref[...] = (spectral + ortho + cluster)[None, None]
        sth = sth_ref[...]
        emb_ref[...] = _SELU_SCALE * jnp.where(
            sth > 0, sth, _SELU_ALPHA * (jnp.exp(sth) - 1.0))


def _tc3(tparts, s, ss, sth, cs):
    return pl.pallas_call(
        _tc3_body,
        grid=(GRID,),
        in_specs=_part_specs() + [
            _row_spec(),
            pl.BlockSpec((K, K), lambda i: (0, 0)),
            pl.BlockSpec((K, D), lambda i: (0, 0)),
            pl.BlockSpec((1, K), lambda i: (0, 0)),
        ],
        out_specs=[
            pl.BlockSpec((K, D), lambda i: (0, 0)),
            pl.BlockSpec((1, 1), lambda i: (0, 0)),
        ],
        out_shape=[
            jax.ShapeDtypeStruct((K, D), _F32),
            jax.ShapeDtypeStruct((1, 1), _F32),
        ],
        scratch_shapes=[
            pltpu.VMEM((K, K), _F32),
            pltpu.VMEM((1, K), _F32),
            pltpu.SMEM((1,), _F32),
        ],
    )(tparts, tparts, s, ss, sth, cs)



def kernel(x, hyper_edge_index, c_edge_index, W_rel, b_rel, W_root, W1, b1, W2, b2):
    del hyper_edge_index
    cei = c_edge_index.reshape(2, NW, NCHUNK, CB)
    b_rel2 = b_rel.reshape(1, D)
    b12 = b1.reshape(1, D)
    b22 = b2.reshape(1, K)

    agg1 = _sc_scatter(x, cei, 0, 1)
    xr = _tc_mm(x, W_root)
    h1 = _tc_conv1(agg1, xr, W_rel, b_rel2)
    agg2 = _sc_scatter(h1, cei, 0, 1)
    h1r = _tc_mm(h1, W_root)
    h, s, n2c8 = _tc_conv2(agg2, h1r, W_rel, b_rel2, W1, b12, W2, b22)
    t = _sc_scatter(s, cei, 1, 0)
    ss, sth, cs = _tc_contract(s, h)
    emb, closs = _tc3(t, s, ss, sth, cs)
    return h, n2c8[:, 0], emb, closs[0, 0]

# --- scband reference (transcript-rebuilt; emitter-appended) ---
"""Pipeline reference for scband-hcluster-gnn-944892805251 (READ-ONLY COPY).

The authoritative reference and input builder live on the scoring server;
editing this copy changes nothing except your own understanding.
"""

import jax, jax.numpy as jnp
import numpy as np

N = 10000
E = 160000
D = 128
K = 128

def setup_inputs(seed: int = 0):
    key = jax.random.key(seed)
    ks = jax.random.split(key, 12)
    x = jax.random.normal(ks[0], (N, D), dtype=jnp.float32)
    hyper_edge_index = jax.random.randint(ks[1], (2, E), 0, N, dtype=jnp.int32)
    c_edge_index = jax.random.randint(ks[2], (2, E), 0, N, dtype=jnp.int32)
    sc = 1.0 / np.sqrt(D)
    W_rel = jax.random.normal(ks[3], (D, D), dtype=jnp.float32) * sc
    b_rel = jnp.zeros((D,), dtype=jnp.float32)
    W_root = jax.random.normal(ks[4], (D, D), dtype=jnp.float32) * sc
    W1 = jax.random.normal(ks[5], (D, D), dtype=jnp.float32) * sc
    b1 = jnp.zeros((D,), dtype=jnp.float32)
    W2 = jax.random.normal(ks[6], (D, K), dtype=jnp.float32) * sc
    b2 = jnp.zeros((K,), dtype=jnp.float32)
    return {"x": x, "hyper_edge_index": hyper_edge_index, "c_edge_index": c_edge_index,
            "W_rel": W_rel, "b_rel": b_rel, "W_root": W_root,
            "W1": W1, "b1": b1, "W2": W2, "b2": b2}

def _graph_conv(x, edge_index, W_rel, b_rel, W_root):
    # PyG GraphConv (aggr='add'): out = lin_rel(sum_{j->i} x_j) + lin_root(x)
    src, dst = edge_index[0], edge_index[1]
    agg = jnp.zeros_like(x).at[dst].add(x[src])
    return agg @ W_rel + b_rel + x @ W_root

def reference(x, hyper_edge_index, c_edge_index, W_rel, b_rel, W_root, W1, b1, W2, b2):
    # convs[0] and convs[1] are the SAME module instance ([m]*n_layers), shared weights
    h = jax.nn.relu(_graph_conv(x, c_edge_index, W_rel, b_rel, W_root))
    # dropout is a no-op in eval mode
    h = _graph_conv(h, c_edge_index, W_rel, b_rel, W_root)
    # to_dense_adj with edge_attr=None: scatter-add ones at (src, dst)
    adj = jnp.zeros((N, N), dtype=jnp.float32).at[c_edge_index[0], c_edge_index[1]].add(1.0)[None]
    xb = h[None]
    # DMoNPooling: MLP([D, D, K], act=None, norm=None) -> softmax
    s = (xb @ W1 + b1) @ W2 + b2
    s = jax.nn.softmax(s, axis=-1)
    st = jnp.swapaxes(s, 1, 2)
    out = jax.nn.selu(st @ xb)
    out_adj = (st @ adj) @ s
    degrees = jnp.sum(adj, axis=-1)[..., None]
    m = jnp.sum(degrees, axis=(1, 2)) / 2.0
    ca = st @ degrees
    cb = jnp.swapaxes(degrees, 1, 2) @ s
    normalizer = (ca @ cb) / 2.0 / m[:, None, None]
    decompose = out_adj - normalizer
    spectral_loss = jnp.mean(-jnp.trace(decompose, axis1=1, axis2=2) / 2.0 / m)
    ss = st @ s
    i_s = jnp.eye(K, dtype=jnp.float32)
    ortho_loss = jnp.mean(jnp.linalg.norm(ss / jnp.linalg.norm(ss, axis=(1, 2), keepdims=True) - i_s / jnp.linalg.norm(i_s), axis=(1, 2)))
    cluster_size = jnp.sum(s, axis=1)
    cluster_loss = jnp.mean(jnp.linalg.norm(cluster_size, axis=1) / N * jnp.linalg.norm(i_s) - 1.0)
    closs = spectral_loss + ortho_loss + cluster_loss
    emb = out[0]
    node2cluster = jnp.argmax(s[0], axis=1)
    return h, node2cluster, emb, closs

if __name__ == "__main__":
    import jax
    _d = setup_inputs()
    print(jax.jit(kernel)(*tuple(_d.values())))

</pallas_src>

<mosaic_0001>
#map = affine_map<(d0, d1) -> (0, 0)>
#map1 = affine_map<(d0, d1) -> (0, 0, 0, 0)>
#map2 = affine_map<(d0, d1) -> (0, 0, 0)>
module attributes {stable_mosaic.version = 14 : i64} {
  func.func @sc_edge_scatter(%arg0: i32, %arg1: i32, %arg2: memref<10000x128xf32, #tpu.memory_space<hbm>>, %arg3: memref<2x32x40x125xi32, #tpu.memory_space<hbm>>, %arg4: memref<80x128xf32, #tpu.memory_space<hbm>>, %arg5: memref<2x10240x128xf32, #tpu.memory_space<hbm>>, %arg6: memref<40x125xi32, #tpu.memory_space<vmem>>, %arg7: memref<40x125xi32, #tpu.memory_space<vmem>>, %arg8: memref<2x125x128xf32, #tpu.memory_space<vmem>>, %arg9: memref<10240x128xf32, #tpu.memory_space<vmem_shared>>, %arg10: memref<!tpu.dma_semaphore, #tpu.memory_space<semaphore_mem>>, %arg11: memref<!tpu.dma_semaphore, #tpu.memory_space<semaphore_mem>>) attributes {dimension_semantics = [#tpu.dimension_semantics<core_parallel>, #tpu.dimension_semantics<subcore_parallel>], iteration_bounds = array<i64: 2, 16>, scalar_prefetch = 0 : i64, scratch_operands = 6 : i64, tpu.core_type = #tpu.core_type<sc_vector_subcore>, window_params = [{transform_indices = #map}, {transform_indices = #map1}, {transform_indices = #map}, {transform_indices = #map2}]} {
    %mul3A = arith.constant 16 : i32
    %mul3A_0 = arith.muli %arg0, %mul3A : i32
    %add3A = arith.addi %mul3A_0, %arg1 : i32
    %run_scoped3A = arith.constant 1 : i32
    "tpu.region"() ({
      %run_scoped3A_537 = tpu.sem_alloc : memref<!tpu.dma_semaphore, #tpu.memory_space<semaphore_mem>>
      %dma_start3A_538 = arith.constant 0 : i32
      %dma_start3A_539 = arith.constant 0 : i32
      %dma_start3A_540 = tpu.memref_slice %arg3[%run_scoped3A, %add3A, %dma_start3A_538, %dma_start3A_539] : memref<2x32x40x125xi32, #tpu.memory_space<hbm>> -> memref<1x1x40x125xi32, #tpu.memory_space<hbm>>
      %dma_start3A_541 = tpu.memref_squeeze %dma_start3A_540 : memref<1x1x40x125xi32, #tpu.memory_space<hbm>> -> memref<40x125xi32, #tpu.memory_space<hbm>>
      %dma_start3A_542 = arith.constant 0 : i32
      %dma_start3A_543 = arith.constant 0 : i32
      %dma_start3A_544 = tpu.memref_slice %arg3[%run_scoped3A, %add3A, %dma_start3A_542, %dma_start3A_543] : memref<2x32x40x125xi32, #tpu.memory_space<hbm>> -> memref<1x1x40x125xi32, #tpu.memory_space<hbm>>
      %dma_start3A_545 = tpu.memref_squeeze %dma_start3A_544 : memref<1x1x40x125xi32, #tpu.memory_space<hbm>> -> memref<40x125xi32, #tpu.memory_space<hbm>>
      tpu.enqueue_dma source(%dma_start3A_545 : memref<40x125xi32, #tpu.memory_space<hbm>>) target(%arg6 : memref<40x125xi32, #tpu.memory_space<vmem>>) target_semaphore(%run_scoped3A_537 : memref<!tpu.dma_semaphore, #tpu.memory_space<semaphore_mem>>)
      %dma_wait3A_546 = arith.constant 0 : i32
      %dma_wait3A_547 = arith.constant 0 : i32
      %dma_wait3A_548 = tpu.memref_slice %arg3[%run_scoped3A, %add3A, %dma_wait3A_546, %dma_wait3A_547] : memref<2x32x40x125xi32, #tpu.memory_space<hbm>> -> memref<1x1x40x125xi32, #tpu.memory_space<hbm>>
      %dma_wait3A_549 = tpu.memref_squeeze %dma_wait3A_548 : memref<1x1x40x125xi32, #tpu.memory_space<hbm>> -> memref<40x125xi32, #tpu.memory_space<hbm>>
      %dma_wait3A_550 = arith.constant 0 : i32
      %dma_wait3A_551 = arith.constant 0 : i32
      %dma_wait3A_552 = tpu.memref_slice %arg3[%run_scoped3A, %add3A, %dma_wait3A_550, %dma_wait3A_551] : memref<2x32x40x125xi32, #tpu.memory_space<hbm>> -> memref<1x1x40x125xi32, #tpu.memory_space<hbm>>
      %dma_wait3A_553 = tpu.memref_squeeze %dma_wait3A_552 : memref<1x1x40x125xi32, #tpu.memory_space<hbm>> -> memref<40x125xi32, #tpu.memory_space<hbm>>
      tpu.wait_dma2 semaphore(%run_scoped3A_537 : memref<!tpu.dma_semaphore, #tpu.memory_space<semaphore_mem>>) src(%dma_wait3A_553 : memref<40x125xi32, #tpu.memory_space<hbm>>) dst(%arg6 : memref<40x125xi32, #tpu.memory_space<vmem>>)
      tpu.yield
    }) : () -> ()
    %run_scoped3A_1 = arith.constant 0 : i32
    "tpu.region"() ({
      %run_scoped3A_537 = tpu.sem_alloc : memref<!tpu.dma_semaphore, #tpu.memory_space<semaphore_mem>>
      %dma_start3A_538 = arith.constant 0 : i32
      %dma_start3A_539 = arith.constant 0 : i32
      %dma_start3A_540 = tpu.memref_slice %arg3[%run_scoped3A_1, %add3A, %dma_start3A_538, %dma_start3A_539] : memref<2x32x40x125xi32, #tpu.memory_space<hbm>> -> memref<1x1x40x125xi32, #tpu.memory_space<hbm>>
      %dma_start3A_541 = tpu.memref_squeeze %dma_start3A_540 : memref<1x1x40x125xi32, #tpu.memory_space<hbm>> -> memref<40x125xi32, #tpu.memory_space<hbm>>
      %dma_start3A_542 = arith.constant 0 : i32
      %dma_start3A_543 = arith.constant 0 : i32
      %dma_start3A_544 = tpu.memref_slice %arg3[%run_scoped3A_1, %add3A, %dma_start3A_542, %dma_start3A_543] : memref<2x32x40x125xi32, #tpu.memory_space<hbm>> -> memref<1x1x40x125xi32, #tpu.memory_space<hbm>>
      %dma_start3A_545 = tpu.memref_squeeze %dma_start3A_544 : memref<1x1x40x125xi32, #tpu.memory_space<hbm>> -> memref<40x125xi32, #tpu.memory_space<hbm>>
      tpu.enqueue_dma source(%dma_start3A_545 : memref<40x125xi32, #tpu.memory_space<hbm>>) target(%arg7 : memref<40x125xi32, #tpu.memory_space<vmem>>) target_semaphore(%run_scoped3A_537 : memref<!tpu.dma_semaphore, #tpu.memory_space<semaphore_mem>>)
      %dma_wait3A_546 = arith.constant 0 : i32
      %dma_wait3A_547 = arith.constant 0 : i32
      %dma_wait3A_548 = tpu.memref_slice %arg3[%run_scoped3A_1, %add3A, %dma_wait3A_546, %dma_wait3A_547] : memref<2x32x40x125xi32, #tpu.memory_space<hbm>> -> memref<1x1x40x125xi32, #tpu.memory_space<hbm>>
      %dma_wait3A_549 = tpu.memref_squeeze %dma_wait3A_548 : memref<1x1x40x125xi32, #tpu.memory_space<hbm>> -> memref<40x125xi32, #tpu.memory_space<hbm>>
      %dma_wait3A_550 = arith.constant 0 : i32
      %dma_wait3A_551 = arith.constant 0 : i32
      %dma_wait3A_552 = tpu.memref_slice %arg3[%run_scoped3A_1, %add3A, %dma_wait3A_550, %dma_wait3A_551] : memref<2x32x40x125xi32, #tpu.memory_space<hbm>> -> memref<1x1x40x125xi32, #tpu.memory_space<hbm>>
      %dma_wait3A_553 = tpu.memref_squeeze %dma_wait3A_552 : memref<1x1x40x125xi32, #tpu.memory_space<hbm>> -> memref<40x125xi32, #tpu.memory_space<hbm>>
      tpu.wait_dma2 semaphore(%run_scoped3A_537 : memref<!tpu.dma_semaphore, #tpu.memory_space<semaphore_mem>>) src(%dma_wait3A_553 : memref<40x125xi32, #tpu.memory_space<hbm>>) dst(%arg7 : memref<40x125xi32, #tpu.memory_space<vmem>>)
      tpu.yield
    }) : () -> ()
    %dma_start3A = arith.constant 0 : i32
    %dma_start3A_2 = arith.constant 1 : i32
    %dma_start3A_3 = arith.constant 0 : i32
    %dma_start3A_4 = arith.constant 0 : i32
    %dma_start3A_5 = tpu.memref_slice %arg8[%dma_start3A_2, %dma_start3A_3, %dma_start3A_4] : memref<2x125x128xf32, #tpu.memory_space<vmem>> -> memref<1x125x128xf32, #tpu.memory_space<vmem>>
    %dma_start3A_6 = tpu.memref_squeeze %dma_start3A_5 : memref<1x125x128xf32, #tpu.memory_space<vmem>> -> memref<125x128xf32, #tpu.memory_space<vmem>>
    %dma_start3A_7 = arith.constant 0 : i32
    %dma_start3A_8 = tpu.memref_slice %arg6[%dma_start3A, %dma_start3A_7] : memref<40x125xi32, #tpu.memory_space<vmem>> -> memref<1x125xi32, #tpu.memory_space<vmem>>
    %dma_start3A_9 = tpu.memref_squeeze %dma_start3A_8 : memref<1x125xi32, #tpu.memory_space<vmem>> -> memref<125xi32, #tpu.memory_space<vmem>>
    %dma_start3A_10 = arith.constant 0 : i32
    %dma_start3A_11 = arith.constant 0 : i32
    %dma_start3A_12 = tpu.memref_slice %arg2[%dma_start3A_10, %dma_start3A_11] : memref<10000x128xf32, #tpu.memory_space<hbm>> -> memref<10000x128xf32, #tpu.memory_space<hbm>>
    tpu.enqueue_indirect_dma source(%dma_start3A_12 : memref<10000x128xf32, #tpu.memory_space<hbm>>) target(%dma_start3A_6 : memref<125x128xf32, #tpu.memory_space<vmem>>) offsets(%dma_start3A_9 : memref<125xi32, #tpu.memory_space<vmem>>) semaphore(%arg10 : memref<!tpu.dma_semaphore, #tpu.memory_space<semaphore_mem>>)
    %run_scoped3A_13 = arith.constant 0 : i32
    "tpu.region"() ({
      %run_scoped3A_537 = tpu.sem_alloc : memref<!tpu.dma_semaphore, #tpu.memory_space<semaphore_mem>>
      %dma_start3A_538 = arith.constant 0 : i32
      %dma_start3A_539 = arith.constant 0 : i32
      %dma_start3A_540 = tpu.memref_slice %arg8[%run_scoped3A_13, %dma_start3A_538, %dma_start3A_539] : memref<2x125x128xf32, #tpu.memory_space<vmem>> -> memref<1x80x128xf32, #tpu.memory_space<vmem>>
      %dma_start3A_541 = tpu.memref_squeeze %dma_start3A_540 : memref<1x80x128xf32, #tpu.memory_space<vmem>> -> memref<80x128xf32, #tpu.memory_space<vmem>>
      %dma_start3A_542 = arith.constant 0 : i32
      %dma_start3A_543 = arith.constant 0 : i32
      %dma_start3A_544 = tpu.memref_slice %arg8[%run_scoped3A_13, %dma_start3A_542, %dma_start3A_543] : memref<2x125x128xf32, #tpu.memory_space<vmem>> -> memref<1x80x128xf32, #tpu.memory_space<vmem>>
      %dma_start3A_545 = tpu.memref_squeeze %dma_start3A_544 : memref<1x80x128xf32, #tpu.memory_space<vmem>> -> memref<80x128xf32, #tpu.memory_space<vmem>>
      tpu.enqueue_dma source(%arg4 : memref<80x128xf32, #tpu.memory_space<hbm>>) target(%dma_start3A_545 : memref<80x128xf32, #tpu.memory_space<vmem>>) target_semaphore(%run_scoped3A_537 : memref<!tpu.dma_semaphore, #tpu.memory_space<semaphore_mem>>)
      %dma_wait3A_546 = arith.constant 0 : i32
      %dma_wait3A_547 = arith.constant 0 : i32
      %dma_wait3A_548 = tpu.memref_slice %arg8[%run_scoped3A_13, %dma_wait3A_546, %dma_wait3A_547] : memref<2x125x128xf32, #tpu.memory_space<vmem>> -> memref<1x80x128xf32, #tpu.memory_space<vmem>>
      %dma_wait3A_549 = tpu.memref_squeeze %dma_wait3A_548 : memref<1x80x128xf32, #tpu.memory_space<vmem>> -> memref<80x128xf32, #tpu.memory_space<vmem>>
      %dma_wait3A_550 = arith.constant 0 : i32
      %dma_wait3A_551 = arith.constant 0 : i32
      %dma_wait3A_552 = tpu.memref_slice %arg8[%run_scoped3A_13, %dma_wait3A_550, %dma_wait3A_551] : memref<2x125x128xf32, #tpu.memory_space<vmem>> -> memref<1x80x128xf32, #tpu.memory_space<vmem>>
      %dma_wait3A_553 = tpu.memref_squeeze %dma_wait3A_552 : memref<1x80x128xf32, #tpu.memory_space<vmem>> -> memref<80x128xf32, #tpu.memory_space<vmem>>
      tpu.wait_dma2 semaphore(%run_scoped3A_537 : memref<!tpu.dma_semaphore, #tpu.memory_space<semaphore_mem>>) src(%arg4 : memref<80x128xf32, #tpu.memory_space<hbm>>) dst(%dma_wait3A_553 : memref<80x128xf32, #tpu.memory_space<vmem>>)
      tpu.yield
    }) : () -> ()
    %mul3A_14 = arith.constant 640 : i32
    %mul3A_15 = arith.muli %arg1, %mul3A_14 : i32
    %add3A_16 = arith.constant 0 : i32
    %add3A_17 = arith.addi %mul3A_15, %add3A_16 : i32
    %dma_start3A_18 = arith.constant 0 : i32
    %dma_start3A_19 = arith.constant 0 : i32
    %dma_start3A_20 = arith.constant 0 : i32
    %dma_start3A_21 = tpu.memref_slice %arg8[%dma_start3A_18, %dma_start3A_19, %dma_start3A_20] : memref<2x125x128xf32, #tpu.memory_space<vmem>> -> memref<1x80x128xf32, #tpu.memory_space<vmem>>
    %dma_start3A_22 = tpu.memref_squeeze %dma_start3A_21 : memref<1x80x128xf32, #tpu.memory_space<vmem>> -> memref<80x128xf32, #tpu.memory_space<vmem>>
    %dma_start3A_23 = arith.constant 0 : i32
    %dma_start3A_24 = tpu.memref_slice %arg9[%add3A_17, %dma_start3A_23] : memref<10240x128xf32, #tpu.memory_space<vmem_shared>> -> memref<80x128xf32, #tpu.memory_space<vmem_shared>>
    %dma_start3A_25 = arith.constant 0 : i32
    %dma_start3A_26 = tpu.memref_slice %arg9[%add3A_17, %dma_start3A_25] : memref<10240x128xf32, #tpu.memory_space<vmem_shared>> -> memref<80x128xf32, #tpu.memory_space<vmem_shared>>
    %dma_start3A_27 = arith.constant 0 : i32
    %dma_start3A_28 = arith.constant 0 : i32
    %dma_start3A_29 = tpu.memref_slice %arg8[%dma_start3A_18, %dma_start3A_27, %dma_start3A_28] : memref<2x125x128xf32, #tpu.memory_space<vmem>> -> memref<1x80x128xf32, #tpu.memory_space<vmem>>
    %dma_start3A_30 = tpu.memref_squeeze %dma_start3A_29 : memref<1x80x128xf32, #tpu.memory_space<vmem>> -> memref<80x128xf32, #tpu.memory_space<vmem>>
    tpu.enqueue_dma source(%dma_start3A_30 : memref<80x128xf32, #tpu.memory_space<vmem>>) target(%dma_start3A_26 : memref<80x128xf32, #tpu.memory_space<vmem_shared>>) target_semaphore(%arg11 : memref<!tpu.dma_semaphore, #tpu.memory_space<semaphore_mem>>)
    %add3A_31 = arith.constant 80 : i32
    %add3A_32 = arith.addi %mul3A_15, %add3A_31 : i32
    %dma_start3A_33 = arith.constant 0 : i32
    %dma_start3A_34 = arith.constant 0 : i32
    %dma_start3A_35 = arith.constant 0 : i32
    %dma_start3A_36 = tpu.memref_slice %arg8[%dma_start3A_33, %dma_start3A_34, %dma_start3A_35] : memref<2x125x128xf32, #tpu.memory_space<vmem>> -> memref<1x80x128xf32, #tpu.memory_space<vmem>>
    %dma_start3A_37 = tpu.memref_squeeze %dma_start3A_36 : memref<1x80x128xf32, #tpu.memory_space<vmem>> -> memref<80x128xf32, #tpu.memory_space<vmem>>
    %dma_start3A_38 = arith.constant 0 : i32
    %dma_start3A_39 = tpu.memref_slice %arg9[%add3A_32, %dma_start3A_38] : memref<10240x128xf32, #tpu.memory_space<vmem_shared>> -> memref<80x128xf32, #tpu.memory_space<vmem_shared>>
    %dma_start3A_40 = arith.constant 0 : i32
    %dma_start3A_41 = tpu.memref_slice %arg9[%add3A_32, %dma_start3A_40] : memref<10240x128xf32, #tpu.memory_space<vmem_shared>> -> memref<80x128xf32, #tpu.memory_space<vmem_shared>>
    %dma_start3A_42 = arith.constant 0 : i32
    %dma_start3A_43 = arith.constant 0 : i32
    %dma_start3A_44 = tpu.memref_slice %arg8[%dma_start3A_33, %dma_start3A_42, %dma_start3A_43] : memref<2x125x128xf32, #tpu.memory_space<vmem>> -> memref<1x80x128xf32, #tpu.memory_space<vmem>>
    %dma_start3A_45 = tpu.memref_squeeze %dma_start3A_44 : memref<1x80x128xf32, #tpu.memory_space<vmem>> -> memref<80x128xf32, #tpu.memory_space<vmem>>
    tpu.enqueue_dma source(%dma_start3A_45 : memref<80x128xf32, #tpu.memory_space<vmem>>) target(%dma_start3A_41 : memref<80x128xf32, #tpu.memory_space<vmem_shared>>) target_semaphore(%arg11 : memref<!tpu.dma_semaphore, #tpu.memory_space<semaphore_mem>>)
    %add3A_46 = arith.constant 160 : i32
    %add3A_47 = arith.addi %mul3A_15, %add3A_46 : i32
    %dma_start3A_48 = arith.constant 0 : i32
    %dma_start3A_49 = arith.constant 0 : i32
    %dma_start3A_50 = arith.constant 0 : i32
    %dma_start3A_51 = tpu.memref_slice %arg8[%dma_start3A_48, %dma_start3A_49, %dma_start3A_50] : memref<2x125x128xf32, #tpu.memory_space<vmem>> -> memref<1x80x128xf32, #tpu.memory_space<vmem>>
    %dma_start3A_52 = tpu.memref_squeeze %dma_start3A_51 : memref<1x80x128xf32, #tpu.memory_space<vmem>> -> memref<80x128xf32, #tpu.memory_space<vmem>>
    %dma_start3A_53 = arith.constant 0 : i32
    %dma_start3A_54 = tpu.memref_slice %arg9[%add3A_47, %dma_start3A_53] : memref<10240x128xf32, #tpu.memory_space<vmem_shared>> -> memref<80x128xf32, #tpu.memory_space<vmem_shared>>
    %dma_start3A_55 = arith.constant 0 : i32
    %dma_start3A_56 = tpu.memref_slice %arg9[%add3A_47, %dma_start3A_55] : memref<10240x128xf32, #tpu.memory_space<vmem_shared>> -> memref<80x128xf32, #tpu.memory_space<vmem_shared>>
    %dma_start3A_57 = arith.constant 0 : i32
    %dma_start3A_58 = arith.constant 0 : i32
    %dma_start3A_59 = tpu.memref_slice %arg8[%dma_start3A_48, %dma_start3A_57, %dma_start3A_58] : memref<2x125x128xf32, #tpu.memory_space<vmem>> -> memref<1x80x128xf32, #tpu.memory_space<vmem>>
    %dma_start3A_60 = tpu.memref_squeeze %dma_start3A_59 : memref<1x80x128xf32, #tpu.memory_space<vmem>> -> memref<80x128xf32, #tpu.memory_space<vmem>>
    tpu.enqueue_dma source(%dma_start3A_60 : memref<80x128xf32, #tpu.memory_space<vmem>>) target(%dma_start3A_56 : memref<80x128xf32, #tpu.memory_space<vmem_shared>>) target_semaphore(%arg11 : memref<!tpu.dma_semaphore, #tpu.memory_space<semaphore_mem>>)
    %add3A_61 = arith.constant 240 : i32
    %add3A_62 = arith.addi %mul3A_15, %add3A_61 : i32
    %dma_start3A_63 = arith.constant 0 : i32
    %dma_start3A_64 = arith.constant 0 : i32
    %dma_start3A_65 = arith.constant 0 : i32
    %dma_start3A_66 = tpu.memref_slice %arg8[%dma_start3A_63, %dma_start3A_64, %dma_start3A_65] : memref<2x125x128xf32, #tpu.memory_space<vmem>> -> memref<1x80x128xf32, #tpu.memory_space<vmem>>
    %dma_start3A_67 = tpu.memref_squeeze %dma_start3A_66 : memref<1x80x128xf32, #tpu.memory_space<vmem>> -> memref<80x128xf32, #tpu.memory_space<vmem>>
    %dma_start3A_68 = arith.constant 0 : i32
    %dma_start3A_69 = tpu.memref_slice %arg9[%add3A_62, %dma_start3A_68] : memref<10240x128xf32, #tpu.memory_space<vmem_shared>> -> memref<80x128xf32, #tpu.memory_space<vmem_shared>>
    %dma_start3A_70 = arith.constant 0 : i32
    %dma_start3A_71 = tpu.memref_slice %arg9[%add3A_62, %dma_start3A_70] : memref<10240x128xf32, #tpu.memory_space<vmem_shared>> -> memref<80x128xf32, #tpu.memory_space<vmem_shared>>
    %dma_start3A_72 = arith.constant 0 : i32
    %dma_start3A_73 = arith.constant 0 : i32
    %dma_start3A_74 = tpu.memref_slice %arg8[%dma_start3A_63, %dma_start3A_72, %dma_start3A_73] : memref<2x125x128xf32, #tpu.memory_space<vmem>> -> memref<1x80x128xf32, #tpu.memory_space<vmem>>
    %dma_start3A_75 = tpu.memref_squeeze %dma_start3A_74 : memref<1x80x128xf32, #tpu.memory_space<vmem>> -> memref<80x128xf32, #tpu.memory_space<vmem>>
    tpu.enqueue_dma source(%dma_start3A_75 : memref<80x128xf32, #tpu.memory_space<vmem>>) target(%dma_start3A_71 : memref<80x128xf32, #tpu.memory_space<vmem_shared>>) target_semaphore(%arg11 : memref<!tpu.dma_semaphore, #tpu.memory_space<semaphore_mem>>)
    %add3A_76 = arith.constant 320 : i32
    %add3A_77 = arith.addi %mul3A_15, %add3A_76 : i32
    %dma_start3A_78 = arith.constant 0 : i32
    %dma_start3A_79 = arith.constant 0 : i32
    %dma_start3A_80 = arith.constant 0 : i32
    %dma_start3A_81 = tpu.memref_slice %arg8[%dma_start3A_78, %dma_start3A_79, %dma_start3A_80] : memref<2x125x128xf32, #tpu.memory_space<vmem>> -> memref<1x80x128xf32, #tpu.memory_space<vmem>>
    %dma_start3A_82 = tpu.memref_squeeze %dma_start3A_81 : memref<1x80x128xf32, #tpu.memory_space<vmem>> -> memref<80x128xf32, #tpu.memory_space<vmem>>
    %dma_start3A_83 = arith.constant 0 : i32
    %dma_start3A_84 = tpu.memref_slice %arg9[%add3A_77, %dma_start3A_83] : memref<10240x128xf32, #tpu.memory_space<vmem_shared>> -> memref<80x128xf32, #tpu.memory_space<vmem_shared>>
    %dma_start3A_85 = arith.constant 0 : i32
    %dma_start3A_86 = tpu.memref_slice %arg9[%add3A_77, %dma_start3A_85] : memref<10240x128xf32, #tpu.memory_space<vmem_shared>> -> memref<80x128xf32, #tpu.memory_space<vmem_shared>>
    %dma_start3A_87 = arith.constant 0 : i32
    %dma_start3A_88 = arith.constant 0 : i32
    %dma_start3A_89 = tpu.memref_slice %arg8[%dma_start3A_78, %dma_start3A_87, %dma_start3A_88] : memref<2x125x128xf32, #tpu.memory_space<vmem>> -> memref<1x80x128xf32, #tpu.memory_space<vmem>>
    %dma_start3A_90 = tpu.memref_squeeze %dma_start3A_89 : memref<1x80x128xf32, #tpu.memory_space<vmem>> -> memref<80x128xf32, #tpu.memory_space<vmem>>
    tpu.enqueue_dma source(%dma_start3A_90 : memref<80x128xf32, #tpu.memory_space<vmem>>) target(%dma_start3A_86 : memref<80x128xf32, #tpu.memory_space<vmem_shared>>) target_semaphore(%arg11 : memref<!tpu.dma_semaphore, #tpu.memory_space<semaphore_mem>>)
    %add3A_91 = arith.constant 400 : i32
    %add3A_92 = arith.addi %mul3A_15, %add3A_91 : i32
    %dma_start3A_93 = arith.constant 0 : i32
    %dma_start3A_94 = arith.constant 0 : i32
    %dma_start3A_95 = arith.constant 0 : i32
    %dma_start3A_96 = tpu.memref_slice %arg8[%dma_start3A_93, %dma_start3A_94, %dma_start3A_95] : memref<2x125x128xf32, #tpu.memory_space<vmem>> -> memref<1x80x128xf32, #tpu.memory_space<vmem>>
    %dma_start3A_97 = tpu.memref_squeeze %dma_start3A_96 : memref<1x80x128xf32, #tpu.memory_space<vmem>> -> memref<80x128xf32, #tpu.memory_space<vmem>>
    %dma_start3A_98 = arith.constant 0 : i32
    %dma_start3A_99 = tpu.memref_slice %arg9[%add3A_92, %dma_start3A_98] : memref<10240x128xf32, #tpu.memory_space<vmem_shared>> -> memref<80x128xf32, #tpu.memory_space<vmem_shared>>
    %dma_start3A_100 = arith.constant 0 : i32
    %dma_start3A_101 = tpu.memref_slice %arg9[%add3A_92, %dma_start3A_100] : memref<10240x128xf32, #tpu.memory_space<vmem_shared>> -> memref<80x128xf32, #tpu.memory_space<vmem_shared>>
    %dma_start3A_102 = arith.constant 0 : i32
    %dma_start3A_103 = arith.constant 0 : i32
    %dma_start3A_104 = tpu.memref_slice %arg8[%dma_start3A_93, %dma_start3A_102, %dma_start3A_103] : memref<2x125x128xf32, #tpu.memory_space<vmem>> -> memref<1x80x128xf32, #tpu.memory_space<vmem>>
    %dma_start3A_105 = tpu.memref_squeeze %dma_start3A_104 : memref<1x80x128xf32, #tpu.memory_space<vmem>> -> memref<80x128xf32, #tpu.memory_space<vmem>>
    tpu.enqueue_dma source(%dma_start3A_105 : memref<80x128xf32, #tpu.memory_space<vmem>>) target(%dma_start3A_101 : memref<80x128xf32, #tpu.memory_space<vmem_shared>>) target_semaphore(%arg11 : memref<!tpu.dma_semaphore, #tpu.memory_space<semaphore_mem>>)
    %add3A_106 = arith.constant 480 : i32
    %add3A_107 = arith.addi %mul3A_15, %add3A_106 : i32
    %dma_start3A_108 = arith.constant 0 : i32
    %dma_start3A_109 = arith.constant 0 : i32
    %dma_start3A_110 = arith.constant 0 : i32
    %dma_start3A_111 = tpu.memref_slice %arg8[%dma_start3A_108, %dma_start3A_109, %dma_start3A_110] : memref<2x125x128xf32, #tpu.memory_space<vmem>> -> memref<1x80x128xf32, #tpu.memory_space<vmem>>
    %dma_start3A_112 = tpu.memref_squeeze %dma_start3A_111 : memref<1x80x128xf32, #tpu.memory_space<vmem>> -> memref<80x128xf32, #tpu.memory_space<vmem>>
    %dma_start3A_113 = arith.constant 0 : i32
    %dma_start3A_114 = tpu.memref_slice %arg9[%add3A_107, %dma_start3A_113] : memref<10240x128xf32, #tpu.memory_space<vmem_shared>> -> memref<80x128xf32, #tpu.memory_space<vmem_shared>>
    %dma_start3A_115 = arith.constant 0 : i32
    %dma_start3A_116 = tpu.memref_slice %arg9[%add3A_107, %dma_start3A_115] : memref<10240x128xf32, #tpu.memory_space<vmem_shared>> -> memref<80x128xf32, #tpu.memory_space<vmem_shared>>
    %dma_start3A_117 = arith.constant 0 : i32
    %dma_start3A_118 = arith.constant 0 : i32
    %dma_start3A_119 = tpu.memref_slice %arg8[%dma_start3A_108, %dma_start3A_117, %dma_start3A_118] : memref<2x125x128xf32, #tpu.memory_space<vmem>> -> memref<1x80x128xf32, #tpu.memory_space<vmem>>
    %dma_start3A_120 = tpu.memref_squeeze %dma_start3A_119 : memref<1x80x128xf32, #tpu.memory_space<vmem>> -> memref<80x128xf32, #tpu.memory_space<vmem>>
    tpu.enqueue_dma source(%dma_start3A_120 : memref<80x128xf32, #tpu.memory_space<vmem>>) target(%dma_start3A_116 : memref<80x128xf32, #tpu.memory_space<vmem_shared>>) target_semaphore(%arg11 : memref<!tpu.dma_semaphore, #tpu.memory_space<semaphore_mem>>)
    %add3A_121 = arith.constant 560 : i32
    %add3A_122 = arith.addi %mul3A_15, %add3A_121 : i32
    %dma_start3A_123 = arith.constant 0 : i32
    %dma_start3A_124 = arith.constant 0 : i32
    %dma_start3A_125 = arith.constant 0 : i32
    %dma_start3A_126 = tpu.memref_slice %arg8[%dma_start3A_123, %dma_start3A_124, %dma_start3A_125] : memref<2x125x128xf32, #tpu.memory_space<vmem>> -> memref<1x80x128xf32, #tpu.memory_space<vmem>>
    %dma_start3A_127 = tpu.memref_squeeze %dma_start3A_126 : memref<1x80x128xf32, #tpu.memory_space<vmem>> -> memref<80x128xf32, #tpu.memory_space<vmem>>
    %dma_start3A_128 = arith.constant 0 : i32
    %dma_start3A_129 = tpu.memref_slice %arg9[%add3A_122, %dma_start3A_128] : memref<10240x128xf32, #tpu.memory_space<vmem_shared>> -> memref<80x128xf32, #tpu.memory_space<vmem_shared>>
    %dma_start3A_130 = arith.constant 0 : i32
    %dma_start3A_131 = tpu.memref_slice %arg9[%add3A_122, %dma_start3A_130] : memref<10240x128xf32, #tpu.memory_space<vmem_shared>> -> memref<80x128xf32, #tpu.memory_space<vmem_shared>>
    %dma_start3A_132 = arith.constant 0 : i32
    %dma_start3A_133 = arith.constant 0 : i32
    %dma_start3A_134 = tpu.memref_slice %arg8[%dma_start3A_123, %dma_start3A_132, %dma_start3A_133] : memref<2x125x128xf32, #tpu.memory_space<vmem>> -> memref<1x80x128xf32, #tpu.memory_space<vmem>>
    %dma_start3A_135 = tpu.memref_squeeze %dma_start3A_134 : memref<1x80x128xf32, #tpu.memory_space<vmem>> -> memref<80x128xf32, #tpu.memory_space<vmem>>
    tpu.enqueue_dma source(%dma_start3A_135 : memref<80x128xf32, #tpu.memory_space<vmem>>) target(%dma_start3A_131 : memref<80x128xf32, #tpu.memory_space<vmem_shared>>) target_semaphore(%arg11 : memref<!tpu.dma_semaphore, #tpu.memory_space<semaphore_mem>>)
    %dma_wait3A = arith.constant 0 : i32
    %dma_wait3A_136 = arith.constant 0 : i32
    %dma_wait3A_137 = arith.constant 0 : i32
    %dma_wait3A_138 = tpu.memref_slice %arg8[%dma_wait3A, %dma_wait3A_136, %dma_wait3A_137] : memref<2x125x128xf32, #tpu.memory_space<vmem>> -> memref<1x80x128xf32, #tpu.memory_space<vmem>>
    %dma_wait3A_139 = tpu.memref_squeeze %dma_wait3A_138 : memref<1x80x128xf32, #tpu.memory_space<vmem>> -> memref<80x128xf32, #tpu.memory_space<vmem>>
    %dma_wait3A_140 = arith.constant 0 : i32
    %dma_wait3A_141 = tpu.memref_slice %arg9[%add3A_17, %dma_wait3A_140] : memref<10240x128xf32, #tpu.memory_space<vmem_shared>> -> memref<80x128xf32, #tpu.memory_space<vmem_shared>>
    %dma_wait3A_142 = arith.constant 0 : i32
    %dma_wait3A_143 = tpu.memref_slice %arg9[%add3A_17, %dma_wait3A_142] : memref<10240x128xf32, #tpu.memory_space<vmem_shared>> -> memref<80x128xf32, #tpu.memory_space<vmem_shared>>
    %dma_wait3A_144 = arith.constant 0 : i32
    %dma_wait3A_145 = arith.constant 0 : i32
    %dma_wait3A_146 = tpu.memref_slice %arg8[%dma_wait3A, %dma_wait3A_144, %dma_wait3A_145] : memref<2x125x128xf32, #tpu.memory_space<vmem>> -> memref<1x80x128xf32, #tpu.memory_space<vmem>>
    %dma_wait3A_147 = tpu.memref_squeeze %dma_wait3A_146 : memref<1x80x128xf32, #tpu.memory_space<vmem>> -> memref<80x128xf32, #tpu.memory_space<vmem>>
    tpu.wait_dma2 semaphore(%arg11 : memref<!tpu.dma_semaphore, #tpu.memory_space<semaphore_mem>>) src(%dma_wait3A_147 : memref<80x128xf32, #tpu.memory_space<vmem>>) dst(%dma_wait3A_143 : memref<80x128xf32, #tpu.memory_space<vmem_shared>>)
    %dma_wait3A_148 = arith.constant 0 : i32
    %dma_wait3A_149 = arith.constant 0 : i32
    %dma_wait3A_150 = arith.constant 0 : i32
    %dma_wait3A_151 = tpu.memref_slice %arg8[%dma_wait3A_148, %dma_wait3A_149, %dma_wait3A_150] : memref<2x125x128xf32, #tpu.memory_space<vmem>> -> memref<1x80x128xf32, #tpu.memory_space<vmem>>
    %dma_wait3A_152 = tpu.memref_squeeze %dma_wait3A_151 : memref<1x80x128xf32, #tpu.memory_space<vmem>> -> memref<80x128xf32, #tpu.memory_space<vmem>>
    %dma_wait3A_153 = arith.constant 0 : i32
    %dma_wait3A_154 = tpu.memref_slice %arg9[%add3A_32, %dma_wait3A_153] : memref<10240x128xf32, #tpu.memory_space<vmem_shared>> -> memref<80x128xf32, #tpu.memory_space<vmem_shared>>
    %dma_wait3A_155 = arith.constant 0 : i32
    %dma_wait3A_156 = tpu.memref_slice %arg9[%add3A_32, %dma_wait3A_155] : memref<10240x128xf32, #tpu.memory_space<vmem_shared>> -> memref<80x128xf32, #tpu.memory_space<vmem_shared>>
    %dma_wait3A_157 = arith.constant 0 : i32
    %dma_wait3A_158 = arith.constant 0 : i32
    %dma_wait3A_159 = tpu.memref_slice %arg8[%dma_wait3A_148, %dma_wait3A_157, %dma_wait3A_158] : memref<2x125x128xf32, #tpu.memory_space<vmem>> -> memref<1x80x128xf32, #tpu.memory_space<vmem>>
    %dma_wait3A_160 = tpu.memref_squeeze %dma_wait3A_159 : memref<1x80x128xf32, #tpu.memory_space<vmem>> -> memref<80x128xf32, #tpu.memory_space<vmem>>
    tpu.wait_dma2 semaphore(%arg11 : memref<!tpu.dma_semaphore, #tpu.memory_space<semaphore_mem>>) src(%dma_wait3A_160 : memref<80x128xf32, #tpu.memory_space<vmem>>) dst(%dma_wait3A_156 : memref<80x128xf32, #tpu.memory_space<vmem_shared>>)
    %dma_wait3A_161 = arith.constant 0 : i32
    %dma_wait3A_162 = arith.constant 0 : i32
    %dma_wait3A_163 = arith.constant 0 : i32
    %dma_wait3A_164 = tpu.memref_slice %arg8[%dma_wait3A_161, %dma_wait3A_162, %dma_wait3A_163] : memref<2x125x128xf32, #tpu.memory_space<vmem>> -> memref<1x80x128xf32, #tpu.memory_space<vmem>>
    %dma_wait3A_165 = tpu.memref_squeeze %dma_wait3A_164 : memref<1x80x128xf32, #tpu.memory_space<vmem>> -> memref<80x128xf32, #tpu.memory_space<vmem>>
    %dma_wait3A_166 = arith.constant 0 : i32
    %dma_wait3A_167 = tpu.memref_slice %arg9[%add3A_47, %dma_wait3A_166] : memref<10240x128xf32, #tpu.memory_space<vmem_shared>> -> memref<80x128xf32, #tpu.memory_space<vmem_shared>>
    %dma_wait3A_168 = arith.constant 0 : i32
    %dma_wait3A_169 = tpu.memref_slice %arg9[%add3A_47, %dma_wait3A_168] : memref<10240x128xf32, #tpu.memory_space<vmem_shared>> -> memref<80x128xf32, #tpu.memory_space<vmem_shared>>
    %dma_wait3A_170 = arith.constant 0 : i32
    %dma_wait3A_171 = arith.constant 0 : i32
    %dma_wait3A_172 = tpu.memref_slice %arg8[%dma_wait3A_161, %dma_wait3A_170, %dma_wait3A_171] : memref<2x125x128xf32, #tpu.memory_space<vmem>> -> memref<1x80x128xf32, #tpu.memory_space<vmem>>
    %dma_wait3A_173 = tpu.memref_squeeze %dma_wait3A_172 : memref<1x80x128xf32, #tpu.memory_space<vmem>> -> memref<80x128xf32, #tpu.memory_space<vmem>>
    tpu.wait_dma2 semaphore(%arg11 : memref<!tpu.dma_semaphore, #tpu.memory_space<semaphore_mem>>) src(%dma_wait3A_173 : memref<80x128xf32, #tpu.memory_space<vmem>>) dst(%dma_wait3A_169 : memref<80x128xf32, #tpu.memory_space<vmem_shared>>)
    %dma_wait3A_174 = arith.constant 0 : i32
    %dma_wait3A_175 = arith.constant 0 : i32
    %dma_wait3A_176 = arith.constant 0 : i32
    %dma_wait3A_177 = tpu.memref_slice %arg8[%dma_wait3A_174, %dma_wait3A_175, %dma_wait3A_176] : memref<2x125x128xf32, #tpu.memory_space<vmem>> -> memref<1x80x128xf32, #tpu.memory_space<vmem>>
    %dma_wait3A_178 = tpu.memref_squeeze %dma_wait3A_177 : memref<1x80x128xf32, #tpu.memory_space<vmem>> -> memref<80x128xf32, #tpu.memory_space<vmem>>
    %dma_wait3A_179 = arith.constant 0 : i32
    %dma_wait3A_180 = tpu.memref_slice %arg9[%add3A_62, %dma_wait3A_179] : memref<10240x128xf32, #tpu.memory_space<vmem_shared>> -> memref<80x128xf32, #tpu.memory_space<vmem_shared>>
    %dma_wait3A_181 = arith.constant 0 : i32
    %dma_wait3A_182 = tpu.memref_slice %arg9[%add3A_62, %dma_wait3A_181] : memref<10240x128xf32, #tpu.memory_space<vmem_shared>> -> memref<80x128xf32, #tpu.memory_space<vmem_shared>>
    %dma_wait3A_183 = arith.constant 0 : i32
    %dma_wait3A_184 = arith.constant 0 : i32
    %dma_wait3A_185 = tpu.memref_slice %arg8[%dma_wait3A_174, %dma_wait3A_183, %dma_wait3A_184] : memref<2x125x128xf32, #tpu.memory_space<vmem>> -> memref<1x80x128xf32, #tpu.memory_space<vmem>>
    %dma_wait3A_186 = tpu.memref_squeeze %dma_wait3A_185 : memref<1x80x128xf32, #tpu.memory_space<vmem>> -> memref<80x128xf32, #tpu.memory_space<vmem>>
    tpu.wait_dma2 semaphore(%arg11 : memref<!tpu.dma_semaphore, #tpu.memory_space<semaphore_mem>>) src(%dma_wait3A_186 : memref<80x128xf32, #tpu.memory_space<vmem>>) dst(%dma_wait3A_182 : memref<80x128xf32, #tpu.memory_space<vmem_shared>>)
    %dma_wait3A_187 = arith.constant 0 : i32
    %dma_wait3A_188 = arith.constant 0 : i32
    %dma_wait3A_189 = arith.constant 0 : i32
    %dma_wait3A_190 = tpu.memref_slice %arg8[%dma_wait3A_187, %dma_wait3A_188, %dma_wait3A_189] : memref<2x125x128xf32, #tpu.memory_space<vmem>> -> memref<1x80x128xf32, #tpu.memory_space<vmem>>
    %dma_wait3A_191 = tpu.memref_squeeze %dma_wait3A_190 : memref<1x80x128xf32, #tpu.memory_space<vmem>> -> memref<80x128xf32, #tpu.memory_space<vmem>>
    %dma_wait3A_192 = arith.constant 0 : i32
    %dma_wait3A_193 = tpu.memref_slice %arg9[%add3A_77, %dma_wait3A_192] : memref<10240x128xf32, #tpu.memory_space<vmem_shared>> -> memref<80x128xf32, #tpu.memory_space<vmem_shared>>
    %dma_wait3A_194 = arith.constant 0 : i32
    %dma_wait3A_195 = tpu.memref_slice %arg9[%add3A_77, %dma_wait3A_194] : memref<10240x128xf32, #tpu.memory_space<vmem_shared>> -> memref<80x128xf32, #tpu.memory_space<vmem_shared>>
    %dma_wait3A_196 = arith.constant 0 : i32
    %dma_wait3A_197 = arith.constant 0 : i32
    %dma_wait3A_198 = tpu.memref_slice %arg8[%dma_wait3A_187, %dma_wait3A_196, %dma_wait3A_197] : memref<2x125x128xf32, #tpu.memory_space<vmem>> -> memref<1x80x128xf32, #tpu.memory_space<vmem>>
    %dma_wait3A_199 = tpu.memref_squeeze %dma_wait3A_198 : memref<1x80x128xf32, #tpu.memory_space<vmem>> -> memref<80x128xf32, #tpu.memory_space<vmem>>
    tpu.wait_dma2 semaphore(%arg11 : memref<!tpu.dma_semaphore, #tpu.memory_space<semaphore_mem>>) src(%dma_wait3A_199 : memref<80x128xf32, #tpu.memory_space<vmem>>) dst(%dma_wait3A_195 : memref<80x128xf32, #tpu.memory_space<vmem_shared>>)
    %dma_wait3A_200 = arith.constant 0 : i32
    %dma_wait3A_201 = arith.constant 0 : i32
    %dma_wait3A_202 = arith.constant 0 : i32
    %dma_wait3A_203 = tpu.memref_slice %arg8[%dma_wait3A_200, %dma_wait3A_201, %dma_wait3A_202] : memref<2x125x128xf32, #tpu.memory_space<vmem>> -> memref<1x80x128xf32, #tpu.memory_space<vmem>>
    %dma_wait3A_204 = tpu.memref_squeeze %dma_wait3A_203 : memref<1x80x128xf32, #tpu.memory_space<vmem>> -> memref<80x128xf32, #tpu.memory_space<vmem>>
    %dma_wait3A_205 = arith.constant 0 : i32
    %dma_wait3A_206 = tpu.memref_slice %arg9[%add3A_92, %dma_wait3A_205] : memref<10240x128xf32, #tpu.memory_space<vmem_shared>> -> memref<80x128xf32, #tpu.memory_space<vmem_shared>>
    %dma_wait3A_207 = arith.constant 0 : i32
    %dma_wait3A_208 = tpu.memref_slice %arg9[%add3A_92, %dma_wait3A_207] : memref<10240x128xf32, #tpu.memory_space<vmem_shared>> -> memref<80x128xf32, #tpu.memory_space<vmem_shared>>
    %dma_wait3A_209 = arith.constant 0 : i32
    %dma_wait3A_210 = arith.constant 0 : i32
    %dma_wait3A_211 = tpu.memref_slice %arg8[%dma_wait3A_200, %dma_wait3A_209, %dma_wait3A_210] : memref<2x125x128xf32, #tpu.memory_space<vmem>> -> memref<1x80x128xf32, #tpu.memory_space<vmem>>
    %dma_wait3A_212 = tpu.memref_squeeze %dma_wait3A_211 : memref<1x80x128xf32, #tpu.memory_space<vmem>> -> memref<80x128xf32, #tpu.memory_space<vmem>>
    tpu.wait_dma2 semaphore(%arg11 : memref<!tpu.dma_semaphore, #tpu.memory_space<semaphore_mem>>) src(%dma_wait3A_212 : memref<80x128xf32, #tpu.memory_space<vmem>>) dst(%dma_wait3A_208 : memref<80x128xf32, #tpu.memory_space<vmem_shared>>)
    %dma_wait3A_213 = arith.constant 0 : i32
    %dma_wait3A_214 = arith.constant 0 : i32
    %dma_wait3A_215 = arith.constant 0 : i32
    %dma_wait3A_216 = tpu.memref_slice %arg8[%dma_wait3A_213, %dma_wait3A_214, %dma_wait3A_215] : memref<2x125x128xf32, #tpu.memory_space<vmem>> -> memref<1x80x128xf32, #tpu.memory_space<vmem>>
    %dma_wait3A_217 = tpu.memref_squeeze %dma_wait3A_216 : memref<1x80x128xf32, #tpu.memory_space<vmem>> -> memref<80x128xf32, #tpu.memory_space<vmem>>
    %dma_wait3A_218 = arith.constant 0 : i32
    %dma_wait3A_219 = tpu.memref_slice %arg9[%add3A_107, %dma_wait3A_218] : memref<10240x128xf32, #tpu.memory_space<vmem_shared>> -> memref<80x128xf32, #tpu.memory_space<vmem_shared>>
    %dma_wait3A_220 = arith.constant 0 : i32
    %dma_wait3A_221 = tpu.memref_slice %arg9[%add3A_107, %dma_wait3A_220] : memref<10240x128xf32, #tpu.memory_space<vmem_shared>> -> memref<80x128xf32, #tpu.memory_space<vmem_shared>>
    %dma_wait3A_222 = arith.constant 0 : i32
    %dma_wait3A_223 = arith.constant 0 : i32
    %dma_wait3A_224 = tpu.memref_slice %arg8[%dma_wait3A_213, %dma_wait3A_222, %dma_wait3A_223] : memref<2x125x128xf32, #tpu.memory_space<vmem>> -> memref<1x80x128xf32, #tpu.memory_space<vmem>>
    %dma_wait3A_225 = tpu.memref_squeeze %dma_wait3A_224 : memref<1x80x128xf32, #tpu.memory_space<vmem>> -> memref<80x128xf32, #tpu.memory_space<vmem>>
    tpu.wait_dma2 semaphore(%arg11 : memref<!tpu.dma_semaphore, #tpu.memory_space<semaphore_mem>>) src(%dma_wait3A_225 : memref<80x128xf32, #tpu.memory_space<vmem>>) dst(%dma_wait3A_221 : memref<80x128xf32, #tpu.memory_space<vmem_shared>>)
    %dma_wait3A_226 = arith.constant 0 : i32
    %dma_wait3A_227 = arith.constant 0 : i32
    %dma_wait3A_228 = arith.constant 0 : i32
    %dma_wait3A_229 = tpu.memref_slice %arg8[%dma_wait3A_226, %dma_wait3A_227, %dma_wait3A_228] : memref<2x125x128xf32, #tpu.memory_space<vmem>> -> memref<1x80x128xf32, #tpu.memory_space<vmem>>
    %dma_wait3A_230 = tpu.memref_squeeze %dma_wait3A_229 : memref<1x80x128xf32, #tpu.memory_space<vmem>> -> memref<80x128xf32, #tpu.memory_space<vmem>>
    %dma_wait3A_231 = arith.constant 0 : i32
    %dma_wait3A_232 = tpu.memref_slice %arg9[%add3A_122, %dma_wait3A_231] : memref<10240x128xf32, #tpu.memory_space<vmem_shared>> -> memref<80x128xf32, #tpu.memory_space<vmem_shared>>
    %dma_wait3A_233 = arith.constant 0 : i32
    %dma_wait3A_234 = tpu.memref_slice %arg9[%add3A_122, %dma_wait3A_233] : memref<10240x128xf32, #tpu.memory_space<vmem_shared>> -> memref<80x128xf32, #tpu.memory_space<vmem_shared>>
    %dma_wait3A_235 = arith.constant 0 : i32
    %dma_wait3A_236 = arith.constant 0 : i32
    %dma_wait3A_237 = tpu.memref_slice %arg8[%dma_wait3A_226, %dma_wait3A_235, %dma_wait3A_236] : memref<2x125x128xf32, #tpu.memory_space<vmem>> -> memref<1x80x128xf32, #tpu.memory_space<vmem>>
    %dma_wait3A_238 = tpu.memref_squeeze %dma_wait3A_237 : memref<1x80x128xf32, #tpu.memory_space<vmem>> -> memref<80x128xf32, #tpu.memory_space<vmem>>
    tpu.wait_dma2 semaphore(%arg11 : memref<!tpu.dma_semaphore, #tpu.memory_space<semaphore_mem>>) src(%dma_wait3A_238 : memref<80x128xf32, #tpu.memory_space<vmem>>) dst(%dma_wait3A_234 : memref<80x128xf32, #tpu.memory_space<vmem_shared>>)
    %dma_start3A_239 = arith.constant 1 : i32
    %dma_start3A_240 = arith.constant 0 : i32
    %dma_start3A_241 = arith.constant 0 : i32
    %dma_start3A_242 = arith.constant 0 : i32
    %dma_start3A_243 = tpu.memref_slice %arg8[%dma_start3A_240, %dma_start3A_241, %dma_start3A_242] : memref<2x125x128xf32, #tpu.memory_space<vmem>> -> memref<1x125x128xf32, #tpu.memory_space<vmem>>
    %dma_start3A_244 = tpu.memref_squeeze %dma_start3A_243 : memref<1x125x128xf32, #tpu.memory_space<vmem>> -> memref<125x128xf32, #tpu.memory_space<vmem>>
    %dma_start3A_245 = arith.constant 0 : i32
    %dma_start3A_246 = tpu.memref_slice %arg6[%dma_start3A_239, %dma_start3A_245] : memref<40x125xi32, #tpu.memory_space<vmem>> -> memref<1x125xi32, #tpu.memory_space<vmem>>
    %dma_start3A_247 = tpu.memref_squeeze %dma_start3A_246 : memref<1x125xi32, #tpu.memory_space<vmem>> -> memref<125xi32, #tpu.memory_space<vmem>>
    %dma_start3A_248 = arith.constant 0 : i32
    %dma_start3A_249 = arith.constant 0 : i32
    %dma_start3A_250 = tpu.memref_slice %arg2[%dma_start3A_248, %dma_start3A_249] : memref<10000x128xf32, #tpu.memory_space<hbm>> -> memref<10000x128xf32, #tpu.memory_space<hbm>>
    tpu.enqueue_indirect_dma source(%dma_start3A_250 : memref<10000x128xf32, #tpu.memory_space<hbm>>) target(%dma_start3A_244 : memref<125x128xf32, #tpu.memory_space<vmem>>) offsets(%dma_start3A_247 : memref<125xi32, #tpu.memory_space<vmem>>) semaphore(%arg10 : memref<!tpu.dma_semaphore, #tpu.memory_space<semaphore_mem>>)
    %barrier3A = arith.constant 0 : index
    tpu.barrier barrier_id(%barrier3A)
    %scan3A = arith.constant 0 : i32
    %scan3A_251 = arith.constant 0 : i32
    %scan3A_252 = arith.constant 40 : i32
    %scan3A_253 = arith.addi %scan3A_251, %scan3A_252 : i32
    %scan3A_254 = arith.constant 1 : i32
    scf.for %scan3A_537 = %scan3A_251 to %scan3A_253 step %scan3A_254  : i32 {
      %add3A_538 = arith.constant 1 : i32
      %add3A_539 = arith.addi %scan3A_537, %add3A_538 : i32
      %rem3A = arith.constant 2 : i32
      %rem3A_540 = arith.remsi %add3A_539, %rem3A : i32
      %dma_wait3A_541 = arith.constant 0 : i32
      %dma_wait3A_542 = arith.constant 0 : i32
      %dma_wait3A_543 = arith.constant 0 : i32
      %dma_wait3A_544 = tpu.memref_slice %arg8[%rem3A_540, %dma_wait3A_542, %dma_wait3A_543] : memref<2x125x128xf32, #tpu.memory_space<vmem>> -> memref<1x125x128xf32, #tpu.memory_space<vmem>>
      %dma_wait3A_545 = tpu.memref_squeeze %dma_wait3A_544 : memref<1x125x128xf32, #tpu.memory_space<vmem>> -> memref<125x128xf32, #tpu.memory_space<vmem>>
      %dma_wait3A_546 = arith.constant 0 : i32
      %dma_wait3A_547 = tpu.memref_slice %arg6[%dma_wait3A_541, %dma_wait3A_546] : memref<40x125xi32, #tpu.memory_space<vmem>> -> memref<1x125xi32, #tpu.memory_space<vmem>>
      %dma_wait3A_548 = tpu.memref_squeeze %dma_wait3A_547 : memref<1x125xi32, #tpu.memory_space<vmem>> -> memref<125xi32, #tpu.memory_space<vmem>>
      %dma_wait3A_549 = arith.constant 0 : i32
      %dma_wait3A_550 = arith.constant 0 : i32
      %dma_wait3A_551 = tpu.memref_slice %arg2[%dma_wait3A_549, %dma_wait3A_550] : memref<10000x128xf32, #tpu.memory_space<hbm>> -> memref<10000x128xf32, #tpu.memory_space<hbm>>
      tpu.wait_indirect_dma semaphore(%arg10 : memref<!tpu.dma_semaphore, #tpu.memory_space<semaphore_mem>>) src(%dma_wait3A_551 : memref<10000x128xf32, #tpu.memory_space<hbm>>) dst(%dma_wait3A_545 : memref<125x128xf32, #tpu.memory_space<vmem>>)
      "tpu.region"() ({
        %run_scoped3A_556 = tpu.sem_alloc : memref<!tpu.dma_semaphore, #tpu.memory_space<semaphore_mem>>
        %dma_start3A_557 = arith.constant 0 : i32
        %dma_start3A_558 = arith.constant 0 : i32
        %dma_start3A_559 = tpu.memref_slice %arg8[%rem3A_540, %dma_start3A_557, %dma_start3A_558] : memref<2x125x128xf32, #tpu.memory_space<vmem>> -> memref<1x125x128xf32, #tpu.memory_space<vmem>>
        %dma_start3A_560 = tpu.memref_squeeze %dma_start3A_559 : memref<1x125x128xf32, #tpu.memory_space<vmem>> -> memref<125x128xf32, #tpu.memory_space<vmem>>
        %dma_start3A_561 = arith.constant 0 : i32
        %dma_start3A_562 = tpu.memref_slice %arg7[%scan3A_537, %dma_start3A_561] : memref<40x125xi32, #tpu.memory_space<vmem>> -> memref<1x125xi32, #tpu.memory_space<vmem>>
        %dma_start3A_563 = tpu.memref_squeeze %dma_start3A_562 : memref<1x125xi32, #tpu.memory_space<vmem>> -> memref<125xi32, #tpu.memory_space<vmem>>
        %dma_start3A_564 = arith.constant 0 : i32
        %dma_start3A_565 = arith.constant 0 : i32
        %dma_start3A_566 = tpu.memref_slice %arg9[%dma_start3A_564, %dma_start3A_565] : memref<10240x128xf32, #tpu.memory_space<vmem_shared>> -> memref<10240x128xf32, #tpu.memory_space<vmem_shared>>
        tpu.enqueue_indirect_dma source(%dma_start3A_560 : memref<125x128xf32, #tpu.memory_space<vmem>>) target(%dma_start3A_566 : memref<10240x128xf32, #tpu.memory_space<vmem_shared>>) offsets(%dma_start3A_563 : memref<125xi32, #tpu.memory_space<vmem>>) semaphore(%run_scoped3A_556 : memref<!tpu.dma_semaphore, #tpu.memory_space<semaphore_mem>>) {add = true}
        %dma_wait3A_567 = arith.constant 0 : i32
        %dma_wait3A_568 = arith.constant 0 : i32
        %dma_wait3A_569 = tpu.memref_slice %arg8[%rem3A_540, %dma_wait3A_567, %dma_wait3A_568] : memref<2x125x128xf32, #tpu.memory_space<vmem>> -> memref<1x125x128xf32, #tpu.memory_space<vmem>>
        %dma_wait3A_570 = tpu.memref_squeeze %dma_wait3A_569 : memref<1x125x128xf32, #tpu.memory_space<vmem>> -> memref<125x128xf32, #tpu.memory_space<vmem>>
        %dma_wait3A_571 = arith.constant 0 : i32
        %dma_wait3A_572 = tpu.memref_slice %arg7[%scan3A_537, %dma_wait3A_571] : memref<40x125xi32, #tpu.memory_space<vmem>> -> memref<1x125xi32, #tpu.memory_space<vmem>>
        %dma_wait3A_573 = tpu.memref_squeeze %dma_wait3A_572 : memref<1x125xi32, #tpu.memory_space<vmem>> -> memref<125xi32, #tpu.memory_space<vmem>>
        %dma_wait3A_574 = arith.constant 0 : i32
        %dma_wait3A_575 = arith.constant 0 : i32
        %dma_wait3A_576 = tpu.memref_slice %arg9[%dma_wait3A_574, %dma_wait3A_575] : memref<10240x128xf32, #tpu.memory_space<vmem_shared>> -> memref<10240x128xf32, #tpu.memory_space<vmem_shared>>
        tpu.wait_indirect_dma semaphore(%run_scoped3A_556 : memref<!tpu.dma_semaphore, #tpu.memory_space<semaphore_mem>>) src(%dma_wait3A_570 : memref<125x128xf32, #tpu.memory_space<vmem>>) dst(%dma_wait3A_576 : memref<10240x128xf32, #tpu.memory_space<vmem_shared>>)
        tpu.yield
      }) : () -> ()
      %add3A_552 = arith.constant 2 : i32
      %add3A_553 = arith.addi %scan3A_537, %add3A_552 : i32
      %lt3A = arith.constant 40 : i32
      %lt3A_554 = arith.cmpi slt, %add3A_553, %lt3A : i32
      %convert_element_type3A = arith.extui %lt3A_554 : i1 to i32
      %cond3A = arith.constant 0 : i32
      %cond3A_555 = arith.cmpi ne, %convert_element_type3A, %cond3A : i32
      scf.if %cond3A_555 {
        %add3A_556 = arith.constant 2 : i32
        %add3A_557 = arith.addi %scan3A_537, %add3A_556 : i32
        %add3A_558 = arith.constant 1 : i32
        %add3A_559 = arith.addi %add3A_557, %add3A_558 : i32
        %rem3A_560 = arith.constant 2 : i32
        %rem3A_561 = arith.remsi %add3A_559, %rem3A_560 : i32
        %dma_start3A_562 = arith.constant 0 : i32
        %dma_start3A_563 = arith.constant 0 : i32
        %dma_start3A_564 = tpu.memref_slice %arg8[%rem3A_561, %dma_start3A_562, %dma_start3A_563] : memref<2x125x128xf32, #tpu.memory_space<vmem>> -> memref<1x125x128xf32, #tpu.memory_space<vmem>>
        %dma_start3A_565 = tpu.memref_squeeze %dma_start3A_564 : memref<1x125x128xf32, #tpu.memory_space<vmem>> -> memref<125x128xf32, #tpu.memory_space<vmem>>
        %dma_start3A_566 = arith.constant 0 : i32
        %dma_start3A_567 = tpu.memref_slice %arg6[%add3A_557, %dma_start3A_566] : memref<40x125xi32, #tpu.memory_space<vmem>> -> memref<1x125xi32, #tpu.memory_space<vmem>>
        %dma_start3A_568 = tpu.memref_squeeze %dma_start3A_567 : memref<1x125xi32, #tpu.memory_space<vmem>> -> memref<125xi32, #tpu.memory_space<vmem>>
        %dma_start3A_569 = arith.constant 0 : i32
        %dma_start3A_570 = arith.constant 0 : i32
        %dma_start3A_571 = tpu.memref_slice %arg2[%dma_start3A_569, %dma_start3A_570] : memref<10000x128xf32, #tpu.memory_space<hbm>> -> memref<10000x128xf32, #tpu.memory_space<hbm>>
        tpu.enqueue_indirect_dma source(%dma_start3A_571 : memref<10000x128xf32, #tpu.memory_space<hbm>>) target(%dma_start3A_565 : memref<125x128xf32, #tpu.memory_space<vmem>>) offsets(%dma_start3A_568 : memref<125xi32, #tpu.memory_space<vmem>>) semaphore(%arg10 : memref<!tpu.dma_semaphore, #tpu.memory_space<semaphore_mem>>)
      } else {
      }
    }
    %scan3A_255 = arith.constant 40 : i32
    %barrier3A_256 = arith.constant 0 : index
    tpu.barrier barrier_id(%barrier3A_256)
    %add3A_257 = arith.constant 0 : i32
    %add3A_258 = arith.addi %mul3A_15, %add3A_257 : i32
    %run_scoped3A_259 = arith.constant 0 : i32
    "tpu.region"() ({
      %run_scoped3A_537 = tpu.sem_alloc : memref<!tpu.dma_semaphore, #tpu.memory_space<semaphore_mem>>
      %dma_start3A_538 = arith.constant 0 : i32
      %dma_start3A_539 = arith.constant 0 : i32
      %dma_start3A_540 = tpu.memref_slice %arg8[%run_scoped3A_259, %dma_start3A_538, %dma_start3A_539] : memref<2x125x128xf32, #tpu.memory_space<vmem>> -> memref<1x80x128xf32, #tpu.memory_space<vmem>>
      %dma_start3A_541 = tpu.memref_squeeze %dma_start3A_540 : memref<1x80x128xf32, #tpu.memory_space<vmem>> -> memref<80x128xf32, #tpu.memory_space<vmem>>
      %dma_start3A_542 = arith.constant 0 : i32
      %dma_start3A_543 = tpu.memref_slice %arg9[%add3A_258, %dma_start3A_542] : memref<10240x128xf32, #tpu.memory_space<vmem_shared>> -> memref<80x128xf32, #tpu.memory_space<vmem_shared>>
      %dma_start3A_544 = arith.constant 0 : i32
      %dma_start3A_545 = arith.constant 0 : i32
      %dma_start3A_546 = tpu.memref_slice %arg8[%run_scoped3A_259, %dma_start3A_544, %dma_start3A_545] : memref<2x125x128xf32, #tpu.memory_space<vmem>> -> memref<1x80x128xf32, #tpu.memory_space<vmem>>
      %dma_start3A_547 = tpu.memref_squeeze %dma_start3A_546 : memref<1x80x128xf32, #tpu.memory_space<vmem>> -> memref<80x128xf32, #tpu.memory_space<vmem>>
      %dma_start3A_548 = arith.constant 0 : i32
      %dma_start3A_549 = tpu.memref_slice %arg9[%add3A_258, %dma_start3A_548] : memref<10240x128xf32, #tpu.memory_space<vmem_shared>> -> memref<80x128xf32, #tpu.memory_space<vmem_shared>>
      tpu.enqueue_dma source(%dma_start3A_549 : memref<80x128xf32, #tpu.memory_space<vmem_shared>>) target(%dma_start3A_547 : memref<80x128xf32, #tpu.memory_space<vmem>>) target_semaphore(%run_scoped3A_537 : memref<!tpu.dma_semaphore, #tpu.memory_space<semaphore_mem>>)
      %dma_wait3A_550 = arith.constant 0 : i32
      %dma_wait3A_551 = arith.constant 0 : i32
      %dma_wait3A_552 = tpu.memref_slice %arg8[%run_scoped3A_259, %dma_wait3A_550, %dma_wait3A_551] : memref<2x125x128xf32, #tpu.memory_space<vmem>> -> memref<1x80x128xf32, #tpu.memory_space<vmem>>
      %dma_wait3A_553 = tpu.memref_squeeze %dma_wait3A_552 : memref<1x80x128xf32, #tpu.memory_space<vmem>> -> memref<80x128xf32, #tpu.memory_space<vmem>>
      %dma_wait3A_554 = arith.constant 0 : i32
      %dma_wait3A_555 = tpu.memref_slice %arg9[%add3A_258, %dma_wait3A_554] : memref<10240x128xf32, #tpu.memory_space<vmem_shared>> -> memref<80x128xf32, #tpu.memory_space<vmem_shared>>
      %dma_wait3A_556 = arith.constant 0 : i32
      %dma_wait3A_557 = arith.constant 0 : i32
      %dma_wait3A_558 = tpu.memref_slice %arg8[%run_scoped3A_259, %dma_wait3A_556, %dma_wait3A_557] : memref<2x125x128xf32, #tpu.memory_space<vmem>> -> memref<1x80x128xf32, #tpu.memory_space<vmem>>
      %dma_wait3A_559 = tpu.memref_squeeze %dma_wait3A_558 : memref<1x80x128xf32, #tpu.memory_space<vmem>> -> memref<80x128xf32, #tpu.memory_space<vmem>>
      %dma_wait3A_560 = arith.constant 0 : i32
      %dma_wait3A_561 = tpu.memref_slice %arg9[%add3A_258, %dma_wait3A_560] : memref<10240x128xf32, #tpu.memory_space<vmem_shared>> -> memref<80x128xf32, #tpu.memory_space<vmem_shared>>
      tpu.wait_dma2 semaphore(%run_scoped3A_537 : memref<!tpu.dma_semaphore, #tpu.memory_space<semaphore_mem>>) src(%dma_wait3A_561 : memref<80x128xf32, #tpu.memory_space<vmem_shared>>) dst(%dma_wait3A_559 : memref<80x128xf32, #tpu.memory_space<vmem>>)
      tpu.yield
    }) : () -> ()
    %add3A_260 = arith.constant 0 : i32
    %add3A_261 = arith.addi %mul3A_15, %add3A_260 : i32
    %dma_start3A_262 = arith.constant 0 : i32
    %dma_start3A_263 = arith.constant 0 : i32
    %dma_start3A_264 = arith.constant 0 : i32
    %dma_start3A_265 = tpu.memref_slice %arg8[%dma_start3A_262, %dma_start3A_263, %dma_start3A_264] : memref<2x125x128xf32, #tpu.memory_space<vmem>> -> memref<1x80x128xf32, #tpu.memory_space<vmem>>
    %dma_start3A_266 = tpu.memref_squeeze %dma_start3A_265 : memref<1x80x128xf32, #tpu.memory_space<vmem>> -> memref<80x128xf32, #tpu.memory_space<vmem>>
    %dma_start3A_267 = arith.constant 0 : i32
    %dma_start3A_268 = tpu.memref_slice %arg5[%arg0, %add3A_261, %dma_start3A_267] : memref<2x10240x128xf32, #tpu.memory_space<hbm>> -> memref<1x80x128xf32, #tpu.memory_space<hbm>>
    %dma_start3A_269 = tpu.memref_squeeze %dma_start3A_268 : memref<1x80x128xf32, #tpu.memory_space<hbm>> -> memref<80x128xf32, #tpu.memory_space<hbm>>
    %dma_start3A_270 = arith.constant 0 : i32
    %dma_start3A_271 = tpu.memref_slice %arg5[%arg0, %add3A_261, %dma_start3A_270] : memref<2x10240x128xf32, #tpu.memory_space<hbm>> -> memref<1x80x128xf32, #tpu.memory_space<hbm>>
    %dma_start3A_272 = tpu.memref_squeeze %dma_start3A_271 : memref<1x80x128xf32, #tpu.memory_space<hbm>> -> memref<80x128xf32, #tpu.memory_space<hbm>>
    %dma_start3A_273 = arith.constant 0 : i32
    %dma_start3A_274 = arith.constant 0 : i32
    %dma_start3A_275 = tpu.memref_slice %arg8[%dma_start3A_262, %dma_start3A_273, %dma_start3A_274] : memref<2x125x128xf32, #tpu.memory_space<vmem>> -> memref<1x80x128xf32, #tpu.memory_space<vmem>>
    %dma_start3A_276 = tpu.memref_squeeze %dma_start3A_275 : memref<1x80x128xf32, #tpu.memory_space<vmem>> -> memref<80x128xf32, #tpu.memory_space<vmem>>
    tpu.enqueue_dma source(%dma_start3A_276 : memref<80x128xf32, #tpu.memory_space<vmem>>) target(%dma_start3A_272 : memref<80x128xf32, #tpu.memory_space<hbm>>) target_semaphore(%arg11 : memref<!tpu.dma_semaphore, #tpu.memory_space<semaphore_mem>>)
    %add3A_277 = arith.constant 80 : i32
    %add3A_278 = arith.addi %mul3A_15, %add3A_277 : i32
    %run_scoped3A_279 = arith.constant 1 : i32
    "tpu.region"() ({
      %run_scoped3A_537 = tpu.sem_alloc : memref<!tpu.dma_semaphore, #tpu.memory_space<semaphore_mem>>
      %dma_start3A_538 = arith.constant 0 : i32
      %dma_start3A_539 = arith.constant 0 : i32
      %dma_start3A_540 = tpu.memref_slice %arg8[%run_scoped3A_279, %dma_start3A_538, %dma_start3A_539] : memref<2x125x128xf32, #tpu.memory_space<vmem>> -> memref<1x80x128xf32, #tpu.memory_space<vmem>>
      %dma_start3A_541 = tpu.memref_squeeze %dma_start3A_540 : memref<1x80x128xf32, #tpu.memory_space<vmem>> -> memref<80x128xf32, #tpu.memory_space<vmem>>
      %dma_start3A_542 = arith.constant 0 : i32
      %dma_start3A_543 = tpu.memref_slice %arg9[%add3A_278, %dma_start3A_542] : memref<10240x128xf32, #tpu.memory_space<vmem_shared>> -> memref<80x128xf32, #tpu.memory_space<vmem_shared>>
      %dma_start3A_544 = arith.constant 0 : i32
      %dma_start3A_545 = arith.constant 0 : i32
      %dma_start3A_546 = tpu.memref_slice %arg8[%run_scoped3A_279, %dma_start3A_544, %dma_start3A_545] : memref<2x125x128xf32, #tpu.memory_space<vmem>> -> memref<1x80x128xf32, #tpu.memory_space<vmem>>
      %dma_start3A_547 = tpu.memref_squeeze %dma_start3A_546 : memref<1x80x128xf32, #tpu.memory_space<vmem>> -> memref<80x128xf32, #tpu.memory_space<vmem>>
      %dma_start3A_548 = arith.constant 0 : i32
      %dma_start3A_549 = tpu.memref_slice %arg9[%add3A_278, %dma_start3A_548] : memref<10240x128xf32, #tpu.memory_space<vmem_shared>> -> memref<80x128xf32, #tpu.memory_space<vmem_shared>>
      tpu.enqueue_dma source(%dma_start3A_549 : memref<80x128xf32, #tpu.memory_space<vmem_shared>>) target(%dma_start3A_547 : memref<80x128xf32, #tpu.memory_space<vmem>>) target_semaphore(%run_scoped3A_537 : memref<!tpu.dma_semaphore, #tpu.memory_space<semaphore_mem>>)
      %dma_wait3A_550 = arith.constant 0 : i32
      %dma_wait3A_551 = arith.constant 0 : i32
      %dma_wait3A_552 = tpu.memref_slice %arg8[%run_scoped3A_279, %dma_wait3A_550, %dma_wait3A_551] : memref<2x125x128xf32, #tpu.memory_space<vmem>> -> memref<1x80x128xf32, #tpu.memory_space<vmem>>
      %dma_wait3A_553 = tpu.memref_squeeze %dma_wait3A_552 : memref<1x80x128xf32, #tpu.memory_space<vmem>> -> memref<80x128xf32, #tpu.memory_space<vmem>>
      %dma_wait3A_554 = arith.constant 0 : i32
      %dma_wait3A_555 = tpu.memref_slice %arg9[%add3A_278, %dma_wait3A_554] : memref<10240x128xf32, #tpu.memory_space<vmem_shared>> -> memref<80x128xf32, #tpu.memory_space<vmem_shared>>
      %dma_wait3A_556 = arith.constant 0 : i32
      %dma_wait3A_557 = arith.constant 0 : i32
      %dma_wait3A_558 = tpu.memref_slice %arg8[%run_scoped3A_279, %dma_wait3A_556, %dma_wait3A_557] : memref<2x125x128xf32, #tpu.memory_space<vmem>> -> memref<1x80x128xf32, #tpu.memory_space<vmem>>
      %dma_wait3A_559 = tpu.memref_squeeze %dma_wait3A_558 : memref<1x80x128xf32, #tpu.memory_space<vmem>> -> memref<80x128xf32, #tpu.memory_space<vmem>>
      %dma_wait3A_560 = arith.constant 0 : i32
      %dma_wait3A_561 = tpu.memref_slice %arg9[%add3A_278, %dma_wait3A_560] : memref<10240x128xf32, #tpu.memory_space<vmem_shared>> -> memref<80x128xf32, #tpu.memory_space<vmem_shared>>
      tpu.wait_dma2 semaphore(%run_scoped3A_537 : memref<!tpu.dma_semaphore, #tpu.memory_space<semaphore_mem>>) src(%dma_wait3A_561 : memref<80x128xf32, #tpu.memory_space<vmem_shared>>) dst(%dma_wait3A_559 : memref<80x128xf32, #tpu.memory_space<vmem>>)
      tpu.yield
    }) : () -> ()
    %add3A_280 = arith.constant 80 : i32
    %add3A_281 = arith.addi %mul3A_15, %add3A_280 : i32
    %dma_start3A_282 = arith.constant 1 : i32
    %dma_start3A_283 = arith.constant 0 : i32
    %dma_start3A_284 = arith.constant 0 : i32
    %dma_start3A_285 = tpu.memref_slice %arg8[%dma_start3A_282, %dma_start3A_283, %dma_start3A_284] : memref<2x125x128xf32, #tpu.memory_space<vmem>> -> memref<1x80x128xf32, #tpu.memory_space<vmem>>
    %dma_start3A_286 = tpu.memref_squeeze %dma_start3A_285 : memref<1x80x128xf32, #tpu.memory_space<vmem>> -> memref<80x128xf32, #tpu.memory_space<vmem>>
    %dma_start3A_287 = arith.constant 0 : i32
    %dma_start3A_288 = tpu.memref_slice %arg5[%arg0, %add3A_281, %dma_start3A_287] : memref<2x10240x128xf32, #tpu.memory_space<hbm>> -> memref<1x80x128xf32, #tpu.memory_space<hbm>>
    %dma_start3A_289 = tpu.memref_squeeze %dma_start3A_288 : memref<1x80x128xf32, #tpu.memory_space<hbm>> -> memref<80x128xf32, #tpu.memory_space<hbm>>
    %dma_start3A_290 = arith.constant 0 : i32
    %dma_start3A_291 = tpu.memref_slice %arg5[%arg0, %add3A_281, %dma_start3A_290] : memref<2x10240x128xf32, #tpu.memory_space<hbm>> -> memref<1x80x128xf32, #tpu.memory_space<hbm>>
    %dma_start3A_292 = tpu.memref_squeeze %dma_start3A_291 : memref<1x80x128xf32, #tpu.memory_space<hbm>> -> memref<80x128xf32, #tpu.memory_space<hbm>>
    %dma_start3A_293 = arith.constant 0 : i32
    %dma_start3A_294 = arith.constant 0 : i32
    %dma_start3A_295 = tpu.memref_slice %arg8[%dma_start3A_282, %dma_start3A_293, %dma_start3A_294] : memref<2x125x128xf32, #tpu.memory_space<vmem>> -> memref<1x80x128xf32, #tpu.memory_space<vmem>>
    %dma_start3A_296 = tpu.memref_squeeze %dma_start3A_295 : memref<1x80x128xf32, #tpu.memory_space<vmem>> -> memref<80x128xf32, #tpu.memory_space<vmem>>
    tpu.enqueue_dma source(%dma_start3A_296 : memref<80x128xf32, #tpu.memory_space<vmem>>) target(%dma_start3A_292 : memref<80x128xf32, #tpu.memory_space<hbm>>) target_semaphore(%arg11 : memref<!tpu.dma_semaphore, #tpu.memory_space<semaphore_mem>>)
    %dma_wait3A_297 = arith.constant 0 : i32
    %dma_wait3A_298 = arith.constant 0 : i32
    %dma_wait3A_299 = arith.constant 0 : i32
    %dma_wait3A_300 = tpu.memref_slice %arg8[%dma_wait3A_297, %dma_wait3A_298, %dma_wait3A_299] : memref<2x125x128xf32, #tpu.memory_space<vmem>> -> memref<1x80x128xf32, #tpu.memory_space<vmem>>
    %dma_wait3A_301 = tpu.memref_squeeze %dma_wait3A_300 : memref<1x80x128xf32, #tpu.memory_space<vmem>> -> memref<80x128xf32, #tpu.memory_space<vmem>>
    %dma_wait3A_302 = arith.constant 0 : i32
    %dma_wait3A_303 = tpu.memref_slice %arg5[%arg0, %add3A_261, %dma_wait3A_302] : memref<2x10240x128xf32, #tpu.memory_space<hbm>> -> memref<1x80x128xf32, #tpu.memory_space<hbm>>
    %dma_wait3A_304 = tpu.memref_squeeze %dma_wait3A_303 : memref<1x80x128xf32, #tpu.memory_space<hbm>> -> memref<80x128xf32, #tpu.memory_space<hbm>>
    %dma_wait3A_305 = arith.constant 0 : i32
    %dma_wait3A_306 = tpu.memref_slice %arg5[%arg0, %add3A_261, %dma_wait3A_305] : memref<2x10240x128xf32, #tpu.memory_space<hbm>> -> memref<1x80x128xf32, #tpu.memory_space<hbm>>
    %dma_wait3A_307 = tpu.memref_squeeze %dma_wait3A_306 : memref<1x80x128xf32, #tpu.memory_space<hbm>> -> memref<80x128xf32, #tpu.memory_space<hbm>>
    %dma_wait3A_308 = arith.constant 0 : i32
    %dma_wait3A_309 = arith.constant 0 : i32
    %dma_wait3A_310 = tpu.memref_slice %arg8[%dma_wait3A_297, %dma_wait3A_308, %dma_wait3A_309] : memref<2x125x128xf32, #tpu.memory_space<vmem>> -> memref<1x80x128xf32, #tpu.memory_space<vmem>>
    %dma_wait3A_311 = tpu.memref_squeeze %dma_wait3A_310 : memref<1x80x128xf32, #tpu.memory_space<vmem>> -> memref<80x128xf32, #tpu.memory_space<vmem>>
    tpu.wait_dma2 semaphore(%arg11 : memref<!tpu.dma_semaphore, #tpu.memory_space<semaphore_mem>>) src(%dma_wait3A_311 : memref<80x128xf32, #tpu.memory_space<vmem>>) dst(%dma_wait3A_307 : memref<80x128xf32, #tpu.memory_space<hbm>>)
    %add3A_312 = arith.constant 160 : i32
    %add3A_313 = arith.addi %mul3A_15, %add3A_312 : i32
    %run_scoped3A_314 = arith.constant 0 : i32
    "tpu.region"() ({
      %run_scoped3A_537 = tpu.sem_alloc : memref<!tpu.dma_semaphore, #tpu.memory_space<semaphore_mem>>
      %dma_start3A_538 = arith.constant 0 : i32
      %dma_start3A_539 = arith.constant 0 : i32
      %dma_start3A_540 = tpu.memref_slice %arg8[%run_scoped3A_314, %dma_start3A_538, %dma_start3A_539] : memref<2x125x128xf32, #tpu.memory_space<vmem>> -> memref<1x80x128xf32, #tpu.memory_space<vmem>>
      %dma_start3A_541 = tpu.memref_squeeze %dma_start3A_540 : memref<1x80x128xf32, #tpu.memory_space<vmem>> -> memref<80x128xf32, #tpu.memory_space<vmem>>
      %dma_start3A_542 = arith.constant 0 : i32
      %dma_start3A_543 = tpu.memref_slice %arg9[%add3A_313, %dma_start3A_542] : memref<10240x128xf32, #tpu.memory_space<vmem_shared>> -> memref<80x128xf32, #tpu.memory_space<vmem_shared>>
      %dma_start3A_544 = arith.constant 0 : i32
      %dma_start3A_545 = arith.constant 0 : i32
      %dma_start3A_546 = tpu.memref_slice %arg8[%run_scoped3A_314, %dma_start3A_544, %dma_start3A_545] : memref<2x125x128xf32, #tpu.memory_space<vmem>> -> memref<1x80x128xf32, #tpu.memory_space<vmem>>
      %dma_start3A_547 = tpu.memref_squeeze %dma_start3A_546 : memref<1x80x128xf32, #tpu.memory_space<vmem>> -> memref<80x128xf32, #tpu.memory_space<vmem>>
      %dma_start3A_548 = arith.constant 0 : i32
      %dma_start3A_549 = tpu.memref_slice %arg9[%add3A_313, %dma_start3A_548] : memref<10240x128xf32, #tpu.memory_space<vmem_shared>> -> memref<80x128xf32, #tpu.memory_space<vmem_shared>>
      tpu.enqueue_dma source(%dma_start3A_549 : memref<80x128xf32, #tpu.memory_space<vmem_shared>>) target(%dma_start3A_547 : memref<80x128xf32, #tpu.memory_space<vmem>>) target_semaphore(%run_scoped3A_537 : memref<!tpu.dma_semaphore, #tpu.memory_space<semaphore_mem>>)
      %dma_wait3A_550 = arith.constant 0 : i32
      %dma_wait3A_551 = arith.constant 0 : i32
      %dma_wait3A_552 = tpu.memref_slice %arg8[%run_scoped3A_314, %dma_wait3A_550, %dma_wait3A_551] : memref<2x125x128xf32, #tpu.memory_space<vmem>> -> memref<1x80x128xf32, #tpu.memory_space<vmem>>
      %dma_wait3A_553 = tpu.memref_squeeze %dma_wait3A_552 : memref<1x80x128xf32, #tpu.memory_space<vmem>> -> memref<80x128xf32, #tpu.memory_space<vmem>>
      %dma_wait3A_554 = arith.constant 0 : i32
      %dma_wait3A_555 = tpu.memref_slice %arg9[%add3A_313, %dma_wait3A_554] : memref<10240x128xf32, #tpu.memory_space<vmem_shared>> -> memref<80x128xf32, #tpu.memory_space<vmem_shared>>
      %dma_wait3A_556 = arith.constant 0 : i32
      %dma_wait3A_557 = arith.constant 0 : i32
      %dma_wait3A_558 = tpu.memref_slice %arg8[%run_scoped3A_314, %dma_wait3A_556, %dma_wait3A_557] : memref<2x125x128xf32, #tpu.memory_space<vmem>> -> memref<1x80x128xf32, #tpu.memory_space<vmem>>
      %dma_wait3A_559 = tpu.memref_squeeze %dma_wait3A_558 : memref<1x80x128xf32, #tpu.memory_space<vmem>> -> memref<80x128xf32, #tpu.memory_space<vmem>>
      %dma_wait3A_560 = arith.constant 0 : i32
      %dma_wait3A_561 = tpu.memref_slice %arg9[%add3A_313, %dma_wait3A_560] : memref<10240x128xf32, #tpu.memory_space<vmem_shared>> -> memref<80x128xf32, #tpu.memory_space<vmem_shared>>
      tpu.wait_dma2 semaphore(%run_scoped3A_537 : memref<!tpu.dma_semaphore, #tpu.memory_space<semaphore_mem>>) src(%dma_wait3A_561 : memref<80x128xf32, #tpu.memory_space<vmem_shared>>) dst(%dma_wait3A_559 : memref<80x128xf32, #tpu.memory_space<vmem>>)
      tpu.yield
    }) : () -> ()
    %add3A_315 = arith.constant 160 : i32
    %add3A_316 = arith.addi %mul3A_15, %add3A_315 : i32
    %dma_start3A_317 = arith.constant 0 : i32
    %dma_start3A_318 = arith.constant 0 : i32
    %dma_start3A_319 = arith.constant 0 : i32
    %dma_start3A_320 = tpu.memref_slice %arg8[%dma_start3A_317, %dma_start3A_318, %dma_start3A_319] : memref<2x125x128xf32, #tpu.memory_space<vmem>> -> memref<1x80x128xf32, #tpu.memory_space<vmem>>
    %dma_start3A_321 = tpu.memref_squeeze %dma_start3A_320 : memref<1x80x128xf32, #tpu.memory_space<vmem>> -> memref<80x128xf32, #tpu.memory_space<vmem>>
    %dma_start3A_322 = arith.constant 0 : i32
    %dma_start3A_323 = tpu.memref_slice %arg5[%arg0, %add3A_316, %dma_start3A_322] : memref<2x10240x128xf32, #tpu.memory_space<hbm>> -> memref<1x80x128xf32, #tpu.memory_space<hbm>>
    %dma_start3A_324 = tpu.memref_squeeze %dma_start3A_323 : memref<1x80x128xf32, #tpu.memory_space<hbm>> -> memref<80x128xf32, #tpu.memory_space<hbm>>
    %dma_start3A_325 = arith.constant 0 : i32
    %dma_start3A_326 = tpu.memref_slice %arg5[%arg0, %add3A_316, %dma_start3A_325] : memref<2x10240x128xf32, #tpu.memory_space<hbm>> -> memref<1x80x128xf32, #tpu.memory_space<hbm>>
    %dma_start3A_327 = tpu.memref_squeeze %dma_start3A_326 : memref<1x80x128xf32, #tpu.memory_space<hbm>> -> memref<80x128xf32, #tpu.memory_space<hbm>>
    %dma_start3A_328 = arith.constant 0 : i32
    %dma_start3A_329 = arith.constant 0 : i32
    %dma_start3A_330 = tpu.memref_slice %arg8[%dma_start3A_317, %dma_start3A_328, %dma_start3A_329] : memref<2x125x128xf32, #tpu.memory_space<vmem>> -> memref<1x80x128xf32, #tpu.memory_space<vmem>>
    %dma_start3A_331 = tpu.memref_squeeze %dma_start3A_330 : memref<1x80x128xf32, #tpu.memory_space<vmem>> -> memref<80x128xf32, #tpu.memory_space<vmem>>
    tpu.enqueue_dma source(%dma_start3A_331 : memref<80x128xf32, #tpu.memory_space<vmem>>) target(%dma_start3A_327 : memref<80x128xf32, #tpu.memory_space<hbm>>) target_semaphore(%arg11 : memref<!tpu.dma_semaphore, #tpu.memory_space<semaphore_mem>>)
    %dma_wait3A_332 = arith.constant 1 : i32
    %dma_wait3A_333 = arith.constant 0 : i32
    %dma_wait3A_334 = arith.constant 0 : i32
    %dma_wait3A_335 = tpu.memref_slice %arg8[%dma_wait3A_332, %dma_wait3A_333, %dma_wait3A_334] : memref<2x125x128xf32, #tpu.memory_space<vmem>> -> memref<1x80x128xf32, #tpu.memory_space<vmem>>
    %dma_wait3A_336 = tpu.memref_squeeze %dma_wait3A_335 : memref<1x80x128xf32, #tpu.memory_space<vmem>> -> memref<80x128xf32, #tpu.memory_space<vmem>>
    %dma_wait3A_337 = arith.constant 0 : i32
    %dma_wait3A_338 = tpu.memref_slice %arg5[%arg0, %add3A_281, %dma_wait3A_337] : memref<2x10240x128xf32, #tpu.memory_space<hbm>> -> memref<1x80x128xf32, #tpu.memory_space<hbm>>
    %dma_wait3A_339 = tpu.memref_squeeze %dma_wait3A_338 : memref<1x80x128xf32, #tpu.memory_space<hbm>> -> memref<80x128xf32, #tpu.memory_space<hbm>>
    %dma_wait3A_340 = arith.constant 0 : i32
    %dma_wait3A_341 = tpu.memref_slice %arg5[%arg0, %add3A_281, %dma_wait3A_340] : memref<2x10240x128xf32, #tpu.memory_space<hbm>> -> memref<1x80x128xf32, #tpu.memory_space<hbm>>
    %dma_wait3A_342 = tpu.memref_squeeze %dma_wait3A_341 : memref<1x80x128xf32, #tpu.memory_space<hbm>> -> memref<80x128xf32, #tpu.memory_space<hbm>>
    %dma_wait3A_343 = arith.constant 0 : i32
    %dma_wait3A_344 = arith.constant 0 : i32
    %dma_wait3A_345 = tpu.memref_slice %arg8[%dma_wait3A_332, %dma_wait3A_343, %dma_wait3A_344] : memref<2x125x128xf32, #tpu.memory_space<vmem>> -> memref<1x80x128xf32, #tpu.memory_space<vmem>>
    %dma_wait3A_346 = tpu.memref_squeeze %dma_wait3A_345 : memref<1x80x128xf32, #tpu.memory_space<vmem>> -> memref<80x128xf32, #tpu.memory_space<vmem>>
    tpu.wait_dma2 semaphore(%arg11 : memref<!tpu.dma_semaphore, #tpu.memory_space<semaphore_mem>>) src(%dma_wait3A_346 : memref<80x128xf32, #tpu.memory_space<vmem>>) dst(%dma_wait3A_342 : memref<80x128xf32, #tpu.memory_space<hbm>>)
    %add3A_347 = arith.constant 240 : i32
    %add3A_348 = arith.addi %mul3A_15, %add3A_347 : i32
    %run_scoped3A_349 = arith.constant 1 : i32
    "tpu.region"() ({
      %run_scoped3A_537 = tpu.sem_alloc : memref<!tpu.dma_semaphore, #tpu.memory_space<semaphore_mem>>
      %dma_start3A_538 = arith.constant 0 : i32
      %dma_start3A_539 = arith.constant 0 : i32
      %dma_start3A_540 = tpu.memref_slice %arg8[%run_scoped3A_349, %dma_start3A_538, %dma_start3A_539] : memref<2x125x128xf32, #tpu.memory_space<vmem>> -> memref<1x80x128xf32, #tpu.memory_space<vmem>>
      %dma_start3A_541 = tpu.memref_squeeze %dma_start3A_540 : memref<1x80x128xf32, #tpu.memory_space<vmem>> -> memref<80x128xf32, #tpu.memory_space<vmem>>
      %dma_start3A_542 = arith.constant 0 : i32
      %dma_start3A_543 = tpu.memref_slice %arg9[%add3A_348, %dma_start3A_542] : memref<10240x128xf32, #tpu.memory_space<vmem_shared>> -> memref<80x128xf32, #tpu.memory_space<vmem_shared>>
      %dma_start3A_544 = arith.constant 0 : i32
      %dma_start3A_545 = arith.constant 0 : i32
      %dma_start3A_546 = tpu.memref_slice %arg8[%run_scoped3A_349, %dma_start3A_544, %dma_start3A_545] : memref<2x125x128xf32, #tpu.memory_space<vmem>> -> memref<1x80x128xf32, #tpu.memory_space<vmem>>
      %dma_start3A_547 = tpu.memref_squeeze %dma_start3A_546 : memref<1x80x128xf32, #tpu.memory_space<vmem>> -> memref<80x128xf32, #tpu.memory_space<vmem>>
      %dma_start3A_548 = arith.constant 0 : i32
      %dma_start3A_549 = tpu.memref_slice %arg9[%add3A_348, %dma_start3A_548] : memref<10240x128xf32, #tpu.memory_space<vmem_shared>> -> memref<80x128xf32, #tpu.memory_space<vmem_shared>>
      tpu.enqueue_dma source(%dma_start3A_549 : memref<80x128xf32, #tpu.memory_space<vmem_shared>>) target(%dma_start3A_547 : memref<80x128xf32, #tpu.memory_space<vmem>>) target_semaphore(%run_scoped3A_537 : memref<!tpu.dma_semaphore, #tpu.memory_space<semaphore_mem>>)
      %dma_wait3A_550 = arith.constant 0 : i32
      %dma_wait3A_551 = arith.constant 0 : i32
      %dma_wait3A_552 = tpu.memref_slice %arg8[%run_scoped3A_349, %dma_wait3A_550, %dma_wait3A_551] : memref<2x125x128xf32, #tpu.memory_space<vmem>> -> memref<1x80x128xf32, #tpu.memory_space<vmem>>
      %dma_wait3A_553 = tpu.memref_squeeze %dma_wait3A_552 : memref<1x80x128xf32, #tpu.memory_space<vmem>> -> memref<80x128xf32, #tpu.memory_space<vmem>>
      %dma_wait3A_554 = arith.constant 0 : i32
      %dma_wait3A_555 = tpu.memref_slice %arg9[%add3A_348, %dma_wait3A_554] : memref<10240x128xf32, #tpu.memory_space<vmem_shared>> -> memref<80x128xf32, #tpu.memory_space<vmem_shared>>
      %dma_wait3A_556 = arith.constant 0 : i32
      %dma_wait3A_557 = arith.constant 0 : i32
      %dma_wait3A_558 = tpu.memref_slice %arg8[%run_scoped3A_349, %dma_wait3A_556, %dma_wait3A_557] : memref<2x125x128xf32, #tpu.memory_space<vmem>> -> memref<1x80x128xf32, #tpu.memory_space<vmem>>
      %dma_wait3A_559 = tpu.memref_squeeze %dma_wait3A_558 : memref<1x80x128xf32, #tpu.memory_space<vmem>> -> memref<80x128xf32, #tpu.memory_space<vmem>>
      %dma_wait3A_560 = arith.constant 0 : i32
      %dma_wait3A_561 = tpu.memref_slice %arg9[%add3A_348, %dma_wait3A_560] : memref<10240x128xf32, #tpu.memory_space<vmem_shared>> -> memref<80x128xf32, #tpu.memory_space<vmem_shared>>
      tpu.wait_dma2 semaphore(%run_scoped3A_537 : memref<!tpu.dma_semaphore, #tpu.memory_space<semaphore_mem>>) src(%dma_wait3A_561 : memref<80x128xf32, #tpu.memory_space<vmem_shared>>) dst(%dma_wait3A_559 : memref<80x128xf32, #tpu.memory_space<vmem>>)
      tpu.yield
    }) : () -> ()
    %add3A_350 = arith.constant 240 : i32
    %add3A_351 = arith.addi %mul3A_15, %add3A_350 : i32
    %dma_start3A_352 = arith.constant 1 : i32
    %dma_start3A_353 = arith.constant 0 : i32
    %dma_start3A_354 = arith.constant 0 : i32
    %dma_start3A_355 = tpu.memref_slice %arg8[%dma_start3A_352, %dma_start3A_353, %dma_start3A_354] : memref<2x125x128xf32, #tpu.memory_space<vmem>> -> memref<1x80x128xf32, #tpu.memory_space<vmem>>
    %dma_start3A_356 = tpu.memref_squeeze %dma_start3A_355 : memref<1x80x128xf32, #tpu.memory_space<vmem>> -> memref<80x128xf32, #tpu.memory_space<vmem>>
    %dma_start3A_357 = arith.constant 0 : i32
    %dma_start3A_358 = tpu.memref_slice %arg5[%arg0, %add3A_351, %dma_start3A_357] : memref<2x10240x128xf32, #tpu.memory_space<hbm>> -> memref<1x80x128xf32, #tpu.memory_space<hbm>>
    %dma_start3A_359 = tpu.memref_squeeze %dma_start3A_358 : memref<1x80x128xf32, #tpu.memory_space<hbm>> -> memref<80x128xf32, #tpu.memory_space<hbm>>
    %dma_start3A_360 = arith.constant 0 : i32
    %dma_start3A_361 = tpu.memref_slice %arg5[%arg0, %add3A_351, %dma_start3A_360] : memref<2x10240x128xf32, #tpu.memory_space<hbm>> -> memref<1x80x128xf32, #tpu.memory_space<hbm>>
    %dma_start3A_362 = tpu.memref_squeeze %dma_start3A_361 : memref<1x80x128xf32, #tpu.memory_space<hbm>> -> memref<80x128xf32, #tpu.memory_space<hbm>>
    %dma_start3A_363 = arith.constant 0 : i32
    %dma_start3A_364 = arith.constant 0 : i32
    %dma_start3A_365 = tpu.memref_slice %arg8[%dma_start3A_352, %dma_start3A_363, %dma_start3A_364] : memref<2x125x128xf32, #tpu.memory_space<vmem>> -> memref<1x80x128xf32, #tpu.memory_space<vmem>>
    %dma_start3A_366 = tpu.memref_squeeze %dma_start3A_365 : memref<1x80x128xf32, #tpu.memory_space<vmem>> -> memref<80x128xf32, #tpu.memory_space<vmem>>
    tpu.enqueue_dma source(%dma_start3A_366 : memref<80x128xf32, #tpu.memory_space<vmem>>) target(%dma_start3A_362 : memref<80x128xf32, #tpu.memory_space<hbm>>) target_semaphore(%arg11 : memref<!tpu.dma_semaphore, #tpu.memory_space<semaphore_mem>>)
    %dma_wait3A_367 = arith.constant 0 : i32
    %dma_wait3A_368 = arith.constant 0 : i32
    %dma_wait3A_369 = arith.constant 0 : i32
    %dma_wait3A_370 = tpu.memref_slice %arg8[%dma_wait3A_367, %dma_wait3A_368, %dma_wait3A_369] : memref<2x125x128xf32, #tpu.memory_space<vmem>> -> memref<1x80x128xf32, #tpu.memory_space<vmem>>
    %dma_wait3A_371 = tpu.memref_squeeze %dma_wait3A_370 : memref<1x80x128xf32, #tpu.memory_space<vmem>> -> memref<80x128xf32, #tpu.memory_space<vmem>>
    %dma_wait3A_372 = arith.constant 0 : i32
    %dma_wait3A_373 = tpu.memref_slice %arg5[%arg0, %add3A_316, %dma_wait3A_372] : memref<2x10240x128xf32, #tpu.memory_space<hbm>> -> memref<1x80x128xf32, #tpu.memory_space<hbm>>
    %dma_wait3A_374 = tpu.memref_squeeze %dma_wait3A_373 : memref<1x80x128xf32, #tpu.memory_space<hbm>> -> memref<80x128xf32, #tpu.memory_space<hbm>>
    %dma_wait3A_375 = arith.constant 0 : i32
    %dma_wait3A_376 = tpu.memref_slice %arg5[%arg0, %add3A_316, %dma_wait3A_375] : memref<2x10240x128xf32, #tpu.memory_space<hbm>> -> memref<1x80x128xf32, #tpu.memory_space<hbm>>
    %dma_wait3A_377 = tpu.memref_squeeze %dma_wait3A_376 : memref<1x80x128xf32, #tpu.memory_space<hbm>> -> memref<80x128xf32, #tpu.memory_space<hbm>>
    %dma_wait3A_378 = arith.constant 0 : i32
    %dma_wait3A_379 = arith.constant 0 : i32
    %dma_wait3A_380 = tpu.memref_slice %arg8[%dma_wait3A_367, %dma_wait3A_378, %dma_wait3A_379] : memref<2x125x128xf32, #tpu.memory_space<vmem>> -> memref<1x80x128xf32, #tpu.memory_space<vmem>>
    %dma_wait3A_381 = tpu.memref_squeeze %dma_wait3A_380 : memref<1x80x128xf32, #tpu.memory_space<vmem>> -> memref<80x128xf32, #tpu.memory_space<vmem>>
    tpu.wait_dma2 semaphore(%arg11 : memref<!tpu.dma_semaphore, #tpu.memory_space<semaphore_mem>>) src(%dma_wait3A_381 : memref<80x128xf32, #tpu.memory_space<vmem>>) dst(%dma_wait3A_377 : memref<80x128xf32, #tpu.memory_space<hbm>>)
    %add3A_382 = arith.constant 320 : i32
    %add3A_383 = arith.addi %mul3A_15, %add3A_382 : i32
    %run_scoped3A_384 = arith.constant 0 : i32
    "tpu.region"() ({
      %run_scoped3A_537 = tpu.sem_alloc : memref<!tpu.dma_semaphore, #tpu.memory_space<semaphore_mem>>
      %dma_start3A_538 = arith.constant 0 : i32
      %dma_start3A_539 = arith.constant 0 : i32
      %dma_start3A_540 = tpu.memref_slice %arg8[%run_scoped3A_384, %dma_start3A_538, %dma_start3A_539] : memref<2x125x128xf32, #tpu.memory_space<vmem>> -> memref<1x80x128xf32, #tpu.memory_space<vmem>>
      %dma_start3A_541 = tpu.memref_squeeze %dma_start3A_540 : memref<1x80x128xf32, #tpu.memory_space<vmem>> -> memref<80x128xf32, #tpu.memory_space<vmem>>
      %dma_start3A_542 = arith.constant 0 : i32
      %dma_start3A_543 = tpu.memref_slice %arg9[%add3A_383, %dma_start3A_542] : memref<10240x128xf32, #tpu.memory_space<vmem_shared>> -> memref<80x128xf32, #tpu.memory_space<vmem_shared>>
      %dma_start3A_544 = arith.constant 0 : i32
      %dma_start3A_545 = arith.constant 0 : i32
      %dma_start3A_546 = tpu.memref_slice %arg8[%run_scoped3A_384, %dma_start3A_544, %dma_start3A_545] : memref<2x125x128xf32, #tpu.memory_space<vmem>> -> memref<1x80x128xf32, #tpu.memory_space<vmem>>
      %dma_start3A_547 = tpu.memref_squeeze %dma_start3A_546 : memref<1x80x128xf32, #tpu.memory_space<vmem>> -> memref<80x128xf32, #tpu.memory_space<vmem>>
      %dma_start3A_548 = arith.constant 0 : i32
      %dma_start3A_549 = tpu.memref_slice %arg9[%add3A_383, %dma_start3A_548] : memref<10240x128xf32, #tpu.memory_space<vmem_shared>> -> memref<80x128xf32, #tpu.memory_space<vmem_shared>>
      tpu.enqueue_dma source(%dma_start3A_549 : memref<80x128xf32, #tpu.memory_space<vmem_shared>>) target(%dma_start3A_547 : memref<80x128xf32, #tpu.memory_space<vmem>>) target_semaphore(%run_scoped3A_537 : memref<!tpu.dma_semaphore, #tpu.memory_space<semaphore_mem>>)
      %dma_wait3A_550 = arith.constant 0 : i32
      %dma_wait3A_551 = arith.constant 0 : i32
      %dma_wait3A_552 = tpu.memref_slice %arg8[%run_scoped3A_384, %dma_wait3A_550, %dma_wait3A_551] : memref<2x125x128xf32, #tpu.memory_space<vmem>> -> memref<1x80x128xf32, #tpu.memory_space<vmem>>
      %dma_wait3A_553 = tpu.memref_squeeze %dma_wait3A_552 : memref<1x80x128xf32, #tpu.memory_space<vmem>> -> memref<80x128xf32, #tpu.memory_space<vmem>>
      %dma_wait3A_554 = arith.constant 0 : i32
      %dma_wait3A_555 = tpu.memref_slice %arg9[%add3A_383, %dma_wait3A_554] : memref<10240x128xf32, #tpu.memory_space<vmem_shared>> -> memref<80x128xf32, #tpu.memory_space<vmem_shared>>
      %dma_wait3A_556 = arith.constant 0 : i32
      %dma_wait3A_557 = arith.constant 0 : i32
      %dma_wait3A_558 = tpu.memref_slice %arg8[%run_scoped3A_384, %dma_wait3A_556, %dma_wait3A_557] : memref<2x125x128xf32, #tpu.memory_space<vmem>> -> memref<1x80x128xf32, #tpu.memory_space<vmem>>
      %dma_wait3A_559 = tpu.memref_squeeze %dma_wait3A_558 : memref<1x80x128xf32, #tpu.memory_space<vmem>> -> memref<80x128xf32, #tpu.memory_space<vmem>>
      %dma_wait3A_560 = arith.constant 0 : i32
      %dma_wait3A_561 = tpu.memref_slice %arg9[%add3A_383, %dma_wait3A_560] : memref<10240x128xf32, #tpu.memory_space<vmem_shared>> -> memref<80x128xf32, #tpu.memory_space<vmem_shared>>
      tpu.wait_dma2 semaphore(%run_scoped3A_537 : memref<!tpu.dma_semaphore, #tpu.memory_space<semaphore_mem>>) src(%dma_wait3A_561 : memref<80x128xf32, #tpu.memory_space<vmem_shared>>) dst(%dma_wait3A_559 : memref<80x128xf32, #tpu.memory_space<vmem>>)
      tpu.yield
    }) : () -> ()
    %add3A_385 = arith.constant 320 : i32
    %add3A_386 = arith.addi %mul3A_15, %add3A_385 : i32
    %dma_start3A_387 = arith.constant 0 : i32
    %dma_start3A_388 = arith.constant 0 : i32
    %dma_start3A_389 = arith.constant 0 : i32
    %dma_start3A_390 = tpu.memref_slice %arg8[%dma_start3A_387, %dma_start3A_388, %dma_start3A_389] : memref<2x125x128xf32, #tpu.memory_space<vmem>> -> memref<1x80x128xf32, #tpu.memory_space<vmem>>
    %dma_start3A_391 = tpu.memref_squeeze %dma_start3A_390 : memref<1x80x128xf32, #tpu.memory_space<vmem>> -> memref<80x128xf32, #tpu.memory_space<vmem>>
    %dma_start3A_392 = arith.constant 0 : i32
    %dma_start3A_393 = tpu.memref_slice %arg5[%arg0, %add3A_386, %dma_start3A_392] : memref<2x10240x128xf32, #tpu.memory_space<hbm>> -> memref<1x80x128xf32, #tpu.memory_space<hbm>>
    %dma_start3A_394 = tpu.memref_squeeze %dma_start3A_393 : memref<1x80x128xf32, #tpu.memory_space<hbm>> -> memref<80x128xf32, #tpu.memory_space<hbm>>
    %dma_start3A_395 = arith.constant 0 : i32
    %dma_start3A_396 = tpu.memref_slice %arg5[%arg0, %add3A_386, %dma_start3A_395] : memref<2x10240x128xf32, #tpu.memory_space<hbm>> -> memref<1x80x128xf32, #tpu.memory_space<hbm>>
    %dma_start3A_397 = tpu.memref_squeeze %dma_start3A_396 : memref<1x80x128xf32, #tpu.memory_space<hbm>> -> memref<80x128xf32, #tpu.memory_space<hbm>>
    %dma_start3A_398 = arith.constant 0 : i32
    %dma_start3A_399 = arith.constant 0 : i32
    %dma_start3A_400 = tpu.memref_slice %arg8[%dma_start3A_387, %dma_start3A_398, %dma_start3A_399] : memref<2x125x128xf32, #tpu.memory_space<vmem>> -> memref<1x80x128xf32, #tpu.memory_space<vmem>>
    %dma_start3A_401 = tpu.memref_squeeze %dma_start3A_400 : memref<1x80x128xf32, #tpu.memory_space<vmem>> -> memref<80x128xf32, #tpu.memory_space<vmem>>
    tpu.enqueue_dma source(%dma_start3A_401 : memref<80x128xf32, #tpu.memory_space<vmem>>) target(%dma_start3A_397 : memref<80x128xf32, #tpu.memory_space<hbm>>) target_semaphore(%arg11 : memref<!tpu.dma_semaphore, #tpu.memory_space<semaphore_mem>>)
    %dma_wait3A_402 = arith.constant 1 : i32
    %dma_wait3A_403 = arith.constant 0 : i32
    %dma_wait3A_404 = arith.constant 0 : i32
    %dma_wait3A_405 = tpu.memref_slice %arg8[%dma_wait3A_402, %dma_wait3A_403, %dma_wait3A_404] : memref<2x125x128xf32, #tpu.memory_space<vmem>> -> memref<1x80x128xf32, #tpu.memory_space<vmem>>
    %dma_wait3A_406 = tpu.memref_squeeze %dma_wait3A_405 : memref<1x80x128xf32, #tpu.memory_space<vmem>> -> memref<80x128xf32, #tpu.memory_space<vmem>>
    %dma_wait3A_407 = arith.constant 0 : i32
    %dma_wait3A_408 = tpu.memref_slice %arg5[%arg0, %add3A_351, %dma_wait3A_407] : memref<2x10240x128xf32, #tpu.memory_space<hbm>> -> memref<1x80x128xf32, #tpu.memory_space<hbm>>
    %dma_wait3A_409 = tpu.memref_squeeze %dma_wait3A_408 : memref<1x80x128xf32, #tpu.memory_space<hbm>> -> memref<80x128xf32, #tpu.memory_space<hbm>>
    %dma_wait3A_410 = arith.constant 0 : i32
    %dma_wait3A_411 = tpu.memref_slice %arg5[%arg0, %add3A_351, %dma_wait3A_410] : memref<2x10240x128xf32, #tpu.memory_space<hbm>> -> memref<1x80x128xf32, #tpu.memory_space<hbm>>
    %dma_wait3A_412 = tpu.memref_squeeze %dma_wait3A_411 : memref<1x80x128xf32, #tpu.memory_space<hbm>> -> memref<80x128xf32, #tpu.memory_space<hbm>>
    %dma_wait3A_413 = arith.constant 0 : i32
    %dma_wait3A_414 = arith.constant 0 : i32
    %dma_wait3A_415 = tpu.memref_slice %arg8[%dma_wait3A_402, %dma_wait3A_413, %dma_wait3A_414] : memref<2x125x128xf32, #tpu.memory_space<vmem>> -> memref<1x80x128xf32, #tpu.memory_space<vmem>>
    %dma_wait3A_416 = tpu.memref_squeeze %dma_wait3A_415 : memref<1x80x128xf32, #tpu.memory_space<vmem>> -> memref<80x128xf32, #tpu.memory_space<vmem>>
    tpu.wait_dma2 semaphore(%arg11 : memref<!tpu.dma_semaphore, #tpu.memory_space<semaphore_mem>>) src(%dma_wait3A_416 : memref<80x128xf32, #tpu.memory_space<vmem>>) dst(%dma_wait3A_412 : memref<80x128xf32, #tpu.memory_space<hbm>>)
    %add3A_417 = arith.constant 400 : i32
    %add3A_418 = arith.addi %mul3A_15, %add3A_417 : i32
    %run_scoped3A_419 = arith.constant 1 : i32
    "tpu.region"() ({
      %run_scoped3A_537 = tpu.sem_alloc : memref<!tpu.dma_semaphore, #tpu.memory_space<semaphore_mem>>
      %dma_start3A_538 = arith.constant 0 : i32
      %dma_start3A_539 = arith.constant 0 : i32
      %dma_start3A_540 = tpu.memref_slice %arg8[%run_scoped3A_419, %dma_start3A_538, %dma_start3A_539] : memref<2x125x128xf32, #tpu.memory_space<vmem>> -> memref<1x80x128xf32, #tpu.memory_space<vmem>>
      %dma_start3A_541 = tpu.memref_squeeze %dma_start3A_540 : memref<1x80x128xf32, #tpu.memory_space<vmem>> -> memref<80x128xf32, #tpu.memory_space<vmem>>
      %dma_start3A_542 = arith.constant 0 : i32
      %dma_start3A_543 = tpu.memref_slice %arg9[%add3A_418, %dma_start3A_542] : memref<10240x128xf32, #tpu.memory_space<vmem_shared>> -> memref<80x128xf32, #tpu.memory_space<vmem_shared>>
      %dma_start3A_544 = arith.constant 0 : i32
      %dma_start3A_545 = arith.constant 0 : i32
      %dma_start3A_546 = tpu.memref_slice %arg8[%run_scoped3A_419, %dma_start3A_544, %dma_start3A_545] : memref<2x125x128xf32, #tpu.memory_space<vmem>> -> memref<1x80x128xf32, #tpu.memory_space<vmem>>
      %dma_start3A_547 = tpu.memref_squeeze %dma_start3A_546 : memref<1x80x128xf32, #tpu.memory_space<vmem>> -> memref<80x128xf32, #tpu.memory_space<vmem>>
      %dma_start3A_548 = arith.constant 0 : i32
      %dma_start3A_549 = tpu.memref_slice %arg9[%add3A_418, %dma_start3A_548] : memref<10240x128xf32, #tpu.memory_space<vmem_shared>> -> memref<80x128xf32, #tpu.memory_space<vmem_shared>>
      tpu.enqueue_dma source(%dma_start3A_549 : memref<80x128xf32, #tpu.memory_space<vmem_shared>>) target(%dma_start3A_547 : memref<80x128xf32, #tpu.memory_space<vmem>>) target_semaphore(%run_scoped3A_537 : memref<!tpu.dma_semaphore, #tpu.memory_space<semaphore_mem>>)
      %dma_wait3A_550 = arith.constant 0 : i32
      %dma_wait3A_551 = arith.constant 0 : i32
      %dma_wait3A_552 = tpu.memref_slice %arg8[%run_scoped3A_419, %dma_wait3A_550, %dma_wait3A_551] : memref<2x125x128xf32, #tpu.memory_space<vmem>> -> memref<1x80x128xf32, #tpu.memory_space<vmem>>
      %dma_wait3A_553 = tpu.memref_squeeze %dma_wait3A_552 : memref<1x80x128xf32, #tpu.memory_space<vmem>> -> memref<80x128xf32, #tpu.memory_space<vmem>>
      %dma_wait3A_554 = arith.constant 0 : i32
      %dma_wait3A_555 = tpu.memref_slice %arg9[%add3A_418, %dma_wait3A_554] : memref<10240x128xf32, #tpu.memory_space<vmem_shared>> -> memref<80x128xf32, #tpu.memory_space<vmem_shared>>
      %dma_wait3A_556 = arith.constant 0 : i32
      %dma_wait3A_557 = arith.constant 0 : i32
      %dma_wait3A_558 = tpu.memref_slice %arg8[%run_scoped3A_419, %dma_wait3A_556, %dma_wait3A_557] : memref<2x125x128xf32, #tpu.memory_space<vmem>> -> memref<1x80x128xf32, #tpu.memory_space<vmem>>
      %dma_wait3A_559 = tpu.memref_squeeze %dma_wait3A_558 : memref<1x80x128xf32, #tpu.memory_space<vmem>> -> memref<80x128xf32, #tpu.memory_space<vmem>>
      %dma_wait3A_560 = arith.constant 0 : i32
      %dma_wait3A_561 = tpu.memref_slice %arg9[%add3A_418, %dma_wait3A_560] : memref<10240x128xf32, #tpu.memory_space<vmem_shared>> -> memref<80x128xf32, #tpu.memory_space<vmem_shared>>
      tpu.wait_dma2 semaphore(%run_scoped3A_537 : memref<!tpu.dma_semaphore, #tpu.memory_space<semaphore_mem>>) src(%dma_wait3A_561 : memref<80x128xf32, #tpu.memory_space<vmem_shared>>) dst(%dma_wait3A_559 : memref<80x128xf32, #tpu.memory_space<vmem>>)
      tpu.yield
    }) : () -> ()
    %add3A_420 = arith.constant 400 : i32
    %add3A_421 = arith.addi %mul3A_15, %add3A_420 : i32
    %dma_start3A_422 = arith.constant 1 : i32
    %dma_start3A_423 = arith.constant 0 : i32
    %dma_start3A_424 = arith.constant 0 : i32
    %dma_start3A_425 = tpu.memref_slice %arg8[%dma_start3A_422, %dma_start3A_423, %dma_start3A_424] : memref<2x125x128xf32, #tpu.memory_space<vmem>> -> memref<1x80x128xf32, #tpu.memory_space<vmem>>
    %dma_start3A_426 = tpu.memref_squeeze %dma_start3A_425 : memref<1x80x128xf32, #tpu.memory_space<vmem>> -> memref<80x128xf32, #tpu.memory_space<vmem>>
    %dma_start3A_427 = arith.constant 0 : i32
    %dma_start3A_428 = tpu.memref_slice %arg5[%arg0, %add3A_421, %dma_start3A_427] : memref<2x10240x128xf32, #tpu.memory_space<hbm>> -> memref<1x80x128xf32, #tpu.memory_space<hbm>>
    %dma_start3A_429 = tpu.memref_squeeze %dma_start3A_428 : memref<1x80x128xf32, #tpu.memory_space<hbm>> -> memref<80x128xf32, #tpu.memory_space<hbm>>
    %dma_start3A_430 = arith.constant 0 : i32
    %dma_start3A_431 = tpu.memref_slice %arg5[%arg0, %add3A_421, %dma_start3A_430] : memref<2x10240x128xf32, #tpu.memory_space<hbm>> -> memref<1x80x128xf32, #tpu.memory_space<hbm>>
    %dma_start3A_432 = tpu.memref_squeeze %dma_start3A_431 : memref<1x80x128xf32, #tpu.memory_space<hbm>> -> memref<80x128xf32, #tpu.memory_space<hbm>>
    %dma_start3A_433 = arith.constant 0 : i32
    %dma_start3A_434 = arith.constant 0 : i32
    %dma_start3A_435 = tpu.memref_slice %arg8[%dma_start3A_422, %dma_start3A_433, %dma_start3A_434] : memref<2x125x128xf32, #tpu.memory_space<vmem>> -> memref<1x80x128xf32, #tpu.memory_space<vmem>>
    %dma_start3A_436 = tpu.memref_squeeze %dma_start3A_435 : memref<1x80x128xf32, #tpu.memory_space<vmem>> -> memref<80x128xf32, #tpu.memory_space<vmem>>
    tpu.enqueue_dma source(%dma_start3A_436 : memref<80x128xf32, #tpu.memory_space<vmem>>) target(%dma_start3A_432 : memref<80x128xf32, #tpu.memory_space<hbm>>) target_semaphore(%arg11 : memref<!tpu.dma_semaphore, #tpu.memory_space<semaphore_mem>>)
    %dma_wait3A_437 = arith.constant 0 : i32
    %dma_wait3A_438 = arith.constant 0 : i32
    %dma_wait3A_439 = arith.constant 0 : i32
    %dma_wait3A_440 = tpu.memref_slice %arg8[%dma_wait3A_437, %dma_wait3A_438, %dma_wait3A_439] : memref<2x125x128xf32, #tpu.memory_space<vmem>> -> memref<1x80x128xf32, #tpu.memory_space<vmem>>
    %dma_wait3A_441 = tpu.memref_squeeze %dma_wait3A_440 : memref<1x80x128xf32, #tpu.memory_space<vmem>> -> memref<80x128xf32, #tpu.memory_space<vmem>>
    %dma_wait3A_442 = arith.constant 0 : i32
    %dma_wait3A_443 = tpu.memref_slice %arg5[%arg0, %add3A_386, %dma_wait3A_442] : memref<2x10240x128xf32, #tpu.memory_space<hbm>> -> memref<1x80x128xf32, #tpu.memory_space<hbm>>
    %dma_wait3A_444 = tpu.memref_squeeze %dma_wait3A_443 : memref<1x80x128xf32, #tpu.memory_space<hbm>> -> memref<80x128xf32, #tpu.memory_space<hbm>>
    %dma_wait3A_445 = arith.constant 0 : i32
    %dma_wait3A_446 = tpu.memref_slice %arg5[%arg0, %add3A_386, %dma_wait3A_445] : memref<2x10240x128xf32, #tpu.memory_space<hbm>> -> memref<1x80x128xf32, #tpu.memory_space<hbm>>
    %dma_wait3A_447 = tpu.memref_squeeze %dma_wait3A_446 : memref<1x80x128xf32, #tpu.memory_space<hbm>> -> memref<80x128xf32, #tpu.memory_space<hbm>>
    %dma_wait3A_448 = arith.constant 0 : i32
    %dma_wait3A_449 = arith.constant 0 : i32
    %dma_wait3A_450 = tpu.memref_slice %arg8[%dma_wait3A_437, %dma_wait3A_448, %dma_wait3A_449] : memref<2x125x128xf32, #tpu.memory_space<vmem>> -> memref<1x80x128xf32, #tpu.memory_space<vmem>>
    %dma_wait3A_451 = tpu.memref_squeeze %dma_wait3A_450 : memref<1x80x128xf32, #tpu.memory_space<vmem>> -> memref<80x128xf32, #tpu.memory_space<vmem>>
    tpu.wait_dma2 semaphore(%arg11 : memref<!tpu.dma_semaphore, #tpu.memory_space<semaphore_mem>>) src(%dma_wait3A_451 : memref<80x128xf32, #tpu.memory_space<vmem>>) dst(%dma_wait3A_447 : memref<80x128xf32, #tpu.memory_space<hbm>>)
    %add3A_452 = arith.constant 480 : i32
    %add3A_453 = arith.addi %mul3A_15, %add3A_452 : i32
    %run_scoped3A_454 = arith.constant 0 : i32
    "tpu.region"() ({
      %run_scoped3A_537 = tpu.sem_alloc : memref<!tpu.dma_semaphore, #tpu.memory_space<semaphore_mem>>
      %dma_start3A_538 = arith.constant 0 : i32
      %dma_start3A_539 = arith.constant 0 : i32
      %dma_start3A_540 = tpu.memref_slice %arg8[%run_scoped3A_454, %dma_start3A_538, %dma_start3A_539] : memref<2x125x128xf32, #tpu.memory_space<vmem>> -> memref<1x80x128xf32, #tpu.memory_space<vmem>>
      %dma_start3A_541 = tpu.memref_squeeze %dma_start3A_540 : memref<1x80x128xf32, #tpu.memory_space<vmem>> -> memref<80x128xf32, #tpu.memory_space<vmem>>
      %dma_start3A_542 = arith.constant 0 : i32
      %dma_start3A_543 = tpu.memref_slice %arg9[%add3A_453, %dma_start3A_542] : memref<10240x128xf32, #tpu.memory_space<vmem_shared>> -> memref<80x128xf32, #tpu.memory_space<vmem_shared>>
      %dma_start3A_544 = arith.constant 0 : i32
      %dma_start3A_545 = arith.constant 0 : i32
      %dma_start3A_546 = tpu.memref_slice %arg8[%run_scoped3A_454, %dma_start3A_544, %dma_start3A_545] : memref<2x125x128xf32, #tpu.memory_space<vmem>> -> memref<1x80x128xf32, #tpu.memory_space<vmem>>
      %dma_start3A_547 = tpu.memref_squeeze %dma_start3A_546 : memref<1x80x128xf32, #tpu.memory_space<vmem>> -> memref<80x128xf32, #tpu.memory_space<vmem>>
      %dma_start3A_548 = arith.constant 0 : i32
      %dma_start3A_549 = tpu.memref_slice %arg9[%add3A_453, %dma_start3A_548] : memref<10240x128xf32, #tpu.memory_space<vmem_shared>> -> memref<80x128xf32, #tpu.memory_space<vmem_shared>>
      tpu.enqueue_dma source(%dma_start3A_549 : memref<80x128xf32, #tpu.memory_space<vmem_shared>>) target(%dma_start3A_547 : memref<80x128xf32, #tpu.memory_space<vmem>>) target_semaphore(%run_scoped3A_537 : memref<!tpu.dma_semaphore, #tpu.memory_space<semaphore_mem>>)
      %dma_wait3A_550 = arith.constant 0 : i32
      %dma_wait3A_551 = arith.constant 0 : i32
      %dma_wait3A_552 = tpu.memref_slice %arg8[%run_scoped3A_454, %dma_wait3A_550, %dma_wait3A_551] : memref<2x125x128xf32, #tpu.memory_space<vmem>> -> memref<1x80x128xf32, #tpu.memory_space<vmem>>
      %dma_wait3A_553 = tpu.memref_squeeze %dma_wait3A_552 : memref<1x80x128xf32, #tpu.memory_space<vmem>> -> memref<80x128xf32, #tpu.memory_space<vmem>>
      %dma_wait3A_554 = arith.constant 0 : i32
      %dma_wait3A_555 = tpu.memref_slice %arg9[%add3A_453, %dma_wait3A_554] : memref<10240x128xf32, #tpu.memory_space<vmem_shared>> -> memref<80x128xf32, #tpu.memory_space<vmem_shared>>
      %dma_wait3A_556 = arith.constant 0 : i32
      %dma_wait3A_557 = arith.constant 0 : i32
      %dma_wait3A_558 = tpu.memref_slice %arg8[%run_scoped3A_454, %dma_wait3A_556, %dma_wait3A_557] : memref<2x125x128xf32, #tpu.memory_space<vmem>> -> memref<1x80x128xf32, #tpu.memory_space<vmem>>
      %dma_wait3A_559 = tpu.memref_squeeze %dma_wait3A_558 : memref<1x80x128xf32, #tpu.memory_space<vmem>> -> memref<80x128xf32, #tpu.memory_space<vmem>>
      %dma_wait3A_560 = arith.constant 0 : i32
      %dma_wait3A_561 = tpu.memref_slice %arg9[%add3A_453, %dma_wait3A_560] : memref<10240x128xf32, #tpu.memory_space<vmem_shared>> -> memref<80x128xf32, #tpu.memory_space<vmem_shared>>
      tpu.wait_dma2 semaphore(%run_scoped3A_537 : memref<!tpu.dma_semaphore, #tpu.memory_space<semaphore_mem>>) src(%dma_wait3A_561 : memref<80x128xf32, #tpu.memory_space<vmem_shared>>) dst(%dma_wait3A_559 : memref<80x128xf32, #tpu.memory_space<vmem>>)
      tpu.yield
    }) : () -> ()
    %add3A_455 = arith.constant 480 : i32
    %add3A_456 = arith.addi %mul3A_15, %add3A_455 : i32
    %dma_start3A_457 = arith.constant 0 : i32
    %dma_start3A_458 = arith.constant 0 : i32
    %dma_start3A_459 = arith.constant 0 : i32
    %dma_start3A_460 = tpu.memref_slice %arg8[%dma_start3A_457, %dma_start3A_458, %dma_start3A_459] : memref<2x125x128xf32, #tpu.memory_space<vmem>> -> memref<1x80x128xf32, #tpu.memory_space<vmem>>
    %dma_start3A_461 = tpu.memref_squeeze %dma_start3A_460 : memref<1x80x128xf32, #tpu.memory_space<vmem>> -> memref<80x128xf32, #tpu.memory_space<vmem>>
    %dma_start3A_462 = arith.constant 0 : i32
    %dma_start3A_463 = tpu.memref_slice %arg5[%arg0, %add3A_456, %dma_start3A_462] : memref<2x10240x128xf32, #tpu.memory_space<hbm>> -> memref<1x80x128xf32, #tpu.memory_space<hbm>>
    %dma_start3A_464 = tpu.memref_squeeze %dma_start3A_463 : memref<1x80x128xf32, #tpu.memory_space<hbm>> -> memref<80x128xf32, #tpu.memory_space<hbm>>
    %dma_start3A_465 = arith.constant 0 : i32
    %dma_start3A_466 = tpu.memref_slice %arg5[%arg0, %add3A_456, %dma_start3A_465] : memref<2x10240x128xf32, #tpu.memory_space<hbm>> -> memref<1x80x128xf32, #tpu.memory_space<hbm>>
    %dma_start3A_467 = tpu.memref_squeeze %dma_start3A_466 : memref<1x80x128xf32, #tpu.memory_space<hbm>> -> memref<80x128xf32, #tpu.memory_space<hbm>>
    %dma_start3A_468 = arith.constant 0 : i32
    %dma_start3A_469 = arith.constant 0 : i32
    %dma_start3A_470 = tpu.memref_slice %arg8[%dma_start3A_457, %dma_start3A_468, %dma_start3A_469] : memref<2x125x128xf32, #tpu.memory_space<vmem>> -> memref<1x80x128xf32, #tpu.memory_space<vmem>>
    %dma_start3A_471 = tpu.memref_squeeze %dma_start3A_470 : memref<1x80x128xf32, #tpu.memory_space<vmem>> -> memref<80x128xf32, #tpu.memory_space<vmem>>
    tpu.enqueue_dma source(%dma_start3A_471 : memref<80x128xf32, #tpu.memory_space<vmem>>) target(%dma_start3A_467 : memref<80x128xf32, #tpu.memory_space<hbm>>) target_semaphore(%arg11 : memref<!tpu.dma_semaphore, #tpu.memory_space<semaphore_mem>>)
    %dma_wait3A_472 = arith.constant 1 : i32
    %dma_wait3A_473 = arith.constant 0 : i32
    %dma_wait3A_474 = arith.constant 0 : i32
    %dma_wait3A_475 = tpu.memref_slice %arg8[%dma_wait3A_472, %dma_wait3A_473, %dma_wait3A_474] : memref<2x125x128xf32, #tpu.memory_space<vmem>> -> memref<1x80x128xf32, #tpu.memory_space<vmem>>
    %dma_wait3A_476 = tpu.memref_squeeze %dma_wait3A_475 : memref<1x80x128xf32, #tpu.memory_space<vmem>> -> memref<80x128xf32, #tpu.memory_space<vmem>>
    %dma_wait3A_477 = arith.constant 0 : i32
    %dma_wait3A_478 = tpu.memref_slice %arg5[%arg0, %add3A_421, %dma_wait3A_477] : memref<2x10240x128xf32, #tpu.memory_space<hbm>> -> memref<1x80x128xf32, #tpu.memory_space<hbm>>
    %dma_wait3A_479 = tpu.memref_squeeze %dma_wait3A_478 : memref<1x80x128xf32, #tpu.memory_space<hbm>> -> memref<80x128xf32, #tpu.memory_space<hbm>>
    %dma_wait3A_480 = arith.constant 0 : i32
    %dma_wait3A_481 = tpu.memref_slice %arg5[%arg0, %add3A_421, %dma_wait3A_480] : memref<2x10240x128xf32, #tpu.memory_space<hbm>> -> memref<1x80x128xf32, #tpu.memory_space<hbm>>
    %dma_wait3A_482 = tpu.memref_squeeze %dma_wait3A_481 : memref<1x80x128xf32, #tpu.memory_space<hbm>> -> memref<80x128xf32, #tpu.memory_space<hbm>>
    %dma_wait3A_483 = arith.constant 0 : i32
    %dma_wait3A_484 = arith.constant 0 : i32
    %dma_wait3A_485 = tpu.memref_slice %arg8[%dma_wait3A_472, %dma_wait3A_483, %dma_wait3A_484] : memref<2x125x128xf32, #tpu.memory_space<vmem>> -> memref<1x80x128xf32, #tpu.memory_space<vmem>>
    %dma_wait3A_486 = tpu.memref_squeeze %dma_wait3A_485 : memref<1x80x128xf32, #tpu.memory_space<vmem>> -> memref<80x128xf32, #tpu.memory_space<vmem>>
    tpu.wait_dma2 semaphore(%arg11 : memref<!tpu.dma_semaphore, #tpu.memory_space<semaphore_mem>>) src(%dma_wait3A_486 : memref<80x128xf32, #tpu.memory_space<vmem>>) dst(%dma_wait3A_482 : memref<80x128xf32, #tpu.memory_space<hbm>>)
    %add3A_487 = arith.constant 560 : i32
    %add3A_488 = arith.addi %mul3A_15, %add3A_487 : i32
    %run_scoped3A_489 = arith.constant 1 : i32
    "tpu.region"() ({
      %run_scoped3A_537 = tpu.sem_alloc : memref<!tpu.dma_semaphore, #tpu.memory_space<semaphore_mem>>
      %dma_start3A_538 = arith.constant 0 : i32
      %dma_start3A_539 = arith.constant 0 : i32
      %dma_start3A_540 = tpu.memref_slice %arg8[%run_scoped3A_489, %dma_start3A_538, %dma_start3A_539] : memref<2x125x128xf32, #tpu.memory_space<vmem>> -> memref<1x80x128xf32, #tpu.memory_space<vmem>>
      %dma_start3A_541 = tpu.memref_squeeze %dma_start3A_540 : memref<1x80x128xf32, #tpu.memory_space<vmem>> -> memref<80x128xf32, #tpu.memory_space<vmem>>
      %dma_start3A_542 = arith.constant 0 : i32
      %dma_start3A_543 = tpu.memref_slice %arg9[%add3A_488, %dma_start3A_542] : memref<10240x128xf32, #tpu.memory_space<vmem_shared>> -> memref<80x128xf32, #tpu.memory_space<vmem_shared>>
      %dma_start3A_544 = arith.constant 0 : i32
      %dma_start3A_545 = arith.constant 0 : i32
      %dma_start3A_546 = tpu.memref_slice %arg8[%run_scoped3A_489, %dma_start3A_544, %dma_start3A_545] : memref<2x125x128xf32, #tpu.memory_space<vmem>> -> memref<1x80x128xf32, #tpu.memory_space<vmem>>
      %dma_start3A_547 = tpu.memref_squeeze %dma_start3A_546 : memref<1x80x128xf32, #tpu.memory_space<vmem>> -> memref<80x128xf32, #tpu.memory_space<vmem>>
      %dma_start3A_548 = arith.constant 0 : i32
      %dma_start3A_549 = tpu.memref_slice %arg9[%add3A_488, %dma_start3A_548] : memref<10240x128xf32, #tpu.memory_space<vmem_shared>> -> memref<80x128xf32, #tpu.memory_space<vmem_shared>>
      tpu.enqueue_dma source(%dma_start3A_549 : memref<80x128xf32, #tpu.memory_space<vmem_shared>>) target(%dma_start3A_547 : memref<80x128xf32, #tpu.memory_space<vmem>>) target_semaphore(%run_scoped3A_537 : memref<!tpu.dma_semaphore, #tpu.memory_space<semaphore_mem>>)
      %dma_wait3A_550 = arith.constant 0 : i32
      %dma_wait3A_551 = arith.constant 0 : i32
      %dma_wait3A_552 = tpu.memref_slice %arg8[%run_scoped3A_489, %dma_wait3A_550, %dma_wait3A_551] : memref<2x125x128xf32, #tpu.memory_space<vmem>> -> memref<1x80x128xf32, #tpu.memory_space<vmem>>
      %dma_wait3A_553 = tpu.memref_squeeze %dma_wait3A_552 : memref<1x80x128xf32, #tpu.memory_space<vmem>> -> memref<80x128xf32, #tpu.memory_space<vmem>>
      %dma_wait3A_554 = arith.constant 0 : i32
      %dma_wait3A_555 = tpu.memref_slice %arg9[%add3A_488, %dma_wait3A_554] : memref<10240x128xf32, #tpu.memory_space<vmem_shared>> -> memref<80x128xf32, #tpu.memory_space<vmem_shared>>
      %dma_wait3A_556 = arith.constant 0 : i32
      %dma_wait3A_557 = arith.constant 0 : i32
      %dma_wait3A_558 = tpu.memref_slice %arg8[%run_scoped3A_489, %dma_wait3A_556, %dma_wait3A_557] : memref<2x125x128xf32, #tpu.memory_space<vmem>> -> memref<1x80x128xf32, #tpu.memory_space<vmem>>
      %dma_wait3A_559 = tpu.memref_squeeze %dma_wait3A_558 : memref<1x80x128xf32, #tpu.memory_space<vmem>> -> memref<80x128xf32, #tpu.memory_space<vmem>>
      %dma_wait3A_560 = arith.constant 0 : i32
      %dma_wait3A_561 = tpu.memref_slice %arg9[%add3A_488, %dma_wait3A_560] : memref<10240x128xf32, #tpu.memory_space<vmem_shared>> -> memref<80x128xf32, #tpu.memory_space<vmem_shared>>
      tpu.wait_dma2 semaphore(%run_scoped3A_537 : memref<!tpu.dma_semaphore, #tpu.memory_space<semaphore_mem>>) src(%dma_wait3A_561 : memref<80x128xf32, #tpu.memory_space<vmem_shared>>) dst(%dma_wait3A_559 : memref<80x128xf32, #tpu.memory_space<vmem>>)
      tpu.yield
    }) : () -> ()
    %add3A_490 = arith.constant 560 : i32
    %add3A_491 = arith.addi %mul3A_15, %add3A_490 : i32
    %dma_start3A_492 = arith.constant 1 : i32
    %dma_start3A_493 = arith.constant 0 : i32
    %dma_start3A_494 = arith.constant 0 : i32
    %dma_start3A_495 = tpu.memref_slice %arg8[%dma_start3A_492, %dma_start3A_493, %dma_start3A_494] : memref<2x125x128xf32, #tpu.memory_space<vmem>> -> memref<1x80x128xf32, #tpu.memory_space<vmem>>
    %dma_start3A_496 = tpu.memref_squeeze %dma_start3A_495 : memref<1x80x128xf32, #tpu.memory_space<vmem>> -> memref<80x128xf32, #tpu.memory_space<vmem>>
    %dma_start3A_497 = arith.constant 0 : i32
    %dma_start3A_498 = tpu.memref_slice %arg5[%arg0, %add3A_491, %dma_start3A_497] : memref<2x10240x128xf32, #tpu.memory_space<hbm>> -> memref<1x80x128xf32, #tpu.memory_space<hbm>>
    %dma_start3A_499 = tpu.memref_squeeze %dma_start3A_498 : memref<1x80x128xf32, #tpu.memory_space<hbm>> -> memref<80x128xf32, #tpu.memory_space<hbm>>
    %dma_start3A_500 = arith.constant 0 : i32
    %dma_start3A_501 = tpu.memref_slice %arg5[%arg0, %add3A_491, %dma_start3A_500] : memref<2x10240x128xf32, #tpu.memory_space<hbm>> -> memref<1x80x128xf32, #tpu.memory_space<hbm>>
    %dma_start3A_502 = tpu.memref_squeeze %dma_start3A_501 : memref<1x80x128xf32, #tpu.memory_space<hbm>> -> memref<80x128xf32, #tpu.memory_space<hbm>>
    %dma_start3A_503 = arith.constant 0 : i32
    %dma_start3A_504 = arith.constant 0 : i32
    %dma_start3A_505 = tpu.memref_slice %arg8[%dma_start3A_492, %dma_start3A_503, %dma_start3A_504] : memref<2x125x128xf32, #tpu.memory_space<vmem>> -> memref<1x80x128xf32, #tpu.memory_space<vmem>>
    %dma_start3A_506 = tpu.memref_squeeze %dma_start3A_505 : memref<1x80x128xf32, #tpu.memory_space<vmem>> -> memref<80x128xf32, #tpu.memory_space<vmem>>
    tpu.enqueue_dma source(%dma_start3A_506 : memref<80x128xf32, #tpu.memory_space<vmem>>) target(%dma_start3A_502 : memref<80x128xf32, #tpu.memory_space<hbm>>) target_semaphore(%arg11 : memref<!tpu.dma_semaphore, #tpu.memory_space<semaphore_mem>>)
    %dma_wait3A_507 = arith.constant 0 : i32
    %dma_wait3A_508 = arith.constant 0 : i32
    %dma_wait3A_509 = arith.constant 0 : i32
    %dma_wait3A_510 = tpu.memref_slice %arg8[%dma_wait3A_507, %dma_wait3A_508, %dma_wait3A_509] : memref<2x125x128xf32, #tpu.memory_space<vmem>> -> memref<1x80x128xf32, #tpu.memory_space<vmem>>
    %dma_wait3A_511 = tpu.memref_squeeze %dma_wait3A_510 : memref<1x80x128xf32, #tpu.memory_space<vmem>> -> memref<80x128xf32, #tpu.memory_space<vmem>>
    %dma_wait3A_512 = arith.constant 0 : i32
    %dma_wait3A_513 = tpu.memref_slice %arg5[%arg0, %add3A_456, %dma_wait3A_512] : memref<2x10240x128xf32, #tpu.memory_space<hbm>> -> memref<1x80x128xf32, #tpu.memory_space<hbm>>
    %dma_wait3A_514 = tpu.memref_squeeze %dma_wait3A_513 : memref<1x80x128xf32, #tpu.memory_space<hbm>> -> memref<80x128xf32, #tpu.memory_space<hbm>>
    %dma_wait3A_515 = arith.constant 0 : i32
    %dma_wait3A_516 = tpu.memref_slice %arg5[%arg0, %add3A_456, %dma_wait3A_515] : memref<2x10240x128xf32, #tpu.memory_space<hbm>> -> memref<1x80x128xf32, #tpu.memory_space<hbm>>
    %dma_wait3A_517 = tpu.memref_squeeze %dma_wait3A_516 : memref<1x80x128xf32, #tpu.memory_space<hbm>> -> memref<80x128xf32, #tpu.memory_space<hbm>>
    %dma_wait3A_518 = arith.constant 0 : i32
    %dma_wait3A_519 = arith.constant 0 : i32
    %dma_wait3A_520 = tpu.memref_slice %arg8[%dma_wait3A_507, %dma_wait3A_518, %dma_wait3A_519] : memref<2x125x128xf32, #tpu.memory_space<vmem>> -> memref<1x80x128xf32, #tpu.memory_space<vmem>>
    %dma_wait3A_521 = tpu.memref_squeeze %dma_wait3A_520 : memref<1x80x128xf32, #tpu.memory_space<vmem>> -> memref<80x128xf32, #tpu.memory_space<vmem>>
    tpu.wait_dma2 semaphore(%arg11 : memref<!tpu.dma_semaphore, #tpu.memory_space<semaphore_mem>>) src(%dma_wait3A_521 : memref<80x128xf32, #tpu.memory_space<vmem>>) dst(%dma_wait3A_517 : memref<80x128xf32, #tpu.memory_space<hbm>>)
    %dma_wait3A_522 = arith.constant 1 : i32
    %dma_wait3A_523 = arith.constant 0 : i32
    %dma_wait3A_524 = arith.constant 0 : i32
    %dma_wait3A_525 = tpu.memref_slice %arg8[%dma_wait3A_522, %dma_wait3A_523, %dma_wait3A_524] : memref<2x125x128xf32, #tpu.memory_space<vmem>> -> memref<1x80x128xf32, #tpu.memory_space<vmem>>
    %dma_wait3A_526 = tpu.memref_squeeze %dma_wait3A_525 : memref<1x80x128xf32, #tpu.memory_space<vmem>> -> memref<80x128xf32, #tpu.memory_space<vmem>>
    %dma_wait3A_527 = arith.constant 0 : i32
    %dma_wait3A_528 = tpu.memref_slice %arg5[%arg0, %add3A_491, %dma_wait3A_527] : memref<2x10240x128xf32, #tpu.memory_space<hbm>> -> memref<1x80x128xf32, #tpu.memory_space<hbm>>
    %dma_wait3A_529 = tpu.memref_squeeze %dma_wait3A_528 : memref<1x80x128xf32, #tpu.memory_space<hbm>> -> memref<80x128xf32, #tpu.memory_space<hbm>>
    %dma_wait3A_530 = arith.constant 0 : i32
    %dma_wait3A_531 = tpu.memref_slice %arg5[%arg0, %add3A_491, %dma_wait3A_530] : memref<2x10240x128xf32, #tpu.memory_space<hbm>> -> memref<1x80x128xf32, #tpu.memory_space<hbm>>
    %dma_wait3A_532 = tpu.memref_squeeze %dma_wait3A_531 : memref<1x80x128xf32, #tpu.memory_space<hbm>> -> memref<80x128xf32, #tpu.memory_space<hbm>>
    %dma_wait3A_533 = arith.constant 0 : i32
    %dma_wait3A_534 = arith.constant 0 : i32
    %dma_wait3A_535 = tpu.memref_slice %arg8[%dma_wait3A_522, %dma_wait3A_533, %dma_wait3A_534] : memref<2x125x128xf32, #tpu.memory_space<vmem>> -> memref<1x80x128xf32, #tpu.memory_space<vmem>>
    %dma_wait3A_536 = tpu.memref_squeeze %dma_wait3A_535 : memref<1x80x128xf32, #tpu.memory_space<vmem>> -> memref<80x128xf32, #tpu.memory_space<vmem>>
    tpu.wait_dma2 semaphore(%arg11 : memref<!tpu.dma_semaphore, #tpu.memory_space<semaphore_mem>>) src(%dma_wait3A_536 : memref<80x128xf32, #tpu.memory_space<vmem>>) dst(%dma_wait3A_532 : memref<80x128xf32, #tpu.memory_space<hbm>>)
    return
  }
}

#map = affine_map<(d0, d1) -> (0, 0)>
#map1 = affine_map<(d0, d1) -> (0, 0, 0, 0)>
#map2 = affine_map<(d0, d1) -> (0, 0, 0)>
module attributes {stable_mosaic.version = 14 : i64} {
  func.func @sc_edge_scatter(%arg0: i32, %arg1: i32, %arg2: memref<10000x128xf32, #tpu.memory_space<hbm>>, %arg3: memref<2x32x40x125xi32, #tpu.memory_space<hbm>>, %arg4: memref<80x128xf32, #tpu.memory_space<hbm>>, %arg5: memref<2x10240x128xf32, #tpu.memory_space<hbm>>, %arg6: memref<40x125xi32, #tpu.memory_space<vmem>>, %arg7: memref<40x125xi32, #tpu.memory_space<vmem>>, %arg8: memref<2x125x128xf32, #tpu.memory_space<vmem>>, %arg9: memref<10240x128xf32, #tpu.memory_space<vmem_shared>>, %arg10: memref<!tpu.dma_semaphore, #tpu.memory_space<semaphore_mem>>, %arg11: memref<!tpu.dma_semaphore, #tpu.memory_space<semaphore_mem>>) attributes {dimension_semantics = [#tpu.dimension_semantics<core_parallel>, #tpu.dimension_semantics<subcore_parallel>], iteration_bounds = array<i64: 2, 16>, scalar_prefetch = 0 : i64, scratch_operands = 6 : i64, tpu.core_type = #tpu.core_type<sc_vector_subcore>, window_params = [{transform_indices = #map}, {transform_indices = #map1}, {transform_indices = #map}, {transform_indices = #map2}]} {
    %mul3A = arith.constant 16 : i32
    %mul3A_0 = arith.muli %arg0, %mul3A : i32
    %add3A = arith.addi %mul3A_0, %arg1 : i32
    %run_scoped3A = arith.constant 0 : i32
    "tpu.region"() ({
      %run_scoped3A_537 = tpu.sem_alloc : memref<!tpu.dma_semaphore, #tpu.memory_space<semaphore_mem>>
      %dma_start3A_538 = arith.constant 0 : i32
      %dma_start3A_539 = arith.constant 0 : i32
      %dma_start3A_540 = tpu.memref_slice %arg3[%run_scoped3A, %add3A, %dma_start3A_538, %dma_start3A_539] : memref<2x32x40x125xi32, #tpu.memory_space<hbm>> -> memref<1x1x40x125xi32, #tpu.memory_space<hbm>>
      %dma_start3A_541 = tpu.memref_squeeze %dma_start3A_540 : memref<1x1x40x125xi32, #tpu.memory_space<hbm>> -> memref<40x125xi32, #tpu.memory_space<hbm>>
      %dma_start3A_542 = arith.constant 0 : i32
      %dma_start3A_543 = arith.constant 0 : i32
      %dma_start3A_544 = tpu.memref_slice %arg3[%run_scoped3A, %add3A, %dma_start3A_542, %dma_start3A_543] : memref<2x32x40x125xi32, #tpu.memory_space<hbm>> -> memref<1x1x40x125xi32, #tpu.memory_space<hbm>>
      %dma_start3A_545 = tpu.memref_squeeze %dma_start3A_544 : memref<1x1x40x125xi32, #tpu.memory_space<hbm>> -> memref<40x125xi32, #tpu.memory_space<hbm>>
      tpu.enqueue_dma source(%dma_start3A_545 : memref<40x125xi32, #tpu.memory_space<hbm>>) target(%arg6 : memref<40x125xi32, #tpu.memory_space<vmem>>) target_semaphore(%run_scoped3A_537 : memref<!tpu.dma_semaphore, #tpu.memory_space<semaphore_mem>>)
      %dma_wait3A_546 = arith.constant 0 : i32
      %dma_wait3A_547 = arith.constant 0 : i32
      %dma_wait3A_548 = tpu.memref_slice %arg3[%run_scoped3A, %add3A, %dma_wait3A_546, %dma_wait3A_547] : memref<2x32x40x125xi32, #tpu.memory_space<hbm>> -> memref<1x1x40x125xi32, #tpu.memory_space<hbm>>
      %dma_wait3A_549 = tpu.memref_squeeze %dma_wait3A_548 : memref<1x1x40x125xi32, #tpu.memory_space<hbm>> -> memref<40x125xi32, #tpu.memory_space<hbm>>
      %dma_wait3A_550 = arith.constant 0 : i32
      %dma_wait3A_551 = arith.constant 0 : i32
      %dma_wait3A_552 = tpu.memref_slice %arg3[%run_scoped3A, %add3A, %dma_wait3A_550, %dma_wait3A_551] : memref<2x32x40x125xi32, #tpu.memory_space<hbm>> -> memref<1x1x40x125xi32, #tpu.memory_space<hbm>>
      %dma_wait3A_553 = tpu.memref_squeeze %dma_wait3A_552 : memref<1x1x40x125xi32, #tpu.memory_space<hbm>> -> memref<40x125xi32, #tpu.memory_space<hbm>>
      tpu.wait_dma2 semaphore(%run_scoped3A_537 : memref<!tpu.dma_semaphore, #tpu.memory_space<semaphore_mem>>) src(%dma_wait3A_553 : memref<40x125xi32, #tpu.memory_space<hbm>>) dst(%arg6 : memref<40x125xi32, #tpu.memory_space<vmem>>)
      tpu.yield
    }) : () -> ()
    %run_scoped3A_1 = arith.constant 1 : i32
    "tpu.region"() ({
      %run_scoped3A_537 = tpu.sem_alloc : memref<!tpu.dma_semaphore, #tpu.memory_space<semaphore_mem>>
      %dma_start3A_538 = arith.constant 0 : i32
      %dma_start3A_539 = arith.constant 0 : i32
      %dma_start3A_540 = tpu.memref_slice %arg3[%run_scoped3A_1, %add3A, %dma_start3A_538, %dma_start3A_539] : memref<2x32x40x125xi32, #tpu.memory_space<hbm>> -> memref<1x1x40x125xi32, #tpu.memory_space<hbm>>
      %dma_start3A_541 = tpu.memref_squeeze %dma_start3A_540 : memref<1x1x40x125xi32, #tpu.memory_space<hbm>> -> memref<40x125xi32, #tpu.memory_space<hbm>>
      %dma_start3A_542 = arith.constant 0 : i32
      %dma_start3A_543 = arith.constant 0 : i32
      %dma_start3A_544 = tpu.memref_slice %arg3[%run_scoped3A_1, %add3A, %dma_start3A_542, %dma_start3A_543] : memref<2x32x40x125xi32, #tpu.memory_space<hbm>> -> memref<1x1x40x125xi32, #tpu.memory_space<hbm>>
      %dma_start3A_545 = tpu.memref_squeeze %dma_start3A_544 : memref<1x1x40x125xi32, #tpu.memory_space<hbm>> -> memref<40x125xi32, #tpu.memory_space<hbm>>
      tpu.enqueue_dma source(%dma_start3A_545 : memref<40x125xi32, #tpu.memory_space<hbm>>) target(%arg7 : memref<40x125xi32, #tpu.memory_space<vmem>>) target_semaphore(%run_scoped3A_537 : memref<!tpu.dma_semaphore, #tpu.memory_space<semaphore_mem>>)
      %dma_wait3A_546 = arith.constant 0 : i32
      %dma_wait3A_547 = arith.constant 0 : i32
      %dma_wait3A_548 = tpu.memref_slice %arg3[%run_scoped3A_1, %add3A, %dma_wait3A_546, %dma_wait3A_547] : memref<2x32x40x125xi32, #tpu.memory_space<hbm>> -> memref<1x1x40x125xi32, #tpu.memory_space<hbm>>
      %dma_wait3A_549 = tpu.memref_squeeze %dma_wait3A_548 : memref<1x1x40x125xi32, #tpu.memory_space<hbm>> -> memref<40x125xi32, #tpu.memory_space<hbm>>
      %dma_wait3A_550 = arith.constant 0 : i32
      %dma_wait3A_551 = arith.constant 0 : i32
      %dma_wait3A_552 = tpu.memref_slice %arg3[%run_scoped3A_1, %add3A, %dma_wait3A_550, %dma_wait3A_551] : memref<2x32x40x125xi32, #tpu.memory_space<hbm>> -> memref<1x1x40x125xi32, #tpu.memory_space<hbm>>
      %dma_wait3A_553 = tpu.memref_squeeze %dma_wait3A_552 : memref<1x1x40x125xi32, #tpu.memory_space<hbm>> -> memref<40x125xi32, #tpu.memory_space<hbm>>
      tpu.wait_dma2 semaphore(%run_scoped3A_537 : memref<!tpu.dma_semaphore, #tpu.memory_space<semaphore_mem>>) src(%dma_wait3A_553 : memref<40x125xi32, #tpu.memory_space<hbm>>) dst(%arg7 : memref<40x125xi32, #tpu.memory_space<vmem>>)
      tpu.yield
    }) : () -> ()
    %dma_start3A = arith.constant 0 : i32
    %dma_start3A_2 = arith.constant 1 : i32
    %dma_start3A_3 = arith.constant 0 : i32
    %dma_start3A_4 = arith.constant 0 : i32
    %dma_start3A_5 = tpu.memref_slice %arg8[%dma_start3A_2, %dma_start3A_3, %dma_start3A_4] : memref<2x125x128xf32, #tpu.memory_space<vmem>> -> memref<1x125x128xf32, #tpu.memory_space<vmem>>
    %dma_start3A_6 = tpu.memref_squeeze %dma_start3A_5 : memref<1x125x128xf32, #tpu.memory_space<vmem>> -> memref<125x128xf32, #tpu.memory_space<vmem>>
    %dma_start3A_7 = arith.constant 0 : i32
    %dma_start3A_8 = tpu.memref_slice %arg6[%dma_start3A, %dma_start3A_7] : memref<40x125xi32, #tpu.memory_space<vmem>> -> memref<1x125xi32, #tpu.memory_space<vmem>>
    %dma_start3A_9 = tpu.memref_squeeze %dma_start3A_8 : memref<1x125xi32, #tpu.memory_space<vmem>> -> memref<125xi32, #tpu.memory_space<vmem>>
    %dma_start3A_10 = arith.constant 0 : i32
    %dma_start3A_11 = arith.constant 0 : i32
    %dma_start3A_12 = tpu.memref_slice %arg2[%dma_start3A_10, %dma_start3A_11] : memref<10000x128xf32, #tpu.memory_space<hbm>> -> memref<10000x128xf32, #tpu.memory_space<hbm>>
    tpu.enqueue_indirect_dma source(%dma_start3A_12 : memref<10000x128xf32, #tpu.memory_space<hbm>>) target(%dma_start3A_6 : memref<125x128xf32, #tpu.memory_space<vmem>>) offsets(%dma_start3A_9 : memref<125xi32, #tpu.memory_space<vmem>>) semaphore(%arg10 : memref<!tpu.dma_semaphore, #tpu.memory_space<semaphore_mem>>)
    %run_scoped3A_13 = arith.constant 0 : i32
    "tpu.region"() ({
      %run_scoped3A_537 = tpu.sem_alloc : memref<!tpu.dma_semaphore, #tpu.memory_space<semaphore_mem>>
      %dma_start3A_538 = arith.constant 0 : i32
      %dma_start3A_539 = arith.constant 0 : i32
      %dma_start3A_540 = tpu.memref_slice %arg8[%run_scoped3A_13, %dma_start3A_538, %dma_start3A_539] : memref<2x125x128xf32, #tpu.memory_space<vmem>> -> memref<1x80x128xf32, #tpu.memory_space<vmem>>
      %dma_start3A_541 = tpu.memref_squeeze %dma_start3A_540 : memref<1x80x128xf32, #tpu.memory_space<vmem>> -> memref<80x128xf32, #tpu.memory_space<vmem>>
      %dma_start3A_542 = arith.constant 0 : i32
      %dma_start3A_543 = arith.constant 0 : i32
      %dma_start3A_544 = tpu.memref_slice %arg8[%run_scoped3A_13, %dma_start3A_542, %dma_start3A_543] : memref<2x125x128xf32, #tpu.memory_space<vmem>> -> memref<1x80x128xf32, #tpu.memory_space<vmem>>
      %dma_start3A_545 = tpu.memref_squeeze %dma_start3A_544 : memref<1x80x128xf32, #tpu.memory_space<vmem>> -> memref<80x128xf32, #tpu.memory_space<vmem>>
      tpu.enqueue_dma source(%arg4 : memref<80x128xf32, #tpu.memory_space<hbm>>) target(%dma_start3A_545 : memref<80x128xf32, #tpu.memory_space<vmem>>) target_semaphore(%run_scoped3A_537 : memref<!tpu.dma_semaphore, #tpu.memory_space<semaphore_mem>>)
      %dma_wait3A_546 = arith.constant 0 : i32
      %dma_wait3A_547 = arith.constant 0 : i32
      %dma_wait3A_548 = tpu.memref_slice %arg8[%run_scoped3A_13, %dma_wait3A_546, %dma_wait3A_547] : memref<2x125x128xf32, #tpu.memory_space<vmem>> -> memref<1x80x128xf32, #tpu.memory_space<vmem>>
      %dma_wait3A_549 = tpu.memref_squeeze %dma_wait3A_548 : memref<1x80x128xf32, #tpu.memory_space<vmem>> -> memref<80x128xf32, #tpu.memory_space<vmem>>
      %dma_wait3A_550 = arith.constant 0 : i32
      %dma_wait3A_551 = arith.constant 0 : i32
      %dma_wait3A_552 = tpu.memref_slice %arg8[%run_scoped3A_13, %dma_wait3A_550, %dma_wait3A_551] : memref<2x125x128xf32, #tpu.memory_space<vmem>> -> memref<1x80x128xf32, #tpu.memory_space<vmem>>
      %dma_wait3A_553 = tpu.memref_squeeze %dma_wait3A_552 : memref<1x80x128xf32, #tpu.memory_space<vmem>> -> memref<80x128xf32, #tpu.memory_space<vmem>>
      tpu.wait_dma2 semaphore(%run_scoped3A_537 : memref<!tpu.dma_semaphore, #tpu.memory_space<semaphore_mem>>) src(%arg4 : memref<80x128xf32, #tpu.memory_space<hbm>>) dst(%dma_wait3A_553 : memref<80x128xf32, #tpu.memory_space<vmem>>)
      tpu.yield
    }) : () -> ()
    %mul3A_14 = arith.constant 640 : i32
    %mul3A_15 = arith.muli %arg1, %mul3A_14 : i32
    %add3A_16 = arith.constant 0 : i32
    %add3A_17 = arith.addi %mul3A_15, %add3A_16 : i32
    %dma_start3A_18 = arith.constant 0 : i32
    %dma_start3A_19 = arith.constant 0 : i32
    %dma_start3A_20 = arith.constant 0 : i32
    %dma_start3A_21 = tpu.memref_slice %arg8[%dma_start3A_18, %dma_start3A_19, %dma_start3A_20] : memref<2x125x128xf32, #tpu.memory_space<vmem>> -> memref<1x80x128xf32, #tpu.memory_space<vmem>>
    %dma_start3A_22 = tpu.memref_squeeze %dma_start3A_21 : memref<1x80x128xf32, #tpu.memory_space<vmem>> -> memref<80x128xf32, #tpu.memory_space<vmem>>
    %dma_start3A_23 = arith.constant 0 : i32
    %dma_start3A_24 = tpu.memref_slice %arg9[%add3A_17, %dma_start3A_23] : memref<10240x128xf32, #tpu.memory_space<vmem_shared>> -> memref<80x128xf32, #tpu.memory_space<vmem_shared>>
    %dma_start3A_25 = arith.constant 0 : i32
    %dma_start3A_26 = tpu.memref_slice %arg9[%add3A_17, %dma_start3A_25] : memref<10240x128xf32, #tpu.memory_space<vmem_shared>> -> memref<80x128xf32, #tpu.memory_space<vmem_shared>>
    %dma_start3A_27 = arith.constant 0 : i32
    %dma_start3A_28 = arith.constant 0 : i32
    %dma_start3A_29 = tpu.memref_slice %arg8[%dma_start3A_18, %dma_start3A_27, %dma_start3A_28] : memref<2x125x128xf32, #tpu.memory_space<vmem>> -> memref<1x80x128xf32, #tpu.memory_space<vmem>>
    %dma_start3A_30 = tpu.memref_squeeze %dma_start3A_29 : memref<1x80x128xf32, #tpu.memory_space<vmem>> -> memref<80x128xf32, #tpu.memory_space<vmem>>
    tpu.enqueue_dma source(%dma_start3A_30 : memref<80x128xf32, #tpu.memory_space<vmem>>) target(%dma_start3A_26 : memref<80x128xf32, #tpu.memory_space<vmem_shared>>) target_semaphore(%arg11 : memref<!tpu.dma_semaphore, #tpu.memory_space<semaphore_mem>>)
    %add3A_31 = arith.constant 80 : i32
    %add3A_32 = arith.addi %mul3A_15, %add3A_31 : i32
    %dma_start3A_33 = arith.constant 0 : i32
    %dma_start3A_34 = arith.constant 0 : i32
    %dma_start3A_35 = arith.constant 0 : i32
    %dma_start3A_36 = tpu.memref_slice %arg8[%dma_start3A_33, %dma_start3A_34, %dma_start3A_35] : memref<2x125x128xf32, #tpu.memory_space<vmem>> -> memref<1x80x128xf32, #tpu.memory_space<vmem>>
    %dma_start3A_37 = tpu.memref_squeeze %dma_start3A_36 : memref<1x80x128xf32, #tpu.memory_space<vmem>> -> memref<80x128xf32, #tpu.memory_space<vmem>>
    %dma_start3A_38 = arith.constant 0 : i32
    %dma_start3A_39 = tpu.memref_slice %arg9[%add3A_32, %dma_start3A_38] : memref<10240x128xf32, #tpu.memory_space<vmem_shared>> -> memref<80x128xf32, #tpu.memory_space<vmem_shared>>
    %dma_start3A_40 = arith.constant 0 : i32
    %dma_start3A_41 = tpu.memref_slice %arg9[%add3A_32, %dma_start3A_40] : memref<10240x128xf32, #tpu.memory_space<vmem_shared>> -> memref<80x128xf32, #tpu.memory_space<vmem_shared>>
    %dma_start3A_42 = arith.constant 0 : i32
    %dma_start3A_43 = arith.constant 0 : i32
    %dma_start3A_44 = tpu.memref_slice %arg8[%dma_start3A_33, %dma_start3A_42, %dma_start3A_43] : memref<2x125x128xf32, #tpu.memory_space<vmem>> -> memref<1x80x128xf32, #tpu.memory_space<vmem>>
    %dma_start3A_45 = tpu.memref_squeeze %dma_start3A_44 : memref<1x80x128xf32, #tpu.memory_space<vmem>> -> memref<80x128xf32, #tpu.memory_space<vmem>>
    tpu.enqueue_dma source(%dma_start3A_45 : memref<80x128xf32, #tpu.memory_space<vmem>>) target(%dma_start3A_41 : memref<80x128xf32, #tpu.memory_space<vmem_shared>>) target_semaphore(%arg11 : memref<!tpu.dma_semaphore, #tpu.memory_space<semaphore_mem>>)
    %add3A_46 = arith.constant 160 : i32
    %add3A_47 = arith.addi %mul3A_15, %add3A_46 : i32
    %dma_start3A_48 = arith.constant 0 : i32
    %dma_start3A_49 = arith.constant 0 : i32
    %dma_start3A_50 = arith.constant 0 : i32
    %dma_start3A_51 = tpu.memref_slice %arg8[%dma_start3A_48, %dma_start3A_49, %dma_start3A_50] : memref<2x125x128xf32, #tpu.memory_space<vmem>> -> memref<1x80x128xf32, #tpu.memory_space<vmem>>
    %dma_start3A_52 = tpu.memref_squeeze %dma_start3A_51 : memref<1x80x128xf32, #tpu.memory_space<vmem>> -> memref<80x128xf32, #tpu.memory_space<vmem>>
    %dma_start3A_53 = arith.constant 0 : i32
    %dma_start3A_54 = tpu.memref_slice %arg9[%add3A_47, %dma_start3A_53] : memref<10240x128xf32, #tpu.memory_space<vmem_shared>> -> memref<80x128xf32, #tpu.memory_space<vmem_shared>>
    %dma_start3A_55 = arith.constant 0 : i32
    %dma_start3A_56 = tpu.memref_slice %arg9[%add3A_47, %dma_start3A_55] : memref<10240x128xf32, #tpu.memory_space<vmem_shared>> -> memref<80x128xf32, #tpu.memory_space<vmem_shared>>
    %dma_start3A_57 = arith.constant 0 : i32
    %dma_start3A_58 = arith.constant 0 : i32
    %dma_start3A_59 = tpu.memref_slice %arg8[%dma_start3A_48, %dma_start3A_57, %dma_start3A_58] : memref<2x125x128xf32, #tpu.memory_space<vmem>> -> memref<1x80x128xf32, #tpu.memory_space<vmem>>
    %dma_start3A_60 = tpu.memref_squeeze %dma_start3A_59 : memref<1x80x128xf32, #tpu.memory_space<vmem>> -> memref<80x128xf32, #tpu.memory_space<vmem>>
    tpu.enqueue_dma source(%dma_start3A_60 : memref<80x128xf32, #tpu.memory_space<vmem>>) target(%dma_start3A_56 : memref<80x128xf32, #tpu.memory_space<vmem_shared>>) target_semaphore(%arg11 : memref<!tpu.dma_semaphore, #tpu.memory_space<semaphore_mem>>)
    %add3A_61 = arith.constant 240 : i32
    %add3A_62 = arith.addi %mul3A_15, %add3A_61 : i32
    %dma_start3A_63 = arith.constant 0 : i32
    %dma_start3A_64 = arith.constant 0 : i32
    %dma_start3A_65 = arith.constant 0 : i32
    %dma_start3A_66 = tpu.memref_slice %arg8[%dma_start3A_63, %dma_start3A_64, %dma_start3A_65] : memref<2x125x128xf32, #tpu.memory_space<vmem>> -> memref<1x80x128xf32, #tpu.memory_space<vmem>>
    %dma_start3A_67 = tpu.memref_squeeze %dma_start3A_66 : memref<1x80x128xf32, #tpu.memory_space<vmem>> -> memref<80x128xf32, #tpu.memory_space<vmem>>
    %dma_start3A_68 = arith.constant 0 : i32
    %dma_start3A_69 = tpu.memref_slice %arg9[%add3A_62, %dma_start3A_68] : memref<10240x128xf32, #tpu.memory_space<vmem_shared>> -> memref<80x128xf32, #tpu.memory_space<vmem_shared>>
    %dma_start3A_70 = arith.constant 0 : i32
    %dma_start3A_71 = tpu.memref_slice %arg9[%add3A_62, %dma_start3A_70] : memref<10240x128xf32, #tpu.memory_space<vmem_shared>> -> memref<80x128xf32, #tpu.memory_space<vmem_shared>>
    %dma_start3A_72 = arith.constant 0 : i32
    %dma_start3A_73 = arith.constant 0 : i32
    %dma_start3A_74 = tpu.memref_slice %arg8[%dma_start3A_63, %dma_start3A_72, %dma_start3A_73] : memref<2x125x128xf32, #tpu.memory_space<vmem>> -> memref<1x80x128xf32, #tpu.memory_space<vmem>>
    %dma_start3A_75 = tpu.memref_squeeze %dma_start3A_74 : memref<1x80x128xf32, #tpu.memory_space<vmem>> -> memref<80x128xf32, #tpu.memory_space<vmem>>
    tpu.enqueue_dma source(%dma_start3A_75 : memref<80x128xf32, #tpu.memory_space<vmem>>) target(%dma_start3A_71 : memref<80x128xf32, #tpu.memory_space<vmem_shared>>) target_semaphore(%arg11 : memref<!tpu.dma_semaphore, #tpu.memory_space<semaphore_mem>>)
    %add3A_76 = arith.constant 320 : i32
    %add3A_77 = arith.addi %mul3A_15, %add3A_76 : i32
    %dma_start3A_78 = arith.constant 0 : i32
    %dma_start3A_79 = arith.constant 0 : i32
    %dma_start3A_80 = arith.constant 0 : i32
    %dma_start3A_81 = tpu.memref_slice %arg8[%dma_start3A_78, %dma_start3A_79, %dma_start3A_80] : memref<2x125x128xf32, #tpu.memory_space<vmem>> -> memref<1x80x128xf32, #tpu.memory_space<vmem>>
    %dma_start3A_82 = tpu.memref_squeeze %dma_start3A_81 : memref<1x80x128xf32, #tpu.memory_space<vmem>> -> memref<80x128xf32, #tpu.memory_space<vmem>>
    %dma_start3A_83 = arith.constant 0 : i32
    %dma_start3A_84 = tpu.memref_slice %arg9[%add3A_77, %dma_start3A_83] : memref<10240x128xf32, #tpu.memory_space<vmem_shared>> -> memref<80x128xf32, #tpu.memory_space<vmem_shared>>
    %dma_start3A_85 = arith.constant 0 : i32
    %dma_start3A_86 = tpu.memref_slice %arg9[%add3A_77, %dma_start3A_85] : memref<10240x128xf32, #tpu.memory_space<vmem_shared>> -> memref<80x128xf32, #tpu.memory_space<vmem_shared>>
    %dma_start3A_87 = arith.constant 0 : i32
    %dma_start3A_88 = arith.constant 0 : i32
    %dma_start3A_89 = tpu.memref_slice %arg8[%dma_start3A_78, %dma_start3A_87, %dma_start3A_88] : memref<2x125x128xf32, #tpu.memory_space<vmem>> -> memref<1x80x128xf32, #tpu.memory_space<vmem>>
    %dma_start3A_90 = tpu.memref_squeeze %dma_start3A_89 : memref<1x80x128xf32, #tpu.memory_space<vmem>> -> memref<80x128xf32, #tpu.memory_space<vmem>>
    tpu.enqueue_dma source(%dma_start3A_90 : memref<80x128xf32, #tpu.memory_space<vmem>>) target(%dma_start3A_86 : memref<80x128xf32, #tpu.memory_space<vmem_shared>>) target_semaphore(%arg11 : memref<!tpu.dma_semaphore, #tpu.memory_space<semaphore_mem>>)
    %add3A_91 = arith.constant 400 : i32
    %add3A_92 = arith.addi %mul3A_15, %add3A_91 : i32
    %dma_start3A_93 = arith.constant 0 : i32
    %dma_start3A_94 = arith.constant 0 : i32
    %dma_start3A_95 = arith.constant 0 : i32
    %dma_start3A_96 = tpu.memref_slice %arg8[%dma_start3A_93, %dma_start3A_94, %dma_start3A_95] : memref<2x125x128xf32, #tpu.memory_space<vmem>> -> memref<1x80x128xf32, #tpu.memory_space<vmem>>
    %dma_start3A_97 = tpu.memref_squeeze %dma_start3A_96 : memref<1x80x128xf32, #tpu.memory_space<vmem>> -> memref<80x128xf32, #tpu.memory_space<vmem>>
    %dma_start3A_98 = arith.constant 0 : i32
    %dma_start3A_99 = tpu.memref_slice %arg9[%add3A_92, %dma_start3A_98] : memref<10240x128xf32, #tpu.memory_space<vmem_shared>> -> memref<80x128xf32, #tpu.memory_space<vmem_shared>>
    %dma_start3A_100 = arith.constant 0 : i32
    %dma_start3A_101 = tpu.memref_slice %arg9[%add3A_92, %dma_start3A_100] : memref<10240x128xf32, #tpu.memory_space<vmem_shared>> -> memref<80x128xf32, #tpu.memory_space<vmem_shared>>
    %dma_start3A_102 = arith.constant 0 : i32
    %dma_start3A_103 = arith.constant 0 : i32
    %dma_start3A_104 = tpu.memref_slice %arg8[%dma_start3A_93, %dma_start3A_102, %dma_start3A_103] : memref<2x125x128xf32, #tpu.memory_space<vmem>> -> memref<1x80x128xf32, #tpu.memory_space<vmem>>
    %dma_start3A_105 = tpu.memref_squeeze %dma_start3A_104 : memref<1x80x128xf32, #tpu.memory_space<vmem>> -> memref<80x128xf32, #tpu.memory_space<vmem>>
    tpu.enqueue_dma source(%dma_start3A_105 : memref<80x128xf32, #tpu.memory_space<vmem>>) target(%dma_start3A_101 : memref<80x128xf32, #tpu.memory_space<vmem_shared>>) target_semaphore(%arg11 : memref<!tpu.dma_semaphore, #tpu.memory_space<semaphore_mem>>)
    %add3A_106 = arith.constant 480 : i32
    %add3A_107 = arith.addi %mul3A_15, %add3A_106 : i32
    %dma_start3A_108 = arith.constant 0 : i32
    %dma_start3A_109 = arith.constant 0 : i32
    %dma_start3A_110 = arith.constant 0 : i32
    %dma_start3A_111 = tpu.memref_slice %arg8[%dma_start3A_108, %dma_start3A_109, %dma_start3A_110] : memref<2x125x128xf32, #tpu.memory_space<vmem>> -> memref<1x80x128xf32, #tpu.memory_space<vmem>>
    %dma_start3A_112 = tpu.memref_squeeze %dma_start3A_111 : memref<1x80x128xf32, #tpu.memory_space<vmem>> -> memref<80x128xf32, #tpu.memory_space<vmem>>
    %dma_start3A_113 = arith.constant 0 : i32
    %dma_start3A_114 = tpu.memref_slice %arg9[%add3A_107, %dma_start3A_113] : memref<10240x128xf32, #tpu.memory_space<vmem_shared>> -> memref<80x128xf32, #tpu.memory_space<vmem_shared>>
    %dma_start3A_115 = arith.constant 0 : i32
    %dma_start3A_116 = tpu.memref_slice %arg9[%add3A_107, %dma_start3A_115] : memref<10240x128xf32, #tpu.memory_space<vmem_shared>> -> memref<80x128xf32, #tpu.memory_space<vmem_shared>>
    %dma_start3A_117 = arith.constant 0 : i32
    %dma_start3A_118 = arith.constant 0 : i32
    %dma_start3A_119 = tpu.memref_slice %arg8[%dma_start3A_108, %dma_start3A_117, %dma_start3A_118] : memref<2x125x128xf32, #tpu.memory_space<vmem>> -> memref<1x80x128xf32, #tpu.memory_space<vmem>>
    %dma_start3A_120 = tpu.memref_squeeze %dma_start3A_119 : memref<1x80x128xf32, #tpu.memory_space<vmem>> -> memref<80x128xf32, #tpu.memory_space<vmem>>
    tpu.enqueue_dma source(%dma_start3A_120 : memref<80x128xf32, #tpu.memory_space<vmem>>) target(%dma_start3A_116 : memref<80x128xf32, #tpu.memory_space<vmem_shared>>) target_semaphore(%arg11 : memref<!tpu.dma_semaphore, #tpu.memory_space<semaphore_mem>>)
    %add3A_121 = arith.constant 560 : i32
    %add3A_122 = arith.addi %mul3A_15, %add3A_121 : i32
    %dma_start3A_123 = arith.constant 0 : i32
    %dma_start3A_124 = arith.constant 0 : i32
    %dma_start3A_125 = arith.constant 0 : i32
    %dma_start3A_126 = tpu.memref_slice %arg8[%dma_start3A_123, %dma_start3A_124, %dma_start3A_125] : memref<2x125x128xf32, #tpu.memory_space<vmem>> -> memref<1x80x128xf32, #tpu.memory_space<vmem>>
    %dma_start3A_127 = tpu.memref_squeeze %dma_start3A_126 : memref<1x80x128xf32, #tpu.memory_space<vmem>> -> memref<80x128xf32, #tpu.memory_space<vmem>>
    %dma_start3A_128 = arith.constant 0 : i32
    %dma_start3A_129 = tpu.memref_slice %arg9[%add3A_122, %dma_start3A_128] : memref<10240x128xf32, #tpu.memory_space<vmem_shared>> -> memref<80x128xf32, #tpu.memory_space<vmem_shared>>
    %dma_start3A_130 = arith.constant 0 : i32
    %dma_start3A_131 = tpu.memref_slice %arg9[%add3A_122, %dma_start3A_130] : memref<10240x128xf32, #tpu.memory_space<vmem_shared>> -> memref<80x128xf32, #tpu.memory_space<vmem_shared>>
    %dma_start3A_132 = arith.constant 0 : i32
    %dma_start3A_133 = arith.constant 0 : i32
    %dma_start3A_134 = tpu.memref_slice %arg8[%dma_start3A_123, %dma_start3A_132, %dma_start3A_133] : memref<2x125x128xf32, #tpu.memory_space<vmem>> -> memref<1x80x128xf32, #tpu.memory_space<vmem>>
    %dma_start3A_135 = tpu.memref_squeeze %dma_start3A_134 : memref<1x80x128xf32, #tpu.memory_space<vmem>> -> memref<80x128xf32, #tpu.memory_space<vmem>>
    tpu.enqueue_dma source(%dma_start3A_135 : memref<80x128xf32, #tpu.memory_space<vmem>>) target(%dma_start3A_131 : memref<80x128xf32, #tpu.memory_space<vmem_shared>>) target_semaphore(%arg11 : memref<!tpu.dma_semaphore, #tpu.memory_space<semaphore_mem>>)
    %dma_wait3A = arith.constant 0 : i32
    %dma_wait3A_136 = arith.constant 0 : i32
    %dma_wait3A_137 = arith.constant 0 : i32
    %dma_wait3A_138 = tpu.memref_slice %arg8[%dma_wait3A, %dma_wait3A_136, %dma_wait3A_137] : memref<2x125x128xf32, #tpu.memory_space<vmem>> -> memref<1x80x128xf32, #tpu.memory_space<vmem>>
    %dma_wait3A_139 = tpu.memref_squeeze %dma_wait3A_138 : memref<1x80x128xf32, #tpu.memory_space<vmem>> -> memref<80x128xf32, #tpu.memory_space<vmem>>
    %dma_wait3A_140 = arith.constant 0 : i32
    %dma_wait3A_141 = tpu.memref_slice %arg9[%add3A_17, %dma_wait3A_140] : memref<10240x128xf32, #tpu.memory_space<vmem_shared>> -> memref<80x128xf32, #tpu.memory_space<vmem_shared>>
    %dma_wait3A_142 = arith.constant 0 : i32
    %dma_wait3A_143 = tpu.memref_slice %arg9[%add3A_17, %dma_wait3A_142] : memref<10240x128xf32, #tpu.memory_space<vmem_shared>> -> memref<80x128xf32, #tpu.memory_space<vmem_shared>>
    %dma_wait3A_144 = arith.constant 0 : i32
    %dma_wait3A_145 = arith.constant 0 : i32
    %dma_wait3A_146 = tpu.memref_slice %arg8[%dma_wait3A, %dma_wait3A_144, %dma_wait3A_145] : memref<2x125x128xf32, #tpu.memory_space<vmem>> -> memref<1x80x128xf32, #tpu.memory_space<vmem>>
    %dma_wait3A_147 = tpu.memref_squeeze %dma_wait3A_146 : memref<1x80x128xf32, #tpu.memory_space<vmem>> -> memref<80x128xf32, #tpu.memory_space<vmem>>
    tpu.wait_dma2 semaphore(%arg11 : memref<!tpu.dma_semaphore, #tpu.memory_space<semaphore_mem>>) src(%dma_wait3A_147 : memref<80x128xf32, #tpu.memory_space<vmem>>) dst(%dma_wait3A_143 : memref<80x128xf32, #tpu.memory_space<vmem_shared>>)
    %dma_wait3A_148 = arith.constant 0 : i32
    %dma_wait3A_149 = arith.constant 0 : i32
    %dma_wait3A_150 = arith.constant 0 : i32
    %dma_wait3A_151 = tpu.memref_slice %arg8[%dma_wait3A_148, %dma_wait3A_149, %dma_wait3A_150] : memref<2x125x128xf32, #tpu.memory_space<vmem>> -> memref<1x80x128xf32, #tpu.memory_space<vmem>>
    %dma_wait3A_152 = tpu.memref_squeeze %dma_wait3A_151 : memref<1x80x128xf32, #tpu.memory_space<vmem>> -> memref<80x128xf32, #tpu.memory_space<vmem>>
    %dma_wait3A_153 = arith.constant 0 : i32
    %dma_wait3A_154 = tpu.memref_slice %arg9[%add3A_32, %dma_wait3A_153] : memref<10240x128xf32, #tpu.memory_space<vmem_shared>> -> memref<80x128xf32, #tpu.memory_space<vmem_shared>>
    %dma_wait3A_155 = arith.constant 0 : i32
    %dma_wait3A_156 = tpu.memref_slice %arg9[%add3A_32, %dma_wait3A_155] : memref<10240x128xf32, #tpu.memory_space<vmem_shared>> -> memref<80x128xf32, #tpu.memory_space<vmem_shared>>
    %dma_wait3A_157 = arith.constant 0 : i32
    %dma_wait3A_158 = arith.constant 0 : i32
    %dma_wait3A_159 = tpu.memref_slice %arg8[%dma_wait3A_148, %dma_wait3A_157, %dma_wait3A_158] : memref<2x125x128xf32, #tpu.memory_space<vmem>> -> memref<1x80x128xf32, #tpu.memory_space<vmem>>
    %dma_wait3A_160 = tpu.memref_squeeze %dma_wait3A_159 : memref<1x80x128xf32, #tpu.memory_space<vmem>> -> memref<80x128xf32, #tpu.memory_space<vmem>>
    tpu.wait_dma2 semaphore(%arg11 : memref<!tpu.dma_semaphore, #tpu.memory_space<semaphore_mem>>) src(%dma_wait3A_160 : memref<80x128xf32, #tpu.memory_space<vmem>>) dst(%dma_wait3A_156 : memref<80x128xf32, #tpu.memory_space<vmem_shared>>)
    %dma_wait3A_161 = arith.constant 0 : i32
    %dma_wait3A_162 = arith.constant 0 : i32
    %dma_wait3A_163 = arith.constant 0 : i32
    %dma_wait3A_164 = tpu.memref_slice %arg8[%dma_wait3A_161, %dma_wait3A_162, %dma_wait3A_163] : memref<2x125x128xf32, #tpu.memory_space<vmem>> -> memref<1x80x128xf32, #tpu.memory_space<vmem>>
    %dma_wait3A_165 = tpu.memref_squeeze %dma_wait3A_164 : memref<1x80x128xf32, #tpu.memory_space<vmem>> -> memref<80x128xf32, #tpu.memory_space<vmem>>
    %dma_wait3A_166 = arith.constant 0 : i32
    %dma_wait3A_167 = tpu.memref_slice %arg9[%add3A_47, %dma_wait3A_166] : memref<10240x128xf32, #tpu.memory_space<vmem_shared>> -> memref<80x128xf32, #tpu.memory_space<vmem_shared>>
    %dma_wait3A_168 = arith.constant 0 : i32
    %dma_wait3A_169 = tpu.memref_slice %arg9[%add3A_47, %dma_wait3A_168] : memref<10240x128xf32, #tpu.memory_space<vmem_shared>> -> memref<80x128xf32, #tpu.memory_space<vmem_shared>>
    %dma_wait3A_170 = arith.constant 0 : i32
    %dma_wait3A_171 = arith.constant 0 : i32
    %dma_wait3A_172 = tpu.memref_slice %arg8[%dma_wait3A_161, %dma_wait3A_170, %dma_wait3A_171] : memref<2x125x128xf32, #tpu.memory_space<vmem>> -> memref<1x80x128xf32, #tpu.memory_space<vmem>>
    %dma_wait3A_173 = tpu.memref_squeeze %dma_wait3A_172 : memref<1x80x128xf32, #tpu.memory_space<vmem>> -> memref<80x128xf32, #tpu.memory_space<vmem>>
    tpu.wait_dma2 semaphore(%arg11 : memref<!tpu.dma_semaphore, #tpu.memory_space<semaphore_mem>>) src(%dma_wait3A_173 : memref<80x128xf32, #tpu.memory_space<vmem>>) dst(%dma_wait3A_169 : memref<80x128xf32, #tpu.memory_space<vmem_shared>>)
    %dma_wait3A_174 = arith.constant 0 : i32
    %dma_wait3A_175 = arith.constant 0 : i32
    %dma_wait3A_176 = arith.constant 0 : i32
    %dma_wait3A_177 = tpu.memref_slice %arg8[%dma_wait3A_174, %dma_wait3A_175, %dma_wait3A_176] : memref<2x125x128xf32, #tpu.memory_space<vmem>> -> memref<1x80x128xf32, #tpu.memory_space<vmem>>
    %dma_wait3A_178 = tpu.memref_squeeze %dma_wait3A_177 : memref<1x80x128xf32, #tpu.memory_space<vmem>> -> memref<80x128xf32, #tpu.memory_space<vmem>>
    %dma_wait3A_179 = arith.constant 0 : i32
    %dma_wait3A_180 = tpu.memref_slice %arg9[%add3A_62, %dma_wait3A_179] : memref<10240x128xf32, #tpu.memory_space<vmem_shared>> -> memref<80x128xf32, #tpu.memory_space<vmem_shared>>
    %dma_wait3A_181 = arith.constant 0 : i32
    %dma_wait3A_182 = tpu.memref_slice %arg9[%add3A_62, %dma_wait3A_181] : memref<10240x128xf32, #tpu.memory_space<vmem_shared>> -> memref<80x128xf32, #tpu.memory_space<vmem_shared>>
    %dma_wait3A_183 = arith.constant 0 : i32
    %dma_wait3A_184 = arith.constant 0 : i32
    %dma_wait3A_185 = tpu.memref_slice %arg8[%dma_wait3A_174, %dma_wait3A_183, %dma_wait3A_184] : memref<2x125x128xf32, #tpu.memory_space<vmem>> -> memref<1x80x128xf32, #tpu.memory_space<vmem>>
    %dma_wait3A_186 = tpu.memref_squeeze %dma_wait3A_185 : memref<1x80x128xf32, #tpu.memory_space<vmem>> -> memref<80x128xf32, #tpu.memory_space<vmem>>
    tpu.wait_dma2 semaphore(%arg11 : memref<!tpu.dma_semaphore, #tpu.memory_space<semaphore_mem>>) src(%dma_wait3A_186 : memref<80x128xf32, #tpu.memory_space<vmem>>) dst(%dma_wait3A_182 : memref<80x128xf32, #tpu.memory_space<vmem_shared>>)
    %dma_wait3A_187 = arith.constant 0 : i32
    %dma_wait3A_188 = arith.constant 0 : i32
    %dma_wait3A_189 = arith.constant 0 : i32
    %dma_wait3A_190 = tpu.memref_slice %arg8[%dma_wait3A_187, %dma_wait3A_188, %dma_wait3A_189] : memref<2x125x128xf32, #tpu.memory_space<vmem>> -> memref<1x80x128xf32, #tpu.memory_space<vmem>>
    %dma_wait3A_191 = tpu.memref_squeeze %dma_wait3A_190 : memref<1x80x128xf32, #tpu.memory_space<vmem>> -> memref<80x128xf32, #tpu.memory_space<vmem>>
    %dma_wait3A_192 = arith.constant 0 : i32
    %dma_wait3A_193 = tpu.memref_slice %arg9[%add3A_77, %dma_wait3A_192] : memref<10240x128xf32, #tpu.memory_space<vmem_shared>> -> memref<80x128xf32, #tpu.memory_space<vmem_shared>>
    %dma_wait3A_194 = arith.constant 0 : i32
    %dma_wait3A_195 = tpu.memref_slice %arg9[%add3A_77, %dma_wait3A_194] : memref<10240x128xf32, #tpu.memory_space<vmem_shared>> -> memref<80x128xf32, #tpu.memory_space<vmem_shared>>
    %dma_wait3A_196 = arith.constant 0 : i32
    %dma_wait3A_197 = arith.constant 0 : i32
    %dma_wait3A_198 = tpu.memref_slice %arg8[%dma_wait3A_187, %dma_wait3A_196, %dma_wait3A_197] : memref<2x125x128xf32, #tpu.memory_space<vmem>> -> memref<1x80x128xf32, #tpu.memory_space<vmem>>
    %dma_wait3A_199 = tpu.memref_squeeze %dma_wait3A_198 : memref<1x80x128xf32, #tpu.memory_space<vmem>> -> memref<80x128xf32, #tpu.memory_space<vmem>>
    tpu.wait_dma2 semaphore(%arg11 : memref<!tpu.dma_semaphore, #tpu.memory_space<semaphore_mem>>) src(%dma_wait3A_199 : memref<80x128xf32, #tpu.memory_space<vmem>>) dst(%dma_wait3A_195 : memref<80x128xf32, #tpu.memory_space<vmem_shared>>)
    %dma_wait3A_200 = arith.constant 0 : i32
    %dma_wait3A_201 = arith.constant 0 : i32
    %dma_wait3A_202 = arith.constant 0 : i32
    %dma_wait3A_203 = tpu.memref_slice %arg8[%dma_wait3A_200, %dma_wait3A_201, %dma_wait3A_202] : memref<2x125x128xf32, #tpu.memory_space<vmem>> -> memref<1x80x128xf32, #tpu.memory_space<vmem>>
    %dma_wait3A_204 = tpu.memref_squeeze %dma_wait3A_203 : memref<1x80x128xf32, #tpu.memory_space<vmem>> -> memref<80x128xf32, #tpu.memory_space<vmem>>
    %dma_wait3A_205 = arith.constant 0 : i32
    %dma_wait3A_206 = tpu.memref_slice %arg9[%add3A_92, %dma_wait3A_205] : memref<10240x128xf32, #tpu.memory_space<vmem_shared>> -> memref<80x128xf32, #tpu.memory_space<vmem_shared>>
    %dma_wait3A_207 = arith.constant 0 : i32
    %dma_wait3A_208 = tpu.memref_slice %arg9[%add3A_92, %dma_wait3A_207] : memref<10240x128xf32, #tpu.memory_space<vmem_shared>> -> memref<80x128xf32, #tpu.memory_space<vmem_shared>>
    %dma_wait3A_209 = arith.constant 0 : i32
    %dma_wait3A_210 = arith.constant 0 : i32
    %dma_wait3A_211 = tpu.memref_slice %arg8[%dma_wait3A_200, %dma_wait3A_209, %dma_wait3A_210] : memref<2x125x128xf32, #tpu.memory_space<vmem>> -> memref<1x80x128xf32, #tpu.memory_space<vmem>>
    %dma_wait3A_212 = tpu.memref_squeeze %dma_wait3A_211 : memref<1x80x128xf32, #tpu.memory_space<vmem>> -> memref<80x128xf32, #tpu.memory_space<vmem>>
    tpu.wait_dma2 semaphore(%arg11 : memref<!tpu.dma_semaphore, #tpu.memory_space<semaphore_mem>>) src(%dma_wait3A_212 : memref<80x128xf32, #tpu.memory_space<vmem>>) dst(%dma_wait3A_208 : memref<80x128xf32, #tpu.memory_space<vmem_shared>>)
    %dma_wait3A_213 = arith.constant 0 : i32
    %dma_wait3A_214 = arith.constant 0 : i32
    %dma_wait3A_215 = arith.constant 0 : i32
    %dma_wait3A_216 = tpu.memref_slice %arg8[%dma_wait3A_213, %dma_wait3A_214, %dma_wait3A_215] : memref<2x125x128xf32, #tpu.memory_space<vmem>> -> memref<1x80x128xf32, #tpu.memory_space<vmem>>
    %dma_wait3A_217 = tpu.memref_squeeze %dma_wait3A_216 : memref<1x80x128xf32, #tpu.memory_space<vmem>> -> memref<80x128xf32, #tpu.memory_space<vmem>>
    %dma_wait3A_218 = arith.constant 0 : i32
    %dma_wait3A_219 = tpu.memref_slice %arg9[%add3A_107, %dma_wait3A_218] : memref<10240x128xf32, #tpu.memory_space<vmem_shared>> -> memref<80x128xf32, #tpu.memory_space<vmem_shared>>
    %dma_wait3A_220 = arith.constant 0 : i32
    %dma_wait3A_221 = tpu.memref_slice %arg9[%add3A_107, %dma_wait3A_220] : memref<10240x128xf32, #tpu.memory_space<vmem_shared>> -> memref<80x128xf32, #tpu.memory_space<vmem_shared>>
    %dma_wait3A_222 = arith.constant 0 : i32
    %dma_wait3A_223 = arith.constant 0 : i32
    %dma_wait3A_224 = tpu.memref_slice %arg8[%dma_wait3A_213, %dma_wait3A_222, %dma_wait3A_223] : memref<2x125x128xf32, #tpu.memory_space<vmem>> -> memref<1x80x128xf32, #tpu.memory_space<vmem>>
    %dma_wait3A_225 = tpu.memref_squeeze %dma_wait3A_224 : memref<1x80x128xf32, #tpu.memory_space<vmem>> -> memref<80x128xf32, #tpu.memory_space<vmem>>
    tpu.wait_dma2 semaphore(%arg11 : memref<!tpu.dma_semaphore, #tpu.memory_space<semaphore_mem>>) src(%dma_wait3A_225 : memref<80x128xf32, #tpu.memory_space<vmem>>) dst(%dma_wait3A_221 : memref<80x128xf32, #tpu.memory_space<vmem_shared>>)
    %dma_wait3A_226 = arith.constant 0 : i32
    %dma_wait3A_227 = arith.constant 0 : i32
    %dma_wait3A_228 = arith.constant 0 : i32
    %dma_wait3A_229 = tpu.memref_slice %arg8[%dma_wait3A_226, %dma_wait3A_227, %dma_wait3A_228] : memref<2x125x128xf32, #tpu.memory_space<vmem>> -> memref<1x80x128xf32, #tpu.memory_space<vmem>>
    %dma_wait3A_230 = tpu.memref_squeeze %dma_wait3A_229 : memref<1x80x128xf32, #tpu.memory_space<vmem>> -> memref<80x128xf32, #tpu.memory_space<vmem>>
    %dma_wait3A_231 = arith.constant 0 : i32
    %dma_wait3A_232 = tpu.memref_slice %arg9[%add3A_122, %dma_wait3A_231] : memref<10240x128xf32, #tpu.memory_space<vmem_shared>> -> memref<80x128xf32, #tpu.memory_space<vmem_shared>>
    %dma_wait3A_233 = arith.constant 0 : i32
    %dma_wait3A_234 = tpu.memref_slice %arg9[%add3A_122, %dma_wait3A_233] : memref<10240x128xf32, #tpu.memory_space<vmem_shared>> -> memref<80x128xf32, #tpu.memory_space<vmem_shared>>
    %dma_wait3A_235 = arith.constant 0 : i32
    %dma_wait3A_236 = arith.constant 0 : i32
    %dma_wait3A_237 = tpu.memref_slice %arg8[%dma_wait3A_226, %dma_wait3A_235, %dma_wait3A_236] : memref<2x125x128xf32, #tpu.memory_space<vmem>> -> memref<1x80x128xf32, #tpu.memory_space<vmem>>
    %dma_wait3A_238 = tpu.memref_squeeze %dma_wait3A_237 : memref<1x80x128xf32, #tpu.memory_space<vmem>> -> memref<80x128xf32, #tpu.memory_space<vmem>>
    tpu.wait_dma2 semaphore(%arg11 : memref<!tpu.dma_semaphore, #tpu.memory_space<semaphore_mem>>) src(%dma_wait3A_238 : memref<80x128xf32, #tpu.memory_space<vmem>>) dst(%dma_wait3A_234 : memref<80x128xf32, #tpu.memory_space<vmem_shared>>)
    %dma_start3A_239 = arith.constant 1 : i32
    %dma_start3A_240 = arith.constant 0 : i32
    %dma_start3A_241 = arith.constant 0 : i32
    %dma_start3A_242 = arith.constant 0 : i32
    %dma_start3A_243 = tpu.memref_slice %arg8[%dma_start3A_240, %dma_start3A_241, %dma_start3A_242] : memref<2x125x128xf32, #tpu.memory_space<vmem>> -> memref<1x125x128xf32, #tpu.memory_space<vmem>>
    %dma_start3A_244 = tpu.memref_squeeze %dma_start3A_243 : memref<1x125x128xf32, #tpu.memory_space<vmem>> -> memref<125x128xf32, #tpu.memory_space<vmem>>
    %dma_start3A_245 = arith.constant 0 : i32
    %dma_start3A_246 = tpu.memref_slice %arg6[%dma_start3A_239, %dma_start3A_245] : memref<40x125xi32, #tpu.memory_space<vmem>> -> memref<1x125xi32, #tpu.memory_space<vmem>>
    %dma_start3A_247 = tpu.memref_squeeze %dma_start3A_246 : memref<1x125xi32, #tpu.memory_space<vmem>> -> memref<125xi32, #tpu.memory_space<vmem>>
    %dma_start3A_248 = arith.constant 0 : i32
    %dma_start3A_249 = arith.constant 0 : i32
    %dma_start3A_250 = tpu.memref_slice %arg2[%dma_start3A_248, %dma_start3A_249] : memref<10000x128xf32, #tpu.memory_space<hbm>> -> memref<10000x128xf32, #tpu.memory_space<hbm>>
    tpu.enqueue_indirect_dma source(%dma_start3A_250 : memref<10000x128xf32, #tpu.memory_space<hbm>>) target(%dma_start3A_244 : memref<125x128xf32, #tpu.memory_space<vmem>>) offsets(%dma_start3A_247 : memref<125xi32, #tpu.memory_space<vmem>>) semaphore(%arg10 : memref<!tpu.dma_semaphore, #tpu.memory_space<semaphore_mem>>)
    %barrier3A = arith.constant 0 : index
    tpu.barrier barrier_id(%barrier3A)
    %scan3A = arith.constant 0 : i32
    %scan3A_251 = arith.constant 0 : i32
    %scan3A_252 = arith.constant 40 : i32
    %scan3A_253 = arith.addi %scan3A_251, %scan3A_252 : i32
    %scan3A_254 = arith.constant 1 : i32
    scf.for %scan3A_537 = %scan3A_251 to %scan3A_253 step %scan3A_254  : i32 {
      %add3A_538 = arith.constant 1 : i32
      %add3A_539 = arith.addi %scan3A_537, %add3A_538 : i32
      %rem3A = arith.constant 2 : i32
      %rem3A_540 = arith.remsi %add3A_539, %rem3A : i32
      %dma_wait3A_541 = arith.constant 0 : i32
      %dma_wait3A_542 = arith.constant 0 : i32
      %dma_wait3A_543 = arith.constant 0 : i32
      %dma_wait3A_544 = tpu.memref_slice %arg8[%rem3A_540, %dma_wait3A_542, %dma_wait3A_543] : memref<2x125x128xf32, #tpu.memory_space<vmem>> -> memref<1x125x128xf32, #tpu.memory_space<vmem>>
      %dma_wait3A_545 = tpu.memref_squeeze %dma_wait3A_544 : memref<1x125x128xf32, #tpu.memory_space<vmem>> -> memref<125x128xf32, #tpu.memory_space<vmem>>
      %dma_wait3A_546 = arith.constant 0 : i32
      %dma_wait3A_547 = tpu.memref_slice %arg6[%dma_wait3A_541, %dma_wait3A_546] : memref<40x125xi32, #tpu.memory_space<vmem>> -> memref<1x125xi32, #tpu.memory_space<vmem>>
      %dma_wait3A_548 = tpu.memref_squeeze %dma_wait3A_547 : memref<1x125xi32, #tpu.memory_space<vmem>> -> memref<125xi32, #tpu.memory_space<vmem>>
      %dma_wait3A_549 = arith.constant 0 : i32
      %dma_wait3A_550 = arith.constant 0 : i32
      %dma_wait3A_551 = tpu.memref_slice %arg2[%dma_wait3A_549, %dma_wait3A_550] : memref<10000x128xf32, #tpu.memory_space<hbm>> -> memref<10000x128xf32, #tpu.memory_space<hbm>>
      tpu.wait_indirect_dma semaphore(%arg10 : memref<!tpu.dma_semaphore, #tpu.memory_space<semaphore_mem>>) src(%dma_wait3A_551 : memref<10000x128xf32, #tpu.memory_space<hbm>>) dst(%dma_wait3A_545 : memref<125x128xf32, #tpu.memory_space<vmem>>)
      "tpu.region"() ({
        %run_scoped3A_556 = tpu.sem_alloc : memref<!tpu.dma_semaphore, #tpu.memory_space<semaphore_mem>>
        %dma_start3A_557 = arith.constant 0 : i32
        %dma_start3A_558 = arith.constant 0 : i32
        %dma_start3A_559 = tpu.memref_slice %arg8[%rem3A_540, %dma_start3A_557, %dma_start3A_558] : memref<2x125x128xf32, #tpu.memory_space<vmem>> -> memref<1x125x128xf32, #tpu.memory_space<vmem>>
        %dma_start3A_560 = tpu.memref_squeeze %dma_start3A_559 : memref<1x125x128xf32, #tpu.memory_space<vmem>> -> memref<125x128xf32, #tpu.memory_space<vmem>>
        %dma_start3A_561 = arith.constant 0 : i32
        %dma_start3A_562 = tpu.memref_slice %arg7[%scan3A_537, %dma_start3A_561] : memref<40x125xi32, #tpu.memory_space<vmem>> -> memref<1x125xi32, #tpu.memory_space<vmem>>
        %dma_start3A_563 = tpu.memref_squeeze %dma_start3A_562 : memref<1x125xi32, #tpu.memory_space<vmem>> -> memref<125xi32, #tpu.memory_space<vmem>>
        %dma_start3A_564 = arith.constant 0 : i32
        %dma_start3A_565 = arith.constant 0 : i32
        %dma_start3A_566 = tpu.memref_slice %arg9[%dma_start3A_564, %dma_start3A_565] : memref<10240x128xf32, #tpu.memory_space<vmem_shared>> -> memref<10240x128xf32, #tpu.memory_space<vmem_shared>>
        tpu.enqueue_indirect_dma source(%dma_start3A_560 : memref<125x128xf32, #tpu.memory_space<vmem>>) target(%dma_start3A_566 : memref<10240x128xf32, #tpu.memory_space<vmem_shared>>) offsets(%dma_start3A_563 : memref<125xi32, #tpu.memory_space<vmem>>) semaphore(%run_scoped3A_556 : memref<!tpu.dma_semaphore, #tpu.memory_space<semaphore_mem>>) {add = true}
        %dma_wait3A_567 = arith.constant 0 : i32
        %dma_wait3A_568 = arith.constant 0 : i32
        %dma_wait3A_569 = tpu.memref_slice %arg8[%rem3A_540, %dma_wait3A_567, %dma_wait3A_568] : memref<2x125x128xf32, #tpu.memory_space<vmem>> -> memref<1x125x128xf32, #tpu.memory_space<vmem>>
        %dma_wait3A_570 = tpu.memref_squeeze %dma_wait3A_569 : memref<1x125x128xf32, #tpu.memory_space<vmem>> -> memref<125x128xf32, #tpu.memory_space<vmem>>
        %dma_wait3A_571 = arith.constant 0 : i32
        %dma_wait3A_572 = tpu.memref_slice %arg7[%scan3A_537, %dma_wait3A_571] : memref<40x125xi32, #tpu.memory_space<vmem>> -> memref<1x125xi32, #tpu.memory_space<vmem>>
        %dma_wait3A_573 = tpu.memref_squeeze %dma_wait3A_572 : memref<1x125xi32, #tpu.memory_space<vmem>> -> memref<125xi32, #tpu.memory_space<vmem>>
        %dma_wait3A_574 = arith.constant 0 : i32
        %dma_wait3A_575 = arith.constant 0 : i32
        %dma_wait3A_576 = tpu.memref_slice %arg9[%dma_wait3A_574, %dma_wait3A_575] : memref<10240x128xf32, #tpu.memory_space<vmem_shared>> -> memref<10240x128xf32, #tpu.memory_space<vmem_shared>>
        tpu.wait_indirect_dma semaphore(%run_scoped3A_556 : memref<!tpu.dma_semaphore, #tpu.memory_space<semaphore_mem>>) src(%dma_wait3A_570 : memref<125x128xf32, #tpu.memory_space<vmem>>) dst(%dma_wait3A_576 : memref<10240x128xf32, #tpu.memory_space<vmem_shared>>)
        tpu.yield
      }) : () -> ()
      %add3A_552 = arith.constant 2 : i32
      %add3A_553 = arith.addi %scan3A_537, %add3A_552 : i32
      %lt3A = arith.constant 40 : i32
      %lt3A_554 = arith.cmpi slt, %add3A_553, %lt3A : i32
      %convert_element_type3A = arith.extui %lt3A_554 : i1 to i32
      %cond3A = arith.constant 0 : i32
      %cond3A_555 = arith.cmpi ne, %convert_element_type3A, %cond3A : i32
      scf.if %cond3A_555 {
        %add3A_556 = arith.constant 2 : i32
        %add3A_557 = arith.addi %scan3A_537, %add3A_556 : i32
        %add3A_558 = arith.constant 1 : i32
        %add3A_559 = arith.addi %add3A_557, %add3A_558 : i32
        %rem3A_560 = arith.constant 2 : i32
        %rem3A_561 = arith.remsi %add3A_559, %rem3A_560 : i32
        %dma_start3A_562 = arith.constant 0 : i32
        %dma_start3A_563 = arith.constant 0 : i32
        %dma_start3A_564 = tpu.memref_slice %arg8[%rem3A_561, %dma_start3A_562, %dma_start3A_563] : memref<2x125x128xf32, #tpu.memory_space<vmem>> -> memref<1x125x128xf32, #tpu.memory_space<vmem>>
        %dma_start3A_565 = tpu.memref_squeeze %dma_start3A_564 : memref<1x125x128xf32, #tpu.memory_space<vmem>> -> memref<125x128xf32, #tpu.memory_space<vmem>>
        %dma_start3A_566 = arith.constant 0 : i32
        %dma_start3A_567 = tpu.memref_slice %arg6[%add3A_557, %dma_start3A_566] : memref<40x125xi32, #tpu.memory_space<vmem>> -> memref<1x125xi32, #tpu.memory_space<vmem>>
        %dma_start3A_568 = tpu.memref_squeeze %dma_start3A_567 : memref<1x125xi32, #tpu.memory_space<vmem>> -> memref<125xi32, #tpu.memory_space<vmem>>
        %dma_start3A_569 = arith.constant 0 : i32
        %dma_start3A_570 = arith.constant 0 : i32
        %dma_start3A_571 = tpu.memref_slice %arg2[%dma_start3A_569, %dma_start3A_570] : memref<10000x128xf32, #tpu.memory_space<hbm>> -> memref<10000x128xf32, #tpu.memory_space<hbm>>
        tpu.enqueue_indirect_dma source(%dma_start3A_571 : memref<10000x128xf32, #tpu.memory_space<hbm>>) target(%dma_start3A_565 : memref<125x128xf32, #tpu.memory_space<vmem>>) offsets(%dma_start3A_568 : memref<125xi32, #tpu.memory_space<vmem>>) semaphore(%arg10 : memref<!tpu.dma_semaphore, #tpu.memory_space<semaphore_mem>>)
      } else {
      }
    }
    %scan3A_255 = arith.constant 40 : i32
    %barrier3A_256 = arith.constant 0 : index
    tpu.barrier barrier_id(%barrier3A_256)
    %add3A_257 = arith.constant 0 : i32
    %add3A_258 = arith.addi %mul3A_15, %add3A_257 : i32
    %run_scoped3A_259 = arith.constant 0 : i32
    "tpu.region"() ({
      %run_scoped3A_537 = tpu.sem_alloc : memref<!tpu.dma_semaphore, #tpu.memory_space<semaphore_mem>>
      %dma_start3A_538 = arith.constant 0 : i32
      %dma_start3A_539 = arith.constant 0 : i32
      %dma_start3A_540 = tpu.memref_slice %arg8[%run_scoped3A_259, %dma_start3A_538, %dma_start3A_539] : memref<2x125x128xf32, #tpu.memory_space<vmem>> -> memref<1x80x128xf32, #tpu.memory_space<vmem>>
      %dma_start3A_541 = tpu.memref_squeeze %dma_start3A_540 : memref<1x80x128xf32, #tpu.memory_space<vmem>> -> memref<80x128xf32, #tpu.memory_space<vmem>>
      %dma_start3A_542 = arith.constant 0 : i32
      %dma_start3A_543 = tpu.memref_slice %arg9[%add3A_258, %dma_start3A_542] : memref<10240x128xf32, #tpu.memory_space<vmem_shared>> -> memref<80x128xf32, #tpu.memory_space<vmem_shared>>
      %dma_start3A_544 = arith.constant 0 : i32
      %dma_start3A_545 = arith.constant 0 : i32
      %dma_start3A_546 = tpu.memref_slice %arg8[%run_scoped3A_259, %dma_start3A_544, %dma_start3A_545] : memref<2x125x128xf32, #tpu.memory_space<vmem>> -> memref<1x80x128xf32, #tpu.memory_space<vmem>>
      %dma_start3A_547 = tpu.memref_squeeze %dma_start3A_546 : memref<1x80x128xf32, #tpu.memory_space<vmem>> -> memref<80x128xf32, #tpu.memory_space<vmem>>
      %dma_start3A_548 = arith.constant 0 : i32
      %dma_start3A_549 = tpu.memref_slice %arg9[%add3A_258, %dma_start3A_548] : memref<10240x128xf32, #tpu.memory_space<vmem_shared>> -> memref<80x128xf32, #tpu.memory_space<vmem_shared>>
      tpu.enqueue_dma source(%dma_start3A_549 : memref<80x128xf32, #tpu.memory_space<vmem_shared>>) target(%dma_start3A_547 : memref<80x128xf32, #tpu.memory_space<vmem>>) target_semaphore(%run_scoped3A_537 : memref<!tpu.dma_semaphore, #tpu.memory_space<semaphore_mem>>)
      %dma_wait3A_550 = arith.constant 0 : i32
      %dma_wait3A_551 = arith.constant 0 : i32
      %dma_wait3A_552 = tpu.memref_slice %arg8[%run_scoped3A_259, %dma_wait3A_550, %dma_wait3A_551] : memref<2x125x128xf32, #tpu.memory_space<vmem>> -> memref<1x80x128xf32, #tpu.memory_space<vmem>>
      %dma_wait3A_553 = tpu.memref_squeeze %dma_wait3A_552 : memref<1x80x128xf32, #tpu.memory_space<vmem>> -> memref<80x128xf32, #tpu.memory_space<vmem>>
      %dma_wait3A_554 = arith.constant 0 : i32
      %dma_wait3A_555 = tpu.memref_slice %arg9[%add3A_258, %dma_wait3A_554] : memref<10240x128xf32, #tpu.memory_space<vmem_shared>> -> memref<80x128xf32, #tpu.memory_space<vmem_shared>>
      %dma_wait3A_556 = arith.constant 0 : i32
      %dma_wait3A_557 = arith.constant 0 : i32
      %dma_wait3A_558 = tpu.memref_slice %arg8[%run_scoped3A_259, %dma_wait3A_556, %dma_wait3A_557] : memref<2x125x128xf32, #tpu.memory_space<vmem>> -> memref<1x80x128xf32, #tpu.memory_space<vmem>>
      %dma_wait3A_559 = tpu.memref_squeeze %dma_wait3A_558 : memref<1x80x128xf32, #tpu.memory_space<vmem>> -> memref<80x128xf32, #tpu.memory_space<vmem>>
      %dma_wait3A_560 = arith.constant 0 : i32
      %dma_wait3A_561 = tpu.memref_slice %arg9[%add3A_258, %dma_wait3A_560] : memref<10240x128xf32, #tpu.memory_space<vmem_shared>> -> memref<80x128xf32, #tpu.memory_space<vmem_shared>>
      tpu.wait_dma2 semaphore(%run_scoped3A_537 : memref<!tpu.dma_semaphore, #tpu.memory_space<semaphore_mem>>) src(%dma_wait3A_561 : memref<80x128xf32, #tpu.memory_space<vmem_shared>>) dst(%dma_wait3A_559 : memref<80x128xf32, #tpu.memory_space<vmem>>)
      tpu.yield
    }) : () -> ()
    %add3A_260 = arith.constant 0 : i32
    %add3A_261 = arith.addi %mul3A_15, %add3A_260 : i32
    %dma_start3A_262 = arith.constant 0 : i32
    %dma_start3A_263 = arith.constant 0 : i32
    %dma_start3A_264 = arith.constant 0 : i32
    %dma_start3A_265 = tpu.memref_slice %arg8[%dma_start3A_262, %dma_start3A_263, %dma_start3A_264] : memref<2x125x128xf32, #tpu.memory_space<vmem>> -> memref<1x80x128xf32, #tpu.memory_space<vmem>>
    %dma_start3A_266 = tpu.memref_squeeze %dma_start3A_265 : memref<1x80x128xf32, #tpu.memory_space<vmem>> -> memref<80x128xf32, #tpu.memory_space<vmem>>
    %dma_start3A_267 = arith.constant 0 : i32
    %dma_start3A_268 = tpu.memref_slice %arg5[%arg0, %add3A_261, %dma_start3A_267] : memref<2x10240x128xf32, #tpu.memory_space<hbm>> -> memref<1x80x128xf32, #tpu.memory_space<hbm>>
    %dma_start3A_269 = tpu.memref_squeeze %dma_start3A_268 : memref<1x80x128xf32, #tpu.memory_space<hbm>> -> memref<80x128xf32, #tpu.memory_space<hbm>>
    %dma_start3A_270 = arith.constant 0 : i32
    %dma_start3A_271 = tpu.memref_slice %arg5[%arg0, %add3A_261, %dma_start3A_270] : memref<2x10240x128xf32, #tpu.memory_space<hbm>> -> memref<1x80x128xf32, #tpu.memory_space<hbm>>
    %dma_start3A_272 = tpu.memref_squeeze %dma_start3A_271 : memref<1x80x128xf32, #tpu.memory_space<hbm>> -> memref<80x128xf32, #tpu.memory_space<hbm>>
    %dma_start3A_273 = arith.constant 0 : i32
    %dma_start3A_274 = arith.constant 0 : i32
    %dma_start3A_275 = tpu.memref_slice %arg8[%dma_start3A_262, %dma_start3A_273, %dma_start3A_274] : memref<2x125x128xf32, #tpu.memory_space<vmem>> -> memref<1x80x128xf32, #tpu.memory_space<vmem>>
    %dma_start3A_276 = tpu.memref_squeeze %dma_start3A_275 : memref<1x80x128xf32, #tpu.memory_space<vmem>> -> memref<80x128xf32, #tpu.memory_space<vmem>>
    tpu.enqueue_dma source(%dma_start3A_276 : memref<80x128xf32, #tpu.memory_space<vmem>>) target(%dma_start3A_272 : memref<80x128xf32, #tpu.memory_space<hbm>>) target_semaphore(%arg11 : memref<!tpu.dma_semaphore, #tpu.memory_space<semaphore_mem>>)
    %add3A_277 = arith.constant 80 : i32
    %add3A_278 = arith.addi %mul3A_15, %add3A_277 : i32
    %run_scoped3A_279 = arith.constant 1 : i32
    "tpu.region"() ({
      %run_scoped3A_537 = tpu.sem_alloc : memref<!tpu.dma_semaphore, #tpu.memory_space<semaphore_mem>>
      %dma_start3A_538 = arith.constant 0 : i32
      %dma_start3A_539 = arith.constant 0 : i32
      %dma_start3A_540 = tpu.memref_slice %arg8[%run_scoped3A_279, %dma_start3A_538, %dma_start3A_539] : memref<2x125x128xf32, #tpu.memory_space<vmem>> -> memref<1x80x128xf32, #tpu.memory_space<vmem>>
      %dma_start3A_541 = tpu.memref_squeeze %dma_start3A_540 : memref<1x80x128xf32, #tpu.memory_space<vmem>> -> memref<80x128xf32, #tpu.memory_space<vmem>>
      %dma_start3A_542 = arith.constant 0 : i32
      %dma_start3A_543 = tpu.memref_slice %arg9[%add3A_278, %dma_start3A_542] : memref<10240x128xf32, #tpu.memory_space<vmem_shared>> -> memref<80x128xf32, #tpu.memory_space<vmem_shared>>
      %dma_start3A_544 = arith.constant 0 : i32
      %dma_start3A_545 = arith.constant 0 : i32
      %dma_start3A_546 = tpu.memref_slice %arg8[%run_scoped3A_279, %dma_start3A_544, %dma_start3A_545] : memref<2x125x128xf32, #tpu.memory_space<vmem>> -> memref<1x80x128xf32, #tpu.memory_space<vmem>>
      %dma_start3A_547 = tpu.memref_squeeze %dma_start3A_546 : memref<1x80x128xf32, #tpu.memory_space<vmem>> -> memref<80x128xf32, #tpu.memory_space<vmem>>
      %dma_start3A_548 = arith.constant 0 : i32
      %dma_start3A_549 = tpu.memref_slice %arg9[%add3A_278, %dma_start3A_548] : memref<10240x128xf32, #tpu.memory_space<vmem_shared>> -> memref<80x128xf32, #tpu.memory_space<vmem_shared>>
      tpu.enqueue_dma source(%dma_start3A_549 : memref<80x128xf32, #tpu.memory_space<vmem_shared>>) target(%dma_start3A_547 : memref<80x128xf32, #tpu.memory_space<vmem>>) target_semaphore(%run_scoped3A_537 : memref<!tpu.dma_semaphore, #tpu.memory_space<semaphore_mem>>)
      %dma_wait3A_550 = arith.constant 0 : i32
      %dma_wait3A_551 = arith.constant 0 : i32
      %dma_wait3A_552 = tpu.memref_slice %arg8[%run_scoped3A_279, %dma_wait3A_550, %dma_wait3A_551] : memref<2x125x128xf32, #tpu.memory_space<vmem>> -> memref<1x80x128xf32, #tpu.memory_space<vmem>>
      %dma_wait3A_553 = tpu.memref_squeeze %dma_wait3A_552 : memref<1x80x128xf32, #tpu.memory_space<vmem>> -> memref<80x128xf32, #tpu.memory_space<vmem>>
      %dma_wait3A_554 = arith.constant 0 : i32
      %dma_wait3A_555 = tpu.memref_slice %arg9[%add3A_278, %dma_wait3A_554] : memref<10240x128xf32, #tpu.memory_space<vmem_shared>> -> memref<80x128xf32, #tpu.memory_space<vmem_shared>>
      %dma_wait3A_556 = arith.constant 0 : i32
      %dma_wait3A_557 = arith.constant 0 : i32
      %dma_wait3A_558 = tpu.memref_slice %arg8[%run_scoped3A_279, %dma_wait3A_556, %dma_wait3A_557] : memref<2x125x128xf32, #tpu.memory_space<vmem>> -> memref<1x80x128xf32, #tpu.memory_space<vmem>>
      %dma_wait3A_559 = tpu.memref_squeeze %dma_wait3A_558 : memref<1x80x128xf32, #tpu.memory_space<vmem>> -> memref<80x128xf32, #tpu.memory_space<vmem>>
      %dma_wait3A_560 = arith.constant 0 : i32
      %dma_wait3A_561 = tpu.memref_slice %arg9[%add3A_278, %dma_wait3A_560] : memref<10240x128xf32, #tpu.memory_space<vmem_shared>> -> memref<80x128xf32, #tpu.memory_space<vmem_shared>>
      tpu.wait_dma2 semaphore(%run_scoped3A_537 : memref<!tpu.dma_semaphore, #tpu.memory_space<semaphore_mem>>) src(%dma_wait3A_561 : memref<80x128xf32, #tpu.memory_space<vmem_shared>>) dst(%dma_wait3A_559 : memref<80x128xf32, #tpu.memory_space<vmem>>)
      tpu.yield
    }) : () -> ()
    %add3A_280 = arith.constant 80 : i32
    %add3A_281 = arith.addi %mul3A_15, %add3A_280 : i32
    %dma_start3A_282 = arith.constant 1 : i32
    %dma_start3A_283 = arith.constant 0 : i32
    %dma_start3A_284 = arith.constant 0 : i32
    %dma_start3A_285 = tpu.memref_slice %arg8[%dma_start3A_282, %dma_start3A_283, %dma_start3A_284] : memref<2x125x128xf32, #tpu.memory_space<vmem>> -> memref<1x80x128xf32, #tpu.memory_space<vmem>>
    %dma_start3A_286 = tpu.memref_squeeze %dma_start3A_285 : memref<1x80x128xf32, #tpu.memory_space<vmem>> -> memref<80x128xf32, #tpu.memory_space<vmem>>
    %dma_start3A_287 = arith.constant 0 : i32
    %dma_start3A_288 = tpu.memref_slice %arg5[%arg0, %add3A_281, %dma_start3A_287] : memref<2x10240x128xf32, #tpu.memory_space<hbm>> -> memref<1x80x128xf32, #tpu.memory_space<hbm>>
    %dma_start3A_289 = tpu.memref_squeeze %dma_start3A_288 : memref<1x80x128xf32, #tpu.memory_space<hbm>> -> memref<80x128xf32, #tpu.memory_space<hbm>>
    %dma_start3A_290 = arith.constant 0 : i32
    %dma_start3A_291 = tpu.memref_slice %arg5[%arg0, %add3A_281, %dma_start3A_290] : memref<2x10240x128xf32, #tpu.memory_space<hbm>> -> memref<1x80x128xf32, #tpu.memory_space<hbm>>
    %dma_start3A_292 = tpu.memref_squeeze %dma_start3A_291 : memref<1x80x128xf32, #tpu.memory_space<hbm>> -> memref<80x128xf32, #tpu.memory_space<hbm>>
    %dma_start3A_293 = arith.constant 0 : i32
    %dma_start3A_294 = arith.constant 0 : i32
    %dma_start3A_295 = tpu.memref_slice %arg8[%dma_start3A_282, %dma_start3A_293, %dma_start3A_294] : memref<2x125x128xf32, #tpu.memory_space<vmem>> -> memref<1x80x128xf32, #tpu.memory_space<vmem>>
    %dma_start3A_296 = tpu.memref_squeeze %dma_start3A_295 : memref<1x80x128xf32, #tpu.memory_space<vmem>> -> memref<80x128xf32, #tpu.memory_space<vmem>>
    tpu.enqueue_dma source(%dma_start3A_296 : memref<80x128xf32, #tpu.memory_space<vmem>>) target(%dma_start3A_292 : memref<80x128xf32, #tpu.memory_space<hbm>>) target_semaphore(%arg11 : memref<!tpu.dma_semaphore, #tpu.memory_space<semaphore_mem>>)
    %dma_wait3A_297 = arith.constant 0 : i32
    %dma_wait3A_298 = arith.constant 0 : i32
    %dma_wait3A_299 = arith.constant 0 : i32
    %dma_wait3A_300 = tpu.memref_slice %arg8[%dma_wait3A_297, %dma_wait3A_298, %dma_wait3A_299] : memref<2x125x128xf32, #tpu.memory_space<vmem>> -> memref<1x80x128xf32, #tpu.memory_space<vmem>>
    %dma_wait3A_301 = tpu.memref_squeeze %dma_wait3A_300 : memref<1x80x128xf32, #tpu.memory_space<vmem>> -> memref<80x128xf32, #tpu.memory_space<vmem>>
    %dma_wait3A_302 = arith.constant 0 : i32
    %dma_wait3A_303 = tpu.memref_slice %arg5[%arg0, %add3A_261, %dma_wait3A_302] : memref<2x10240x128xf32, #tpu.memory_space<hbm>> -> memref<1x80x128xf32, #tpu.memory_space<hbm>>
    %dma_wait3A_304 = tpu.memref_squeeze %dma_wait3A_303 : memref<1x80x128xf32, #tpu.memory_space<hbm>> -> memref<80x128xf32, #tpu.memory_space<hbm>>
    %dma_wait3A_305 = arith.constant 0 : i32
    %dma_wait3A_306 = tpu.memref_slice %arg5[%arg0, %add3A_261, %dma_wait3A_305] : memref<2x10240x128xf32, #tpu.memory_space<hbm>> -> memref<1x80x128xf32, #tpu.memory_space<hbm>>
    %dma_wait3A_307 = tpu.memref_squeeze %dma_wait3A_306 : memref<1x80x128xf32, #tpu.memory_space<hbm>> -> memref<80x128xf32, #tpu.memory_space<hbm>>
    %dma_wait3A_308 = arith.constant 0 : i32
    %dma_wait3A_309 = arith.constant 0 : i32
    %dma_wait3A_310 = tpu.memref_slice %arg8[%dma_wait3A_297, %dma_wait3A_308, %dma_wait3A_309] : memref<2x125x128xf32, #tpu.memory_space<vmem>> -> memref<1x80x128xf32, #tpu.memory_space<vmem>>
    %dma_wait3A_311 = tpu.memref_squeeze %dma_wait3A_310 : memref<1x80x128xf32, #tpu.memory_space<vmem>> -> memref<80x128xf32, #tpu.memory_space<vmem>>
    tpu.wait_dma2 semaphore(%arg11 : memref<!tpu.dma_semaphore, #tpu.memory_space<semaphore_mem>>) src(%dma_wait3A_311 : memref<80x128xf32, #tpu.memory_space<vmem>>) dst(%dma_wait3A_307 : memref<80x128xf32, #tpu.memory_space<hbm>>)
    %add3A_312 = arith.constant 160 : i32
    %add3A_313 = arith.addi %mul3A_15, %add3A_312 : i32
    %run_scoped3A_314 = arith.constant 0 : i32
    "tpu.region"() ({
      %run_scoped3A_537 = tpu.sem_alloc : memref<!tpu.dma_semaphore, #tpu.memory_space<semaphore_mem>>
      %dma_start3A_538 = arith.constant 0 : i32
      %dma_start3A_539 = arith.constant 0 : i32
      %dma_start3A_540 = tpu.memref_slice %arg8[%run_scoped3A_314, %dma_start3A_538, %dma_start3A_539] : memref<2x125x128xf32, #tpu.memory_space<vmem>> -> memref<1x80x128xf32, #tpu.memory_space<vmem>>
      %dma_start3A_541 = tpu.memref_squeeze %dma_start3A_540 : memref<1x80x128xf32, #tpu.memory_space<vmem>> -> memref<80x128xf32, #tpu.memory_space<vmem>>
      %dma_start3A_542 = arith.constant 0 : i32
      %dma_start3A_543 = tpu.memref_slice %arg9[%add3A_313, %dma_start3A_542] : memref<10240x128xf32, #tpu.memory_space<vmem_shared>> -> memref<80x128xf32, #tpu.memory_space<vmem_shared>>
      %dma_start3A_544 = arith.constant 0 : i32
      %dma_start3A_545 = arith.constant 0 : i32
      %dma_start3A_546 = tpu.memref_slice %arg8[%run_scoped3A_314, %dma_start3A_544, %dma_start3A_545] : memref<2x125x128xf32, #tpu.memory_space<vmem>> -> memref<1x80x128xf32, #tpu.memory_space<vmem>>
      %dma_start3A_547 = tpu.memref_squeeze %dma_start3A_546 : memref<1x80x128xf32, #tpu.memory_space<vmem>> -> memref<80x128xf32, #tpu.memory_space<vmem>>
      %dma_start3A_548 = arith.constant 0 : i32
      %dma_start3A_549 = tpu.memref_slice %arg9[%add3A_313, %dma_start3A_548] : memref<10240x128xf32, #tpu.memory_space<vmem_shared>> -> memref<80x128xf32, #tpu.memory_space<vmem_shared>>
      tpu.enqueue_dma source(%dma_start3A_549 : memref<80x128xf32, #tpu.memory_space<vmem_shared>>) target(%dma_start3A_547 : memref<80x128xf32, #tpu.memory_space<vmem>>) target_semaphore(%run_scoped3A_537 : memref<!tpu.dma_semaphore, #tpu.memory_space<semaphore_mem>>)
      %dma_wait3A_550 = arith.constant 0 : i32
      %dma_wait3A_551 = arith.constant 0 : i32
      %dma_wait3A_552 = tpu.memref_slice %arg8[%run_scoped3A_314, %dma_wait3A_550, %dma_wait3A_551] : memref<2x125x128xf32, #tpu.memory_space<vmem>> -> memref<1x80x128xf32, #tpu.memory_space<vmem>>
      %dma_wait3A_553 = tpu.memref_squeeze %dma_wait3A_552 : memref<1x80x128xf32, #tpu.memory_space<vmem>> -> memref<80x128xf32, #tpu.memory_space<vmem>>
      %dma_wait3A_554 = arith.constant 0 : i32
      %dma_wait3A_555 = tpu.memref_slice %arg9[%add3A_313, %dma_wait3A_554] : memref<10240x128xf32, #tpu.memory_space<vmem_shared>> -> memref<80x128xf32, #tpu.memory_space<vmem_shared>>
      %dma_wait3A_556 = arith.constant 0 : i32
      %dma_wait3A_557 = arith.constant 0 : i32
      %dma_wait3A_558 = tpu.memref_slice %arg8[%run_scoped3A_314, %dma_wait3A_556, %dma_wait3A_557] : memref<2x125x128xf32, #tpu.memory_space<vmem>> -> memref<1x80x128xf32, #tpu.memory_space<vmem>>
      %dma_wait3A_559 = tpu.memref_squeeze %dma_wait3A_558 : memref<1x80x128xf32, #tpu.memory_space<vmem>> -> memref<80x128xf32, #tpu.memory_space<vmem>>
      %dma_wait3A_560 = arith.constant 0 : i32
      %dma_wait3A_561 = tpu.memref_slice %arg9[%add3A_313, %dma_wait3A_560] : memref<10240x128xf32, #tpu.memory_space<vmem_shared>> -> memref<80x128xf32, #tpu.memory_space<vmem_shared>>
      tpu.wait_dma2 semaphore(%run_scoped3A_537 : memref<!tpu.dma_semaphore, #tpu.memory_space<semaphore_mem>>) src(%dma_wait3A_561 : memref<80x128xf32, #tpu.memory_space<vmem_shared>>) dst(%dma_wait3A_559 : memref<80x128xf32, #tpu.memory_space<vmem>>)
      tpu.yield
    }) : () -> ()
    %add3A_315 = arith.constant 160 : i32
    %add3A_316 = arith.addi %mul3A_15, %add3A_315 : i32
    %dma_start3A_317 = arith.constant 0 : i32
    %dma_start3A_318 = arith.constant 0 : i32
    %dma_start3A_319 = arith.constant 0 : i32
    %dma_start3A_320 = tpu.memref_slice %arg8[%dma_start3A_317, %dma_start3A_318, %dma_start3A_319] : memref<2x125x128xf32, #tpu.memory_space<vmem>> -> memref<1x80x128xf32, #tpu.memory_space<vmem>>
    %dma_start3A_321 = tpu.memref_squeeze %dma_start3A_320 : memref<1x80x128xf32, #tpu.memory_space<vmem>> -> memref<80x128xf32, #tpu.memory_space<vmem>>
    %dma_start3A_322 = arith.constant 0 : i32
    %dma_start3A_323 = tpu.memref_slice %arg5[%arg0, %add3A_316, %dma_start3A_322] : memref<2x10240x128xf32, #tpu.memory_space<hbm>> -> memref<1x80x128xf32, #tpu.memory_space<hbm>>
    %dma_start3A_324 = tpu.memref_squeeze %dma_start3A_323 : memref<1x80x128xf32, #tpu.memory_space<hbm>> -> memref<80x128xf32, #tpu.memory_space<hbm>>
    %dma_start3A_325 = arith.constant 0 : i32
    %dma_start3A_326 = tpu.memref_slice %arg5[%arg0, %add3A_316, %dma_start3A_325] : memref<2x10240x128xf32, #tpu.memory_space<hbm>> -> memref<1x80x128xf32, #tpu.memory_space<hbm>>
    %dma_start3A_327 = tpu.memref_squeeze %dma_start3A_326 : memref<1x80x128xf32, #tpu.memory_space<hbm>> -> memref<80x128xf32, #tpu.memory_space<hbm>>
    %dma_start3A_328 = arith.constant 0 : i32
    %dma_start3A_329 = arith.constant 0 : i32
    %dma_start3A_330 = tpu.memref_slice %arg8[%dma_start3A_317, %dma_start3A_328, %dma_start3A_329] : memref<2x125x128xf32, #tpu.memory_space<vmem>> -> memref<1x80x128xf32, #tpu.memory_space<vmem>>
    %dma_start3A_331 = tpu.memref_squeeze %dma_start3A_330 : memref<1x80x128xf32, #tpu.memory_space<vmem>> -> memref<80x128xf32, #tpu.memory_space<vmem>>
    tpu.enqueue_dma source(%dma_start3A_331 : memref<80x128xf32, #tpu.memory_space<vmem>>) target(%dma_start3A_327 : memref<80x128xf32, #tpu.memory_space<hbm>>) target_semaphore(%arg11 : memref<!tpu.dma_semaphore, #tpu.memory_space<semaphore_mem>>)
    %dma_wait3A_332 = arith.constant 1 : i32
    %dma_wait3A_333 = arith.constant 0 : i32
    %dma_wait3A_334 = arith.constant 0 : i32
    %dma_wait3A_335 = tpu.memref_slice %arg8[%dma_wait3A_332, %dma_wait3A_333, %dma_wait3A_334] : memref<2x125x128xf32, #tpu.memory_space<vmem>> -> memref<1x80x128xf32, #tpu.memory_space<vmem>>
    %dma_wait3A_336 = tpu.memref_squeeze %dma_wait3A_335 : memref<1x80x128xf32, #tpu.memory_space<vmem>> -> memref<80x128xf32, #tpu.memory_space<vmem>>
    %dma_wait3A_337 = arith.constant 0 : i32
    %dma_wait3A_338 = tpu.memref_slice %arg5[%arg0, %add3A_281, %dma_wait3A_337] : memref<2x10240x128xf32, #tpu.memory_space<hbm>> -> memref<1x80x128xf32, #tpu.memory_space<hbm>>
    %dma_wait3A_339 = tpu.memref_squeeze %dma_wait3A_338 : memref<1x80x128xf32, #tpu.memory_space<hbm>> -> memref<80x128xf32, #tpu.memory_space<hbm>>
    %dma_wait3A_340 = arith.constant 0 : i32
    %dma_wait3A_341 = tpu.memref_slice %arg5[%arg0, %add3A_281, %dma_wait3A_340] : memref<2x10240x128xf32, #tpu.memory_space<hbm>> -> memref<1x80x128xf32, #tpu.memory_space<hbm>>
    %dma_wait3A_342 = tpu.memref_squeeze %dma_wait3A_341 : memref<1x80x128xf32, #tpu.memory_space<hbm>> -> memref<80x128xf32, #tpu.memory_space<hbm>>
    %dma_wait3A_343 = arith.constant 0 : i32
    %dma_wait3A_344 = arith.constant 0 : i32
    %dma_wait3A_345 = tpu.memref_slice %arg8[%dma_wait3A_332, %dma_wait3A_343, %dma_wait3A_344] : memref<2x125x128xf32, #tpu.memory_space<vmem>> -> memref<1x80x128xf32, #tpu.memory_space<vmem>>
    %dma_wait3A_346 = tpu.memref_squeeze %dma_wait3A_345 : memref<1x80x128xf32, #tpu.memory_space<vmem>> -> memref<80x128xf32, #tpu.memory_space<vmem>>
    tpu.wait_dma2 semaphore(%arg11 : memref<!tpu.dma_semaphore, #tpu.memory_space<semaphore_mem>>) src(%dma_wait3A_346 : memref<80x128xf32, #tpu.memory_space<vmem>>) dst(%dma_wait3A_342 : memref<80x128xf32, #tpu.memory_space<hbm>>)
    %add3A_347 = arith.constant 240 : i32
    %add3A_348 = arith.addi %mul3A_15, %add3A_347 : i32
    %run_scoped3A_349 = arith.constant 1 : i32
    "tpu.region"() ({
      %run_scoped3A_537 = tpu.sem_alloc : memref<!tpu.dma_semaphore, #tpu.memory_space<semaphore_mem>>
      %dma_start3A_538 = arith.constant 0 : i32
      %dma_start3A_539 = arith.constant 0 : i32
      %dma_start3A_540 = tpu.memref_slice %arg8[%run_scoped3A_349, %dma_start3A_538, %dma_start3A_539] : memref<2x125x128xf32, #tpu.memory_space<vmem>> -> memref<1x80x128xf32, #tpu.memory_space<vmem>>
      %dma_start3A_541 = tpu.memref_squeeze %dma_start3A_540 : memref<1x80x128xf32, #tpu.memory_space<vmem>> -> memref<80x128xf32, #tpu.memory_space<vmem>>
      %dma_start3A_542 = arith.constant 0 : i32
      %dma_start3A_543 = tpu.memref_slice %arg9[%add3A_348, %dma_start3A_542] : memref<10240x128xf32, #tpu.memory_space<vmem_shared>> -> memref<80x128xf32, #tpu.memory_space<vmem_shared>>
      %dma_start3A_544 = arith.constant 0 : i32
      %dma_start3A_545 = arith.constant 0 : i32
      %dma_start3A_546 = tpu.memref_slice %arg8[%run_scoped3A_349, %dma_start3A_544, %dma_start3A_545] : memref<2x125x128xf32, #tpu.memory_space<vmem>> -> memref<1x80x128xf32, #tpu.memory_space<vmem>>
      %dma_start3A_547 = tpu.memref_squeeze %dma_start3A_546 : memref<1x80x128xf32, #tpu.memory_space<vmem>> -> memref<80x128xf32, #tpu.memory_space<vmem>>
      %dma_start3A_548 = arith.constant 0 : i32
      %dma_start3A_549 = tpu.memref_slice %arg9[%add3A_348, %dma_start3A_548] : memref<10240x128xf32, #tpu.memory_space<vmem_shared>> -> memref<80x128xf32, #tpu.memory_space<vmem_shared>>
      tpu.enqueue_dma source(%dma_start3A_549 : memref<80x128xf32, #tpu.memory_space<vmem_shared>>) target(%dma_start3A_547 : memref<80x128xf32, #tpu.memory_space<vmem>>) target_semaphore(%run_scoped3A_537 : memref<!tpu.dma_semaphore, #tpu.memory_space<semaphore_mem>>)
      %dma_wait3A_550 = arith.constant 0 : i32
      %dma_wait3A_551 = arith.constant 0 : i32
      %dma_wait3A_552 = tpu.memref_slice %arg8[%run_scoped3A_349, %dma_wait3A_550, %dma_wait3A_551] : memref<2x125x128xf32, #tpu.memory_space<vmem>> -> memref<1x80x128xf32, #tpu.memory_space<vmem>>
      %dma_wait3A_553 = tpu.memref_squeeze %dma_wait3A_552 : memref<1x80x128xf32, #tpu.memory_space<vmem>> -> memref<80x128xf32, #tpu.memory_space<vmem>>
      %dma_wait3A_554 = arith.constant 0 : i32
      %dma_wait3A_555 = tpu.memref_slice %arg9[%add3A_348, %dma_wait3A_554] : memref<10240x128xf32, #tpu.memory_space<vmem_shared>> -> memref<80x128xf32, #tpu.memory_space<vmem_shared>>
      %dma_wait3A_556 = arith.constant 0 : i32
      %dma_wait3A_557 = arith.constant 0 : i32
      %dma_wait3A_558 = tpu.memref_slice %arg8[%run_scoped3A_349, %dma_wait3A_556, %dma_wait3A_557] : memref<2x125x128xf32, #tpu.memory_space<vmem>> -> memref<1x80x128xf32, #tpu.memory_space<vmem>>
      %dma_wait3A_559 = tpu.memref_squeeze %dma_wait3A_558 : memref<1x80x128xf32, #tpu.memory_space<vmem>> -> memref<80x128xf32, #tpu.memory_space<vmem>>
      %dma_wait3A_560 = arith.constant 0 : i32
      %dma_wait3A_561 = tpu.memref_slice %arg9[%add3A_348, %dma_wait3A_560] : memref<10240x128xf32, #tpu.memory_space<vmem_shared>> -> memref<80x128xf32, #tpu.memory_space<vmem_shared>>
      tpu.wait_dma2 semaphore(%run_scoped3A_537 : memref<!tpu.dma_semaphore, #tpu.memory_space<semaphore_mem>>) src(%dma_wait3A_561 : memref<80x128xf32, #tpu.memory_space<vmem_shared>>) dst(%dma_wait3A_559 : memref<80x128xf32, #tpu.memory_space<vmem>>)
      tpu.yield
    }) : () -> ()
    %add3A_350 = arith.constant 240 : i32
    %add3A_351 = arith.addi %mul3A_15, %add3A_350 : i32
    %dma_start3A_352 = arith.constant 1 : i32
    %dma_start3A_353 = arith.constant 0 : i32
    %dma_start3A_354 = arith.constant 0 : i32
    %dma_start3A_355 = tpu.memref_slice %arg8[%dma_start3A_352, %dma_start3A_353, %dma_start3A_354] : memref<2x125x128xf32, #tpu.memory_space<vmem>> -> memref<1x80x128xf32, #tpu.memory_space<vmem>>
    %dma_start3A_356 = tpu.memref_squeeze %dma_start3A_355 : memref<1x80x128xf32, #tpu.memory_space<vmem>> -> memref<80x128xf32, #tpu.memory_space<vmem>>
    %dma_start3A_357 = arith.constant 0 : i32
    %dma_start3A_358 = tpu.memref_slice %arg5[%arg0, %add3A_351, %dma_start3A_357] : memref<2x10240x128xf32, #tpu.memory_space<hbm>> -> memref<1x80x128xf32, #tpu.memory_space<hbm>>
    %dma_start3A_359 = tpu.memref_squeeze %dma_start3A_358 : memref<1x80x128xf32, #tpu.memory_space<hbm>> -> memref<80x128xf32, #tpu.memory_space<hbm>>
    %dma_start3A_360 = arith.constant 0 : i32
    %dma_start3A_361 = tpu.memref_slice %arg5[%arg0, %add3A_351, %dma_start3A_360] : memref<2x10240x128xf32, #tpu.memory_space<hbm>> -> memref<1x80x128xf32, #tpu.memory_space<hbm>>
    %dma_start3A_362 = tpu.memref_squeeze %dma_start3A_361 : memref<1x80x128xf32, #tpu.memory_space<hbm>> -> memref<80x128xf32, #tpu.memory_space<hbm>>
    %dma_start3A_363 = arith.constant 0 : i32
    %dma_start3A_364 = arith.constant 0 : i32
    %dma_start3A_365 = tpu.memref_slice %arg8[%dma_start3A_352, %dma_start3A_363, %dma_start3A_364] : memref<2x125x128xf32, #tpu.memory_space<vmem>> -> memref<1x80x128xf32, #tpu.memory_space<vmem>>
    %dma_start3A_366 = tpu.memref_squeeze %dma_start3A_365 : memref<1x80x128xf32, #tpu.memory_space<vmem>> -> memref<80x128xf32, #tpu.memory_space<vmem>>
    tpu.enqueue_dma source(%dma_start3A_366 : memref<80x128xf32, #tpu.memory_space<vmem>>) target(%dma_start3A_362 : memref<80x128xf32, #tpu.memory_space<hbm>>) target_semaphore(%arg11 : memref<!tpu.dma_semaphore, #tpu.memory_space<semaphore_mem>>)
    %dma_wait3A_367 = arith.constant 0 : i32
    %dma_wait3A_368 = arith.constant 0 : i32
    %dma_wait3A_369 = arith.constant 0 : i32
    %dma_wait3A_370 = tpu.memref_slice %arg8[%dma_wait3A_367, %dma_wait3A_368, %dma_wait3A_369] : memref<2x125x128xf32, #tpu.memory_space<vmem>> -> memref<1x80x128xf32, #tpu.memory_space<vmem>>
    %dma_wait3A_371 = tpu.memref_squeeze %dma_wait3A_370 : memref<1x80x128xf32, #tpu.memory_space<vmem>> -> memref<80x128xf32, #tpu.memory_space<vmem>>
    %dma_wait3A_372 = arith.constant 0 : i32
    %dma_wait3A_373 = tpu.memref_slice %arg5[%arg0, %add3A_316, %dma_wait3A_372] : memref<2x10240x128xf32, #tpu.memory_space<hbm>> -> memref<1x80x128xf32, #tpu.memory_space<hbm>>
    %dma_wait3A_374 = tpu.memref_squeeze %dma_wait3A_373 : memref<1x80x128xf32, #tpu.memory_space<hbm>> -> memref<80x128xf32, #tpu.memory_space<hbm>>
    %dma_wait3A_375 = arith.constant 0 : i32
    %dma_wait3A_376 = tpu.memref_slice %arg5[%arg0, %add3A_316, %dma_wait3A_375] : memref<2x10240x128xf32, #tpu.memory_space<hbm>> -> memref<1x80x128xf32, #tpu.memory_space<hbm>>
    %dma_wait3A_377 = tpu.memref_squeeze %dma_wait3A_376 : memref<1x80x128xf32, #tpu.memory_space<hbm>> -> memref<80x128xf32, #tpu.memory_space<hbm>>
    %dma_wait3A_378 = arith.constant 0 : i32
    %dma_wait3A_379 = arith.constant 0 : i32
    %dma_wait3A_380 = tpu.memref_slice %arg8[%dma_wait3A_367, %dma_wait3A_378, %dma_wait3A_379] : memref<2x125x128xf32, #tpu.memory_space<vmem>> -> memref<1x80x128xf32, #tpu.memory_space<vmem>>
    %dma_wait3A_381 = tpu.memref_squeeze %dma_wait3A_380 : memref<1x80x128xf32, #tpu.memory_space<vmem>> -> memref<80x128xf32, #tpu.memory_space<vmem>>
    tpu.wait_dma2 semaphore(%arg11 : memref<!tpu.dma_semaphore, #tpu.memory_space<semaphore_mem>>) src(%dma_wait3A_381 : memref<80x128xf32, #tpu.memory_space<vmem>>) dst(%dma_wait3A_377 : memref<80x128xf32, #tpu.memory_space<hbm>>)
    %add3A_382 = arith.constant 320 : i32
    %add3A_383 = arith.addi %mul3A_15, %add3A_382 : i32
    %run_scoped3A_384 = arith.constant 0 : i32
    "tpu.region"() ({
      %run_scoped3A_537 = tpu.sem_alloc : memref<!tpu.dma_semaphore, #tpu.memory_space<semaphore_mem>>
      %dma_start3A_538 = arith.constant 0 : i32
      %dma_start3A_539 = arith.constant 0 : i32
      %dma_start3A_540 = tpu.memref_slice %arg8[%run_scoped3A_384, %dma_start3A_538, %dma_start3A_539] : memref<2x125x128xf32, #tpu.memory_space<vmem>> -> memref<1x80x128xf32, #tpu.memory_space<vmem>>
      %dma_start3A_541 = tpu.memref_squeeze %dma_start3A_540 : memref<1x80x128xf32, #tpu.memory_space<vmem>> -> memref<80x128xf32, #tpu.memory_space<vmem>>
      %dma_start3A_542 = arith.constant 0 : i32
      %dma_start3A_543 = tpu.memref_slice %arg9[%add3A_383, %dma_start3A_542] : memref<10240x128xf32, #tpu.memory_space<vmem_shared>> -> memref<80x128xf32, #tpu.memory_space<vmem_shared>>
      %dma_start3A_544 = arith.constant 0 : i32
      %dma_start3A_545 = arith.constant 0 : i32
      %dma_start3A_546 = tpu.memref_slice %arg8[%run_scoped3A_384, %dma_start3A_544, %dma_start3A_545] : memref<2x125x128xf32, #tpu.memory_space<vmem>> -> memref<1x80x128xf32, #tpu.memory_space<vmem>>
      %dma_start3A_547 = tpu.memref_squeeze %dma_start3A_546 : memref<1x80x128xf32, #tpu.memory_space<vmem>> -> memref<80x128xf32, #tpu.memory_space<vmem>>
      %dma_start3A_548 = arith.constant 0 : i32
      %dma_start3A_549 = tpu.memref_slice %arg9[%add3A_383, %dma_start3A_548] : memref<10240x128xf32, #tpu.memory_space<vmem_shared>> -> memref<80x128xf32, #tpu.memory_space<vmem_shared>>
      tpu.enqueue_dma source(%dma_start3A_549 : memref<80x128xf32, #tpu.memory_space<vmem_shared>>) target(%dma_start3A_547 : memref<80x128xf32, #tpu.memory_space<vmem>>) target_semaphore(%run_scoped3A_537 : memref<!tpu.dma_semaphore, #tpu.memory_space<semaphore_mem>>)
      %dma_wait3A_550 = arith.constant 0 : i32
      %dma_wait3A_551 = arith.constant 0 : i32
      %dma_wait3A_552 = tpu.memref_slice %arg8[%run_scoped3A_384, %dma_wait3A_550, %dma_wait3A_551] : memref<2x125x128xf32, #tpu.memory_space<vmem>> -> memref<1x80x128xf32, #tpu.memory_space<vmem>>
      %dma_wait3A_553 = tpu.memref_squeeze %dma_wait3A_552 : memref<1x80x128xf32, #tpu.memory_space<vmem>> -> memref<80x128xf32, #tpu.memory_space<vmem>>
      %dma_wait3A_554 = arith.constant 0 : i32
      %dma_wait3A_555 = tpu.memref_slice %arg9[%add3A_383, %dma_wait3A_554] : memref<10240x128xf32, #tpu.memory_space<vmem_shared>> -> memref<80x128xf32, #tpu.memory_space<vmem_shared>>
      %dma_wait3A_556 = arith.constant 0 : i32
      %dma_wait3A_557 = arith.constant 0 : i32
      %dma_wait3A_558 = tpu.memref_slice %arg8[%run_scoped3A_384, %dma_wait3A_556, %dma_wait3A_557] : memref<2x125x128xf32, #tpu.memory_space<vmem>> -> memref<1x80x128xf32, #tpu.memory_space<vmem>>
      %dma_wait3A_559 = tpu.memref_squeeze %dma_wait3A_558 : memref<1x80x128xf32, #tpu.memory_space<vmem>> -> memref<80x128xf32, #tpu.memory_space<vmem>>
      %dma_wait3A_560 = arith.constant 0 : i32
      %dma_wait3A_561 = tpu.memref_slice %arg9[%add3A_383, %dma_wait3A_560] : memref<10240x128xf32, #tpu.memory_space<vmem_shared>> -> memref<80x128xf32, #tpu.memory_space<vmem_shared>>
      tpu.wait_dma2 semaphore(%run_scoped3A_537 : memref<!tpu.dma_semaphore, #tpu.memory_space<semaphore_mem>>) src(%dma_wait3A_561 : memref<80x128xf32, #tpu.memory_space<vmem_shared>>) dst(%dma_wait3A_559 : memref<80x128xf32, #tpu.memory_space<vmem>>)
      tpu.yield
    }) : () -> ()
    %add3A_385 = arith.constant 320 : i32
    %add3A_386 = arith.addi %mul3A_15, %add3A_385 : i32
    %dma_start3A_387 = arith.constant 0 : i32
    %dma_start3A_388 = arith.constant 0 : i32
    %dma_start3A_389 = arith.constant 0 : i32
    %dma_start3A_390 = tpu.memref_slice %arg8[%dma_start3A_387, %dma_start3A_388, %dma_start3A_389] : memref<2x125x128xf32, #tpu.memory_space<vmem>> -> memref<1x80x128xf32, #tpu.memory_space<vmem>>
    %dma_start3A_391 = tpu.memref_squeeze %dma_start3A_390 : memref<1x80x128xf32, #tpu.memory_space<vmem>> -> memref<80x128xf32, #tpu.memory_space<vmem>>
    %dma_start3A_392 = arith.constant 0 : i32
    %dma_start3A_393 = tpu.memref_slice %arg5[%arg0, %add3A_386, %dma_start3A_392] : memref<2x10240x128xf32, #tpu.memory_space<hbm>> -> memref<1x80x128xf32, #tpu.memory_space<hbm>>
    %dma_start3A_394 = tpu.memref_squeeze %dma_start3A_393 : memref<1x80x128xf32, #tpu.memory_space<hbm>> -> memref<80x128xf32, #tpu.memory_space<hbm>>
    %dma_start3A_395 = arith.constant 0 : i32
    %dma_start3A_396 = tpu.memref_slice %arg5[%arg0, %add3A_386, %dma_start3A_395] : memref<2x10240x128xf32, #tpu.memory_space<hbm>> -> memref<1x80x128xf32, #tpu.memory_space<hbm>>
    %dma_start3A_397 = tpu.memref_squeeze %dma_start3A_396 : memref<1x80x128xf32, #tpu.memory_space<hbm>> -> memref<80x128xf32, #tpu.memory_space<hbm>>
    %dma_start3A_398 = arith.constant 0 : i32
    %dma_start3A_399 = arith.constant 0 : i32
    %dma_start3A_400 = tpu.memref_slice %arg8[%dma_start3A_387, %dma_start3A_398, %dma_start3A_399] : memref<2x125x128xf32, #tpu.memory_space<vmem>> -> memref<1x80x128xf32, #tpu.memory_space<vmem>>
    %dma_start3A_401 = tpu.memref_squeeze %dma_start3A_400 : memref<1x80x128xf32, #tpu.memory_space<vmem>> -> memref<80x128xf32, #tpu.memory_space<vmem>>
    tpu.enqueue_dma source(%dma_start3A_401 : memref<80x128xf32, #tpu.memory_space<vmem>>) target(%dma_start3A_397 : memref<80x128xf32, #tpu.memory_space<hbm>>) target_semaphore(%arg11 : memref<!tpu.dma_semaphore, #tpu.memory_space<semaphore_mem>>)
    %dma_wait3A_402 = arith.constant 1 : i32
    %dma_wait3A_403 = arith.constant 0 : i32
    %dma_wait3A_404 = arith.constant 0 : i32
    %dma_wait3A_405 = tpu.memref_slice %arg8[%dma_wait3A_402, %dma_wait3A_403, %dma_wait3A_404] : memref<2x125x128xf32, #tpu.memory_space<vmem>> -> memref<1x80x128xf32, #tpu.memory_space<vmem>>
    %dma_wait3A_406 = tpu.memref_squeeze %dma_wait3A_405 : memref<1x80x128xf32, #tpu.memory_space<vmem>> -> memref<80x128xf32, #tpu.memory_space<vmem>>
    %dma_wait3A_407 = arith.constant 0 : i32
    %dma_wait3A_408 = tpu.memref_slice %arg5[%arg0, %add3A_351, %dma_wait3A_407] : memref<2x10240x128xf32, #tpu.memory_space<hbm>> -> memref<1x80x128xf32, #tpu.memory_space<hbm>>
    %dma_wait3A_409 = tpu.memref_squeeze %dma_wait3A_408 : memref<1x80x128xf32, #tpu.memory_space<hbm>> -> memref<80x128xf32, #tpu.memory_space<hbm>>
    %dma_wait3A_410 = arith.constant 0 : i32
    %dma_wait3A_411 = tpu.memref_slice %arg5[%arg0, %add3A_351, %dma_wait3A_410] : memref<2x10240x128xf32, #tpu.memory_space<hbm>> -> memref<1x80x128xf32, #tpu.memory_space<hbm>>
    %dma_wait3A_412 = tpu.memref_squeeze %dma_wait3A_411 : memref<1x80x128xf32, #tpu.memory_space<hbm>> -> memref<80x128xf32, #tpu.memory_space<hbm>>
    %dma_wait3A_413 = arith.constant 0 : i32
    %dma_wait3A_414 = arith.constant 0 : i32
    %dma_wait3A_415 = tpu.memref_slice %arg8[%dma_wait3A_402, %dma_wait3A_413, %dma_wait3A_414] : memref<2x125x128xf32, #tpu.memory_space<vmem>> -> memref<1x80x128xf32, #tpu.memory_space<vmem>>
    %dma_wait3A_416 = tpu.memref_squeeze %dma_wait3A_415 : memref<1x80x128xf32, #tpu.memory_space<vmem>> -> memref<80x128xf32, #tpu.memory_space<vmem>>
    tpu.wait_dma2 semaphore(%arg11 : memref<!tpu.dma_semaphore, #tpu.memory_space<semaphore_mem>>) src(%dma_wait3A_416 : memref<80x128xf32, #tpu.memory_space<vmem>>) dst(%dma_wait3A_412 : memref<80x128xf32, #tpu.memory_space<hbm>>)
    %add3A_417 = arith.constant 400 : i32
    %add3A_418 = arith.addi %mul3A_15, %add3A_417 : i32
    %run_scoped3A_419 = arith.constant 1 : i32
    "tpu.region"() ({
      %run_scoped3A_537 = tpu.sem_alloc : memref<!tpu.dma_semaphore, #tpu.memory_space<semaphore_mem>>
      %dma_start3A_538 = arith.constant 0 : i32
      %dma_start3A_539 = arith.constant 0 : i32
      %dma_start3A_540 = tpu.memref_slice %arg8[%run_scoped3A_419, %dma_start3A_538, %dma_start3A_539] : memref<2x125x128xf32, #tpu.memory_space<vmem>> -> memref<1x80x128xf32, #tpu.memory_space<vmem>>
      %dma_start3A_541 = tpu.memref_squeeze %dma_start3A_540 : memref<1x80x128xf32, #tpu.memory_space<vmem>> -> memref<80x128xf32, #tpu.memory_space<vmem>>
      %dma_start3A_542 = arith.constant 0 : i32
      %dma_start3A_543 = tpu.memref_slice %arg9[%add3A_418, %dma_start3A_542] : memref<10240x128xf32, #tpu.memory_space<vmem_shared>> -> memref<80x128xf32, #tpu.memory_space<vmem_shared>>
      %dma_start3A_544 = arith.constant 0 : i32
      %dma_start3A_545 = arith.constant 0 : i32
      %dma_start3A_546 = tpu.memref_slice %arg8[%run_scoped3A_419, %dma_start3A_544, %dma_start3A_545] : memref<2x125x128xf32, #tpu.memory_space<vmem>> -> memref<1x80x128xf32, #tpu.memory_space<vmem>>
      %dma_start3A_547 = tpu.memref_squeeze %dma_start3A_546 : memref<1x80x128xf32, #tpu.memory_space<vmem>> -> memref<80x128xf32, #tpu.memory_space<vmem>>
      %dma_start3A_548 = arith.constant 0 : i32
      %dma_start3A_549 = tpu.memref_slice %arg9[%add3A_418, %dma_start3A_548] : memref<10240x128xf32, #tpu.memory_space<vmem_shared>> -> memref<80x128xf32, #tpu.memory_space<vmem_shared>>
      tpu.enqueue_dma source(%dma_start3A_549 : memref<80x128xf32, #tpu.memory_space<vmem_shared>>) target(%dma_start3A_547 : memref<80x128xf32, #tpu.memory_space<vmem>>) target_semaphore(%run_scoped3A_537 : memref<!tpu.dma_semaphore, #tpu.memory_space<semaphore_mem>>)
      %dma_wait3A_550 = arith.constant 0 : i32
      %dma_wait3A_551 = arith.constant 0 : i32
      %dma_wait3A_552 = tpu.memref_slice %arg8[%run_scoped3A_419, %dma_wait3A_550, %dma_wait3A_551] : memref<2x125x128xf32, #tpu.memory_space<vmem>> -> memref<1x80x128xf32, #tpu.memory_space<vmem>>
      %dma_wait3A_553 = tpu.memref_squeeze %dma_wait3A_552 : memref<1x80x128xf32, #tpu.memory_space<vmem>> -> memref<80x128xf32, #tpu.memory_space<vmem>>
      %dma_wait3A_554 = arith.constant 0 : i32
      %dma_wait3A_555 = tpu.memref_slice %arg9[%add3A_418, %dma_wait3A_554] : memref<10240x128xf32, #tpu.memory_space<vmem_shared>> -> memref<80x128xf32, #tpu.memory_space<vmem_shared>>
      %dma_wait3A_556 = arith.constant 0 : i32
      %dma_wait3A_557 = arith.constant 0 : i32
      %dma_wait3A_558 = tpu.memref_slice %arg8[%run_scoped3A_419, %dma_wait3A_556, %dma_wait3A_557] : memref<2x125x128xf32, #tpu.memory_space<vmem>> -> memref<1x80x128xf32, #tpu.memory_space<vmem>>
      %dma_wait3A_559 = tpu.memref_squeeze %dma_wait3A_558 : memref<1x80x128xf32, #tpu.memory_space<vmem>> -> memref<80x128xf32, #tpu.memory_space<vmem>>
      %dma_wait3A_560 = arith.constant 0 : i32
      %dma_wait3A_561 = tpu.memref_slice %arg9[%add3A_418, %dma_wait3A_560] : memref<10240x128xf32, #tpu.memory_space<vmem_shared>> -> memref<80x128xf32, #tpu.memory_space<vmem_shared>>
      tpu.wait_dma2 semaphore(%run_scoped3A_537 : memref<!tpu.dma_semaphore, #tpu.memory_space<semaphore_mem>>) src(%dma_wait3A_561 : memref<80x128xf32, #tpu.memory_space<vmem_shared>>) dst(%dma_wait3A_559 : memref<80x128xf32, #tpu.memory_space<vmem>>)
      tpu.yield
    }) : () -> ()
    %add3A_420 = arith.constant 400 : i32
    %add3A_421 = arith.addi %mul3A_15, %add3A_420 : i32
    %dma_start3A_422 = arith.constant 1 : i32
    %dma_start3A_423 = arith.constant 0 : i32
    %dma_start3A_424 = arith.constant 0 : i32
    %dma_start3A_425 = tpu.memref_slice %arg8[%dma_start3A_422, %dma_start3A_423, %dma_start3A_424] : memref<2x125x128xf32, #tpu.memory_space<vmem>> -> memref<1x80x128xf32, #tpu.memory_space<vmem>>
    %dma_start3A_426 = tpu.memref_squeeze %dma_start3A_425 : memref<1x80x128xf32, #tpu.memory_space<vmem>> -> memref<80x128xf32, #tpu.memory_space<vmem>>
    %dma_start3A_427 = arith.constant 0 : i32
    %dma_start3A_428 = tpu.memref_slice %arg5[%arg0, %add3A_421, %dma_start3A_427] : memref<2x10240x128xf32, #tpu.memory_space<hbm>> -> memref<1x80x128xf32, #tpu.memory_space<hbm>>
    %dma_start3A_429 = tpu.memref_squeeze %dma_start3A_428 : memref<1x80x128xf32, #tpu.memory_space<hbm>> -> memref<80x128xf32, #tpu.memory_space<hbm>>
    %dma_start3A_430 = arith.constant 0 : i32
    %dma_start3A_431 = tpu.memref_slice %arg5[%arg0, %add3A_421, %dma_start3A_430] : memref<2x10240x128xf32, #tpu.memory_space<hbm>> -> memref<1x80x128xf32, #tpu.memory_space<hbm>>
    %dma_start3A_432 = tpu.memref_squeeze %dma_start3A_431 : memref<1x80x128xf32, #tpu.memory_space<hbm>> -> memref<80x128xf32, #tpu.memory_space<hbm>>
    %dma_start3A_433 = arith.constant 0 : i32
    %dma_start3A_434 = arith.constant 0 : i32
    %dma_start3A_435 = tpu.memref_slice %arg8[%dma_start3A_422, %dma_start3A_433, %dma_start3A_434] : memref<2x125x128xf32, #tpu.memory_space<vmem>> -> memref<1x80x128xf32, #tpu.memory_space<vmem>>
    %dma_start3A_436 = tpu.memref_squeeze %dma_start3A_435 : memref<1x80x128xf32, #tpu.memory_space<vmem>> -> memref<80x128xf32, #tpu.memory_space<vmem>>
    tpu.enqueue_dma source(%dma_start3A_436 : memref<80x128xf32, #tpu.memory_space<vmem>>) target(%dma_start3A_432 : memref<80x128xf32, #tpu.memory_space<hbm>>) target_semaphore(%arg11 : memref<!tpu.dma_semaphore, #tpu.memory_space<semaphore_mem>>)
    %dma_wait3A_437 = arith.constant 0 : i32
    %dma_wait3A_438 = arith.constant 0 : i32
    %dma_wait3A_439 = arith.constant 0 : i32
    %dma_wait3A_440 = tpu.memref_slice %arg8[%dma_wait3A_437, %dma_wait3A_438, %dma_wait3A_439] : memref<2x125x128xf32, #tpu.memory_space<vmem>> -> memref<1x80x128xf32, #tpu.memory_space<vmem>>
    %dma_wait3A_441 = tpu.memref_squeeze %dma_wait3A_440 : memref<1x80x128xf32, #tpu.memory_space<vmem>> -> memref<80x128xf32, #tpu.memory_space<vmem>>
    %dma_wait3A_442 = arith.constant 0 : i32
    %dma_wait3A_443 = tpu.memref_slice %arg5[%arg0, %add3A_386, %dma_wait3A_442] : memref<2x10240x128xf32, #tpu.memory_space<hbm>> -> memref<1x80x128xf32, #tpu.memory_space<hbm>>
    %dma_wait3A_444 = tpu.memref_squeeze %dma_wait3A_443 : memref<1x80x128xf32, #tpu.memory_space<hbm>> -> memref<80x128xf32, #tpu.memory_space<hbm>>
    %dma_wait3A_445 = arith.constant 0 : i32
    %dma_wait3A_446 = tpu.memref_slice %arg5[%arg0, %add3A_386, %dma_wait3A_445] : memref<2x10240x128xf32, #tpu.memory_space<hbm>> -> memref<1x80x128xf32, #tpu.memory_space<hbm>>
    %dma_wait3A_447 = tpu.memref_squeeze %dma_wait3A_446 : memref<1x80x128xf32, #tpu.memory_space<hbm>> -> memref<80x128xf32, #tpu.memory_space<hbm>>
    %dma_wait3A_448 = arith.constant 0 : i32
    %dma_wait3A_449 = arith.constant 0 : i32
    %dma_wait3A_450 = tpu.memref_slice %arg8[%dma_wait3A_437, %dma_wait3A_448, %dma_wait3A_449] : memref<2x125x128xf32, #tpu.memory_space<vmem>> -> memref<1x80x128xf32, #tpu.memory_space<vmem>>
    %dma_wait3A_451 = tpu.memref_squeeze %dma_wait3A_450 : memref<1x80x128xf32, #tpu.memory_space<vmem>> -> memref<80x128xf32, #tpu.memory_space<vmem>>
    tpu.wait_dma2 semaphore(%arg11 : memref<!tpu.dma_semaphore, #tpu.memory_space<semaphore_mem>>) src(%dma_wait3A_451 : memref<80x128xf32, #tpu.memory_space<vmem>>) dst(%dma_wait3A_447 : memref<80x128xf32, #tpu.memory_space<hbm>>)
    %add3A_452 = arith.constant 480 : i32
    %add3A_453 = arith.addi %mul3A_15, %add3A_452 : i32
    %run_scoped3A_454 = arith.constant 0 : i32
    "tpu.region"() ({
      %run_scoped3A_537 = tpu.sem_alloc : memref<!tpu.dma_semaphore, #tpu.memory_space<semaphore_mem>>
      %dma_start3A_538 = arith.constant 0 : i32
      %dma_start3A_539 = arith.constant 0 : i32
      %dma_start3A_540 = tpu.memref_slice %arg8[%run_scoped3A_454, %dma_start3A_538, %dma_start3A_539] : memref<2x125x128xf32, #tpu.memory_space<vmem>> -> memref<1x80x128xf32, #tpu.memory_space<vmem>>
      %dma_start3A_541 = tpu.memref_squeeze %dma_start3A_540 : memref<1x80x128xf32, #tpu.memory_space<vmem>> -> memref<80x128xf32, #tpu.memory_space<vmem>>
      %dma_start3A_542 = arith.constant 0 : i32
      %dma_start3A_543 = tpu.memref_slice %arg9[%add3A_453, %dma_start3A_542] : memref<10240x128xf32, #tpu.memory_space<vmem_shared>> -> memref<80x128xf32, #tpu.memory_space<vmem_shared>>
      %dma_start3A_544 = arith.constant 0 : i32
      %dma_start3A_545 = arith.constant 0 : i32
      %dma_start3A_546 = tpu.memref_slice %arg8[%run_scoped3A_454, %dma_start3A_544, %dma_start3A_545] : memref<2x125x128xf32, #tpu.memory_space<vmem>> -> memref<1x80x128xf32, #tpu.memory_space<vmem>>
      %dma_start3A_547 = tpu.memref_squeeze %dma_start3A_546 : memref<1x80x128xf32, #tpu.memory_space<vmem>> -> memref<80x128xf32, #tpu.memory_space<vmem>>
      %dma_start3A_548 = arith.constant 0 : i32
      %dma_start3A_549 = tpu.memref_slice %arg9[%add3A_453, %dma_start3A_548] : memref<10240x128xf32, #tpu.memory_space<vmem_shared>> -> memref<80x128xf32, #tpu.memory_space<vmem_shared>>
      tpu.enqueue_dma source(%dma_start3A_549 : memref<80x128xf32, #tpu.memory_space<vmem_shared>>) target(%dma_start3A_547 : memref<80x128xf32, #tpu.memory_space<vmem>>) target_semaphore(%run_scoped3A_537 : memref<!tpu.dma_semaphore, #tpu.memory_space<semaphore_mem>>)
      %dma_wait3A_550 = arith.constant 0 : i32
      %dma_wait3A_551 = arith.constant 0 : i32
      %dma_wait3A_552 = tpu.memref_slice %arg8[%run_scoped3A_454, %dma_wait3A_550, %dma_wait3A_551] : memref<2x125x128xf32, #tpu.memory_space<vmem>> -> memref<1x80x128xf32, #tpu.memory_space<vmem>>
      %dma_wait3A_553 = tpu.memref_squeeze %dma_wait3A_552 : memref<1x80x128xf32, #tpu.memory_space<vmem>> -> memref<80x128xf32, #tpu.memory_space<vmem>>
      %dma_wait3A_554 = arith.constant 0 : i32
      %dma_wait3A_555 = tpu.memref_slice %arg9[%add3A_453, %dma_wait3A_554] : memref<10240x128xf32, #tpu.memory_space<vmem_shared>> -> memref<80x128xf32, #tpu.memory_space<vmem_shared>>
      %dma_wait3A_556 = arith.constant 0 : i32
      %dma_wait3A_557 = arith.constant 0 : i32
      %dma_wait3A_558 = tpu.memref_slice %arg8[%run_scoped3A_454, %dma_wait3A_556, %dma_wait3A_557] : memref<2x125x128xf32, #tpu.memory_space<vmem>> -> memref<1x80x128xf32, #tpu.memory_space<vmem>>
      %dma_wait3A_559 = tpu.memref_squeeze %dma_wait3A_558 : memref<1x80x128xf32, #tpu.memory_space<vmem>> -> memref<80x128xf32, #tpu.memory_space<vmem>>
      %dma_wait3A_560 = arith.constant 0 : i32
      %dma_wait3A_561 = tpu.memref_slice %arg9[%add3A_453, %dma_wait3A_560] : memref<10240x128xf32, #tpu.memory_space<vmem_shared>> -> memref<80x128xf32, #tpu.memory_space<vmem_shared>>
      tpu.wait_dma2 semaphore(%run_scoped3A_537 : memref<!tpu.dma_semaphore, #tpu.memory_space<semaphore_mem>>) src(%dma_wait3A_561 : memref<80x128xf32, #tpu.memory_space<vmem_shared>>) dst(%dma_wait3A_559 : memref<80x128xf32, #tpu.memory_space<vmem>>)
      tpu.yield
    }) : () -> ()
    %add3A_455 = arith.constant 480 : i32
    %add3A_456 = arith.addi %mul3A_15, %add3A_455 : i32
    %dma_start3A_457 = arith.constant 0 : i32
    %dma_start3A_458 = arith.constant 0 : i32
    %dma_start3A_459 = arith.constant 0 : i32
    %dma_start3A_460 = tpu.memref_slice %arg8[%dma_start3A_457, %dma_start3A_458, %dma_start3A_459] : memref<2x125x128xf32, #tpu.memory_space<vmem>> -> memref<1x80x128xf32, #tpu.memory_space<vmem>>
    %dma_start3A_461 = tpu.memref_squeeze %dma_start3A_460 : memref<1x80x128xf32, #tpu.memory_space<vmem>> -> memref<80x128xf32, #tpu.memory_space<vmem>>
    %dma_start3A_462 = arith.constant 0 : i32
    %dma_start3A_463 = tpu.memref_slice %arg5[%arg0, %add3A_456, %dma_start3A_462] : memref<2x10240x128xf32, #tpu.memory_space<hbm>> -> memref<1x80x128xf32, #tpu.memory_space<hbm>>
    %dma_start3A_464 = tpu.memref_squeeze %dma_start3A_463 : memref<1x80x128xf32, #tpu.memory_space<hbm>> -> memref<80x128xf32, #tpu.memory_space<hbm>>
    %dma_start3A_465 = arith.constant 0 : i32
    %dma_start3A_466 = tpu.memref_slice %arg5[%arg0, %add3A_456, %dma_start3A_465] : memref<2x10240x128xf32, #tpu.memory_space<hbm>> -> memref<1x80x128xf32, #tpu.memory_space<hbm>>
    %dma_start3A_467 = tpu.memref_squeeze %dma_start3A_466 : memref<1x80x128xf32, #tpu.memory_space<hbm>> -> memref<80x128xf32, #tpu.memory_space<hbm>>
    %dma_start3A_468 = arith.constant 0 : i32
    %dma_start3A_469 = arith.constant 0 : i32
    %dma_start3A_470 = tpu.memref_slice %arg8[%dma_start3A_457, %dma_start3A_468, %dma_start3A_469] : memref<2x125x128xf32, #tpu.memory_space<vmem>> -> memref<1x80x128xf32, #tpu.memory_space<vmem>>
    %dma_start3A_471 = tpu.memref_squeeze %dma_start3A_470 : memref<1x80x128xf32, #tpu.memory_space<vmem>> -> memref<80x128xf32, #tpu.memory_space<vmem>>
    tpu.enqueue_dma source(%dma_start3A_471 : memref<80x128xf32, #tpu.memory_space<vmem>>) target(%dma_start3A_467 : memref<80x128xf32, #tpu.memory_space<hbm>>) target_semaphore(%arg11 : memref<!tpu.dma_semaphore, #tpu.memory_space<semaphore_mem>>)
    %dma_wait3A_472 = arith.constant 1 : i32
    %dma_wait3A_473 = arith.constant 0 : i32
    %dma_wait3A_474 = arith.constant 0 : i32
    %dma_wait3A_475 = tpu.memref_slice %arg8[%dma_wait3A_472, %dma_wait3A_473, %dma_wait3A_474] : memref<2x125x128xf32, #tpu.memory_space<vmem>> -> memref<1x80x128xf32, #tpu.memory_space<vmem>>
    %dma_wait3A_476 = tpu.memref_squeeze %dma_wait3A_475 : memref<1x80x128xf32, #tpu.memory_space<vmem>> -> memref<80x128xf32, #tpu.memory_space<vmem>>
    %dma_wait3A_477 = arith.constant 0 : i32
    %dma_wait3A_478 = tpu.memref_slice %arg5[%arg0, %add3A_421, %dma_wait3A_477] : memref<2x10240x128xf32, #tpu.memory_space<hbm>> -> memref<1x80x128xf32, #tpu.memory_space<hbm>>
    %dma_wait3A_479 = tpu.memref_squeeze %dma_wait3A_478 : memref<1x80x128xf32, #tpu.memory_space<hbm>> -> memref<80x128xf32, #tpu.memory_space<hbm>>
    %dma_wait3A_480 = arith.constant 0 : i32
    %dma_wait3A_481 = tpu.memref_slice %arg5[%arg0, %add3A_421, %dma_wait3A_480] : memref<2x10240x128xf32, #tpu.memory_space<hbm>> -> memref<1x80x128xf32, #tpu.memory_space<hbm>>
    %dma_wait3A_482 = tpu.memref_squeeze %dma_wait3A_481 : memref<1x80x128xf32, #tpu.memory_space<hbm>> -> memref<80x128xf32, #tpu.memory_space<hbm>>
    %dma_wait3A_483 = arith.constant 0 : i32
    %dma_wait3A_484 = arith.constant 0 : i32
    %dma_wait3A_485 = tpu.memref_slice %arg8[%dma_wait3A_472, %dma_wait3A_483, %dma_wait3A_484] : memref<2x125x128xf32, #tpu.memory_space<vmem>> -> memref<1x80x128xf32, #tpu.memory_space<vmem>>
    %dma_wait3A_486 = tpu.memref_squeeze %dma_wait3A_485 : memref<1x80x128xf32, #tpu.memory_space<vmem>> -> memref<80x128xf32, #tpu.memory_space<vmem>>
    tpu.wait_dma2 semaphore(%arg11 : memref<!tpu.dma_semaphore, #tpu.memory_space<semaphore_mem>>) src(%dma_wait3A_486 : memref<80x128xf32, #tpu.memory_space<vmem>>) dst(%dma_wait3A_482 : memref<80x128xf32, #tpu.memory_space<hbm>>)
    %add3A_487 = arith.constant 560 : i32
    %add3A_488 = arith.addi %mul3A_15, %add3A_487 : i32
    %run_scoped3A_489 = arith.constant 1 : i32
    "tpu.region"() ({
      %run_scoped3A_537 = tpu.sem_alloc : memref<!tpu.dma_semaphore, #tpu.memory_space<semaphore_mem>>
      %dma_start3A_538 = arith.constant 0 : i32
      %dma_start3A_539 = arith.constant 0 : i32
      %dma_start3A_540 = tpu.memref_slice %arg8[%run_scoped3A_489, %dma_start3A_538, %dma_start3A_539] : memref<2x125x128xf32, #tpu.memory_space<vmem>> -> memref<1x80x128xf32, #tpu.memory_space<vmem>>
      %dma_start3A_541 = tpu.memref_squeeze %dma_start3A_540 : memref<1x80x128xf32, #tpu.memory_space<vmem>> -> memref<80x128xf32, #tpu.memory_space<vmem>>
      %dma_start3A_542 = arith.constant 0 : i32
      %dma_start3A_543 = tpu.memref_slice %arg9[%add3A_488, %dma_start3A_542] : memref<10240x128xf32, #tpu.memory_space<vmem_shared>> -> memref<80x128xf32, #tpu.memory_space<vmem_shared>>
      %dma_start3A_544 = arith.constant 0 : i32
      %dma_start3A_545 = arith.constant 0 : i32
      %dma_start3A_546 = tpu.memref_slice %arg8[%run_scoped3A_489, %dma_start3A_544, %dma_start3A_545] : memref<2x125x128xf32, #tpu.memory_space<vmem>> -> memref<1x80x128xf32, #tpu.memory_space<vmem>>
      %dma_start3A_547 = tpu.memref_squeeze %dma_start3A_546 : memref<1x80x128xf32, #tpu.memory_space<vmem>> -> memref<80x128xf32, #tpu.memory_space<vmem>>
      %dma_start3A_548 = arith.constant 0 : i32
      %dma_start3A_549 = tpu.memref_slice %arg9[%add3A_488, %dma_start3A_548] : memref<10240x128xf32, #tpu.memory_space<vmem_shared>> -> memref<80x128xf32, #tpu.memory_space<vmem_shared>>
      tpu.enqueue_dma source(%dma_start3A_549 : memref<80x128xf32, #tpu.memory_space<vmem_shared>>) target(%dma_start3A_547 : memref<80x128xf32, #tpu.memory_space<vmem>>) target_semaphore(%run_scoped3A_537 : memref<!tpu.dma_semaphore, #tpu.memory_space<semaphore_mem>>)
      %dma_wait3A_550 = arith.constant 0 : i32
      %dma_wait3A_551 = arith.constant 0 : i32
      %dma_wait3A_552 = tpu.memref_slice %arg8[%run_scoped3A_489, %dma_wait3A_550, %dma_wait3A_551] : memref<2x125x128xf32, #tpu.memory_space<vmem>> -> memref<1x80x128xf32, #tpu.memory_space<vmem>>
      %dma_wait3A_553 = tpu.memref_squeeze %dma_wait3A_552 : memref<1x80x128xf32, #tpu.memory_space<vmem>> -> memref<80x128xf32, #tpu.memory_space<vmem>>
      %dma_wait3A_554 = arith.constant 0 : i32
      %dma_wait3A_555 = tpu.memref_slice %arg9[%add3A_488, %dma_wait3A_554] : memref<10240x128xf32, #tpu.memory_space<vmem_shared>> -> memref<80x128xf32, #tpu.memory_space<vmem_shared>>
      %dma_wait3A_556 = arith.constant 0 : i32
      %dma_wait3A_557 = arith.constant 0 : i32
      %dma_wait3A_558 = tpu.memref_slice %arg8[%run_scoped3A_489, %dma_wait3A_556, %dma_wait3A_557] : memref<2x125x128xf32, #tpu.memory_space<vmem>> -> memref<1x80x128xf32, #tpu.memory_space<vmem>>
      %dma_wait3A_559 = tpu.memref_squeeze %dma_wait3A_558 : memref<1x80x128xf32, #tpu.memory_space<vmem>> -> memref<80x128xf32, #tpu.memory_space<vmem>>
      %dma_wait3A_560 = arith.constant 0 : i32
      %dma_wait3A_561 = tpu.memref_slice %arg9[%add3A_488, %dma_wait3A_560] : memref<10240x128xf32, #tpu.memory_space<vmem_shared>> -> memref<80x128xf32, #tpu.memory_space<vmem_shared>>
      tpu.wait_dma2 semaphore(%run_scoped3A_537 : memref<!tpu.dma_semaphore, #tpu.memory_space<semaphore_mem>>) src(%dma_wait3A_561 : memref<80x128xf32, #tpu.memory_space<vmem_shared>>) dst(%dma_wait3A_559 : memref<80x128xf32, #tpu.memory_space<vmem>>)
      tpu.yield
    }) : () -> ()
    %add3A_490 = arith.constant 560 : i32
    %add3A_491 = arith.addi %mul3A_15, %add3A_490 : i32
    %dma_start3A_492 = arith.constant 1 : i32
    %dma_start3A_493 = arith.constant 0 : i32
    %dma_start3A_494 = arith.constant 0 : i32
    %dma_start3A_495 = tpu.memref_slice %arg8[%dma_start3A_492, %dma_start3A_493, %dma_start3A_494] : memref<2x125x128xf32, #tpu.memory_space<vmem>> -> memref<1x80x128xf32, #tpu.memory_space<vmem>>
    %dma_start3A_496 = tpu.memref_squeeze %dma_start3A_495 : memref<1x80x128xf32, #tpu.memory_space<vmem>> -> memref<80x128xf32, #tpu.memory_space<vmem>>
    %dma_start3A_497 = arith.constant 0 : i32
    %dma_start3A_498 = tpu.memref_slice %arg5[%arg0, %add3A_491, %dma_start3A_497] : memref<2x10240x128xf32, #tpu.memory_space<hbm>> -> memref<1x80x128xf32, #tpu.memory_space<hbm>>
    %dma_start3A_499 = tpu.memref_squeeze %dma_start3A_498 : memref<1x80x128xf32, #tpu.memory_space<hbm>> -> memref<80x128xf32, #tpu.memory_space<hbm>>
    %dma_start3A_500 = arith.constant 0 : i32
    %dma_start3A_501 = tpu.memref_slice %arg5[%arg0, %add3A_491, %dma_start3A_500] : memref<2x10240x128xf32, #tpu.memory_space<hbm>> -> memref<1x80x128xf32, #tpu.memory_space<hbm>>
    %dma_start3A_502 = tpu.memref_squeeze %dma_start3A_501 : memref<1x80x128xf32, #tpu.memory_space<hbm>> -> memref<80x128xf32, #tpu.memory_space<hbm>>
    %dma_start3A_503 = arith.constant 0 : i32
    %dma_start3A_504 = arith.constant 0 : i32
    %dma_start3A_505 = tpu.memref_slice %arg8[%dma_start3A_492, %dma_start3A_503, %dma_start3A_504] : memref<2x125x128xf32, #tpu.memory_space<vmem>> -> memref<1x80x128xf32, #tpu.memory_space<vmem>>
    %dma_start3A_506 = tpu.memref_squeeze %dma_start3A_505 : memref<1x80x128xf32, #tpu.memory_space<vmem>> -> memref<80x128xf32, #tpu.memory_space<vmem>>
    tpu.enqueue_dma source(%dma_start3A_506 : memref<80x128xf32, #tpu.memory_space<vmem>>) target(%dma_start3A_502 : memref<80x128xf32, #tpu.memory_space<hbm>>) target_semaphore(%arg11 : memref<!tpu.dma_semaphore, #tpu.memory_space<semaphore_mem>>)
    %dma_wait3A_507 = arith.constant 0 : i32
    %dma_wait3A_508 = arith.constant 0 : i32
    %dma_wait3A_509 = arith.constant 0 : i32
    %dma_wait3A_510 = tpu.memref_slice %arg8[%dma_wait3A_507, %dma_wait3A_508, %dma_wait3A_509] : memref<2x125x128xf32, #tpu.memory_space<vmem>> -> memref<1x80x128xf32, #tpu.memory_space<vmem>>
    %dma_wait3A_511 = tpu.memref_squeeze %dma_wait3A_510 : memref<1x80x128xf32, #tpu.memory_space<vmem>> -> memref<80x128xf32, #tpu.memory_space<vmem>>
    %dma_wait3A_512 = arith.constant 0 : i32
    %dma_wait3A_513 = tpu.memref_slice %arg5[%arg0, %add3A_456, %dma_wait3A_512] : memref<2x10240x128xf32, #tpu.memory_space<hbm>> -> memref<1x80x128xf32, #tpu.memory_space<hbm>>
    %dma_wait3A_514 = tpu.memref_squeeze %dma_wait3A_513 : memref<1x80x128xf32, #tpu.memory_space<hbm>> -> memref<80x128xf32, #tpu.memory_space<hbm>>
    %dma_wait3A_515 = arith.constant 0 : i32
    %dma_wait3A_516 = tpu.memref_slice %arg5[%arg0, %add3A_456, %dma_wait3A_515] : memref<2x10240x128xf32, #tpu.memory_space<hbm>> -> memref<1x80x128xf32, #tpu.memory_space<hbm>>
    %dma_wait3A_517 = tpu.memref_squeeze %dma_wait3A_516 : memref<1x80x128xf32, #tpu.memory_space<hbm>> -> memref<80x128xf32, #tpu.memory_space<hbm>>
    %dma_wait3A_518 = arith.constant 0 : i32
    %dma_wait3A_519 = arith.constant 0 : i32
    %dma_wait3A_520 = tpu.memref_slice %arg8[%dma_wait3A_507, %dma_wait3A_518, %dma_wait3A_519] : memref<2x125x128xf32, #tpu.memory_space<vmem>> -> memref<1x80x128xf32, #tpu.memory_space<vmem>>
    %dma_wait3A_521 = tpu.memref_squeeze %dma_wait3A_520 : memref<1x80x128xf32, #tpu.memory_space<vmem>> -> memref<80x128xf32, #tpu.memory_space<vmem>>
    tpu.wait_dma2 semaphore(%arg11 : memref<!tpu.dma_semaphore, #tpu.memory_space<semaphore_mem>>) src(%dma_wait3A_521 : memref<80x128xf32, #tpu.memory_space<vmem>>) dst(%dma_wait3A_517 : memref<80x128xf32, #tpu.memory_space<hbm>>)
    %dma_wait3A_522 = arith.constant 1 : i32
    %dma_wait3A_523 = arith.constant 0 : i32
    %dma_wait3A_524 = arith.constant 0 : i32
    %dma_wait3A_525 = tpu.memref_slice %arg8[%dma_wait3A_522, %dma_wait3A_523, %dma_wait3A_524] : memref<2x125x128xf32, #tpu.memory_space<vmem>> -> memref<1x80x128xf32, #tpu.memory_space<vmem>>
    %dma_wait3A_526 = tpu.memref_squeeze %dma_wait3A_525 : memref<1x80x128xf32, #tpu.memory_space<vmem>> -> memref<80x128xf32, #tpu.memory_space<vmem>>
    %dma_wait3A_527 = arith.constant 0 : i32
    %dma_wait3A_528 = tpu.memref_slice %arg5[%arg0, %add3A_491, %dma_wait3A_527] : memref<2x10240x128xf32, #tpu.memory_space<hbm>> -> memref<1x80x128xf32, #tpu.memory_space<hbm>>
    %dma_wait3A_529 = tpu.memref_squeeze %dma_wait3A_528 : memref<1x80x128xf32, #tpu.memory_space<hbm>> -> memref<80x128xf32, #tpu.memory_space<hbm>>
    %dma_wait3A_530 = arith.constant 0 : i32
    %dma_wait3A_531 = tpu.memref_slice %arg5[%arg0, %add3A_491, %dma_wait3A_530] : memref<2x10240x128xf32, #tpu.memory_space<hbm>> -> memref<1x80x128xf32, #tpu.memory_space<hbm>>
    %dma_wait3A_532 = tpu.memref_squeeze %dma_wait3A_531 : memref<1x80x128xf32, #tpu.memory_space<hbm>> -> memref<80x128xf32, #tpu.memory_space<hbm>>
    %dma_wait3A_533 = arith.constant 0 : i32
    %dma_wait3A_534 = arith.constant 0 : i32
    %dma_wait3A_535 = tpu.memref_slice %arg8[%dma_wait3A_522, %dma_wait3A_533, %dma_wait3A_534] : memref<2x125x128xf32, #tpu.memory_space<vmem>> -> memref<1x80x128xf32, #tpu.memory_space<vmem>>
    %dma_wait3A_536 = tpu.memref_squeeze %dma_wait3A_535 : memref<1x80x128xf32, #tpu.memory_space<vmem>> -> memref<80x128xf32, #tpu.memory_space<vmem>>
    tpu.wait_dma2 semaphore(%arg11 : memref<!tpu.dma_semaphore, #tpu.memory_space<semaphore_mem>>) src(%dma_wait3A_536 : memref<80x128xf32, #tpu.memory_space<vmem>>) dst(%dma_wait3A_532 : memref<80x128xf32, #tpu.memory_space<hbm>>)
    return
  }
}

#map = affine_map<(d0, d1) -> (0, 0)>
#map1 = affine_map<(d0, d1) -> (0, 0, 0, 0)>
#map2 = affine_map<(d0, d1) -> (0, 0, 0)>
module attributes {stable_mosaic.version = 14 : i64} {
  func.func @sc_edge_scatter(%arg0: i32, %arg1: i32, %arg2: memref<10000x128xf32, #tpu.memory_space<hbm>>, %arg3: memref<2x32x40x125xi32, #tpu.memory_space<hbm>>, %arg4: memref<80x128xf32, #tpu.memory_space<hbm>>, %arg5: memref<2x10240x128xf32, #tpu.memory_space<hbm>>, %arg6: memref<40x125xi32, #tpu.memory_space<vmem>>, %arg7: memref<40x125xi32, #tpu.memory_space<vmem>>, %arg8: memref<2x125x128xf32, #tpu.memory_space<vmem>>, %arg9: memref<10240x128xf32, #tpu.memory_space<vmem_shared>>, %arg10: memref<!tpu.dma_semaphore, #tpu.memory_space<semaphore_mem>>, %arg11: memref<!tpu.dma_semaphore, #tpu.memory_space<semaphore_mem>>) attributes {dimension_semantics = [#tpu.dimension_semantics<core_parallel>, #tpu.dimension_semantics<subcore_parallel>], iteration_bounds = array<i64: 2, 16>, scalar_prefetch = 0 : i64, scratch_operands = 6 : i64, tpu.core_type = #tpu.core_type<sc_vector_subcore>, window_params = [{transform_indices = #map}, {transform_indices = #map1}, {transform_indices = #map}, {transform_indices = #map2}]} {
    %mul3A = arith.constant 16 : i32
    %mul3A_0 = arith.muli %arg0, %mul3A : i32
    %add3A = arith.addi %mul3A_0, %arg1 : i32
    %run_scoped3A = arith.constant 0 : i32
    "tpu.region"() ({
      %run_scoped3A_537 = tpu.sem_alloc : memref<!tpu.dma_semaphore, #tpu.memory_space<semaphore_mem>>
      %dma_start3A_538 = arith.constant 0 : i32
      %dma_start3A_539 = arith.constant 0 : i32
      %dma_start3A_540 = tpu.memref_slice %arg3[%run_scoped3A, %add3A, %dma_start3A_538, %dma_start3A_539] : memref<2x32x40x125xi32, #tpu.memory_space<hbm>> -> memref<1x1x40x125xi32, #tpu.memory_space<hbm>>
      %dma_start3A_541 = tpu.memref_squeeze %dma_start3A_540 : memref<1x1x40x125xi32, #tpu.memory_space<hbm>> -> memref<40x125xi32, #tpu.memory_space<hbm>>
      %dma_start3A_542 = arith.constant 0 : i32
      %dma_start3A_543 = arith.constant 0 : i32
      %dma_start3A_544 = tpu.memref_slice %arg3[%run_scoped3A, %add3A, %dma_start3A_542, %dma_start3A_543] : memref<2x32x40x125xi32, #tpu.memory_space<hbm>> -> memref<1x1x40x125xi32, #tpu.memory_space<hbm>>
      %dma_start3A_545 = tpu.memref_squeeze %dma_start3A_544 : memref<1x1x40x125xi32, #tpu.memory_space<hbm>> -> memref<40x125xi32, #tpu.memory_space<hbm>>
      tpu.enqueue_dma source(%dma_start3A_545 : memref<40x125xi32, #tpu.memory_space<hbm>>) target(%arg6 : memref<40x125xi32, #tpu.memory_space<vmem>>) target_semaphore(%run_scoped3A_537 : memref<!tpu.dma_semaphore, #tpu.memory_space<semaphore_mem>>)
      %dma_wait3A_546 = arith.constant 0 : i32
      %dma_wait3A_547 = arith.constant 0 : i32
      %dma_wait3A_548 = tpu.memref_slice %arg3[%run_scoped3A, %add3A, %dma_wait3A_546, %dma_wait3A_547] : memref<2x32x40x125xi32, #tpu.memory_space<hbm>> -> memref<1x1x40x125xi32, #tpu.memory_space<hbm>>
      %dma_wait3A_549 = tpu.memref_squeeze %dma_wait3A_548 : memref<1x1x40x125xi32, #tpu.memory_space<hbm>> -> memref<40x125xi32, #tpu.memory_space<hbm>>
      %dma_wait3A_550 = arith.constant 0 : i32
      %dma_wait3A_551 = arith.constant 0 : i32
      %dma_wait3A_552 = tpu.memref_slice %arg3[%run_scoped3A, %add3A, %dma_wait3A_550, %dma_wait3A_551] : memref<2x32x40x125xi32, #tpu.memory_space<hbm>> -> memref<1x1x40x125xi32, #tpu.memory_space<hbm>>
      %dma_wait3A_553 = tpu.memref_squeeze %dma_wait3A_552 : memref<1x1x40x125xi32, #tpu.memory_space<hbm>> -> memref<40x125xi32, #tpu.memory_space<hbm>>
      tpu.wait_dma2 semaphore(%run_scoped3A_537 : memref<!tpu.dma_semaphore, #tpu.memory_space<semaphore_mem>>) src(%dma_wait3A_553 : memref<40x125xi32, #tpu.memory_space<hbm>>) dst(%arg6 : memref<40x125xi32, #tpu.memory_space<vmem>>)
      tpu.yield
    }) : () -> ()
    %run_scoped3A_1 = arith.constant 1 : i32
    "tpu.region"() ({
      %run_scoped3A_537 = tpu.sem_alloc : memref<!tpu.dma_semaphore, #tpu.memory_space<semaphore_mem>>
      %dma_start3A_538 = arith.constant 0 : i32
      %dma_start3A_539 = arith.constant 0 : i32
      %dma_start3A_540 = tpu.memref_slice %arg3[%run_scoped3A_1, %add3A, %dma_start3A_538, %dma_start3A_539] : memref<2x32x40x125xi32, #tpu.memory_space<hbm>> -> memref<1x1x40x125xi32, #tpu.memory_space<hbm>>
      %dma_start3A_541 = tpu.memref_squeeze %dma_start3A_540 : memref<1x1x40x125xi32, #tpu.memory_space<hbm>> -> memref<40x125xi32, #tpu.memory_space<hbm>>
      %dma_start3A_542 = arith.constant 0 : i32
      %dma_start3A_543 = arith.constant 0 : i32
      %dma_start3A_544 = tpu.memref_slice %arg3[%run_scoped3A_1, %add3A, %dma_start3A_542, %dma_start3A_543] : memref<2x32x40x125xi32, #tpu.memory_space<hbm>> -> memref<1x1x40x125xi32, #tpu.memory_space<hbm>>
      %dma_start3A_545 = tpu.memref_squeeze %dma_start3A_544 : memref<1x1x40x125xi32, #tpu.memory_space<hbm>> -> memref<40x125xi32, #tpu.memory_space<hbm>>
      tpu.enqueue_dma source(%dma_start3A_545 : memref<40x125xi32, #tpu.memory_space<hbm>>) target(%arg7 : memref<40x125xi32, #tpu.memory_space<vmem>>) target_semaphore(%run_scoped3A_537 : memref<!tpu.dma_semaphore, #tpu.memory_space<semaphore_mem>>)
      %dma_wait3A_546 = arith.constant 0 : i32
      %dma_wait3A_547 = arith.constant 0 : i32
      %dma_wait3A_548 = tpu.memref_slice %arg3[%run_scoped3A_1, %add3A, %dma_wait3A_546, %dma_wait3A_547] : memref<2x32x40x125xi32, #tpu.memory_space<hbm>> -> memref<1x1x40x125xi32, #tpu.memory_space<hbm>>
      %dma_wait3A_549 = tpu.memref_squeeze %dma_wait3A_548 : memref<1x1x40x125xi32, #tpu.memory_space<hbm>> -> memref<40x125xi32, #tpu.memory_space<hbm>>
      %dma_wait3A_550 = arith.constant 0 : i32
      %dma_wait3A_551 = arith.constant 0 : i32
      %dma_wait3A_552 = tpu.memref_slice %arg3[%run_scoped3A_1, %add3A, %dma_wait3A_550, %dma_wait3A_551] : memref<2x32x40x125xi32, #tpu.memory_space<hbm>> -> memref<1x1x40x125xi32, #tpu.memory_space<hbm>>
      %dma_wait3A_553 = tpu.memref_squeeze %dma_wait3A_552 : memref<1x1x40x125xi32, #tpu.memory_space<hbm>> -> memref<40x125xi32, #tpu.memory_space<hbm>>
      tpu.wait_dma2 semaphore(%run_scoped3A_537 : memref<!tpu.dma_semaphore, #tpu.memory_space<semaphore_mem>>) src(%dma_wait3A_553 : memref<40x125xi32, #tpu.memory_space<hbm>>) dst(%arg7 : memref<40x125xi32, #tpu.memory_space<vmem>>)
      tpu.yield
    }) : () -> ()
    %dma_start3A = arith.constant 0 : i32
    %dma_start3A_2 = arith.constant 1 : i32
    %dma_start3A_3 = arith.constant 0 : i32
    %dma_start3A_4 = arith.constant 0 : i32
    %dma_start3A_5 = tpu.memref_slice %arg8[%dma_start3A_2, %dma_start3A_3, %dma_start3A_4] : memref<2x125x128xf32, #tpu.memory_space<vmem>> -> memref<1x125x128xf32, #tpu.memory_space<vmem>>
    %dma_start3A_6 = tpu.memref_squeeze %dma_start3A_5 : memref<1x125x128xf32, #tpu.memory_space<vmem>> -> memref<125x128xf32, #tpu.memory_space<vmem>>
    %dma_start3A_7 = arith.constant 0 : i32
    %dma_start3A_8 = tpu.memref_slice %arg6[%dma_start3A, %dma_start3A_7] : memref<40x125xi32, #tpu.memory_space<vmem>> -> memref<1x125xi32, #tpu.memory_space<vmem>>
    %dma_start3A_9 = tpu.memref_squeeze %dma_start3A_8 : memref<1x125xi32, #tpu.memory_space<vmem>> -> memref<125xi32, #tpu.memory_space<vmem>>
    %dma_start3A_10 = arith.constant 0 : i32
    %dma_start3A_11 = arith.constant 0 : i32
    %dma_start3A_12 = tpu.memref_slice %arg2[%dma_start3A_10, %dma_start3A_11] : memref<10000x128xf32, #tpu.memory_space<hbm>> -> memref<10000x128xf32, #tpu.memory_space<hbm>>
    tpu.enqueue_indirect_dma source(%dma_start3A_12 : memref<10000x128xf32, #tpu.memory_space<hbm>>) target(%dma_start3A_6 : memref<125x128xf32, #tpu.memory_space<vmem>>) offsets(%dma_start3A_9 : memref<125xi32, #tpu.memory_space<vmem>>) semaphore(%arg10 : memref<!tpu.dma_semaphore, #tpu.memory_space<semaphore_mem>>)
    %run_scoped3A_13 = arith.constant 0 : i32
    "tpu.region"() ({
      %run_scoped3A_537 = tpu.sem_alloc : memref<!tpu.dma_semaphore, #tpu.memory_space<semaphore_mem>>
      %dma_start3A_538 = arith.constant 0 : i32
      %dma_start3A_539 = arith.constant 0 : i32
      %dma_start3A_540 = tpu.memref_slice %arg8[%run_scoped3A_13, %dma_start3A_538, %dma_start3A_539] : memref<2x125x128xf32, #tpu.memory_space<vmem>> -> memref<1x80x128xf32, #tpu.memory_space<vmem>>
      %dma_start3A_541 = tpu.memref_squeeze %dma_start3A_540 : memref<1x80x128xf32, #tpu.memory_space<vmem>> -> memref<80x128xf32, #tpu.memory_space<vmem>>
      %dma_start3A_542 = arith.constant 0 : i32
      %dma_start3A_543 = arith.constant 0 : i32
      %dma_start3A_544 = tpu.memref_slice %arg8[%run_scoped3A_13, %dma_start3A_542, %dma_start3A_543] : memref<2x125x128xf32, #tpu.memory_space<vmem>> -> memref<1x80x128xf32, #tpu.memory_space<vmem>>
      %dma_start3A_545 = tpu.memref_squeeze %dma_start3A_544 : memref<1x80x128xf32, #tpu.memory_space<vmem>> -> memref<80x128xf32, #tpu.memory_space<vmem>>
      tpu.enqueue_dma source(%arg4 : memref<80x128xf32, #tpu.memory_space<hbm>>) target(%dma_start3A_545 : memref<80x128xf32, #tpu.memory_space<vmem>>) target_semaphore(%run_scoped3A_537 : memref<!tpu.dma_semaphore, #tpu.memory_space<semaphore_mem>>)
      %dma_wait3A_546 = arith.constant 0 : i32
      %dma_wait3A_547 = arith.constant 0 : i32
      %dma_wait3A_548 = tpu.memref_slice %arg8[%run_scoped3A_13, %dma_wait3A_546, %dma_wait3A_547] : memref<2x125x128xf32, #tpu.memory_space<vmem>> -> memref<1x80x128xf32, #tpu.memory_space<vmem>>
      %dma_wait3A_549 = tpu.memref_squeeze %dma_wait3A_548 : memref<1x80x128xf32, #tpu.memory_space<vmem>> -> memref<80x128xf32, #tpu.memory_space<vmem>>
      %dma_wait3A_550 = arith.constant 0 : i32
      %dma_wait3A_551 = arith.constant 0 : i32
      %dma_wait3A_552 = tpu.memref_slice %arg8[%run_scoped3A_13, %dma_wait3A_550, %dma_wait3A_551] : memref<2x125x128xf32, #tpu.memory_space<vmem>> -> memref<1x80x128xf32, #tpu.memory_space<vmem>>
      %dma_wait3A_553 = tpu.memref_squeeze %dma_wait3A_552 : memref<1x80x128xf32, #tpu.memory_space<vmem>> -> memref<80x128xf32, #tpu.memory_space<vmem>>
      tpu.wait_dma2 semaphore(%run_scoped3A_537 : memref<!tpu.dma_semaphore, #tpu.memory_space<semaphore_mem>>) src(%arg4 : memref<80x128xf32, #tpu.memory_space<hbm>>) dst(%dma_wait3A_553 : memref<80x128xf32, #tpu.memory_space<vmem>>)
      tpu.yield
    }) : () -> ()
    %mul3A_14 = arith.constant 640 : i32
    %mul3A_15 = arith.muli %arg1, %mul3A_14 : i32
    %add3A_16 = arith.constant 0 : i32
    %add3A_17 = arith.addi %mul3A_15, %add3A_16 : i32
    %dma_start3A_18 = arith.constant 0 : i32
    %dma_start3A_19 = arith.constant 0 : i32
    %dma_start3A_20 = arith.constant 0 : i32
    %dma_start3A_21 = tpu.memref_slice %arg8[%dma_start3A_18, %dma_start3A_19, %dma_start3A_20] : memref<2x125x128xf32, #tpu.memory_space<vmem>> -> memref<1x80x128xf32, #tpu.memory_space<vmem>>
    %dma_start3A_22 = tpu.memref_squeeze %dma_start3A_21 : memref<1x80x128xf32, #tpu.memory_space<vmem>> -> memref<80x128xf32, #tpu.memory_space<vmem>>
    %dma_start3A_23 = arith.constant 0 : i32
    %dma_start3A_24 = tpu.memref_slice %arg9[%add3A_17, %dma_start3A_23] : memref<10240x128xf32, #tpu.memory_space<vmem_shared>> -> memref<80x128xf32, #tpu.memory_space<vmem_shared>>
    %dma_start3A_25 = arith.constant 0 : i32
    %dma_start3A_26 = tpu.memref_slice %arg9[%add3A_17, %dma_start3A_25] : memref<10240x128xf32, #tpu.memory_space<vmem_shared>> -> memref<80x128xf32, #tpu.memory_space<vmem_shared>>
    %dma_start3A_27 = arith.constant 0 : i32
    %dma_start3A_28 = arith.constant 0 : i32
    %dma_start3A_29 = tpu.memref_slice %arg8[%dma_start3A_18, %dma_start3A_27, %dma_start3A_28] : memref<2x125x128xf32, #tpu.memory_space<vmem>> -> memref<1x80x128xf32, #tpu.memory_space<vmem>>
    %dma_start3A_30 = tpu.memref_squeeze %dma_start3A_29 : memref<1x80x128xf32, #tpu.memory_space<vmem>> -> memref<80x128xf32, #tpu.memory_space<vmem>>
    tpu.enqueue_dma source(%dma_start3A_30 : memref<80x128xf32, #tpu.memory_space<vmem>>) target(%dma_start3A_26 : memref<80x128xf32, #tpu.memory_space<vmem_shared>>) target_semaphore(%arg11 : memref<!tpu.dma_semaphore, #tpu.memory_space<semaphore_mem>>)
    %add3A_31 = arith.constant 80 : i32
    %add3A_32 = arith.addi %mul3A_15, %add3A_31 : i32
    %dma_start3A_33 = arith.constant 0 : i32
    %dma_start3A_34 = arith.constant 0 : i32
    %dma_start3A_35 = arith.constant 0 : i32
    %dma_start3A_36 = tpu.memref_slice %arg8[%dma_start3A_33, %dma_start3A_34, %dma_start3A_35] : memref<2x125x128xf32, #tpu.memory_space<vmem>> -> memref<1x80x128xf32, #tpu.memory_space<vmem>>
    %dma_start3A_37 = tpu.memref_squeeze %dma_start3A_36 : memref<1x80x128xf32, #tpu.memory_space<vmem>> -> memref<80x128xf32, #tpu.memory_space<vmem>>
    %dma_start3A_38 = arith.constant 0 : i32
    %dma_start3A_39 = tpu.memref_slice %arg9[%add3A_32, %dma_start3A_38] : memref<10240x128xf32, #tpu.memory_space<vmem_shared>> -> memref<80x128xf32, #tpu.memory_space<vmem_shared>>
    %dma_start3A_40 = arith.constant 0 : i32
    %dma_start3A_41 = tpu.memref_slice %arg9[%add3A_32, %dma_start3A_40] : memref<10240x128xf32, #tpu.memory_space<vmem_shared>> -> memref<80x128xf32, #tpu.memory_space<vmem_shared>>
    %dma_start3A_42 = arith.constant 0 : i32
    %dma_start3A_43 = arith.constant 0 : i32
    %dma_start3A_44 = tpu.memref_slice %arg8[%dma_start3A_33, %dma_start3A_42, %dma_start3A_43] : memref<2x125x128xf32, #tpu.memory_space<vmem>> -> memref<1x80x128xf32, #tpu.memory_space<vmem>>
    %dma_start3A_45 = tpu.memref_squeeze %dma_start3A_44 : memref<1x80x128xf32, #tpu.memory_space<vmem>> -> memref<80x128xf32, #tpu.memory_space<vmem>>
    tpu.enqueue_dma source(%dma_start3A_45 : memref<80x128xf32, #tpu.memory_space<vmem>>) target(%dma_start3A_41 : memref<80x128xf32, #tpu.memory_space<vmem_shared>>) target_semaphore(%arg11 : memref<!tpu.dma_semaphore, #tpu.memory_space<semaphore_mem>>)
    %add3A_46 = arith.constant 160 : i32
    %add3A_47 = arith.addi %mul3A_15, %add3A_46 : i32
    %dma_start3A_48 = arith.constant 0 : i32
    %dma_start3A_49 = arith.constant 0 : i32
    %dma_start3A_50 = arith.constant 0 : i32
    %dma_start3A_51 = tpu.memref_slice %arg8[%dma_start3A_48, %dma_start3A_49, %dma_start3A_50] : memref<2x125x128xf32, #tpu.memory_space<vmem>> -> memref<1x80x128xf32, #tpu.memory_space<vmem>>
    %dma_start3A_52 = tpu.memref_squeeze %dma_start3A_51 : memref<1x80x128xf32, #tpu.memory_space<vmem>> -> memref<80x128xf32, #tpu.memory_space<vmem>>
    %dma_start3A_53 = arith.constant 0 : i32
    %dma_start3A_54 = tpu.memref_slice %arg9[%add3A_47, %dma_start3A_53] : memref<10240x128xf32, #tpu.memory_space<vmem_shared>> -> memref<80x128xf32, #tpu.memory_space<vmem_shared>>
    %dma_start3A_55 = arith.constant 0 : i32
    %dma_start3A_56 = tpu.memref_slice %arg9[%add3A_47, %dma_start3A_55] : memref<10240x128xf32, #tpu.memory_space<vmem_shared>> -> memref<80x128xf32, #tpu.memory_space<vmem_shared>>
    %dma_start3A_57 = arith.constant 0 : i32
    %dma_start3A_58 = arith.constant 0 : i32
    %dma_start3A_59 = tpu.memref_slice %arg8[%dma_start3A_48, %dma_start3A_57, %dma_start3A_58] : memref<2x125x128xf32, #tpu.memory_space<vmem>> -> memref<1x80x128xf32, #tpu.memory_space<vmem>>
    %dma_start3A_60 = tpu.memref_squeeze %dma_start3A_59 : memref<1x80x128xf32, #tpu.memory_space<vmem>> -> memref<80x128xf32, #tpu.memory_space<vmem>>
    tpu.enqueue_dma source(%dma_start3A_60 : memref<80x128xf32, #tpu.memory_space<vmem>>) target(%dma_start3A_56 : memref<80x128xf32, #tpu.memory_space<vmem_shared>>) target_semaphore(%arg11 : memref<!tpu.dma_semaphore, #tpu.memory_space<semaphore_mem>>)
    %add3A_61 = arith.constant 240 : i32
    %add3A_62 = arith.addi %mul3A_15, %add3A_61 : i32
    %dma_start3A_63 = arith.constant 0 : i32
    %dma_start3A_64 = arith.constant 0 : i32
    %dma_start3A_65 = arith.constant 0 : i32
    %dma_start3A_66 = tpu.memref_slice %arg8[%dma_start3A_63, %dma_start3A_64, %dma_start3A_65] : memref<2x125x128xf32, #tpu.memory_space<vmem>> -> memref<1x80x128xf32, #tpu.memory_space<vmem>>
    %dma_start3A_67 = tpu.memref_squeeze %dma_start3A_66 : memref<1x80x128xf32, #tpu.memory_space<vmem>> -> memref<80x128xf32, #tpu.memory_space<vmem>>
    %dma_start3A_68 = arith.constant 0 : i32
    %dma_start3A_69 = tpu.memref_slice %arg9[%add3A_62, %dma_start3A_68] : memref<10240x128xf32, #tpu.memory_space<vmem_shared>> -> memref<80x128xf32, #tpu.memory_space<vmem_shared>>
    %dma_start3A_70 = arith.constant 0 : i32
    %dma_start3A_71 = tpu.memref_slice %arg9[%add3A_62, %dma_start3A_70] : memref<10240x128xf32, #tpu.memory_space<vmem_shared>> -> memref<80x128xf32, #tpu.memory_space<vmem_shared>>
    %dma_start3A_72 = arith.constant 0 : i32
    %dma_start3A_73 = arith.constant 0 : i32
    %dma_start3A_74 = tpu.memref_slice %arg8[%dma_start3A_63, %dma_start3A_72, %dma_start3A_73] : memref<2x125x128xf32, #tpu.memory_space<vmem>> -> memref<1x80x128xf32, #tpu.memory_space<vmem>>
    %dma_start3A_75 = tpu.memref_squeeze %dma_start3A_74 : memref<1x80x128xf32, #tpu.memory_space<vmem>> -> memref<80x128xf32, #tpu.memory_space<vmem>>
    tpu.enqueue_dma source(%dma_start3A_75 : memref<80x128xf32, #tpu.memory_space<vmem>>) target(%dma_start3A_71 : memref<80x128xf32, #tpu.memory_space<vmem_shared>>) target_semaphore(%arg11 : memref<!tpu.dma_semaphore, #tpu.memory_space<semaphore_mem>>)
    %add3A_76 = arith.constant 320 : i32
    %add3A_77 = arith.addi %mul3A_15, %add3A_76 : i32
    %dma_start3A_78 = arith.constant 0 : i32
    %dma_start3A_79 = arith.constant 0 : i32
    %dma_start3A_80 = arith.constant 0 : i32
    %dma_start3A_81 = tpu.memref_slice %arg8[%dma_start3A_78, %dma_start3A_79, %dma_start3A_80] : memref<2x125x128xf32, #tpu.memory_space<vmem>> -> memref<1x80x128xf32, #tpu.memory_space<vmem>>
    %dma_start3A_82 = tpu.memref_squeeze %dma_start3A_81 : memref<1x80x128xf32, #tpu.memory_space<vmem>> -> memref<80x128xf32, #tpu.memory_space<vmem>>
    %dma_start3A_83 = arith.constant 0 : i32
    %dma_start3A_84 = tpu.memref_slice %arg9[%add3A_77, %dma_start3A_83] : memref<10240x128xf32, #tpu.memory_space<vmem_shared>> -> memref<80x128xf32, #tpu.memory_space<vmem_shared>>
    %dma_start3A_85 = arith.constant 0 : i32
    %dma_start3A_86 = tpu.memref_slice %arg9[%add3A_77, %dma_start3A_85] : memref<10240x128xf32, #tpu.memory_space<vmem_shared>> -> memref<80x128xf32, #tpu.memory_space<vmem_shared>>
    %dma_start3A_87 = arith.constant 0 : i32
    %dma_start3A_88 = arith.constant 0 : i32
    %dma_start3A_89 = tpu.memref_slice %arg8[%dma_start3A_78, %dma_start3A_87, %dma_start3A_88] : memref<2x125x128xf32, #tpu.memory_space<vmem>> -> memref<1x80x128xf32, #tpu.memory_space<vmem>>
    %dma_start3A_90 = tpu.memref_squeeze %dma_start3A_89 : memref<1x80x128xf32, #tpu.memory_space<vmem>> -> memref<80x128xf32, #tpu.memory_space<vmem>>
    tpu.enqueue_dma source(%dma_start3A_90 : memref<80x128xf32, #tpu.memory_space<vmem>>) target(%dma_start3A_86 : memref<80x128xf32, #tpu.memory_space<vmem_shared>>) target_semaphore(%arg11 : memref<!tpu.dma_semaphore, #tpu.memory_space<semaphore_mem>>)
    %add3A_91 = arith.constant 400 : i32
    %add3A_92 = arith.addi %mul3A_15, %add3A_91 : i32
    %dma_start3A_93 = arith.constant 0 : i32
    %dma_start3A_94 = arith.constant 0 : i32
    %dma_start3A_95 = arith.constant 0 : i32
    %dma_start3A_96 = tpu.memref_slice %arg8[%dma_start3A_93, %dma_start3A_94, %dma_start3A_95] : memref<2x125x128xf32, #tpu.memory_space<vmem>> -> memref<1x80x128xf32, #tpu.memory_space<vmem>>
    %dma_start3A_97 = tpu.memref_squeeze %dma_start3A_96 : memref<1x80x128xf32, #tpu.memory_space<vmem>> -> memref<80x128xf32, #tpu.memory_space<vmem>>
    %dma_start3A_98 = arith.constant 0 : i32
    %dma_start3A_99 = tpu.memref_slice %arg9[%add3A_92, %dma_start3A_98] : memref<10240x128xf32, #tpu.memory_space<vmem_shared>> -> memref<80x128xf32, #tpu.memory_space<vmem_shared>>
    %dma_start3A_100 = arith.constant 0 : i32
    %dma_start3A_101 = tpu.memref_slice %arg9[%add3A_92, %dma_start3A_100] : memref<10240x128xf32, #tpu.memory_space<vmem_shared>> -> memref<80x128xf32, #tpu.memory_space<vmem_shared>>
    %dma_start3A_102 = arith.constant 0 : i32
    %dma_start3A_103 = arith.constant 0 : i32
    %dma_start3A_104 = tpu.memref_slice %arg8[%dma_start3A_93, %dma_start3A_102, %dma_start3A_103] : memref<2x125x128xf32, #tpu.memory_space<vmem>> -> memref<1x80x128xf32, #tpu.memory_space<vmem>>
    %dma_start3A_105 = tpu.memref_squeeze %dma_start3A_104 : memref<1x80x128xf32, #tpu.memory_space<vmem>> -> memref<80x128xf32, #tpu.memory_space<vmem>>
    tpu.enqueue_dma source(%dma_start3A_105 : memref<80x128xf32, #tpu.memory_space<vmem>>) target(%dma_start3A_101 : memref<80x128xf32, #tpu.memory_space<vmem_shared>>) target_semaphore(%arg11 : memref<!tpu.dma_semaphore, #tpu.memory_space<semaphore_mem>>)
    %add3A_106 = arith.constant 480 : i32
    %add3A_107 = arith.addi %mul3A_15, %add3A_106 : i32
    %dma_start3A_108 = arith.constant 0 : i32
    %dma_start3A_109 = arith.constant 0 : i32
    %dma_start3A_110 = arith.constant 0 : i32
    %dma_start3A_111 = tpu.memref_slice %arg8[%dma_start3A_108, %dma_start3A_109, %dma_start3A_110] : memref<2x125x128xf32, #tpu.memory_space<vmem>> -> memref<1x80x128xf32, #tpu.memory_space<vmem>>
    %dma_start3A_112 = tpu.memref_squeeze %dma_start3A_111 : memref<1x80x128xf32, #tpu.memory_space<vmem>> -> memref<80x128xf32, #tpu.memory_space<vmem>>
    %dma_start3A_113 = arith.constant 0 : i32
    %dma_start3A_114 = tpu.memref_slice %arg9[%add3A_107, %dma_start3A_113] : memref<10240x128xf32, #tpu.memory_space<vmem_shared>> -> memref<80x128xf32, #tpu.memory_space<vmem_shared>>
    %dma_start3A_115 = arith.constant 0 : i32
    %dma_start3A_116 = tpu.memref_slice %arg9[%add3A_107, %dma_start3A_115] : memref<10240x128xf32, #tpu.memory_space<vmem_shared>> -> memref<80x128xf32, #tpu.memory_space<vmem_shared>>
    %dma_start3A_117 = arith.constant 0 : i32
    %dma_start3A_118 = arith.constant 0 : i32
    %dma_start3A_119 = tpu.memref_slice %arg8[%dma_start3A_108, %dma_start3A_117, %dma_start3A_118] : memref<2x125x128xf32, #tpu.memory_space<vmem>> -> memref<1x80x128xf32, #tpu.memory_space<vmem>>
    %dma_start3A_120 = tpu.memref_squeeze %dma_start3A_119 : memref<1x80x128xf32, #tpu.memory_space<vmem>> -> memref<80x128xf32, #tpu.memory_space<vmem>>
    tpu.enqueue_dma source(%dma_start3A_120 : memref<80x128xf32, #tpu.memory_space<vmem>>) target(%dma_start3A_116 : memref<80x128xf32, #tpu.memory_space<vmem_shared>>) target_semaphore(%arg11 : memref<!tpu.dma_semaphore, #tpu.memory_space<semaphore_mem>>)
    %add3A_121 = arith.constant 560 : i32
    %add3A_122 = arith.addi %mul3A_15, %add3A_121 : i32
    %dma_start3A_123 = arith.constant 0 : i32
    %dma_start3A_124 = arith.constant 0 : i32
    %dma_start3A_125 = arith.constant 0 : i32
    %dma_start3A_126 = tpu.memref_slice %arg8[%dma_start3A_123, %dma_start3A_124, %dma_start3A_125] : memref<2x125x128xf32, #tpu.memory_space<vmem>> -> memref<1x80x128xf32, #tpu.memory_space<vmem>>
    %dma_start3A_127 = tpu.memref_squeeze %dma_start3A_126 : memref<1x80x128xf32, #tpu.memory_space<vmem>> -> memref<80x128xf32, #tpu.memory_space<vmem>>
    %dma_start3A_128 = arith.constant 0 : i32
    %dma_start3A_129 = tpu.memref_slice %arg9[%add3A_122, %dma_start3A_128] : memref<10240x128xf32, #tpu.memory_space<vmem_shared>> -> memref<80x128xf32, #tpu.memory_space<vmem_shared>>
    %dma_start3A_130 = arith.constant 0 : i32
    %dma_start3A_131 = tpu.memref_slice %arg9[%add3A_122, %dma_start3A_130] : memref<10240x128xf32, #tpu.memory_space<vmem_shared>> -> memref<80x128xf32, #tpu.memory_space<vmem_shared>>
    %dma_start3A_132 = arith.constant 0 : i32
    %dma_start3A_133 = arith.constant 0 : i32
    %dma_start3A_134 = tpu.memref_slice %arg8[%dma_start3A_123, %dma_start3A_132, %dma_start3A_133] : memref<2x125x128xf32, #tpu.memory_space<vmem>> -> memref<1x80x128xf32, #tpu.memory_space<vmem>>
    %dma_start3A_135 = tpu.memref_squeeze %dma_start3A_134 : memref<1x80x128xf32, #tpu.memory_space<vmem>> -> memref<80x128xf32, #tpu.memory_space<vmem>>
    tpu.enqueue_dma source(%dma_start3A_135 : memref<80x128xf32, #tpu.memory_space<vmem>>) target(%dma_start3A_131 : memref<80x128xf32, #tpu.memory_space<vmem_shared>>) target_semaphore(%arg11 : memref<!tpu.dma_semaphore, #tpu.memory_space<semaphore_mem>>)
    %dma_wait3A = arith.constant 0 : i32
    %dma_wait3A_136 = arith.constant 0 : i32
    %dma_wait3A_137 = arith.constant 0 : i32
    %dma_wait3A_138 = tpu.memref_slice %arg8[%dma_wait3A, %dma_wait3A_136, %dma_wait3A_137] : memref<2x125x128xf32, #tpu.memory_space<vmem>> -> memref<1x80x128xf32, #tpu.memory_space<vmem>>
    %dma_wait3A_139 = tpu.memref_squeeze %dma_wait3A_138 : memref<1x80x128xf32, #tpu.memory_space<vmem>> -> memref<80x128xf32, #tpu.memory_space<vmem>>
    %dma_wait3A_140 = arith.constant 0 : i32
    %dma_wait3A_141 = tpu.memref_slice %arg9[%add3A_17, %dma_wait3A_140] : memref<10240x128xf32, #tpu.memory_space<vmem_shared>> -> memref<80x128xf32, #tpu.memory_space<vmem_shared>>
    %dma_wait3A_142 = arith.constant 0 : i32
    %dma_wait3A_143 = tpu.memref_slice %arg9[%add3A_17, %dma_wait3A_142] : memref<10240x128xf32, #tpu.memory_space<vmem_shared>> -> memref<80x128xf32, #tpu.memory_space<vmem_shared>>
    %dma_wait3A_144 = arith.constant 0 : i32
    %dma_wait3A_145 = arith.constant 0 : i32
    %dma_wait3A_146 = tpu.memref_slice %arg8[%dma_wait3A, %dma_wait3A_144, %dma_wait3A_145] : memref<2x125x128xf32, #tpu.memory_space<vmem>> -> memref<1x80x128xf32, #tpu.memory_space<vmem>>
    %dma_wait3A_147 = tpu.memref_squeeze %dma_wait3A_146 : memref<1x80x128xf32, #tpu.memory_space<vmem>> -> memref<80x128xf32, #tpu.memory_space<vmem>>
    tpu.wait_dma2 semaphore(%arg11 : memref<!tpu.dma_semaphore, #tpu.memory_space<semaphore_mem>>) src(%dma_wait3A_147 : memref<80x128xf32, #tpu.memory_space<vmem>>) dst(%dma_wait3A_143 : memref<80x128xf32, #tpu.memory_space<vmem_shared>>)
    %dma_wait3A_148 = arith.constant 0 : i32
    %dma_wait3A_149 = arith.constant 0 : i32
    %dma_wait3A_150 = arith.constant 0 : i32
    %dma_wait3A_151 = tpu.memref_slice %arg8[%dma_wait3A_148, %dma_wait3A_149, %dma_wait3A_150] : memref<2x125x128xf32, #tpu.memory_space<vmem>> -> memref<1x80x128xf32, #tpu.memory_space<vmem>>
    %dma_wait3A_152 = tpu.memref_squeeze %dma_wait3A_151 : memref<1x80x128xf32, #tpu.memory_space<vmem>> -> memref<80x128xf32, #tpu.memory_space<vmem>>
    %dma_wait3A_153 = arith.constant 0 : i32
    %dma_wait3A_154 = tpu.memref_slice %arg9[%add3A_32, %dma_wait3A_153] : memref<10240x128xf32, #tpu.memory_space<vmem_shared>> -> memref<80x128xf32, #tpu.memory_space<vmem_shared>>
    %dma_wait3A_155 = arith.constant 0 : i32
    %dma_wait3A_156 = tpu.memref_slice %arg9[%add3A_32, %dma_wait3A_155] : memref<10240x128xf32, #tpu.memory_space<vmem_shared>> -> memref<80x128xf32, #tpu.memory_space<vmem_shared>>
    %dma_wait3A_157 = arith.constant 0 : i32
    %dma_wait3A_158 = arith.constant 0 : i32
    %dma_wait3A_159 = tpu.memref_slice %arg8[%dma_wait3A_148, %dma_wait3A_157, %dma_wait3A_158] : memref<2x125x128xf32, #tpu.memory_space<vmem>> -> memref<1x80x128xf32, #tpu.memory_space<vmem>>
    %dma_wait3A_160 = tpu.memref_squeeze %dma_wait3A_159 : memref<1x80x128xf32, #tpu.memory_space<vmem>> -> memref<80x128xf32, #tpu.memory_space<vmem>>
    tpu.wait_dma2 semaphore(%arg11 : memref<!tpu.dma_semaphore, #tpu.memory_space<semaphore_mem>>) src(%dma_wait3A_160 : memref<80x128xf32, #tpu.memory_space<vmem>>) dst(%dma_wait3A_156 : memref<80x128xf32, #tpu.memory_space<vmem_shared>>)
    %dma_wait3A_161 = arith.constant 0 : i32
    %dma_wait3A_162 = arith.constant 0 : i32
    %dma_wait3A_163 = arith.constant 0 : i32
    %dma_wait3A_164 = tpu.memref_slice %arg8[%dma_wait3A_161, %dma_wait3A_162, %dma_wait3A_163] : memref<2x125x128xf32, #tpu.memory_space<vmem>> -> memref<1x80x128xf32, #tpu.memory_space<vmem>>
    %dma_wait3A_165 = tpu.memref_squeeze %dma_wait3A_164 : memref<1x80x128xf32, #tpu.memory_space<vmem>> -> memref<80x128xf32, #tpu.memory_space<vmem>>
    %dma_wait3A_166 = arith.constant 0 : i32
    %dma_wait3A_167 = tpu.memref_slice %arg9[%add3A_47, %dma_wait3A_166] : memref<10240x128xf32, #tpu.memory_space<vmem_shared>> -> memref<80x128xf32, #tpu.memory_space<vmem_shared>>
    %dma_wait3A_168 = arith.constant 0 : i32
    %dma_wait3A_169 = tpu.memref_slice %arg9[%add3A_47, %dma_wait3A_168] : memref<10240x128xf32, #tpu.memory_space<vmem_shared>> -> memref<80x128xf32, #tpu.memory_space<vmem_shared>>
    %dma_wait3A_170 = arith.constant 0 : i32
    %dma_wait3A_171 = arith.constant 0 : i32
    %dma_wait3A_172 = tpu.memref_slice %arg8[%dma_wait3A_161, %dma_wait3A_170, %dma_wait3A_171] : memref<2x125x128xf32, #tpu.memory_space<vmem>> -> memref<1x80x128xf32, #tpu.memory_space<vmem>>
    %dma_wait3A_173 = tpu.memref_squeeze %dma_wait3A_172 : memref<1x80x128xf32, #tpu.memory_space<vmem>> -> memref<80x128xf32, #tpu.memory_space<vmem>>
    tpu.wait_dma2 semaphore(%arg11 : memref<!tpu.dma_semaphore, #tpu.memory_space<semaphore_mem>>) src(%dma_wait3A_173 : memref<80x128xf32, #tpu.memory_space<vmem>>) dst(%dma_wait3A_169 : memref<80x128xf32, #tpu.memory_space<vmem_shared>>)
    %dma_wait3A_174 = arith.constant 0 : i32
    %dma_wait3A_175 = arith.constant 0 : i32
    %dma_wait3A_176 = arith.constant 0 : i32
    %dma_wait3A_177 = tpu.memref_slice %arg8[%dma_wait3A_174, %dma_wait3A_175, %dma_wait3A_176] : memref<2x125x128xf32, #tpu.memory_space<vmem>> -> memref<1x80x128xf32, #tpu.memory_space<vmem>>
    %dma_wait3A_178 = tpu.memref_squeeze %dma_wait3A_177 : memref<1x80x128xf32, #tpu.memory_space<vmem>> -> memref<80x128xf32, #tpu.memory_space<vmem>>
    %dma_wait3A_179 = arith.constant 0 : i32
    %dma_wait3A_180 = tpu.memref_slice %arg9[%add3A_62, %dma_wait3A_179] : memref<10240x128xf32, #tpu.memory_space<vmem_shared>> -> memref<80x128xf32, #tpu.memory_space<vmem_shared>>
    %dma_wait3A_181 = arith.constant 0 : i32
    %dma_wait3A_182 = tpu.memref_slice %arg9[%add3A_62, %dma_wait3A_181] : memref<10240x128xf32, #tpu.memory_space<vmem_shared>> -> memref<80x128xf32, #tpu.memory_space<vmem_shared>>
    %dma_wait3A_183 = arith.constant 0 : i32
    %dma_wait3A_184 = arith.constant 0 : i32
    %dma_wait3A_185 = tpu.memref_slice %arg8[%dma_wait3A_174, %dma_wait3A_183, %dma_wait3A_184] : memref<2x125x128xf32, #tpu.memory_space<vmem>> -> memref<1x80x128xf32, #tpu.memory_space<vmem>>
    %dma_wait3A_186 = tpu.memref_squeeze %dma_wait3A_185 : memref<1x80x128xf32, #tpu.memory_space<vmem>> -> memref<80x128xf32, #tpu.memory_space<vmem>>
    tpu.wait_dma2 semaphore(%arg11 : memref<!tpu.dma_semaphore, #tpu.memory_space<semaphore_mem>>) src(%dma_wait3A_186 : memref<80x128xf32, #tpu.memory_space<vmem>>) dst(%dma_wait3A_182 : memref<80x128xf32, #tpu.memory_space<vmem_shared>>)
    %dma_wait3A_187 = arith.constant 0 : i32
    %dma_wait3A_188 = arith.constant 0 : i32
    %dma_wait3A_189 = arith.constant 0 : i32
    %dma_wait3A_190 = tpu.memref_slice %arg8[%dma_wait3A_187, %dma_wait3A_188, %dma_wait3A_189] : memref<2x125x128xf32, #tpu.memory_space<vmem>> -> memref<1x80x128xf32, #tpu.memory_space<vmem>>
    %dma_wait3A_191 = tpu.memref_squeeze %dma_wait3A_190 : memref<1x80x128xf32, #tpu.memory_space<vmem>> -> memref<80x128xf32, #tpu.memory_space<vmem>>
    %dma_wait3A_192 = arith.constant 0 : i32
    %dma_wait3A_193 = tpu.memref_slice %arg9[%add3A_77, %dma_wait3A_192] : memref<10240x128xf32, #tpu.memory_space<vmem_shared>> -> memref<80x128xf32, #tpu.memory_space<vmem_shared>>
    %dma_wait3A_194 = arith.constant 0 : i32
    %dma_wait3A_195 = tpu.memref_slice %arg9[%add3A_77, %dma_wait3A_194] : memref<10240x128xf32, #tpu.memory_space<vmem_shared>> -> memref<80x128xf32, #tpu.memory_space<vmem_shared>>
    %dma_wait3A_196 = arith.constant 0 : i32
    %dma_wait3A_197 = arith.constant 0 : i32
    %dma_wait3A_198 = tpu.memref_slice %arg8[%dma_wait3A_187, %dma_wait3A_196, %dma_wait3A_197] : memref<2x125x128xf32, #tpu.memory_space<vmem>> -> memref<1x80x128xf32, #tpu.memory_space<vmem>>
    %dma_wait3A_199 = tpu.memref_squeeze %dma_wait3A_198 : memref<1x80x128xf32, #tpu.memory_space<vmem>> -> memref<80x128xf32, #tpu.memory_space<vmem>>
    tpu.wait_dma2 semaphore(%arg11 : memref<!tpu.dma_semaphore, #tpu.memory_space<semaphore_mem>>) src(%dma_wait3A_199 : memref<80x128xf32, #tpu.memory_space<vmem>>) dst(%dma_wait3A_195 : memref<80x128xf32, #tpu.memory_space<vmem_shared>>)
    %dma_wait3A_200 = arith.constant 0 : i32
    %dma_wait3A_201 = arith.constant 0 : i32
    %dma_wait3A_202 = arith.constant 0 : i32
    %dma_wait3A_203 = tpu.memref_slice %arg8[%dma_wait3A_200, %dma_wait3A_201, %dma_wait3A_202] : memref<2x125x128xf32, #tpu.memory_space<vmem>> -> memref<1x80x128xf32, #tpu.memory_space<vmem>>
    %dma_wait3A_204 = tpu.memref_squeeze %dma_wait3A_203 : memref<1x80x128xf32, #tpu.memory_space<vmem>> -> memref<80x128xf32, #tpu.memory_space<vmem>>
    %dma_wait3A_205 = arith.constant 0 : i32
    %dma_wait3A_206 = tpu.memref_slice %arg9[%add3A_92, %dma_wait3A_205] : memref<10240x128xf32, #tpu.memory_space<vmem_shared>> -> memref<80x128xf32, #tpu.memory_space<vmem_shared>>
    %dma_wait3A_207 = arith.constant 0 : i32
    %dma_wait3A_208 = tpu.memref_slice %arg9[%add3A_92, %dma_wait3A_207] : memref<10240x128xf32, #tpu.memory_space<vmem_shared>> -> memref<80x128xf32, #tpu.memory_space<vmem_shared>>
    %dma_wait3A_209 = arith.constant 0 : i32
    %dma_wait3A_210 = arith.constant 0 : i32
    %dma_wait3A_211 = tpu.memref_slice %arg8[%dma_wait3A_200, %dma_wait3A_209, %dma_wait3A_210] : memref<2x125x128xf32, #tpu.memory_space<vmem>> -> memref<1x80x128xf32, #tpu.memory_space<vmem>>
    %dma_wait3A_212 = tpu.memref_squeeze %dma_wait3A_211 : memref<1x80x128xf32, #tpu.memory_space<vmem>> -> memref<80x128xf32, #tpu.memory_space<vmem>>
    tpu.wait_dma2 semaphore(%arg11 : memref<!tpu.dma_semaphore, #tpu.memory_space<semaphore_mem>>) src(%dma_wait3A_212 : memref<80x128xf32, #tpu.memory_space<vmem>>) dst(%dma_wait3A_208 : memref<80x128xf32, #tpu.memory_space<vmem_shared>>)
    %dma_wait3A_213 = arith.constant 0 : i32
    %dma_wait3A_214 = arith.constant 0 : i32
    %dma_wait3A_215 = arith.constant 0 : i32
    %dma_wait3A_216 = tpu.memref_slice %arg8[%dma_wait3A_213, %dma_wait3A_214, %dma_wait3A_215] : memref<2x125x128xf32, #tpu.memory_space<vmem>> -> memref<1x80x128xf32, #tpu.memory_space<vmem>>
    %dma_wait3A_217 = tpu.memref_squeeze %dma_wait3A_216 : memref<1x80x128xf32, #tpu.memory_space<vmem>> -> memref<80x128xf32, #tpu.memory_space<vmem>>
    %dma_wait3A_218 = arith.constant 0 : i32
    %dma_wait3A_219 = tpu.memref_slice %arg9[%add3A_107, %dma_wait3A_218] : memref<10240x128xf32, #tpu.memory_space<vmem_shared>> -> memref<80x128xf32, #tpu.memory_space<vmem_shared>>
    %dma_wait3A_220 = arith.constant 0 : i32
    %dma_wait3A_221 = tpu.memref_slice %arg9[%add3A_107, %dma_wait3A_220] : memref<10240x128xf32, #tpu.memory_space<vmem_shared>> -> memref<80x128xf32, #tpu.memory_space<vmem_shared>>
    %dma_wait3A_222 = arith.constant 0 : i32
    %dma_wait3A_223 = arith.constant 0 : i32
    %dma_wait3A_224 = tpu.memref_slice %arg8[%dma_wait3A_213, %dma_wait3A_222, %dma_wait3A_223] : memref<2x125x128xf32, #tpu.memory_space<vmem>> -> memref<1x80x128xf32, #tpu.memory_space<vmem>>
    %dma_wait3A_225 = tpu.memref_squeeze %dma_wait3A_224 : memref<1x80x128xf32, #tpu.memory_space<vmem>> -> memref<80x128xf32, #tpu.memory_space<vmem>>
    tpu.wait_dma2 semaphore(%arg11 : memref<!tpu.dma_semaphore, #tpu.memory_space<semaphore_mem>>) src(%dma_wait3A_225 : memref<80x128xf32, #tpu.memory_space<vmem>>) dst(%dma_wait3A_221 : memref<80x128xf32, #tpu.memory_space<vmem_shared>>)
    %dma_wait3A_226 = arith.constant 0 : i32
    %dma_wait3A_227 = arith.constant 0 : i32
    %dma_wait3A_228 = arith.constant 0 : i32
    %dma_wait3A_229 = tpu.memref_slice %arg8[%dma_wait3A_226, %dma_wait3A_227, %dma_wait3A_228] : memref<2x125x128xf32, #tpu.memory_space<vmem>> -> memref<1x80x128xf32, #tpu.memory_space<vmem>>
    %dma_wait3A_230 = tpu.memref_squeeze %dma_wait3A_229 : memref<1x80x128xf32, #tpu.memory_space<vmem>> -> memref<80x128xf32, #tpu.memory_space<vmem>>
    %dma_wait3A_231 = arith.constant 0 : i32
    %dma_wait3A_232 = tpu.memref_slice %arg9[%add3A_122, %dma_wait3A_231] : memref<10240x128xf32, #tpu.memory_space<vmem_shared>> -> memref<80x128xf32, #tpu.memory_space<vmem_shared>>
    %dma_wait3A_233 = arith.constant 0 : i32
    %dma_wait3A_234 = tpu.memref_slice %arg9[%add3A_122, %dma_wait3A_233] : memref<10240x128xf32, #tpu.memory_space<vmem_shared>> -> memref<80x128xf32, #tpu.memory_space<vmem_shared>>
    %dma_wait3A_235 = arith.constant 0 : i32
    %dma_wait3A_236 = arith.constant 0 : i32
    %dma_wait3A_237 = tpu.memref_slice %arg8[%dma_wait3A_226, %dma_wait3A_235, %dma_wait3A_236] : memref<2x125x128xf32, #tpu.memory_space<vmem>> -> memref<1x80x128xf32, #tpu.memory_space<vmem>>
    %dma_wait3A_238 = tpu.memref_squeeze %dma_wait3A_237 : memref<1x80x128xf32, #tpu.memory_space<vmem>> -> memref<80x128xf32, #tpu.memory_space<vmem>>
    tpu.wait_dma2 semaphore(%arg11 : memref<!tpu.dma_semaphore, #tpu.memory_space<semaphore_mem>>) src(%dma_wait3A_238 : memref<80x128xf32, #tpu.memory_space<vmem>>) dst(%dma_wait3A_234 : memref<80x128xf32, #tpu.memory_space<vmem_shared>>)
    %dma_start3A_239 = arith.constant 1 : i32
    %dma_start3A_240 = arith.constant 0 : i32
    %dma_start3A_241 = arith.constant 0 : i32
    %dma_start3A_242 = arith.constant 0 : i32
    %dma_start3A_243 = tpu.memref_slice %arg8[%dma_start3A_240, %dma_start3A_241, %dma_start3A_242] : memref<2x125x128xf32, #tpu.memory_space<vmem>> -> memref<1x125x128xf32, #tpu.memory_space<vmem>>
    %dma_start3A_244 = tpu.memref_squeeze %dma_start3A_243 : memref<1x125x128xf32, #tpu.memory_space<vmem>> -> memref<125x128xf32, #tpu.memory_space<vmem>>
    %dma_start3A_245 = arith.constant 0 : i32
    %dma_start3A_246 = tpu.memref_slice %arg6[%dma_start3A_239, %dma_start3A_245] : memref<40x125xi32, #tpu.memory_space<vmem>> -> memref<1x125xi32, #tpu.memory_space<vmem>>
    %dma_start3A_247 = tpu.memref_squeeze %dma_start3A_246 : memref<1x125xi32, #tpu.memory_space<vmem>> -> memref<125xi32, #tpu.memory_space<vmem>>
    %dma_start3A_248 = arith.constant 0 : i32
    %dma_start3A_249 = arith.constant 0 : i32
    %dma_start3A_250 = tpu.memref_slice %arg2[%dma_start3A_248, %dma_start3A_249] : memref<10000x128xf32, #tpu.memory_space<hbm>> -> memref<10000x128xf32, #tpu.memory_space<hbm>>
    tpu.enqueue_indirect_dma source(%dma_start3A_250 : memref<10000x128xf32, #tpu.memory_space<hbm>>) target(%dma_start3A_244 : memref<125x128xf32, #tpu.memory_space<vmem>>) offsets(%dma_start3A_247 : memref<125xi32, #tpu.memory_space<vmem>>) semaphore(%arg10 : memref<!tpu.dma_semaphore, #tpu.memory_space<semaphore_mem>>)
    %barrier3A = arith.constant 0 : index
    tpu.barrier barrier_id(%barrier3A)
    %scan3A = arith.constant 0 : i32
    %scan3A_251 = arith.constant 0 : i32
    %scan3A_252 = arith.constant 40 : i32
    %scan3A_253 = arith.addi %scan3A_251, %scan3A_252 : i32
    %scan3A_254 = arith.constant 1 : i32
    scf.for %scan3A_537 = %scan3A_251 to %scan3A_253 step %scan3A_254  : i32 {
      %add3A_538 = arith.constant 1 : i32
      %add3A_539 = arith.addi %scan3A_537, %add3A_538 : i32
      %rem3A = arith.constant 2 : i32
      %rem3A_540 = arith.remsi %add3A_539, %rem3A : i32
      %dma_wait3A_541 = arith.constant 0 : i32
      %dma_wait3A_542 = arith.constant 0 : i32
      %dma_wait3A_543 = arith.constant 0 : i32
      %dma_wait3A_544 = tpu.memref_slice %arg8[%rem3A_540, %dma_wait3A_542, %dma_wait3A_543] : memref<2x125x128xf32, #tpu.memory_space<vmem>> -> memref<1x125x128xf32, #tpu.memory_space<vmem>>
      %dma_wait3A_545 = tpu.memref_squeeze %dma_wait3A_544 : memref<1x125x128xf32, #tpu.memory_space<vmem>> -> memref<125x128xf32, #tpu.memory_space<vmem>>
      %dma_wait3A_546 = arith.constant 0 : i32
      %dma_wait3A_547 = tpu.memref_slice %arg6[%dma_wait3A_541, %dma_wait3A_546] : memref<40x125xi32, #tpu.memory_space<vmem>> -> memref<1x125xi32, #tpu.memory_space<vmem>>
      %dma_wait3A_548 = tpu.memref_squeeze %dma_wait3A_547 : memref<1x125xi32, #tpu.memory_space<vmem>> -> memref<125xi32, #tpu.memory_space<vmem>>
      %dma_wait3A_549 = arith.constant 0 : i32
      %dma_wait3A_550 = arith.constant 0 : i32
      %dma_wait3A_551 = tpu.memref_slice %arg2[%dma_wait3A_549, %dma_wait3A_550] : memref<10000x128xf32, #tpu.memory_space<hbm>> -> memref<10000x128xf32, #tpu.memory_space<hbm>>
      tpu.wait_indirect_dma semaphore(%arg10 : memref<!tpu.dma_semaphore, #tpu.memory_space<semaphore_mem>>) src(%dma_wait3A_551 : memref<10000x128xf32, #tpu.memory_space<hbm>>) dst(%dma_wait3A_545 : memref<125x128xf32, #tpu.memory_space<vmem>>)
      "tpu.region"() ({
        %run_scoped3A_556 = tpu.sem_alloc : memref<!tpu.dma_semaphore, #tpu.memory_space<semaphore_mem>>
        %dma_start3A_557 = arith.constant 0 : i32
        %dma_start3A_558 = arith.constant 0 : i32
        %dma_start3A_559 = tpu.memref_slice %arg8[%rem3A_540, %dma_start3A_557, %dma_start3A_558] : memref<2x125x128xf32, #tpu.memory_space<vmem>> -> memref<1x125x128xf32, #tpu.memory_space<vmem>>
        %dma_start3A_560 = tpu.memref_squeeze %dma_start3A_559 : memref<1x125x128xf32, #tpu.memory_space<vmem>> -> memref<125x128xf32, #tpu.memory_space<vmem>>
        %dma_start3A_561 = arith.constant 0 : i32
        %dma_start3A_562 = tpu.memref_slice %arg7[%scan3A_537, %dma_start3A_561] : memref<40x125xi32, #tpu.memory_space<vmem>> -> memref<1x125xi32, #tpu.memory_space<vmem>>
        %dma_start3A_563 = tpu.memref_squeeze %dma_start3A_562 : memref<1x125xi32, #tpu.memory_space<vmem>> -> memref<125xi32, #tpu.memory_space<vmem>>
        %dma_start3A_564 = arith.constant 0 : i32
        %dma_start3A_565 = arith.constant 0 : i32
        %dma_start3A_566 = tpu.memref_slice %arg9[%dma_start3A_564, %dma_start3A_565] : memref<10240x128xf32, #tpu.memory_space<vmem_shared>> -> memref<10240x128xf32, #tpu.memory_space<vmem_shared>>
        tpu.enqueue_indirect_dma source(%dma_start3A_560 : memref<125x128xf32, #tpu.memory_space<vmem>>) target(%dma_start3A_566 : memref<10240x128xf32, #tpu.memory_space<vmem_shared>>) offsets(%dma_start3A_563 : memref<125xi32, #tpu.memory_space<vmem>>) semaphore(%run_scoped3A_556 : memref<!tpu.dma_semaphore, #tpu.memory_space<semaphore_mem>>) {add = true}
        %dma_wait3A_567 = arith.constant 0 : i32
        %dma_wait3A_568 = arith.constant 0 : i32
        %dma_wait3A_569 = tpu.memref_slice %arg8[%rem3A_540, %dma_wait3A_567, %dma_wait3A_568] : memref<2x125x128xf32, #tpu.memory_space<vmem>> -> memref<1x125x128xf32, #tpu.memory_space<vmem>>
        %dma_wait3A_570 = tpu.memref_squeeze %dma_wait3A_569 : memref<1x125x128xf32, #tpu.memory_space<vmem>> -> memref<125x128xf32, #tpu.memory_space<vmem>>
        %dma_wait3A_571 = arith.constant 0 : i32
        %dma_wait3A_572 = tpu.memref_slice %arg7[%scan3A_537, %dma_wait3A_571] : memref<40x125xi32, #tpu.memory_space<vmem>> -> memref<1x125xi32, #tpu.memory_space<vmem>>
        %dma_wait3A_573 = tpu.memref_squeeze %dma_wait3A_572 : memref<1x125xi32, #tpu.memory_space<vmem>> -> memref<125xi32, #tpu.memory_space<vmem>>
        %dma_wait3A_574 = arith.constant 0 : i32
        %dma_wait3A_575 = arith.constant 0 : i32
        %dma_wait3A_576 = tpu.memref_slice %arg9[%dma_wait3A_574, %dma_wait3A_575] : memref<10240x128xf32, #tpu.memory_space<vmem_shared>> -> memref<10240x128xf32, #tpu.memory_space<vmem_shared>>
        tpu.wait_indirect_dma semaphore(%run_scoped3A_556 : memref<!tpu.dma_semaphore, #tpu.memory_space<semaphore_mem>>) src(%dma_wait3A_570 : memref<125x128xf32, #tpu.memory_space<vmem>>) dst(%dma_wait3A_576 : memref<10240x128xf32, #tpu.memory_space<vmem_shared>>)
        tpu.yield
      }) : () -> ()
      %add3A_552 = arith.constant 2 : i32
      %add3A_553 = arith.addi %scan3A_537, %add3A_552 : i32
      %lt3A = arith.constant 40 : i32
      %lt3A_554 = arith.cmpi slt, %add3A_553, %lt3A : i32
      %convert_element_type3A = arith.extui %lt3A_554 : i1 to i32
      %cond3A = arith.constant 0 : i32
      %cond3A_555 = arith.cmpi ne, %convert_element_type3A, %cond3A : i32
      scf.if %cond3A_555 {
        %add3A_556 = arith.constant 2 : i32
        %add3A_557 = arith.addi %scan3A_537, %add3A_556 : i32
        %add3A_558 = arith.constant 1 : i32
        %add3A_559 = arith.addi %add3A_557, %add3A_558 : i32
        %rem3A_560 = arith.constant 2 : i32
        %rem3A_561 = arith.remsi %add3A_559, %rem3A_560 : i32
        %dma_start3A_562 = arith.constant 0 : i32
        %dma_start3A_563 = arith.constant 0 : i32
        %dma_start3A_564 = tpu.memref_slice %arg8[%rem3A_561, %dma_start3A_562, %dma_start3A_563] : memref<2x125x128xf32, #tpu.memory_space<vmem>> -> memref<1x125x128xf32, #tpu.memory_space<vmem>>
        %dma_start3A_565 = tpu.memref_squeeze %dma_start3A_564 : memref<1x125x128xf32, #tpu.memory_space<vmem>> -> memref<125x128xf32, #tpu.memory_space<vmem>>
        %dma_start3A_566 = arith.constant 0 : i32
        %dma_start3A_567 = tpu.memref_slice %arg6[%add3A_557, %dma_start3A_566] : memref<40x125xi32, #tpu.memory_space<vmem>> -> memref<1x125xi32, #tpu.memory_space<vmem>>
        %dma_start3A_568 = tpu.memref_squeeze %dma_start3A_567 : memref<1x125xi32, #tpu.memory_space<vmem>> -> memref<125xi32, #tpu.memory_space<vmem>>
        %dma_start3A_569 = arith.constant 0 : i32
        %dma_start3A_570 = arith.constant 0 : i32
        %dma_start3A_571 = tpu.memref_slice %arg2[%dma_start3A_569, %dma_start3A_570] : memref<10000x128xf32, #tpu.memory_space<hbm>> -> memref<10000x128xf32, #tpu.memory_space<hbm>>
        tpu.enqueue_indirect_dma source(%dma_start3A_571 : memref<10000x128xf32, #tpu.memory_space<hbm>>) target(%dma_start3A_565 : memref<125x128xf32, #tpu.memory_space<vmem>>) offsets(%dma_start3A_568 : memref<125xi32, #tpu.memory_space<vmem>>) semaphore(%arg10 : memref<!tpu.dma_semaphore, #tpu.memory_space<semaphore_mem>>)
      } else {
      }
    }
    %scan3A_255 = arith.constant 40 : i32
    %barrier3A_256 = arith.constant 0 : index
    tpu.barrier barrier_id(%barrier3A_256)
    %add3A_257 = arith.constant 0 : i32
    %add3A_258 = arith.addi %mul3A_15, %add3A_257 : i32
    %run_scoped3A_259 = arith.constant 0 : i32
    "tpu.region"() ({
      %run_scoped3A_537 = tpu.sem_alloc : memref<!tpu.dma_semaphore, #tpu.memory_space<semaphore_mem>>
      %dma_start3A_538 = arith.constant 0 : i32
      %dma_start3A_539 = arith.constant 0 : i32
      %dma_start3A_540 = tpu.memref_slice %arg8[%run_scoped3A_259, %dma_start3A_538, %dma_start3A_539] : memref<2x125x128xf32, #tpu.memory_space<vmem>> -> memref<1x80x128xf32, #tpu.memory_space<vmem>>
      %dma_start3A_541 = tpu.memref_squeeze %dma_start3A_540 : memref<1x80x128xf32, #tpu.memory_space<vmem>> -> memref<80x128xf32, #tpu.memory_space<vmem>>
      %dma_start3A_542 = arith.constant 0 : i32
      %dma_start3A_543 = tpu.memref_slice %arg9[%add3A_258, %dma_start3A_542] : memref<10240x128xf32, #tpu.memory_space<vmem_shared>> -> memref<80x128xf32, #tpu.memory_space<vmem_shared>>
      %dma_start3A_544 = arith.constant 0 : i32
      %dma_start3A_545 = arith.constant 0 : i32
      %dma_start3A_546 = tpu.memref_slice %arg8[%run_scoped3A_259, %dma_start3A_544, %dma_start3A_545] : memref<2x125x128xf32, #tpu.memory_space<vmem>> -> memref<1x80x128xf32, #tpu.memory_space<vmem>>
      %dma_start3A_547 = tpu.memref_squeeze %dma_start3A_546 : memref<1x80x128xf32, #tpu.memory_space<vmem>> -> memref<80x128xf32, #tpu.memory_space<vmem>>
      %dma_start3A_548 = arith.constant 0 : i32
      %dma_start3A_549 = tpu.memref_slice %arg9[%add3A_258, %dma_start3A_548] : memref<10240x128xf32, #tpu.memory_space<vmem_shared>> -> memref<80x128xf32, #tpu.memory_space<vmem_shared>>
      tpu.enqueue_dma source(%dma_start3A_549 : memref<80x128xf32, #tpu.memory_space<vmem_shared>>) target(%dma_start3A_547 : memref<80x128xf32, #tpu.memory_space<vmem>>) target_semaphore(%run_scoped3A_537 : memref<!tpu.dma_semaphore, #tpu.memory_space<semaphore_mem>>)
      %dma_wait3A_550 = arith.constant 0 : i32
      %dma_wait3A_551 = arith.constant 0 : i32
      %dma_wait3A_552 = tpu.memref_slice %arg8[%run_scoped3A_259, %dma_wait3A_550, %dma_wait3A_551] : memref<2x125x128xf32, #tpu.memory_space<vmem>> -> memref<1x80x128xf32, #tpu.memory_space<vmem>>
      %dma_wait3A_553 = tpu.memref_squeeze %dma_wait3A_552 : memref<1x80x128xf32, #tpu.memory_space<vmem>> -> memref<80x128xf32, #tpu.memory_space<vmem>>
      %dma_wait3A_554 = arith.constant 0 : i32
      %dma_wait3A_555 = tpu.memref_slice %arg9[%add3A_258, %dma_wait3A_554] : memref<10240x128xf32, #tpu.memory_space<vmem_shared>> -> memref<80x128xf32, #tpu.memory_space<vmem_shared>>
      %dma_wait3A_556 = arith.constant 0 : i32
      %dma_wait3A_557 = arith.constant 0 : i32
      %dma_wait3A_558 = tpu.memref_slice %arg8[%run_scoped3A_259, %dma_wait3A_556, %dma_wait3A_557] : memref<2x125x128xf32, #tpu.memory_space<vmem>> -> memref<1x80x128xf32, #tpu.memory_space<vmem>>
      %dma_wait3A_559 = tpu.memref_squeeze %dma_wait3A_558 : memref<1x80x128xf32, #tpu.memory_space<vmem>> -> memref<80x128xf32, #tpu.memory_space<vmem>>
      %dma_wait3A_560 = arith.constant 0 : i32
      %dma_wait3A_561 = tpu.memref_slice %arg9[%add3A_258, %dma_wait3A_560] : memref<10240x128xf32, #tpu.memory_space<vmem_shared>> -> memref<80x128xf32, #tpu.memory_space<vmem_shared>>
      tpu.wait_dma2 semaphore(%run_scoped3A_537 : memref<!tpu.dma_semaphore, #tpu.memory_space<semaphore_mem>>) src(%dma_wait3A_561 : memref<80x128xf32, #tpu.memory_space<vmem_shared>>) dst(%dma_wait3A_559 : memref<80x128xf32, #tpu.memory_space<vmem>>)
      tpu.yield
    }) : () -> ()
    %add3A_260 = arith.constant 0 : i32
    %add3A_261 = arith.addi %mul3A_15, %add3A_260 : i32
    %dma_start3A_262 = arith.constant 0 : i32
    %dma_start3A_263 = arith.constant 0 : i32
    %dma_start3A_264 = arith.constant 0 : i32
    %dma_start3A_265 = tpu.memref_slice %arg8[%dma_start3A_262, %dma_start3A_263, %dma_start3A_264] : memref<2x125x128xf32, #tpu.memory_space<vmem>> -> memref<1x80x128xf32, #tpu.memory_space<vmem>>
    %dma_start3A_266 = tpu.memref_squeeze %dma_start3A_265 : memref<1x80x128xf32, #tpu.memory_space<vmem>> -> memref<80x128xf32, #tpu.memory_space<vmem>>
    %dma_start3A_267 = arith.constant 0 : i32
    %dma_start3A_268 = tpu.memref_slice %arg5[%arg0, %add3A_261, %dma_start3A_267] : memref<2x10240x128xf32, #tpu.memory_space<hbm>> -> memref<1x80x128xf32, #tpu.memory_space<hbm>>
    %dma_start3A_269 = tpu.memref_squeeze %dma_start3A_268 : memref<1x80x128xf32, #tpu.memory_space<hbm>> -> memref<80x128xf32, #tpu.memory_space<hbm>>
    %dma_start3A_270 = arith.constant 0 : i32
    %dma_start3A_271 = tpu.memref_slice %arg5[%arg0, %add3A_261, %dma_start3A_270] : memref<2x10240x128xf32, #tpu.memory_space<hbm>> -> memref<1x80x128xf32, #tpu.memory_space<hbm>>
    %dma_start3A_272 = tpu.memref_squeeze %dma_start3A_271 : memref<1x80x128xf32, #tpu.memory_space<hbm>> -> memref<80x128xf32, #tpu.memory_space<hbm>>
    %dma_start3A_273 = arith.constant 0 : i32
    %dma_start3A_274 = arith.constant 0 : i32
    %dma_start3A_275 = tpu.memref_slice %arg8[%dma_start3A_262, %dma_start3A_273, %dma_start3A_274] : memref<2x125x128xf32, #tpu.memory_space<vmem>> -> memref<1x80x128xf32, #tpu.memory_space<vmem>>
    %dma_start3A_276 = tpu.memref_squeeze %dma_start3A_275 : memref<1x80x128xf32, #tpu.memory_space<vmem>> -> memref<80x128xf32, #tpu.memory_space<vmem>>
    tpu.enqueue_dma source(%dma_start3A_276 : memref<80x128xf32, #tpu.memory_space<vmem>>) target(%dma_start3A_272 : memref<80x128xf32, #tpu.memory_space<hbm>>) target_semaphore(%arg11 : memref<!tpu.dma_semaphore, #tpu.memory_space<semaphore_mem>>)
    %add3A_277 = arith.constant 80 : i32
    %add3A_278 = arith.addi %mul3A_15, %add3A_277 : i32
    %run_scoped3A_279 = arith.constant 1 : i32
    "tpu.region"() ({
      %run_scoped3A_537 = tpu.sem_alloc : memref<!tpu.dma_semaphore, #tpu.memory_space<semaphore_mem>>
      %dma_start3A_538 = arith.constant 0 : i32
      %dma_start3A_539 = arith.constant 0 : i32
      %dma_start3A_540 = tpu.memref_slice %arg8[%run_scoped3A_279, %dma_start3A_538, %dma_start3A_539] : memref<2x125x128xf32, #tpu.memory_space<vmem>> -> memref<1x80x128xf32, #tpu.memory_space<vmem>>
      %dma_start3A_541 = tpu.memref_squeeze %dma_start3A_540 : memref<1x80x128xf32, #tpu.memory_space<vmem>> -> memref<80x128xf32, #tpu.memory_space<vmem>>
      %dma_start3A_542 = arith.constant 0 : i32
      %dma_start3A_543 = tpu.memref_slice %arg9[%add3A_278, %dma_start3A_542] : memref<10240x128xf32, #tpu.memory_space<vmem_shared>> -> memref<80x128xf32, #tpu.memory_space<vmem_shared>>
      %dma_start3A_544 = arith.constant 0 : i32
      %dma_start3A_545 = arith.constant 0 : i32
      %dma_start3A_546 = tpu.memref_slice %arg8[%run_scoped3A_279, %dma_start3A_544, %dma_start3A_545] : memref<2x125x128xf32, #tpu.memory_space<vmem>> -> memref<1x80x128xf32, #tpu.memory_space<vmem>>
      %dma_start3A_547 = tpu.memref_squeeze %dma_start3A_546 : memref<1x80x128xf32, #tpu.memory_space<vmem>> -> memref<80x128xf32, #tpu.memory_space<vmem>>
      %dma_start3A_548 = arith.constant 0 : i32
      %dma_start3A_549 = tpu.memref_slice %arg9[%add3A_278, %dma_start3A_548] : memref<10240x128xf32, #tpu.memory_space<vmem_shared>> -> memref<80x128xf32, #tpu.memory_space<vmem_shared>>
      tpu.enqueue_dma source(%dma_start3A_549 : memref<80x128xf32, #tpu.memory_space<vmem_shared>>) target(%dma_start3A_547 : memref<80x128xf32, #tpu.memory_space<vmem>>) target_semaphore(%run_scoped3A_537 : memref<!tpu.dma_semaphore, #tpu.memory_space<semaphore_mem>>)
      %dma_wait3A_550 = arith.constant 0 : i32
      %dma_wait3A_551 = arith.constant 0 : i32
      %dma_wait3A_552 = tpu.memref_slice %arg8[%run_scoped3A_279, %dma_wait3A_550, %dma_wait3A_551] : memref<2x125x128xf32, #tpu.memory_space<vmem>> -> memref<1x80x128xf32, #tpu.memory_space<vmem>>
      %dma_wait3A_553 = tpu.memref_squeeze %dma_wait3A_552 : memref<1x80x128xf32, #tpu.memory_space<vmem>> -> memref<80x128xf32, #tpu.memory_space<vmem>>
      %dma_wait3A_554 = arith.constant 0 : i32
      %dma_wait3A_555 = tpu.memref_slice %arg9[%add3A_278, %dma_wait3A_554] : memref<10240x128xf32, #tpu.memory_space<vmem_shared>> -> memref<80x128xf32, #tpu.memory_space<vmem_shared>>
      %dma_wait3A_556 = arith.constant 0 : i32
      %dma_wait3A_557 = arith.constant 0 : i32
      %dma_wait3A_558 = tpu.memref_slice %arg8[%run_scoped3A_279, %dma_wait3A_556, %dma_wait3A_557] : memref<2x125x128xf32, #tpu.memory_space<vmem>> -> memref<1x80x128xf32, #tpu.memory_space<vmem>>
      %dma_wait3A_559 = tpu.memref_squeeze %dma_wait3A_558 : memref<1x80x128xf32, #tpu.memory_space<vmem>> -> memref<80x128xf32, #tpu.memory_space<vmem>>
      %dma_wait3A_560 = arith.constant 0 : i32
      %dma_wait3A_561 = tpu.memref_slice %arg9[%add3A_278, %dma_wait3A_560] : memref<10240x128xf32, #tpu.memory_space<vmem_shared>> -> memref<80x128xf32, #tpu.memory_space<vmem_shared>>
      tpu.wait_dma2 semaphore(%run_scoped3A_537 : memref<!tpu.dma_semaphore, #tpu.memory_space<semaphore_mem>>) src(%dma_wait3A_561 : memref<80x128xf32, #tpu.memory_space<vmem_shared>>) dst(%dma_wait3A_559 : memref<80x128xf32, #tpu.memory_space<vmem>>)
      tpu.yield
    }) : () -> ()
    %add3A_280 = arith.constant 80 : i32
    %add3A_281 = arith.addi %mul3A_15, %add3A_280 : i32
    %dma_start3A_282 = arith.constant 1 : i32
    %dma_start3A_283 = arith.constant 0 : i32
    %dma_start3A_284 = arith.constant 0 : i32
    %dma_start3A_285 = tpu.memref_slice %arg8[%dma_start3A_282, %dma_start3A_283, %dma_start3A_284] : memref<2x125x128xf32, #tpu.memory_space<vmem>> -> memref<1x80x128xf32, #tpu.memory_space<vmem>>
    %dma_start3A_286 = tpu.memref_squeeze %dma_start3A_285 : memref<1x80x128xf32, #tpu.memory_space<vmem>> -> memref<80x128xf32, #tpu.memory_space<vmem>>
    %dma_start3A_287 = arith.constant 0 : i32
    %dma_start3A_288 = tpu.memref_slice %arg5[%arg0, %add3A_281, %dma_start3A_287] : memref<2x10240x128xf32, #tpu.memory_space<hbm>> -> memref<1x80x128xf32, #tpu.memory_space<hbm>>
    %dma_start3A_289 = tpu.memref_squeeze %dma_start3A_288 : memref<1x80x128xf32, #tpu.memory_space<hbm>> -> memref<80x128xf32, #tpu.memory_space<hbm>>
    %dma_start3A_290 = arith.constant 0 : i32
    %dma_start3A_291 = tpu.memref_slice %arg5[%arg0, %add3A_281, %dma_start3A_290] : memref<2x10240x128xf32, #tpu.memory_space<hbm>> -> memref<1x80x128xf32, #tpu.memory_space<hbm>>
    %dma_start3A_292 = tpu.memref_squeeze %dma_start3A_291 : memref<1x80x128xf32, #tpu.memory_space<hbm>> -> memref<80x128xf32, #tpu.memory_space<hbm>>
    %dma_start3A_293 = arith.constant 0 : i32
    %dma_start3A_294 = arith.constant 0 : i32
    %dma_start3A_295 = tpu.memref_slice %arg8[%dma_start3A_282, %dma_start3A_293, %dma_start3A_294] : memref<2x125x128xf32, #tpu.memory_space<vmem>> -> memref<1x80x128xf32, #tpu.memory_space<vmem>>
    %dma_start3A_296 = tpu.memref_squeeze %dma_start3A_295 : memref<1x80x128xf32, #tpu.memory_space<vmem>> -> memref<80x128xf32, #tpu.memory_space<vmem>>
    tpu.enqueue_dma source(%dma_start3A_296 : memref<80x128xf32, #tpu.memory_space<vmem>>) target(%dma_start3A_292 : memref<80x128xf32, #tpu.memory_space<hbm>>) target_semaphore(%arg11 : memref<!tpu.dma_semaphore, #tpu.memory_space<semaphore_mem>>)
    %dma_wait3A_297 = arith.constant 0 : i32
    %dma_wait3A_298 = arith.constant 0 : i32
    %dma_wait3A_299 = arith.constant 0 : i32
    %dma_wait3A_300 = tpu.memref_slice %arg8[%dma_wait3A_297, %dma_wait3A_298, %dma_wait3A_299] : memref<2x125x128xf32, #tpu.memory_space<vmem>> -> memref<1x80x128xf32, #tpu.memory_space<vmem>>
    %dma_wait3A_301 = tpu.memref_squeeze %dma_wait3A_300 : memref<1x80x128xf32, #tpu.memory_space<vmem>> -> memref<80x128xf32, #tpu.memory_space<vmem>>
    %dma_wait3A_302 = arith.constant 0 : i32
    %dma_wait3A_303 = tpu.memref_slice %arg5[%arg0, %add3A_261, %dma_wait3A_302] : memref<2x10240x128xf32, #tpu.memory_space<hbm>> -> memref<1x80x128xf32, #tpu.memory_space<hbm>>
    %dma_wait3A_304 = tpu.memref_squeeze %dma_wait3A_303 : memref<1x80x128xf32, #tpu.memory_space<hbm>> -> memref<80x128xf32, #tpu.memory_space<hbm>>
    %dma_wait3A_305 = arith.constant 0 : i32
    %dma_wait3A_306 = tpu.memref_slice %arg5[%arg0, %add3A_261, %dma_wait3A_305] : memref<2x10240x128xf32, #tpu.memory_space<hbm>> -> memref<1x80x128xf32, #tpu.memory_space<hbm>>
    %dma_wait3A_307 = tpu.memref_squeeze %dma_wait3A_306 : memref<1x80x128xf32, #tpu.memory_space<hbm>> -> memref<80x128xf32, #tpu.memory_space<hbm>>
    %dma_wait3A_308 = arith.constant 0 : i32
    %dma_wait3A_309 = arith.constant 0 : i32
    %dma_wait3A_310 = tpu.memref_slice %arg8[%dma_wait3A_297, %dma_wait3A_308, %dma_wait3A_309] : memref<2x125x128xf32, #tpu.memory_space<vmem>> -> memref<1x80x128xf32, #tpu.memory_space<vmem>>
    %dma_wait3A_311 = tpu.memref_squeeze %dma_wait3A_310 : memref<1x80x128xf32, #tpu.memory_space<vmem>> -> memref<80x128xf32, #tpu.memory_space<vmem>>
    tpu.wait_dma2 semaphore(%arg11 : memref<!tpu.dma_semaphore, #tpu.memory_space<semaphore_mem>>) src(%dma_wait3A_311 : memref<80x128xf32, #tpu.memory_space<vmem>>) dst(%dma_wait3A_307 : memref<80x128xf32, #tpu.memory_space<hbm>>)
    %add3A_312 = arith.constant 160 : i32
    %add3A_313 = arith.addi %mul3A_15, %add3A_312 : i32
    %run_scoped3A_314 = arith.constant 0 : i32
    "tpu.region"() ({
      %run_scoped3A_537 = tpu.sem_alloc : memref<!tpu.dma_semaphore, #tpu.memory_space<semaphore_mem>>
      %dma_start3A_538 = arith.constant 0 : i32
      %dma_start3A_539 = arith.constant 0 : i32
      %dma_start3A_540 = tpu.memref_slice %arg8[%run_scoped3A_314, %dma_start3A_538, %dma_start3A_539] : memref<2x125x128xf32, #tpu.memory_space<vmem>> -> memref<1x80x128xf32, #tpu.memory_space<vmem>>
      %dma_start3A_541 = tpu.memref_squeeze %dma_start3A_540 : memref<1x80x128xf32, #tpu.memory_space<vmem>> -> memref<80x128xf32, #tpu.memory_space<vmem>>
      %dma_start3A_542 = arith.constant 0 : i32
      %dma_start3A_543 = tpu.memref_slice %arg9[%add3A_313, %dma_start3A_542] : memref<10240x128xf32, #tpu.memory_space<vmem_shared>> -> memref<80x128xf32, #tpu.memory_space<vmem_shared>>
      %dma_start3A_544 = arith.constant 0 : i32
      %dma_start3A_545 = arith.constant 0 : i32
      %dma_start3A_546 = tpu.memref_slice %arg8[%run_scoped3A_314, %dma_start3A_544, %dma_start3A_545] : memref<2x125x128xf32, #tpu.memory_space<vmem>> -> memref<1x80x128xf32, #tpu.memory_space<vmem>>
      %dma_start3A_547 = tpu.memref_squeeze %dma_start3A_546 : memref<1x80x128xf32, #tpu.memory_space<vmem>> -> memref<80x128xf32, #tpu.memory_space<vmem>>
      %dma_start3A_548 = arith.constant 0 : i32
      %dma_start3A_549 = tpu.memref_slice %arg9[%add3A_313, %dma_start3A_548] : memref<10240x128xf32, #tpu.memory_space<vmem_shared>> -> memref<80x128xf32, #tpu.memory_space<vmem_shared>>
      tpu.enqueue_dma source(%dma_start3A_549 : memref<80x128xf32, #tpu.memory_space<vmem_shared>>) target(%dma_start3A_547 : memref<80x128xf32, #tpu.memory_space<vmem>>) target_semaphore(%run_scoped3A_537 : memref<!tpu.dma_semaphore, #tpu.memory_space<semaphore_mem>>)
      %dma_wait3A_550 = arith.constant 0 : i32
      %dma_wait3A_551 = arith.constant 0 : i32
      %dma_wait3A_552 = tpu.memref_slice %arg8[%run_scoped3A_314, %dma_wait3A_550, %dma_wait3A_551] : memref<2x125x128xf32, #tpu.memory_space<vmem>> -> memref<1x80x128xf32, #tpu.memory_space<vmem>>
      %dma_wait3A_553 = tpu.memref_squeeze %dma_wait3A_552 : memref<1x80x128xf32, #tpu.memory_space<vmem>> -> memref<80x128xf32, #tpu.memory_space<vmem>>
      %dma_wait3A_554 = arith.constant 0 : i32
      %dma_wait3A_555 = tpu.memref_slice %arg9[%add3A_313, %dma_wait3A_554] : memref<10240x128xf32, #tpu.memory_space<vmem_shared>> -> memref<80x128xf32, #tpu.memory_space<vmem_shared>>
      %dma_wait3A_556 = arith.constant 0 : i32
      %dma_wait3A_557 = arith.constant 0 : i32
      %dma_wait3A_558 = tpu.memref_slice %arg8[%run_scoped3A_314, %dma_wait3A_556, %dma_wait3A_557] : memref<2x125x128xf32, #tpu.memory_space<vmem>> -> memref<1x80x128xf32, #tpu.memory_space<vmem>>
      %dma_wait3A_559 = tpu.memref_squeeze %dma_wait3A_558 : memref<1x80x128xf32, #tpu.memory_space<vmem>> -> memref<80x128xf32, #tpu.memory_space<vmem>>
      %dma_wait3A_560 = arith.constant 0 : i32
      %dma_wait3A_561 = tpu.memref_slice %arg9[%add3A_313, %dma_wait3A_560] : memref<10240x128xf32, #tpu.memory_space<vmem_shared>> -> memref<80x128xf32, #tpu.memory_space<vmem_shared>>
      tpu.wait_dma2 semaphore(%run_scoped3A_537 : memref<!tpu.dma_semaphore, #tpu.memory_space<semaphore_mem>>) src(%dma_wait3A_561 : memref<80x128xf32, #tpu.memory_space<vmem_shared>>) dst(%dma_wait3A_559 : memref<80x128xf32, #tpu.memory_space<vmem>>)
      tpu.yield
    }) : () -> ()
    %add3A_315 = arith.constant 160 : i32
    %add3A_316 = arith.addi %mul3A_15, %add3A_315 : i32
    %dma_start3A_317 = arith.constant 0 : i32
    %dma_start3A_318 = arith.constant 0 : i32
    %dma_start3A_319 = arith.constant 0 : i32
    %dma_start3A_320 = tpu.memref_slice %arg8[%dma_start3A_317, %dma_start3A_318, %dma_start3A_319] : memref<2x125x128xf32, #tpu.memory_space<vmem>> -> memref<1x80x128xf32, #tpu.memory_space<vmem>>
    %dma_start3A_321 = tpu.memref_squeeze %dma_start3A_320 : memref<1x80x128xf32, #tpu.memory_space<vmem>> -> memref<80x128xf32, #tpu.memory_space<vmem>>
    %dma_start3A_322 = arith.constant 0 : i32
    %dma_start3A_323 = tpu.memref_slice %arg5[%arg0, %add3A_316, %dma_start3A_322] : memref<2x10240x128xf32, #tpu.memory_space<hbm>> -> memref<1x80x128xf32, #tpu.memory_space<hbm>>
    %dma_start3A_324 = tpu.memref_squeeze %dma_start3A_323 : memref<1x80x128xf32, #tpu.memory_space<hbm>> -> memref<80x128xf32, #tpu.memory_space<hbm>>
    %dma_start3A_325 = arith.constant 0 : i32
    %dma_start3A_326 = tpu.memref_slice %arg5[%arg0, %add3A_316, %dma_start3A_325] : memref<2x10240x128xf32, #tpu.memory_space<hbm>> -> memref<1x80x128xf32, #tpu.memory_space<hbm>>
    %dma_start3A_327 = tpu.memref_squeeze %dma_start3A_326 : memref<1x80x128xf32, #tpu.memory_space<hbm>> -> memref<80x128xf32, #tpu.memory_space<hbm>>
    %dma_start3A_328 = arith.constant 0 : i32
    %dma_start3A_329 = arith.constant 0 : i32
    %dma_start3A_330 = tpu.memref_slice %arg8[%dma_start3A_317, %dma_start3A_328, %dma_start3A_329] : memref<2x125x128xf32, #tpu.memory_space<vmem>> -> memref<1x80x128xf32, #tpu.memory_space<vmem>>
    %dma_start3A_331 = tpu.memref_squeeze %dma_start3A_330 : memref<1x80x128xf32, #tpu.memory_space<vmem>> -> memref<80x128xf32, #tpu.memory_space<vmem>>
    tpu.enqueue_dma source(%dma_start3A_331 : memref<80x128xf32, #tpu.memory_space<vmem>>) target(%dma_start3A_327 : memref<80x128xf32, #tpu.memory_space<hbm>>) target_semaphore(%arg11 : memref<!tpu.dma_semaphore, #tpu.memory_space<semaphore_mem>>)
    %dma_wait3A_332 = arith.constant 1 : i32
    %dma_wait3A_333 = arith.constant 0 : i32
    %dma_wait3A_334 = arith.constant 0 : i32
    %dma_wait3A_335 = tpu.memref_slice %arg8[%dma_wait3A_332, %dma_wait3A_333, %dma_wait3A_334] : memref<2x125x128xf32, #tpu.memory_space<vmem>> -> memref<1x80x128xf32, #tpu.memory_space<vmem>>
    %dma_wait3A_336 = tpu.memref_squeeze %dma_wait3A_335 : memref<1x80x128xf32, #tpu.memory_space<vmem>> -> memref<80x128xf32, #tpu.memory_space<vmem>>
    %dma_wait3A_337 = arith.constant 0 : i32
    %dma_wait3A_338 = tpu.memref_slice %arg5[%arg0, %add3A_281, %dma_wait3A_337] : memref<2x10240x128xf32, #tpu.memory_space<hbm>> -> memref<1x80x128xf32, #tpu.memory_space<hbm>>
    %dma_wait3A_339 = tpu.memref_squeeze %dma_wait3A_338 : memref<1x80x128xf32, #tpu.memory_space<hbm>> -> memref<80x128xf32, #tpu.memory_space<hbm>>
    %dma_wait3A_340 = arith.constant 0 : i32
    %dma_wait3A_341 = tpu.memref_slice %arg5[%arg0, %add3A_281, %dma_wait3A_340] : memref<2x10240x128xf32, #tpu.memory_space<hbm>> -> memref<1x80x128xf32, #tpu.memory_space<hbm>>
    %dma_wait3A_342 = tpu.memref_squeeze %dma_wait3A_341 : memref<1x80x128xf32, #tpu.memory_space<hbm>> -> memref<80x128xf32, #tpu.memory_space<hbm>>
    %dma_wait3A_343 = arith.constant 0 : i32
    %dma_wait3A_344 = arith.constant 0 : i32
    %dma_wait3A_345 = tpu.memref_slice %arg8[%dma_wait3A_332, %dma_wait3A_343, %dma_wait3A_344] : memref<2x125x128xf32, #tpu.memory_space<vmem>> -> memref<1x80x128xf32, #tpu.memory_space<vmem>>
    %dma_wait3A_346 = tpu.memref_squeeze %dma_wait3A_345 : memref<1x80x128xf32, #tpu.memory_space<vmem>> -> memref<80x128xf32, #tpu.memory_space<vmem>>
    tpu.wait_dma2 semaphore(%arg11 : memref<!tpu.dma_semaphore, #tpu.memory_space<semaphore_mem>>) src(%dma_wait3A_346 : memref<80x128xf32, #tpu.memory_space<vmem>>) dst(%dma_wait3A_342 : memref<80x128xf32, #tpu.memory_space<hbm>>)
    %add3A_347 = arith.constant 240 : i32
    %add3A_348 = arith.addi %mul3A_15, %add3A_347 : i32
    %run_scoped3A_349 = arith.constant 1 : i32
    "tpu.region"() ({
      %run_scoped3A_537 = tpu.sem_alloc : memref<!tpu.dma_semaphore, #tpu.memory_space<semaphore_mem>>
      %dma_start3A_538 = arith.constant 0 : i32
      %dma_start3A_539 = arith.constant 0 : i32
      %dma_start3A_540 = tpu.memref_slice %arg8[%run_scoped3A_349, %dma_start3A_538, %dma_start3A_539] : memref<2x125x128xf32, #tpu.memory_space<vmem>> -> memref<1x80x128xf32, #tpu.memory_space<vmem>>
      %dma_start3A_541 = tpu.memref_squeeze %dma_start3A_540 : memref<1x80x128xf32, #tpu.memory_space<vmem>> -> memref<80x128xf32, #tpu.memory_space<vmem>>
      %dma_start3A_542 = arith.constant 0 : i32
      %dma_start3A_543 = tpu.memref_slice %arg9[%add3A_348, %dma_start3A_542] : memref<10240x128xf32, #tpu.memory_space<vmem_shared>> -> memref<80x128xf32, #tpu.memory_space<vmem_shared>>
      %dma_start3A_544 = arith.constant 0 : i32
      %dma_start3A_545 = arith.constant 0 : i32
      %dma_start3A_546 = tpu.memref_slice %arg8[%run_scoped3A_349, %dma_start3A_544, %dma_start3A_545] : memref<2x125x128xf32, #tpu.memory_space<vmem>> -> memref<1x80x128xf32, #tpu.memory_space<vmem>>
      %dma_start3A_547 = tpu.memref_squeeze %dma_start3A_546 : memref<1x80x128xf32, #tpu.memory_space<vmem>> -> memref<80x128xf32, #tpu.memory_space<vmem>>
      %dma_start3A_548 = arith.constant 0 : i32
      %dma_start3A_549 = tpu.memref_slice %arg9[%add3A_348, %dma_start3A_548] : memref<10240x128xf32, #tpu.memory_space<vmem_shared>> -> memref<80x128xf32, #tpu.memory_space<vmem_shared>>
      tpu.enqueue_dma source(%dma_start3A_549 : memref<80x128xf32, #tpu.memory_space<vmem_shared>>) target(%dma_start3A_547 : memref<80x128xf32, #tpu.memory_space<vmem>>) target_semaphore(%run_scoped3A_537 : memref<!tpu.dma_semaphore, #tpu.memory_space<semaphore_mem>>)
      %dma_wait3A_550 = arith.constant 0 : i32
      %dma_wait3A_551 = arith.constant 0 : i32
      %dma_wait3A_552 = tpu.memref_slice %arg8[%run_scoped3A_349, %dma_wait3A_550, %dma_wait3A_551] : memref<2x125x128xf32, #tpu.memory_space<vmem>> -> memref<1x80x128xf32, #tpu.memory_space<vmem>>
      %dma_wait3A_553 = tpu.memref_squeeze %dma_wait3A_552 : memref<1x80x128xf32, #tpu.memory_space<vmem>> -> memref<80x128xf32, #tpu.memory_space<vmem>>
      %dma_wait3A_554 = arith.constant 0 : i32
      %dma_wait3A_555 = tpu.memref_slice %arg9[%add3A_348, %dma_wait3A_554] : memref<10240x128xf32, #tpu.memory_space<vmem_shared>> -> memref<80x128xf32, #tpu.memory_space<vmem_shared>>
      %dma_wait3A_556 = arith.constant 0 : i32
      %dma_wait3A_557 = arith.constant 0 : i32
      %dma_wait3A_558 = tpu.memref_slice %arg8[%run_scoped3A_349, %dma_wait3A_556, %dma_wait3A_557] : memref<2x125x128xf32, #tpu.memory_space<vmem>> -> memref<1x80x128xf32, #tpu.memory_space<vmem>>
      %dma_wait3A_559 = tpu.memref_squeeze %dma_wait3A_558 : memref<1x80x128xf32, #tpu.memory_space<vmem>> -> memref<80x128xf32, #tpu.memory_space<vmem>>
      %dma_wait3A_560 = arith.constant 0 : i32
      %dma_wait3A_561 = tpu.memref_slice %arg9[%add3A_348, %dma_wait3A_560] : memref<10240x128xf32, #tpu.memory_space<vmem_shared>> -> memref<80x128xf32, #tpu.memory_space<vmem_shared>>
      tpu.wait_dma2 semaphore(%run_scoped3A_537 : memref<!tpu.dma_semaphore, #tpu.memory_space<semaphore_mem>>) src(%dma_wait3A_561 : memref<80x128xf32, #tpu.memory_space<vmem_shared>>) dst(%dma_wait3A_559 : memref<80x128xf32, #tpu.memory_space<vmem>>)
      tpu.yield
    }) : () -> ()
    %add3A_350 = arith.constant 240 : i32
    %add3A_351 = arith.addi %mul3A_15, %add3A_350 : i32
    %dma_start3A_352 = arith.constant 1 : i32
    %dma_start3A_353 = arith.constant 0 : i32
    %dma_start3A_354 = arith.constant 0 : i32
    %dma_start3A_355 = tpu.memref_slice %arg8[%dma_start3A_352, %dma_start3A_353, %dma_start3A_354] : memref<2x125x128xf32, #tpu.memory_space<vmem>> -> memref<1x80x128xf32, #tpu.memory_space<vmem>>
    %dma_start3A_356 = tpu.memref_squeeze %dma_start3A_355 : memref<1x80x128xf32, #tpu.memory_space<vmem>> -> memref<80x128xf32, #tpu.memory_space<vmem>>
    %dma_start3A_357 = arith.constant 0 : i32
    %dma_start3A_358 = tpu.memref_slice %arg5[%arg0, %add3A_351, %dma_start3A_357] : memref<2x10240x128xf32, #tpu.memory_space<hbm>> -> memref<1x80x128xf32, #tpu.memory_space<hbm>>
    %dma_start3A_359 = tpu.memref_squeeze %dma_start3A_358 : memref<1x80x128xf32, #tpu.memory_space<hbm>> -> memref<80x128xf32, #tpu.memory_space<hbm>>
    %dma_start3A_360 = arith.constant 0 : i32
    %dma_start3A_361 = tpu.memref_slice %arg5[%arg0, %add3A_351, %dma_start3A_360] : memref<2x10240x128xf32, #tpu.memory_space<hbm>> -> memref<1x80x128xf32, #tpu.memory_space<hbm>>
    %dma_start3A_362 = tpu.memref_squeeze %dma_start3A_361 : memref<1x80x128xf32, #tpu.memory_space<hbm>> -> memref<80x128xf32, #tpu.memory_space<hbm>>
    %dma_start3A_363 = arith.constant 0 : i32
    %dma_start3A_364 = arith.constant 0 : i32
    %dma_start3A_365 = tpu.memref_slice %arg8[%dma_start3A_352, %dma_start3A_363, %dma_start3A_364] : memref<2x125x128xf32, #tpu.memory_space<vmem>> -> memref<1x80x128xf32, #tpu.memory_space<vmem>>
    %dma_start3A_366 = tpu.memref_squeeze %dma_start3A_365 : memref<1x80x128xf32, #tpu.memory_space<vmem>> -> memref<80x128xf32, #tpu.memory_space<vmem>>
    tpu.enqueue_dma source(%dma_start3A_366 : memref<80x128xf32, #tpu.memory_space<vmem>>) target(%dma_start3A_362 : memref<80x128xf32, #tpu.memory_space<hbm>>) target_semaphore(%arg11 : memref<!tpu.dma_semaphore, #tpu.memory_space<semaphore_mem>>)
    %dma_wait3A_367 = arith.constant 0 : i32
    %dma_wait3A_368 = arith.constant 0 : i32
    %dma_wait3A_369 = arith.constant 0 : i32
    %dma_wait3A_370 = tpu.memref_slice %arg8[%dma_wait3A_367, %dma_wait3A_368, %dma_wait3A_369] : memref<2x125x128xf32, #tpu.memory_space<vmem>> -> memref<1x80x128xf32, #tpu.memory_space<vmem>>
    %dma_wait3A_371 = tpu.memref_squeeze %dma_wait3A_370 : memref<1x80x128xf32, #tpu.memory_space<vmem>> -> memref<80x128xf32, #tpu.memory_space<vmem>>
    %dma_wait3A_372 = arith.constant 0 : i32
    %dma_wait3A_373 = tpu.memref_slice %arg5[%arg0, %add3A_316, %dma_wait3A_372] : memref<2x10240x128xf32, #tpu.memory_space<hbm>> -> memref<1x80x128xf32, #tpu.memory_space<hbm>>
    %dma_wait3A_374 = tpu.memref_squeeze %dma_wait3A_373 : memref<1x80x128xf32, #tpu.memory_space<hbm>> -> memref<80x128xf32, #tpu.memory_space<hbm>>
    %dma_wait3A_375 = arith.constant 0 : i32
    %dma_wait3A_376 = tpu.memref_slice %arg5[%arg0, %add3A_316, %dma_wait3A_375] : memref<2x10240x128xf32, #tpu.memory_space<hbm>> -> memref<1x80x128xf32, #tpu.memory_space<hbm>>
    %dma_wait3A_377 = tpu.memref_squeeze %dma_wait3A_376 : memref<1x80x128xf32, #tpu.memory_space<hbm>> -> memref<80x128xf32, #tpu.memory_space<hbm>>
    %dma_wait3A_378 = arith.constant 0 : i32
    %dma_wait3A_379 = arith.constant 0 : i32
    %dma_wait3A_380 = tpu.memref_slice %arg8[%dma_wait3A_367, %dma_wait3A_378, %dma_wait3A_379] : memref<2x125x128xf32, #tpu.memory_space<vmem>> -> memref<1x80x128xf32, #tpu.memory_space<vmem>>
    %dma_wait3A_381 = tpu.memref_squeeze %dma_wait3A_380 : memref<1x80x128xf32, #tpu.memory_space<vmem>> -> memref<80x128xf32, #tpu.memory_space<vmem>>
    tpu.wait_dma2 semaphore(%arg11 : memref<!tpu.dma_semaphore, #tpu.memory_space<semaphore_mem>>) src(%dma_wait3A_381 : memref<80x128xf32, #tpu.memory_space<vmem>>) dst(%dma_wait3A_377 : memref<80x128xf32, #tpu.memory_space<hbm>>)
    %add3A_382 = arith.constant 320 : i32
    %add3A_383 = arith.addi %mul3A_15, %add3A_382 : i32
    %run_scoped3A_384 = arith.constant 0 : i32
    "tpu.region"() ({
      %run_scoped3A_537 = tpu.sem_alloc : memref<!tpu.dma_semaphore, #tpu.memory_space<semaphore_mem>>
      %dma_start3A_538 = arith.constant 0 : i32
      %dma_start3A_539 = arith.constant 0 : i32
      %dma_start3A_540 = tpu.memref_slice %arg8[%run_scoped3A_384, %dma_start3A_538, %dma_start3A_539] : memref<2x125x128xf32, #tpu.memory_space<vmem>> -> memref<1x80x128xf32, #tpu.memory_space<vmem>>
      %dma_start3A_541 = tpu.memref_squeeze %dma_start3A_540 : memref<1x80x128xf32, #tpu.memory_space<vmem>> -> memref<80x128xf32, #tpu.memory_space<vmem>>
      %dma_start3A_542 = arith.constant 0 : i32
      %dma_start3A_543 = tpu.memref_slice %arg9[%add3A_383, %dma_start3A_542] : memref<10240x128xf32, #tpu.memory_space<vmem_shared>> -> memref<80x128xf32, #tpu.memory_space<vmem_shared>>
      %dma_start3A_544 = arith.constant 0 : i32
      %dma_start3A_545 = arith.constant 0 : i32
      %dma_start3A_546 = tpu.memref_slice %arg8[%run_scoped3A_384, %dma_start3A_544, %dma_start3A_545] : memref<2x125x128xf32, #tpu.memory_space<vmem>> -> memref<1x80x128xf32, #tpu.memory_space<vmem>>
      %dma_start3A_547 = tpu.memref_squeeze %dma_start3A_546 : memref<1x80x128xf32, #tpu.memory_space<vmem>> -> memref<80x128xf32, #tpu.memory_space<vmem>>
      %dma_start3A_548 = arith.constant 0 : i32
      %dma_start3A_549 = tpu.memref_slice %arg9[%add3A_383, %dma_start3A_548] : memref<10240x128xf32, #tpu.memory_space<vmem_shared>> -> memref<80x128xf32, #tpu.memory_space<vmem_shared>>
      tpu.enqueue_dma source(%dma_start3A_549 : memref<80x128xf32, #tpu.memory_space<vmem_shared>>) target(%dma_start3A_547 : memref<80x128xf32, #tpu.memory_space<vmem>>) target_semaphore(%run_scoped3A_537 : memref<!tpu.dma_semaphore, #tpu.memory_space<semaphore_mem>>)
      %dma_wait3A_550 = arith.constant 0 : i32
      %dma_wait3A_551 = arith.constant 0 : i32
      %dma_wait3A_552 = tpu.memref_slice %arg8[%run_scoped3A_384, %dma_wait3A_550, %dma_wait3A_551] : memref<2x125x128xf32, #tpu.memory_space<vmem>> -> memref<1x80x128xf32, #tpu.memory_space<vmem>>
      %dma_wait3A_553 = tpu.memref_squeeze %dma_wait3A_552 : memref<1x80x128xf32, #tpu.memory_space<vmem>> -> memref<80x128xf32, #tpu.memory_space<vmem>>
      %dma_wait3A_554 = arith.constant 0 : i32
      %dma_wait3A_555 = tpu.memref_slice %arg9[%add3A_383, %dma_wait3A_554] : memref<10240x128xf32, #tpu.memory_space<vmem_shared>> -> memref<80x128xf32, #tpu.memory_space<vmem_shared>>
      %dma_wait3A_556 = arith.constant 0 : i32
      %dma_wait3A_557 = arith.constant 0 : i32
      %dma_wait3A_558 = tpu.memref_slice %arg8[%run_scoped3A_384, %dma_wait3A_556, %dma_wait3A_557] : memref<2x125x128xf32, #tpu.memory_space<vmem>> -> memref<1x80x128xf32, #tpu.memory_space<vmem>>
      %dma_wait3A_559 = tpu.memref_squeeze %dma_wait3A_558 : memref<1x80x128xf32, #tpu.memory_space<vmem>> -> memref<80x128xf32, #tpu.memory_space<vmem>>
      %dma_wait3A_560 = arith.constant 0 : i32
      %dma_wait3A_561 = tpu.memref_slice %arg9[%add3A_383, %dma_wait3A_560] : memref<10240x128xf32, #tpu.memory_space<vmem_shared>> -> memref<80x128xf32, #tpu.memory_space<vmem_shared>>
      tpu.wait_dma2 semaphore(%run_scoped3A_537 : memref<!tpu.dma_semaphore, #tpu.memory_space<semaphore_mem>>) src(%dma_wait3A_561 : memref<80x128xf32, #tpu.memory_space<vmem_shared>>) dst(%dma_wait3A_559 : memref<80x128xf32, #tpu.memory_space<vmem>>)
      tpu.yield
    }) : () -> ()
    %add3A_385 = arith.constant 320 : i32
    %add3A_386 = arith.addi %mul3A_15, %add3A_385 : i32
    %dma_start3A_387 = arith.constant 0 : i32
    %dma_start3A_388 = arith.constant 0 : i32
    %dma_start3A_389 = arith.constant 0 : i32
    %dma_start3A_390 = tpu.memref_slice %arg8[%dma_start3A_387, %dma_start3A_388, %dma_start3A_389] : memref<2x125x128xf32, #tpu.memory_space<vmem>> -> memref<1x80x128xf32, #tpu.memory_space<vmem>>
    %dma_start3A_391 = tpu.memref_squeeze %dma_start3A_390 : memref<1x80x128xf32, #tpu.memory_space<vmem>> -> memref<80x128xf32, #tpu.memory_space<vmem>>
    %dma_start3A_392 = arith.constant 0 : i32
    %dma_start3A_393 = tpu.memref_slice %arg5[%arg0, %add3A_386, %dma_start3A_392] : memref<2x10240x128xf32, #tpu.memory_space<hbm>> -> memref<1x80x128xf32, #tpu.memory_space<hbm>>
    %dma_start3A_394 = tpu.memref_squeeze %dma_start3A_393 : memref<1x80x128xf32, #tpu.memory_space<hbm>> -> memref<80x128xf32, #tpu.memory_space<hbm>>
    %dma_start3A_395 = arith.constant 0 : i32
    %dma_start3A_396 = tpu.memref_slice %arg5[%arg0, %add3A_386, %dma_start3A_395] : memref<2x10240x128xf32, #tpu.memory_space<hbm>> -> memref<1x80x128xf32, #tpu.memory_space<hbm>>
    %dma_start3A_397 = tpu.memref_squeeze %dma_start3A_396 : memref<1x80x128xf32, #tpu.memory_space<hbm>> -> memref<80x128xf32, #tpu.memory_space<hbm>>
    %dma_start3A_398 = arith.constant 0 : i32
    %dma_start3A_399 = arith.constant 0 : i32
    %dma_start3A_400 = tpu.memref_slice %arg8[%dma_start3A_387, %dma_start3A_398, %dma_start3A_399] : memref<2x125x128xf32, #tpu.memory_space<vmem>> -> memref<1x80x128xf32, #tpu.memory_space<vmem>>
    %dma_start3A_401 = tpu.memref_squeeze %dma_start3A_400 : memref<1x80x128xf32, #tpu.memory_space<vmem>> -> memref<80x128xf32, #tpu.memory_space<vmem>>
    tpu.enqueue_dma source(%dma_start3A_401 : memref<80x128xf32, #tpu.memory_space<vmem>>) target(%dma_start3A_397 : memref<80x128xf32, #tpu.memory_space<hbm>>) target_semaphore(%arg11 : memref<!tpu.dma_semaphore, #tpu.memory_space<semaphore_mem>>)
    %dma_wait3A_402 = arith.constant 1 : i32
    %dma_wait3A_403 = arith.constant 0 : i32
    %dma_wait3A_404 = arith.constant 0 : i32
    %dma_wait3A_405 = tpu.memref_slice %arg8[%dma_wait3A_402, %dma_wait3A_403, %dma_wait3A_404] : memref<2x125x128xf32, #tpu.memory_space<vmem>> -> memref<1x80x128xf32, #tpu.memory_space<vmem>>
    %dma_wait3A_406 = tpu.memref_squeeze %dma_wait3A_405 : memref<1x80x128xf32, #tpu.memory_space<vmem>> -> memref<80x128xf32, #tpu.memory_space<vmem>>
    %dma_wait3A_407 = arith.constant 0 : i32
    %dma_wait3A_408 = tpu.memref_slice %arg5[%arg0, %add3A_351, %dma_wait3A_407] : memref<2x10240x128xf32, #tpu.memory_space<hbm>> -> memref<1x80x128xf32, #tpu.memory_space<hbm>>
    %dma_wait3A_409 = tpu.memref_squeeze %dma_wait3A_408 : memref<1x80x128xf32, #tpu.memory_space<hbm>> -> memref<80x128xf32, #tpu.memory_space<hbm>>
    %dma_wait3A_410 = arith.constant 0 : i32
    %dma_wait3A_411 = tpu.memref_slice %arg5[%arg0, %add3A_351, %dma_wait3A_410] : memref<2x10240x128xf32, #tpu.memory_space<hbm>> -> memref<1x80x128xf32, #tpu.memory_space<hbm>>
    %dma_wait3A_412 = tpu.memref_squeeze %dma_wait3A_411 : memref<1x80x128xf32, #tpu.memory_space<hbm>> -> memref<80x128xf32, #tpu.memory_space<hbm>>
    %dma_wait3A_413 = arith.constant 0 : i32
    %dma_wait3A_414 = arith.constant 0 : i32
    %dma_wait3A_415 = tpu.memref_slice %arg8[%dma_wait3A_402, %dma_wait3A_413, %dma_wait3A_414] : memref<2x125x128xf32, #tpu.memory_space<vmem>> -> memref<1x80x128xf32, #tpu.memory_space<vmem>>
    %dma_wait3A_416 = tpu.memref_squeeze %dma_wait3A_415 : memref<1x80x128xf32, #tpu.memory_space<vmem>> -> memref<80x128xf32, #tpu.memory_space<vmem>>
    tpu.wait_dma2 semaphore(%arg11 : memref<!tpu.dma_semaphore, #tpu.memory_space<semaphore_mem>>) src(%dma_wait3A_416 : memref<80x128xf32, #tpu.memory_space<vmem>>) dst(%dma_wait3A_412 : memref<80x128xf32, #tpu.memory_space<hbm>>)
    %add3A_417 = arith.constant 400 : i32
    %add3A_418 = arith.addi %mul3A_15, %add3A_417 : i32
    %run_scoped3A_419 = arith.constant 1 : i32
    "tpu.region"() ({
      %run_scoped3A_537 = tpu.sem_alloc : memref<!tpu.dma_semaphore, #tpu.memory_space<semaphore_mem>>
      %dma_start3A_538 = arith.constant 0 : i32
      %dma_start3A_539 = arith.constant 0 : i32
      %dma_start3A_540 = tpu.memref_slice %arg8[%run_scoped3A_419, %dma_start3A_538, %dma_start3A_539] : memref<2x125x128xf32, #tpu.memory_space<vmem>> -> memref<1x80x128xf32, #tpu.memory_space<vmem>>
      %dma_start3A_541 = tpu.memref_squeeze %dma_start3A_540 : memref<1x80x128xf32, #tpu.memory_space<vmem>> -> memref<80x128xf32, #tpu.memory_space<vmem>>
      %dma_start3A_542 = arith.constant 0 : i32
      %dma_start3A_543 = tpu.memref_slice %arg9[%add3A_418, %dma_start3A_542] : memref<10240x128xf32, #tpu.memory_space<vmem_shared>> -> memref<80x128xf32, #tpu.memory_space<vmem_shared>>
      %dma_start3A_544 = arith.constant 0 : i32
      %dma_start3A_545 = arith.constant 0 : i32
      %dma_start3A_546 = tpu.memref_slice %arg8[%run_scoped3A_419, %dma_start3A_544, %dma_start3A_545] : memref<2x125x128xf32, #tpu.memory_space<vmem>> -> memref<1x80x128xf32, #tpu.memory_space<vmem>>
      %dma_start3A_547 = tpu.memref_squeeze %dma_start3A_546 : memref<1x80x128xf32, #tpu.memory_space<vmem>> -> memref<80x128xf32, #tpu.memory_space<vmem>>
      %dma_start3A_548 = arith.constant 0 : i32
      %dma_start3A_549 = tpu.memref_slice %arg9[%add3A_418, %dma_start3A_548] : memref<10240x128xf32, #tpu.memory_space<vmem_shared>> -> memref<80x128xf32, #tpu.memory_space<vmem_shared>>
      tpu.enqueue_dma source(%dma_start3A_549 : memref<80x128xf32, #tpu.memory_space<vmem_shared>>) target(%dma_start3A_547 : memref<80x128xf32, #tpu.memory_space<vmem>>) target_semaphore(%run_scoped3A_537 : memref<!tpu.dma_semaphore, #tpu.memory_space<semaphore_mem>>)
      %dma_wait3A_550 = arith.constant 0 : i32
      %dma_wait3A_551 = arith.constant 0 : i32
      %dma_wait3A_552 = tpu.memref_slice %arg8[%run_scoped3A_419, %dma_wait3A_550, %dma_wait3A_551] : memref<2x125x128xf32, #tpu.memory_space<vmem>> -> memref<1x80x128xf32, #tpu.memory_space<vmem>>
      %dma_wait3A_553 = tpu.memref_squeeze %dma_wait3A_552 : memref<1x80x128xf32, #tpu.memory_space<vmem>> -> memref<80x128xf32, #tpu.memory_space<vmem>>
      %dma_wait3A_554 = arith.constant 0 : i32
      %dma_wait3A_555 = tpu.memref_slice %arg9[%add3A_418, %dma_wait3A_554] : memref<10240x128xf32, #tpu.memory_space<vmem_shared>> -> memref<80x128xf32, #tpu.memory_space<vmem_shared>>
      %dma_wait3A_556 = arith.constant 0 : i32
      %dma_wait3A_557 = arith.constant 0 : i32
      %dma_wait3A_558 = tpu.memref_slice %arg8[%run_scoped3A_419, %dma_wait3A_556, %dma_wait3A_557] : memref<2x125x128xf32, #tpu.memory_space<vmem>> -> memref<1x80x128xf32, #tpu.memory_space<vmem>>
      %dma_wait3A_559 = tpu.memref_squeeze %dma_wait3A_558 : memref<1x80x128xf32, #tpu.memory_space<vmem>> -> memref<80x128xf32, #tpu.memory_space<vmem>>
      %dma_wait3A_560 = arith.constant 0 : i32
      %dma_wait3A_561 = tpu.memref_slice %arg9[%add3A_418, %dma_wait3A_560] : memref<10240x128xf32, #tpu.memory_space<vmem_shared>> -> memref<80x128xf32, #tpu.memory_space<vmem_shared>>
      tpu.wait_dma2 semaphore(%run_scoped3A_537 : memref<!tpu.dma_semaphore, #tpu.memory_space<semaphore_mem>>) src(%dma_wait3A_561 : memref<80x128xf32, #tpu.memory_space<vmem_shared>>) dst(%dma_wait3A_559 : memref<80x128xf32, #tpu.memory_space<vmem>>)
      tpu.yield
    }) : () -> ()
    %add3A_420 = arith.constant 400 : i32
    %add3A_421 = arith.addi %mul3A_15, %add3A_420 : i32
    %dma_start3A_422 = arith.constant 1 : i32
    %dma_start3A_423 = arith.constant 0 : i32
    %dma_start3A_424 = arith.constant 0 : i32
    %dma_start3A_425 = tpu.memref_slice %arg8[%dma_start3A_422, %dma_start3A_423, %dma_start3A_424] : memref<2x125x128xf32, #tpu.memory_space<vmem>> -> memref<1x80x128xf32, #tpu.memory_space<vmem>>
    %dma_start3A_426 = tpu.memref_squeeze %dma_start3A_425 : memref<1x80x128xf32, #tpu.memory_space<vmem>> -> memref<80x128xf32, #tpu.memory_space<vmem>>
    %dma_start3A_427 = arith.constant 0 : i32
    %dma_start3A_428 = tpu.memref_slice %arg5[%arg0, %add3A_421, %dma_start3A_427] : memref<2x10240x128xf32, #tpu.memory_space<hbm>> -> memref<1x80x128xf32, #tpu.memory_space<hbm>>
    %dma_start3A_429 = tpu.memref_squeeze %dma_start3A_428 : memref<1x80x128xf32, #tpu.memory_space<hbm>> -> memref<80x128xf32, #tpu.memory_space<hbm>>
    %dma_start3A_430 = arith.constant 0 : i32
    %dma_start3A_431 = tpu.memref_slice %arg5[%arg0, %add3A_421, %dma_start3A_430] : memref<2x10240x128xf32, #tpu.memory_space<hbm>> -> memref<1x80x128xf32, #tpu.memory_space<hbm>>
    %dma_start3A_432 = tpu.memref_squeeze %dma_start3A_431 : memref<1x80x128xf32, #tpu.memory_space<hbm>> -> memref<80x128xf32, #tpu.memory_space<hbm>>
    %dma_start3A_433 = arith.constant 0 : i32
    %dma_start3A_434 = arith.constant 0 : i32
    %dma_start3A_435 = tpu.memref_slice %arg8[%dma_start3A_422, %dma_start3A_433, %dma_start3A_434] : memref<2x125x128xf32, #tpu.memory_space<vmem>> -> memref<1x80x128xf32, #tpu.memory_space<vmem>>
    %dma_start3A_436 = tpu.memref_squeeze %dma_start3A_435 : memref<1x80x128xf32, #tpu.memory_space<vmem>> -> memref<80x128xf32, #tpu.memory_space<vmem>>
    tpu.enqueue_dma source(%dma_start3A_436 : memref<80x128xf32, #tpu.memory_space<vmem>>) target(%dma_start3A_432 : memref<80x128xf32, #tpu.memory_space<hbm>>) target_semaphore(%arg11 : memref<!tpu.dma_semaphore, #tpu.memory_space<semaphore_mem>>)
    %dma_wait3A_437 = arith.constant 0 : i32
    %dma_wait3A_438 = arith.constant 0 : i32
    %dma_wait3A_439 = arith.constant 0 : i32
    %dma_wait3A_440 = tpu.memref_slice %arg8[%dma_wait3A_437, %dma_wait3A_438, %dma_wait3A_439] : memref<2x125x128xf32, #tpu.memory_space<vmem>> -> memref<1x80x128xf32, #tpu.memory_space<vmem>>
    %dma_wait3A_441 = tpu.memref_squeeze %dma_wait3A_440 : memref<1x80x128xf32, #tpu.memory_space<vmem>> -> memref<80x128xf32, #tpu.memory_space<vmem>>
    %dma_wait3A_442 = arith.constant 0 : i32
    %dma_wait3A_443 = tpu.memref_slice %arg5[%arg0, %add3A_386, %dma_wait3A_442] : memref<2x10240x128xf32, #tpu.memory_space<hbm>> -> memref<1x80x128xf32, #tpu.memory_space<hbm>>
    %dma_wait3A_444 = tpu.memref_squeeze %dma_wait3A_443 : memref<1x80x128xf32, #tpu.memory_space<hbm>> -> memref<80x128xf32, #tpu.memory_space<hbm>>
    %dma_wait3A_445 = arith.constant 0 : i32
    %dma_wait3A_446 = tpu.memref_slice %arg5[%arg0, %add3A_386, %dma_wait3A_445] : memref<2x10240x128xf32, #tpu.memory_space<hbm>> -> memref<1x80x128xf32, #tpu.memory_space<hbm>>
    %dma_wait3A_447 = tpu.memref_squeeze %dma_wait3A_446 : memref<1x80x128xf32, #tpu.memory_space<hbm>> -> memref<80x128xf32, #tpu.memory_space<hbm>>
    %dma_wait3A_448 = arith.constant 0 : i32
    %dma_wait3A_449 = arith.constant 0 : i32
    %dma_wait3A_450 = tpu.memref_slice %arg8[%dma_wait3A_437, %dma_wait3A_448, %dma_wait3A_449] : memref<2x125x128xf32, #tpu.memory_space<vmem>> -> memref<1x80x128xf32, #tpu.memory_space<vmem>>
    %dma_wait3A_451 = tpu.memref_squeeze %dma_wait3A_450 : memref<1x80x128xf32, #tpu.memory_space<vmem>> -> memref<80x128xf32, #tpu.memory_space<vmem>>
    tpu.wait_dma2 semaphore(%arg11 : memref<!tpu.dma_semaphore, #tpu.memory_space<semaphore_mem>>) src(%dma_wait3A_451 : memref<80x128xf32, #tpu.memory_space<vmem>>) dst(%dma_wait3A_447 : memref<80x128xf32, #tpu.memory_space<hbm>>)
    %add3A_452 = arith.constant 480 : i32
    %add3A_453 = arith.addi %mul3A_15, %add3A_452 : i32
    %run_scoped3A_454 = arith.constant 0 : i32
    "tpu.region"() ({
      %run_scoped3A_537 = tpu.sem_alloc : memref<!tpu.dma_semaphore, #tpu.memory_space<semaphore_mem>>
      %dma_start3A_538 = arith.constant 0 : i32
      %dma_start3A_539 = arith.constant 0 : i32
      %dma_start3A_540 = tpu.memref_slice %arg8[%run_scoped3A_454, %dma_start3A_538, %dma_start3A_539] : memref<2x125x128xf32, #tpu.memory_space<vmem>> -> memref<1x80x128xf32, #tpu.memory_space<vmem>>
      %dma_start3A_541 = tpu.memref_squeeze %dma_start3A_540 : memref<1x80x128xf32, #tpu.memory_space<vmem>> -> memref<80x128xf32, #tpu.memory_space<vmem>>
      %dma_start3A_542 = arith.constant 0 : i32
      %dma_start3A_543 = tpu.memref_slice %arg9[%add3A_453, %dma_start3A_542] : memref<10240x128xf32, #tpu.memory_space<vmem_shared>> -> memref<80x128xf32, #tpu.memory_space<vmem_shared>>
      %dma_start3A_544 = arith.constant 0 : i32
      %dma_start3A_545 = arith.constant 0 : i32
      %dma_start3A_546 = tpu.memref_slice %arg8[%run_scoped3A_454, %dma_start3A_544, %dma_start3A_545] : memref<2x125x128xf32, #tpu.memory_space<vmem>> -> memref<1x80x128xf32, #tpu.memory_space<vmem>>
      %dma_start3A_547 = tpu.memref_squeeze %dma_start3A_546 : memref<1x80x128xf32, #tpu.memory_space<vmem>> -> memref<80x128xf32, #tpu.memory_space<vmem>>
      %dma_start3A_548 = arith.constant 0 : i32
      %dma_start3A_549 = tpu.memref_slice %arg9[%add3A_453, %dma_start3A_548] : memref<10240x128xf32, #tpu.memory_space<vmem_shared>> -> memref<80x128xf32, #tpu.memory_space<vmem_shared>>
      tpu.enqueue_dma source(%dma_start3A_549 : memref<80x128xf32, #tpu.memory_space<vmem_shared>>) target(%dma_start3A_547 : memref<80x128xf32, #tpu.memory_space<vmem>>) target_semaphore(%run_scoped3A_537 : memref<!tpu.dma_semaphore, #tpu.memory_space<semaphore_mem>>)
      %dma_wait3A_550 = arith.constant 0 : i32
      %dma_wait3A_551 = arith.constant 0 : i32
      %dma_wait3A_552 = tpu.memref_slice %arg8[%run_scoped3A_454, %dma_wait3A_550, %dma_wait3A_551] : memref<2x125x128xf32, #tpu.memory_space<vmem>> -> memref<1x80x128xf32, #tpu.memory_space<vmem>>
      %dma_wait3A_553 = tpu.memref_squeeze %dma_wait3A_552 : memref<1x80x128xf32, #tpu.memory_space<vmem>> -> memref<80x128xf32, #tpu.memory_space<vmem>>
      %dma_wait3A_554 = arith.constant 0 : i32
      %dma_wait3A_555 = tpu.memref_slice %arg9[%add3A_453, %dma_wait3A_554] : memref<10240x128xf32, #tpu.memory_space<vmem_shared>> -> memref<80x128xf32, #tpu.memory_space<vmem_shared>>
      %dma_wait3A_556 = arith.constant 0 : i32
      %dma_wait3A_557 = arith.constant 0 : i32
      %dma_wait3A_558 = tpu.memref_slice %arg8[%run_scoped3A_454, %dma_wait3A_556, %dma_wait3A_557] : memref<2x125x128xf32, #tpu.memory_space<vmem>> -> memref<1x80x128xf32, #tpu.memory_space<vmem>>
      %dma_wait3A_559 = tpu.memref_squeeze %dma_wait3A_558 : memref<1x80x128xf32, #tpu.memory_space<vmem>> -> memref<80x128xf32, #tpu.memory_space<vmem>>
      %dma_wait3A_560 = arith.constant 0 : i32
      %dma_wait3A_561 = tpu.memref_slice %arg9[%add3A_453, %dma_wait3A_560] : memref<10240x128xf32, #tpu.memory_space<vmem_shared>> -> memref<80x128xf32, #tpu.memory_space<vmem_shared>>
      tpu.wait_dma2 semaphore(%run_scoped3A_537 : memref<!tpu.dma_semaphore, #tpu.memory_space<semaphore_mem>>) src(%dma_wait3A_561 : memref<80x128xf32, #tpu.memory_space<vmem_shared>>) dst(%dma_wait3A_559 : memref<80x128xf32, #tpu.memory_space<vmem>>)
      tpu.yield
    }) : () -> ()
    %add3A_455 = arith.constant 480 : i32
    %add3A_456 = arith.addi %mul3A_15, %add3A_455 : i32
    %dma_start3A_457 = arith.constant 0 : i32
    %dma_start3A_458 = arith.constant 0 : i32
    %dma_start3A_459 = arith.constant 0 : i32
    %dma_start3A_460 = tpu.memref_slice %arg8[%dma_start3A_457, %dma_start3A_458, %dma_start3A_459] : memref<2x125x128xf32, #tpu.memory_space<vmem>> -> memref<1x80x128xf32, #tpu.memory_space<vmem>>
    %dma_start3A_461 = tpu.memref_squeeze %dma_start3A_460 : memref<1x80x128xf32, #tpu.memory_space<vmem>> -> memref<80x128xf32, #tpu.memory_space<vmem>>
    %dma_start3A_462 = arith.constant 0 : i32
    %dma_start3A_463 = tpu.memref_slice %arg5[%arg0, %add3A_456, %dma_start3A_462] : memref<2x10240x128xf32, #tpu.memory_space<hbm>> -> memref<1x80x128xf32, #tpu.memory_space<hbm>>
    %dma_start3A_464 = tpu.memref_squeeze %dma_start3A_463 : memref<1x80x128xf32, #tpu.memory_space<hbm>> -> memref<80x128xf32, #tpu.memory_space<hbm>>
    %dma_start3A_465 = arith.constant 0 : i32
    %dma_start3A_466 = tpu.memref_slice %arg5[%arg0, %add3A_456, %dma_start3A_465] : memref<2x10240x128xf32, #tpu.memory_space<hbm>> -> memref<1x80x128xf32, #tpu.memory_space<hbm>>
    %dma_start3A_467 = tpu.memref_squeeze %dma_start3A_466 : memref<1x80x128xf32, #tpu.memory_space<hbm>> -> memref<80x128xf32, #tpu.memory_space<hbm>>
    %dma_start3A_468 = arith.constant 0 : i32
    %dma_start3A_469 = arith.constant 0 : i32
    %dma_start3A_470 = tpu.memref_slice %arg8[%dma_start3A_457, %dma_start3A_468, %dma_start3A_469] : memref<2x125x128xf32, #tpu.memory_space<vmem>> -> memref<1x80x128xf32, #tpu.memory_space<vmem>>
    %dma_start3A_471 = tpu.memref_squeeze %dma_start3A_470 : memref<1x80x128xf32, #tpu.memory_space<vmem>> -> memref<80x128xf32, #tpu.memory_space<vmem>>
    tpu.enqueue_dma source(%dma_start3A_471 : memref<80x128xf32, #tpu.memory_space<vmem>>) target(%dma_start3A_467 : memref<80x128xf32, #tpu.memory_space<hbm>>) target_semaphore(%arg11 : memref<!tpu.dma_semaphore, #tpu.memory_space<semaphore_mem>>)
    %dma_wait3A_472 = arith.constant 1 : i32
    %dma_wait3A_473 = arith.constant 0 : i32
    %dma_wait3A_474 = arith.constant 0 : i32
    %dma_wait3A_475 = tpu.memref_slice %arg8[%dma_wait3A_472, %dma_wait3A_473, %dma_wait3A_474] : memref<2x125x128xf32, #tpu.memory_space<vmem>> -> memref<1x80x128xf32, #tpu.memory_space<vmem>>
    %dma_wait3A_476 = tpu.memref_squeeze %dma_wait3A_475 : memref<1x80x128xf32, #tpu.memory_space<vmem>> -> memref<80x128xf32, #tpu.memory_space<vmem>>
    %dma_wait3A_477 = arith.constant 0 : i32
    %dma_wait3A_478 = tpu.memref_slice %arg5[%arg0, %add3A_421, %dma_wait3A_477] : memref<2x10240x128xf32, #tpu.memory_space<hbm>> -> memref<1x80x128xf32, #tpu.memory_space<hbm>>
    %dma_wait3A_479 = tpu.memref_squeeze %dma_wait3A_478 : memref<1x80x128xf32, #tpu.memory_space<hbm>> -> memref<80x128xf32, #tpu.memory_space<hbm>>
    %dma_wait3A_480 = arith.constant 0 : i32
    %dma_wait3A_481 = tpu.memref_slice %arg5[%arg0, %add3A_421, %dma_wait3A_480] : memref<2x10240x128xf32, #tpu.memory_space<hbm>> -> memref<1x80x128xf32, #tpu.memory_space<hbm>>
    %dma_wait3A_482 = tpu.memref_squeeze %dma_wait3A_481 : memref<1x80x128xf32, #tpu.memory_space<hbm>> -> memref<80x128xf32, #tpu.memory_space<hbm>>
    %dma_wait3A_483 = arith.constant 0 : i32
    %dma_wait3A_484 = arith.constant 0 : i32
    %dma_wait3A_485 = tpu.memref_slice %arg8[%dma_wait3A_472, %dma_wait3A_483, %dma_wait3A_484] : memref<2x125x128xf32, #tpu.memory_space<vmem>> -> memref<1x80x128xf32, #tpu.memory_space<vmem>>
    %dma_wait3A_486 = tpu.memref_squeeze %dma_wait3A_485 : memref<1x80x128xf32, #tpu.memory_space<vmem>> -> memref<80x128xf32, #tpu.memory_space<vmem>>
    tpu.wait_dma2 semaphore(%arg11 : memref<!tpu.dma_semaphore, #tpu.memory_space<semaphore_mem>>) src(%dma_wait3A_486 : memref<80x128xf32, #tpu.memory_space<vmem>>) dst(%dma_wait3A_482 : memref<80x128xf32, #tpu.memory_space<hbm>>)
    %add3A_487 = arith.constant 560 : i32
    %add3A_488 = arith.addi %mul3A_15, %add3A_487 : i32
    %run_scoped3A_489 = arith.constant 1 : i32
    "tpu.region"() ({
      %run_scoped3A_537 = tpu.sem_alloc : memref<!tpu.dma_semaphore, #tpu.memory_space<semaphore_mem>>
      %dma_start3A_538 = arith.constant 0 : i32
      %dma_start3A_539 = arith.constant 0 : i32
      %dma_start3A_540 = tpu.memref_slice %arg8[%run_scoped3A_489, %dma_start3A_538, %dma_start3A_539] : memref<2x125x128xf32, #tpu.memory_space<vmem>> -> memref<1x80x128xf32, #tpu.memory_space<vmem>>
      %dma_start3A_541 = tpu.memref_squeeze %dma_start3A_540 : memref<1x80x128xf32, #tpu.memory_space<vmem>> -> memref<80x128xf32, #tpu.memory_space<vmem>>
      %dma_start3A_542 = arith.constant 0 : i32
      %dma_start3A_543 = tpu.memref_slice %arg9[%add3A_488, %dma_start3A_542] : memref<10240x128xf32, #tpu.memory_space<vmem_shared>> -> memref<80x128xf32, #tpu.memory_space<vmem_shared>>
      %dma_start3A_544 = arith.constant 0 : i32
      %dma_start3A_545 = arith.constant 0 : i32
      %dma_start3A_546 = tpu.memref_slice %arg8[%run_scoped3A_489, %dma_start3A_544, %dma_start3A_545] : memref<2x125x128xf32, #tpu.memory_space<vmem>> -> memref<1x80x128xf32, #tpu.memory_space<vmem>>
      %dma_start3A_547 = tpu.memref_squeeze %dma_start3A_546 : memref<1x80x128xf32, #tpu.memory_space<vmem>> -> memref<80x128xf32, #tpu.memory_space<vmem>>
      %dma_start3A_548 = arith.constant 0 : i32
      %dma_start3A_549 = tpu.memref_slice %arg9[%add3A_488, %dma_start3A_548] : memref<10240x128xf32, #tpu.memory_space<vmem_shared>> -> memref<80x128xf32, #tpu.memory_space<vmem_shared>>
      tpu.enqueue_dma source(%dma_start3A_549 : memref<80x128xf32, #tpu.memory_space<vmem_shared>>) target(%dma_start3A_547 : memref<80x128xf32, #tpu.memory_space<vmem>>) target_semaphore(%run_scoped3A_537 : memref<!tpu.dma_semaphore, #tpu.memory_space<semaphore_mem>>)
      %dma_wait3A_550 = arith.constant 0 : i32
      %dma_wait3A_551 = arith.constant 0 : i32
      %dma_wait3A_552 = tpu.memref_slice %arg8[%run_scoped3A_489, %dma_wait3A_550, %dma_wait3A_551] : memref<2x125x128xf32, #tpu.memory_space<vmem>> -> memref<1x80x128xf32, #tpu.memory_space<vmem>>
      %dma_wait3A_553 = tpu.memref_squeeze %dma_wait3A_552 : memref<1x80x128xf32, #tpu.memory_space<vmem>> -> memref<80x128xf32, #tpu.memory_space<vmem>>
      %dma_wait3A_554 = arith.constant 0 : i32
      %dma_wait3A_555 = tpu.memref_slice %arg9[%add3A_488, %dma_wait3A_554] : memref<10240x128xf32, #tpu.memory_space<vmem_shared>> -> memref<80x128xf32, #tpu.memory_space<vmem_shared>>
      %dma_wait3A_556 = arith.constant 0 : i32
      %dma_wait3A_557 = arith.constant 0 : i32
      %dma_wait3A_558 = tpu.memref_slice %arg8[%run_scoped3A_489, %dma_wait3A_556, %dma_wait3A_557] : memref<2x125x128xf32, #tpu.memory_space<vmem>> -> memref<1x80x128xf32, #tpu.memory_space<vmem>>
      %dma_wait3A_559 = tpu.memref_squeeze %dma_wait3A_558 : memref<1x80x128xf32, #tpu.memory_space<vmem>> -> memref<80x128xf32, #tpu.memory_space<vmem>>
      %dma_wait3A_560 = arith.constant 0 : i32
      %dma_wait3A_561 = tpu.memref_slice %arg9[%add3A_488, %dma_wait3A_560] : memref<10240x128xf32, #tpu.memory_space<vmem_shared>> -> memref<80x128xf32, #tpu.memory_space<vmem_shared>>
      tpu.wait_dma2 semaphore(%run_scoped3A_537 : memref<!tpu.dma_semaphore, #tpu.memory_space<semaphore_mem>>) src(%dma_wait3A_561 : memref<80x128xf32, #tpu.memory_space<vmem_shared>>) dst(%dma_wait3A_559 : memref<80x128xf32, #tpu.memory_space<vmem>>)
      tpu.yield
    }) : () -> ()
    %add3A_490 = arith.constant 560 : i32
    %add3A_491 = arith.addi %mul3A_15, %add3A_490 : i32
    %dma_start3A_492 = arith.constant 1 : i32
    %dma_start3A_493 = arith.constant 0 : i32
    %dma_start3A_494 = arith.constant 0 : i32
    %dma_start3A_495 = tpu.memref_slice %arg8[%dma_start3A_492, %dma_start3A_493, %dma_start3A_494] : memref<2x125x128xf32, #tpu.memory_space<vmem>> -> memref<1x80x128xf32, #tpu.memory_space<vmem>>
    %dma_start3A_496 = tpu.memref_squeeze %dma_start3A_495 : memref<1x80x128xf32, #tpu.memory_space<vmem>> -> memref<80x128xf32, #tpu.memory_space<vmem>>
    %dma_start3A_497 = arith.constant 0 : i32
    %dma_start3A_498 = tpu.memref_slice %arg5[%arg0, %add3A_491, %dma_start3A_497] : memref<2x10240x128xf32, #tpu.memory_space<hbm>> -> memref<1x80x128xf32, #tpu.memory_space<hbm>>
    %dma_start3A_499 = tpu.memref_squeeze %dma_start3A_498 : memref<1x80x128xf32, #tpu.memory_space<hbm>> -> memref<80x128xf32, #tpu.memory_space<hbm>>
    %dma_start3A_500 = arith.constant 0 : i32
    %dma_start3A_501 = tpu.memref_slice %arg5[%arg0, %add3A_491, %dma_start3A_500] : memref<2x10240x128xf32, #tpu.memory_space<hbm>> -> memref<1x80x128xf32, #tpu.memory_space<hbm>>
    %dma_start3A_502 = tpu.memref_squeeze %dma_start3A_501 : memref<1x80x128xf32, #tpu.memory_space<hbm>> -> memref<80x128xf32, #tpu.memory_space<hbm>>
    %dma_start3A_503 = arith.constant 0 : i32
    %dma_start3A_504 = arith.constant 0 : i32
    %dma_start3A_505 = tpu.memref_slice %arg8[%dma_start3A_492, %dma_start3A_503, %dma_start3A_504] : memref<2x125x128xf32, #tpu.memory_space<vmem>> -> memref<1x80x128xf32, #tpu.memory_space<vmem>>
    %dma_start3A_506 = tpu.memref_squeeze %dma_start3A_505 : memref<1x80x128xf32, #tpu.memory_space<vmem>> -> memref<80x128xf32, #tpu.memory_space<vmem>>
    tpu.enqueue_dma source(%dma_start3A_506 : memref<80x128xf32, #tpu.memory_space<vmem>>) target(%dma_start3A_502 : memref<80x128xf32, #tpu.memory_space<hbm>>) target_semaphore(%arg11 : memref<!tpu.dma_semaphore, #tpu.memory_space<semaphore_mem>>)
    %dma_wait3A_507 = arith.constant 0 : i32
    %dma_wait3A_508 = arith.constant 0 : i32
    %dma_wait3A_509 = arith.constant 0 : i32
    %dma_wait3A_510 = tpu.memref_slice %arg8[%dma_wait3A_507, %dma_wait3A_508, %dma_wait3A_509] : memref<2x125x128xf32, #tpu.memory_space<vmem>> -> memref<1x80x128xf32, #tpu.memory_space<vmem>>
    %dma_wait3A_511 = tpu.memref_squeeze %dma_wait3A_510 : memref<1x80x128xf32, #tpu.memory_space<vmem>> -> memref<80x128xf32, #tpu.memory_space<vmem>>
    %dma_wait3A_512 = arith.constant 0 : i32
    %dma_wait3A_513 = tpu.memref_slice %arg5[%arg0, %add3A_456, %dma_wait3A_512] : memref<2x10240x128xf32, #tpu.memory_space<hbm>> -> memref<1x80x128xf32, #tpu.memory_space<hbm>>
    %dma_wait3A_514 = tpu.memref_squeeze %dma_wait3A_513 : memref<1x80x128xf32, #tpu.memory_space<hbm>> -> memref<80x128xf32, #tpu.memory_space<hbm>>
    %dma_wait3A_515 = arith.constant 0 : i32
    %dma_wait3A_516 = tpu.memref_slice %arg5[%arg0, %add3A_456, %dma_wait3A_515] : memref<2x10240x128xf32, #tpu.memory_space<hbm>> -> memref<1x80x128xf32, #tpu.memory_space<hbm>>
    %dma_wait3A_517 = tpu.memref_squeeze %dma_wait3A_516 : memref<1x80x128xf32, #tpu.memory_space<hbm>> -> memref<80x128xf32, #tpu.memory_space<hbm>>
    %dma_wait3A_518 = arith.constant 0 : i32
    %dma_wait3A_519 = arith.constant 0 : i32
    %dma_wait3A_520 = tpu.memref_slice %arg8[%dma_wait3A_507, %dma_wait3A_518, %dma_wait3A_519] : memref<2x125x128xf32, #tpu.memory_space<vmem>> -> memref<1x80x128xf32, #tpu.memory_space<vmem>>
    %dma_wait3A_521 = tpu.memref_squeeze %dma_wait3A_520 : memref<1x80x128xf32, #tpu.memory_space<vmem>> -> memref<80x128xf32, #tpu.memory_space<vmem>>
    tpu.wait_dma2 semaphore(%arg11 : memref<!tpu.dma_semaphore, #tpu.memory_space<semaphore_mem>>) src(%dma_wait3A_521 : memref<80x128xf32, #tpu.memory_space<vmem>>) dst(%dma_wait3A_517 : memref<80x128xf32, #tpu.memory_space<hbm>>)
    %dma_wait3A_522 = arith.constant 1 : i32
    %dma_wait3A_523 = arith.constant 0 : i32
    %dma_wait3A_524 = arith.constant 0 : i32
    %dma_wait3A_525 = tpu.memref_slice %arg8[%dma_wait3A_522, %dma_wait3A_523, %dma_wait3A_524] : memref<2x125x128xf32, #tpu.memory_space<vmem>> -> memref<1x80x128xf32, #tpu.memory_space<vmem>>
    %dma_wait3A_526 = tpu.memref_squeeze %dma_wait3A_525 : memref<1x80x128xf32, #tpu.memory_space<vmem>> -> memref<80x128xf32, #tpu.memory_space<vmem>>
    %dma_wait3A_527 = arith.constant 0 : i32
    %dma_wait3A_528 = tpu.memref_slice %arg5[%arg0, %add3A_491, %dma_wait3A_527] : memref<2x10240x128xf32, #tpu.memory_space<hbm>> -> memref<1x80x128xf32, #tpu.memory_space<hbm>>
    %dma_wait3A_529 = tpu.memref_squeeze %dma_wait3A_528 : memref<1x80x128xf32, #tpu.memory_space<hbm>> -> memref<80x128xf32, #tpu.memory_space<hbm>>
    %dma_wait3A_530 = arith.constant 0 : i32
    %dma_wait3A_531 = tpu.memref_slice %arg5[%arg0, %add3A_491, %dma_wait3A_530] : memref<2x10240x128xf32, #tpu.memory_space<hbm>> -> memref<1x80x128xf32, #tpu.memory_space<hbm>>
    %dma_wait3A_532 = tpu.memref_squeeze %dma_wait3A_531 : memref<1x80x128xf32, #tpu.memory_space<hbm>> -> memref<80x128xf32, #tpu.memory_space<hbm>>
    %dma_wait3A_533 = arith.constant 0 : i32
    %dma_wait3A_534 = arith.constant 0 : i32
    %dma_wait3A_535 = tpu.memref_slice %arg8[%dma_wait3A_522, %dma_wait3A_533, %dma_wait3A_534] : memref<2x125x128xf32, #tpu.memory_space<vmem>> -> memref<1x80x128xf32, #tpu.memory_space<vmem>>
    %dma_wait3A_536 = tpu.memref_squeeze %dma_wait3A_535 : memref<1x80x128xf32, #tpu.memory_space<vmem>> -> memref<80x128xf32, #tpu.memory_space<vmem>>
    tpu.wait_dma2 semaphore(%arg11 : memref<!tpu.dma_semaphore, #tpu.memory_space<semaphore_mem>>) src(%dma_wait3A_536 : memref<80x128xf32, #tpu.memory_space<vmem>>) dst(%dma_wait3A_532 : memref<80x128xf32, #tpu.memory_space<hbm>>)
    return
  }
}

module attributes {stable_mosaic.version = 14 : i64} {
  func.func @_tc_conv1_body(%arg0: i32, %arg1: memref<1x5000x128xf32, #tpu.memory_space<vmem>>, %arg2: memref<1x5000x128xf32, #tpu.memory_space<vmem>>, %arg3: memref<5000x128xf32, #tpu.memory_space<vmem>>, %arg4: memref<128x128xf32, #tpu.memory_space<vmem>>, %arg5: memref<1x128xf32, #tpu.memory_space<vmem>>, %arg6: memref<5000x128xf32, #tpu.memory_space<vmem>>) attributes {dimension_semantics = [#tpu.dimension_semantics<arbitrary>], iteration_bounds = array<i64: 2>, scalar_prefetch = 0 : i64, scratch_operands = 0 : i64, tpu.core_type = #tpu.core_type<tc>, window_params = [{transform_indices = @transform_0, window_bounds = array<i64: 1, 5000, 128>}, {transform_indices = @transform_1, window_bounds = array<i64: 1, 5000, 128>}, {transform_indices = @transform_2, window_bounds = array<i64: 5000, 128>}, {pipeline_mode = #tpu.pipeline_mode<synchronous>, transform_indices = @transform_3, window_bounds = array<i64: 128, 128>}, {pipeline_mode = #tpu.pipeline_mode<synchronous>, transform_indices = @transform_4, window_bounds = array<i64: 1, 128>}, {transform_indices = @transform_5, window_bounds = array<i64: 5000, 128>}]} {
    %get3A = arith.constant 0 : index
    %get3A_0 = arith.constant 0 : index
    %get3A_1 = arith.constant 0 : index
    %get3A_2 = vector.load %arg1[%get3A, %get3A_0, %get3A_1] : memref<1x5000x128xf32, #tpu.memory_space<vmem>>, vector<1x5000x128xf32>
    %get3A_3 = vector.shape_cast %get3A_2 : vector<1x5000x128xf32> to vector<5000x128xf32>
    %get3A_4 = arith.constant 0 : index
    %get3A_5 = arith.constant 0 : index
    %get3A_6 = arith.constant 0 : index
    %get3A_7 = vector.load %arg2[%get3A_4, %get3A_5, %get3A_6] : memref<1x5000x128xf32, #tpu.memory_space<vmem>>, vector<1x5000x128xf32>
    %get3A_8 = vector.shape_cast %get3A_7 : vector<1x5000x128xf32> to vector<5000x128xf32>
    %add3A = arith.addf %get3A_3, %get3A_8 : vector<5000x128xf32>
    %get3A_9 = arith.constant 0 : index
    %get3A_10 = arith.constant 0 : index
    %get3A_11 = vector.load %arg4[%get3A_9, %get3A_10] : memref<128x128xf32, #tpu.memory_space<vmem>>, vector<128x128xf32>
    %dot_general3A = arith.constant dense<0.000000e+00> : vector<5000x128xf32>
    %dot_general3A_12 = tpu.matmul %add3A, %get3A_11, %dot_general3A {dimension_numbers = #tpu.dot_dimension_numbers<[1], [0], [0], [1], [0, 0, 1, 1], [], []>, transpose_lhs_hint = false} : vector<5000x128xf32>, vector<128x128xf32>, vector<5000x128xf32> -> vector<5000x128xf32>
    %get3A_13 = arith.constant 0 : index
    %get3A_14 = arith.constant 0 : index
    %get3A_15 = vector.load %arg5[%get3A_13, %get3A_14] : memref<1x128xf32, #tpu.memory_space<vmem>>, vector<1x128xf32>
    %add3A_16 = vector.broadcast %get3A_15 : vector<1x128xf32> to vector<5000x128xf32>
    %add3A_17 = arith.addf %dot_general3A_12, %add3A_16 : vector<5000x128xf32>
    %get3A_18 = arith.constant 0 : index
    %get3A_19 = arith.constant 0 : index
    %get3A_20 = vector.load %arg3[%get3A_18, %get3A_19] : memref<5000x128xf32, #tpu.memory_space<vmem>>, vector<5000x128xf32>
    %add3A_21 = arith.addf %add3A_17, %get3A_20 : vector<5000x128xf32>
    %max3A = arith.constant 0.000000e+00 : f32
    %max3A_22 = vector.broadcast %max3A : f32 to vector<5000x128xf32>
    %max3A_23 = arith.maximumf %add3A_21, %max3A_22 : vector<5000x128xf32>
    %swap3A = arith.constant 0 : index
    %swap3A_24 = arith.constant 0 : index
    %swap3A_25 = vector.load %arg6[%swap3A, %swap3A_24] : memref<5000x128xf32, #tpu.memory_space<vmem>>, vector<5000x128xf32>
    tpu.vector_store %arg6[%swap3A, %swap3A_24], %max3A_23 {strides = array<i32>} : memref<5000x128xf32, #tpu.memory_space<vmem>>, vector<5000x128xf32>,
    return
  }
  func.func @transform_0(%arg0: i32) -> (i32, i32, i32) {
    %c0_i32 = arith.constant 0 : i32
    %c0_i32_0 = arith.constant 0 : i32
    %c0_i32_1 = arith.constant 0 : i32
    return %c0_i32, %arg0, %c0_i32_0 : i32, i32, i32
  }
  func.func @transform_1(%arg0: i32) -> (i32, i32, i32) {
    %c1_i32 = arith.constant 1 : i32
    %c0_i32 = arith.constant 0 : i32
    %c0_i32_0 = arith.constant 0 : i32
    return %c1_i32, %arg0, %c0_i32 : i32, i32, i32
  }
  func.func @transform_2(%arg0: i32) -> (i32, i32) {
    %c0_i32 = arith.constant 0 : i32
    %c0_i32_0 = arith.constant 0 : i32
    return %arg0, %c0_i32 : i32, i32
  }
  func.func @transform_3(%arg0: i32) -> (i32, i32) {
    %c0_i32 = arith.constant 0 : i32
    %c0_i32_0 = arith.constant 0 : i32
    %c0_i32_1 = arith.constant 0 : i32
    return %c0_i32, %c0_i32_0 : i32, i32
  }
  func.func @transform_4(%arg0: i32) -> (i32, i32) {
    %c0_i32 = arith.constant 0 : i32
    %c0_i32_0 = arith.constant 0 : i32
    %c0_i32_1 = arith.constant 0 : i32
    return %c0_i32, %c0_i32_0 : i32, i32
  }
  func.func @transform_5(%arg0: i32) -> (i32, i32) {
    %c0_i32 = arith.constant 0 : i32
    %c0_i32_0 = arith.constant 0 : i32
    return %arg0, %c0_i32 : i32, i32
  }
}

module attributes {stable_mosaic.version = 14 : i64} {
  func.func @_tc_mm_body(%arg0: i32, %arg1: memref<5000x128xf32, #tpu.memory_space<vmem>>, %arg2: memref<128x128xf32, #tpu.memory_space<vmem>>, %arg3: memref<5000x128xf32, #tpu.memory_space<vmem>>) attributes {dimension_semantics = [#tpu.dimension_semantics<arbitrary>], iteration_bounds = array<i64: 2>, scalar_prefetch = 0 : i64, scratch_operands = 0 : i64, tpu.core_type = #tpu.core_type<tc>, window_params = [{transform_indices = @transform_0, window_bounds = array<i64: 5000, 128>}, {pipeline_mode = #tpu.pipeline_mode<synchronous>, transform_indices = @transform_1, window_bounds = array<i64: 128, 128>}, {transform_indices = @transform_2, window_bounds = array<i64: 5000, 128>}]} {
    %get3A = arith.constant 0 : index
    %get3A_0 = arith.constant 0 : index
    %get3A_1 = vector.load %arg1[%get3A, %get3A_0] : memref<5000x128xf32, #tpu.memory_space<vmem>>, vector<5000x128xf32>
    %get3A_2 = arith.constant 0 : index
    %get3A_3 = arith.constant 0 : index
    %get3A_4 = vector.load %arg2[%get3A_2, %get3A_3] : memref<128x128xf32, #tpu.memory_space<vmem>>, vector<128x128xf32>
    %dot_general3A = arith.constant dense<0.000000e+00> : vector<5000x128xf32>
    %dot_general3A_5 = tpu.matmul %get3A_1, %get3A_4, %dot_general3A {dimension_numbers = #tpu.dot_dimension_numbers<[1], [0], [0], [1], [0, 0, 1, 1], [], []>, transpose_lhs_hint = false} : vector<5000x128xf32>, vector<128x128xf32>, vector<5000x128xf32> -> vector<5000x128xf32>
    %swap3A = arith.constant 0 : index
    %swap3A_6 = arith.constant 0 : index
    %swap3A_7 = vector.load %arg3[%swap3A, %swap3A_6] : memref<5000x128xf32, #tpu.memory_space<vmem>>, vector<5000x128xf32>
    tpu.vector_store %arg3[%swap3A, %swap3A_6], %dot_general3A_5 {strides = array<i32>} : memref<5000x128xf32, #tpu.memory_space<vmem>>, vector<5000x128xf32>,
    return
  }
  func.func @transform_0(%arg0: i32) -> (i32, i32) {
    %c0_i32 = arith.constant 0 : i32
    %c0_i32_0 = arith.constant 0 : i32
    return %arg0, %c0_i32 : i32, i32
  }
  func.func @transform_1(%arg0: i32) -> (i32, i32) {
    %c0_i32 = arith.constant 0 : i32
    %c0_i32_0 = arith.constant 0 : i32
    %c0_i32_1 = arith.constant 0 : i32
    return %c0_i32, %c0_i32_0 : i32, i32
  }
  func.func @transform_2(%arg0: i32) -> (i32, i32) {
    %c0_i32 = arith.constant 0 : i32
    %c0_i32_0 = arith.constant 0 : i32
    return %arg0, %c0_i32 : i32, i32
  }
}

module attributes {stable_mosaic.version = 14 : i64} {
  func.func @_tc_conv2_body(%arg0: i32, %arg1: memref<1x5000x128xf32, #tpu.memory_space<vmem>>, %arg2: memref<1x5000x128xf32, #tpu.memory_space<vmem>>, %arg3: memref<5000x128xf32, #tpu.memory_space<vmem>>, %arg4: memref<128x128xf32, #tpu.memory_space<vmem>>, %arg5: memref<1x128xf32, #tpu.memory_space<vmem>>, %arg6: memref<128x128xf32, #tpu.memory_space<vmem>>, %arg7: memref<1x128xf32, #tpu.memory_space<vmem>>, %arg8: memref<128x128xf32, #tpu.memory_space<vmem>>, %arg9: memref<1x128xf32, #tpu.memory_space<vmem>>, %arg10: memref<5000x128xf32, #tpu.memory_space<vmem>>, %arg11: memref<5000x128xf32, #tpu.memory_space<vmem>>, %arg12: memref<5000x8xi32, #tpu.memory_space<vmem>>) attributes {dimension_semantics = [#tpu.dimension_semantics<arbitrary>], iteration_bounds = array<i64: 2>, scalar_prefetch = 0 : i64, scratch_operands = 0 : i64, tpu.core_type = #tpu.core_type<tc>, window_params = [{transform_indices = @transform_0, window_bounds = array<i64: 1, 5000, 128>}, {transform_indices = @transform_1, window_bounds = array<i64: 1, 5000, 128>}, {transform_indices = @transform_2, window_bounds = array<i64: 5000, 128>}, {pipeline_mode = #tpu.pipeline_mode<synchronous>, transform_indices = @transform_3, window_bounds = array<i64: 128, 128>}, {pipeline_mode = #tpu.pipeline_mode<synchronous>, transform_indices = @transform_4, window_bounds = array<i64: 1, 128>}, {pipeline_mode = #tpu.pipeline_mode<synchronous>, transform_indices = @transform_5, window_bounds = array<i64: 128, 128>}, {pipeline_mode = #tpu.pipeline_mode<synchronous>, transform_indices = @transform_6, window_bounds = array<i64: 1, 128>}, {pipeline_mode = #tpu.pipeline_mode<synchronous>, transform_indices = @transform_7, window_bounds = array<i64: 128, 128>}, {pipeline_mode = #tpu.pipeline_mode<synchronous>, transform_indices = @transform_8, window_bounds = array<i64: 1, 128>}, {transform_indices = @transform_9, window_bounds = array<i64: 5000, 128>}, {transform_indices = @transform_10, window_bounds = array<i64: 5000, 128>}, {transform_indices = @transform_11, window_bounds = array<i64: 5000, 8>}]} {
    %get3A = arith.constant 0 : index
    %get3A_0 = arith.constant 0 : index
    %get3A_1 = arith.constant 0 : index
    %get3A_2 = vector.load %arg1[%get3A, %get3A_0, %get3A_1] : memref<1x5000x128xf32, #tpu.memory_space<vmem>>, vector<1x5000x128xf32>
    %get3A_3 = vector.shape_cast %get3A_2 : vector<1x5000x128xf32> to vector<5000x128xf32>
    %get3A_4 = arith.constant 0 : index
    %get3A_5 = arith.constant 0 : index
    %get3A_6 = arith.constant 0 : index
    %get3A_7 = vector.load %arg2[%get3A_4, %get3A_5, %get3A_6] : memref<1x5000x128xf32, #tpu.memory_space<vmem>>, vector<1x5000x128xf32>
    %get3A_8 = vector.shape_cast %get3A_7 : vector<1x5000x128xf32> to vector<5000x128xf32>
    %add3A = arith.addf %get3A_3, %get3A_8 : vector<5000x128xf32>
    %get3A_9 = arith.constant 0 : index
    %get3A_10 = arith.constant 0 : index
    %get3A_11 = vector.load %arg4[%get3A_9, %get3A_10] : memref<128x128xf32, #tpu.memory_space<vmem>>, vector<128x128xf32>
    %dot_general3A = arith.constant dense<0.000000e+00> : vector<5000x128xf32>
    %dot_general3A_12 = tpu.matmul %add3A, %get3A_11, %dot_general3A {dimension_numbers = #tpu.dot_dimension_numbers<[1], [0], [0], [1], [0, 0, 1, 1], [], []>, transpose_lhs_hint = false} : vector<5000x128xf32>, vector<128x128xf32>, vector<5000x128xf32> -> vector<5000x128xf32>
    %get3A_13 = arith.constant 0 : index
    %get3A_14 = arith.constant 0 : index
    %get3A_15 = vector.load %arg5[%get3A_13, %get3A_14] : memref<1x128xf32, #tpu.memory_space<vmem>>, vector<1x128xf32>
    %add3A_16 = vector.broadcast %get3A_15 : vector<1x128xf32> to vector<5000x128xf32>
    %add3A_17 = arith.addf %dot_general3A_12, %add3A_16 : vector<5000x128xf32>
    %get3A_18 = arith.constant 0 : index
    %get3A_19 = arith.constant 0 : index
    %get3A_20 = vector.load %arg3[%get3A_18, %get3A_19] : memref<5000x128xf32, #tpu.memory_space<vmem>>, vector<5000x128xf32>
    %add3A_21 = arith.addf %add3A_17, %get3A_20 : vector<5000x128xf32>
    %swap3A = arith.constant 0 : index
    %swap3A_22 = arith.constant 0 : index
    %swap3A_23 = vector.load %arg10[%swap3A, %swap3A_22] : memref<5000x128xf32, #tpu.memory_space<vmem>>, vector<5000x128xf32>
    tpu.vector_store %arg10[%swap3A, %swap3A_22], %add3A_21 {strides = array<i32>} : memref<5000x128xf32, #tpu.memory_space<vmem>>, vector<5000x128xf32>,
    %get3A_24 = arith.constant 0 : index
    %get3A_25 = arith.constant 0 : index
    %get3A_26 = vector.load %arg6[%get3A_24, %get3A_25] : memref<128x128xf32, #tpu.memory_space<vmem>>, vector<128x128xf32>
    %dot_general3A_27 = arith.constant dense<0.000000e+00> : vector<5000x128xf32>
    %dot_general3A_28 = tpu.matmul %add3A_21, %get3A_26, %dot_general3A_27 {dimension_numbers = #tpu.dot_dimension_numbers<[1], [0], [0], [1], [0, 0, 1, 1], [], []>, transpose_lhs_hint = false} : vector<5000x128xf32>, vector<128x128xf32>, vector<5000x128xf32> -> vector<5000x128xf32>
    %get3A_29 = arith.constant 0 : index
    %get3A_30 = arith.constant 0 : index
    %get3A_31 = vector.load %arg7[%get3A_29, %get3A_30] : memref<1x128xf32, #tpu.memory_space<vmem>>, vector<1x128xf32>
    %add3A_32 = vector.broadcast %get3A_31 : vector<1x128xf32> to vector<5000x128xf32>
    %add3A_33 = arith.addf %dot_general3A_28, %add3A_32 : vector<5000x128xf32>
    %get3A_34 = arith.constant 0 : index
    %get3A_35 = arith.constant 0 : index
    %get3A_36 = vector.load %arg8[%get3A_34, %get3A_35] : memref<128x128xf32, #tpu.memory_space<vmem>>, vector<128x128xf32>
    %dot_general3A_37 = arith.constant dense<0.000000e+00> : vector<5000x128xf32>
    %dot_general3A_38 = tpu.matmul %add3A_33, %get3A_36, %dot_general3A_37 {dimension_numbers = #tpu.dot_dimension_numbers<[1], [0], [0], [1], [0, 0, 1, 1], [], []>, transpose_lhs_hint = false} : vector<5000x128xf32>, vector<128x128xf32>, vector<5000x128xf32> -> vector<5000x128xf32>
    %get3A_39 = arith.constant 0 : index
    %get3A_40 = arith.constant 0 : index
    %get3A_41 = vector.load %arg9[%get3A_39, %get3A_40] : memref<1x128xf32, #tpu.memory_space<vmem>>, vector<1x128xf32>
    %add3A_42 = vector.broadcast %get3A_41 : vector<1x128xf32> to vector<5000x128xf32>
    %add3A_43 = arith.addf %dot_general3A_38, %add3A_42 : vector<5000x128xf32>
    %reduce_max3A = arith.constant dense<0xFF800000> : vector<5000xf32>
    %reduce_max3A_44 = vector.multi_reduction <maximumf>, %add3A_43, %reduce_max3A [1] : vector<5000x128xf32> to vector<5000xf32>
    %broadcast_in_dim3A = vector.shape_cast %reduce_max3A_44 : vector<5000xf32> to vector<5000x1xf32>
    %sub3A = vector.broadcast %broadcast_in_dim3A : vector<5000x1xf32> to vector<5000x128xf32>
    %sub3A_45 = arith.subf %add3A_43, %sub3A : vector<5000x128xf32>
    %exp3A = math.exp %sub3A_45 : vector<5000x128xf32>
    %reduce_sum3A = arith.constant dense<0.000000e+00> : vector<5000xf32>
    %reduce_sum3A_46 = vector.multi_reduction <add>, %exp3A, %reduce_sum3A [1] : vector<5000x128xf32> to vector<5000xf32>
    %broadcast_in_dim3A_47 = vector.shape_cast %reduce_sum3A_46 : vector<5000xf32> to vector<5000x1xf32>
    %div3A = vector.broadcast %broadcast_in_dim3A_47 : vector<5000x1xf32> to vector<5000x128xf32>
    %div3A_48 = arith.divf %exp3A, %div3A : vector<5000x128xf32>
    %swap3A_49 = arith.constant 0 : index
    %swap3A_50 = arith.constant 0 : index
    %swap3A_51 = vector.load %arg11[%swap3A_49, %swap3A_50] : memref<5000x128xf32, #tpu.memory_space<vmem>>, vector<5000x128xf32>
    tpu.vector_store %arg11[%swap3A_49, %swap3A_50], %div3A_48 {strides = array<i32>} : memref<5000x128xf32, #tpu.memory_space<vmem>>, vector<5000x128xf32>,
    %iota3A = tpu.iota {dimensions = array<i32: 1>} : vector<5000x128xi32>
    %reduce_max3A_52 = arith.constant dense<0xFF800000> : vector<5000xf32>
    %reduce_max3A_53 = vector.multi_reduction <maximumf>, %div3A_48, %reduce_max3A_52 [1] : vector<5000x128xf32> to vector<5000xf32>
    %broadcast_in_dim3A_54 = vector.shape_cast %reduce_max3A_53 : vector<5000xf32> to vector<5000x1xf32>
    %eq3A = vector.broadcast %broadcast_in_dim3A_54 : vector<5000x1xf32> to vector<5000x128xf32>
    %eq3A_55 = arith.cmpf oeq, %div3A_48, %eq3A : vector<5000x128xf32>
    %jit3A = arith.constant 128 : i32
    %broadcast_in_dim3A_56 = vector.broadcast %jit3A : i32 to vector<5000x128xi32>
    %select_n3A = arith.select %eq3A_55, %iota3A, %broadcast_in_dim3A_56 : vector<5000x128xi1>, vector<5000x128xi32>
    %reduce_min3A = arith.constant dense<2147483647> : vector<5000xi32>
    %reduce_min3A_57 = vector.multi_reduction <minsi>, %select_n3A, %reduce_min3A [1] : vector<5000x128xi32> to vector<5000xi32>
    %broadcast_in_dim3A_58 = vector.shape_cast %reduce_min3A_57 : vector<5000xi32> to vector<5000x1xi32>
    %broadcast_in_dim3A_59 = vector.shape_cast %broadcast_in_dim3A_58 : vector<5000x1xi32> to vector<5000x1xi32>
    %broadcast_in_dim3A_60 = vector.broadcast %broadcast_in_dim3A_59 : vector<5000x1xi32> to vector<5000x8xi32>
    %swap3A_61 = arith.constant 0 : index
    %swap3A_62 = arith.constant 0 : index
    %swap3A_63 = vector.load %arg12[%swap3A_61, %swap3A_62] : memref<5000x8xi32, #tpu.memory_space<vmem>>, vector<5000x8xi32>
    tpu.vector_store %arg12[%swap3A_61, %swap3A_62], %broadcast_in_dim3A_60 {strides = array<i32>} : memref<5000x8xi32, #tpu.memory_space<vmem>>, vector<5000x8xi32>,
    return
  }
  func.func @transform_0(%arg0: i32) -> (i32, i32, i32) {
    %c0_i32 = arith.constant 0 : i32
    %c0_i32_0 = arith.constant 0 : i32
    %c0_i32_1 = arith.constant 0 : i32
    return %c0_i32, %arg0, %c0_i32_0 : i32, i32, i32
  }
  func.func @transform_1(%arg0: i32) -> (i32, i32, i32) {
    %c1_i32 = arith.constant 1 : i32
    %c0_i32 = arith.constant 0 : i32
    %c0_i32_0 = arith.constant 0 : i32
    return %c1_i32, %arg0, %c0_i32 : i32, i32, i32
  }
  func.func @transform_2(%arg0: i32) -> (i32, i32) {
    %c0_i32 = arith.constant 0 : i32
    %c0_i32_0 = arith.constant 0 : i32
    return %arg0, %c0_i32 : i32, i32
  }
  func.func @transform_3(%arg0: i32) -> (i32, i32) {
    %c0_i32 = arith.constant 0 : i32
    %c0_i32_0 = arith.constant 0 : i32
    %c0_i32_1 = arith.constant 0 : i32
    return %c0_i32, %c0_i32_0 : i32, i32
  }
  func.func @transform_4(%arg0: i32) -> (i32, i32) {
    %c0_i32 = arith.constant 0 : i32
    %c0_i32_0 = arith.constant 0 : i32
    %c0_i32_1 = arith.constant 0 : i32
    return %c0_i32, %c0_i32_0 : i32, i32
  }
  func.func @transform_5(%arg0: i32) -> (i32, i32) {
    %c0_i32 = arith.constant 0 : i32
    %c0_i32_0 = arith.constant 0 : i32
    %c0_i32_1 = arith.constant 0 : i32
    return %c0_i32, %c0_i32_0 : i32, i32
  }
  func.func @transform_6(%arg0: i32) -> (i32, i32) {
    %c0_i32 = arith.constant 0 : i32
    %c0_i32_0 = arith.constant 0 : i32
    %c0_i32_1 = arith.constant 0 : i32
    return %c0_i32, %c0_i32_0 : i32, i32
  }
  func.func @transform_7(%arg0: i32) -> (i32, i32) {
    %c0_i32 = arith.constant 0 : i32
    %c0_i32_0 = arith.constant 0 : i32
    %c0_i32_1 = arith.constant 0 : i32
    return %c0_i32, %c0_i32_0 : i32, i32
  }
  func.func @transform_8(%arg0: i32) -> (i32, i32) {
    %c0_i32 = arith.constant 0 : i32
    %c0_i32_0 = arith.constant 0 : i32
    %c0_i32_1 = arith.constant 0 : i32
    return %c0_i32, %c0_i32_0 : i32, i32
  }
  func.func @transform_9(%arg0: i32) -> (i32, i32) {
    %c0_i32 = arith.constant 0 : i32
    %c0_i32_0 = arith.constant 0 : i32
    return %arg0, %c0_i32 : i32, i32
  }
  func.func @transform_10(%arg0: i32) -> (i32, i32) {
    %c0_i32 = arith.constant 0 : i32
    %c0_i32_0 = arith.constant 0 : i32
    return %arg0, %c0_i32 : i32, i32
  }
  func.func @transform_11(%arg0: i32) -> (i32, i32) {
    %c0_i32 = arith.constant 0 : i32
    %c0_i32_0 = arith.constant 0 : i32
    return %arg0, %c0_i32 : i32, i32
  }
}

module attributes {stable_mosaic.version = 14 : i64} {
  func.func @_tc_contract_body(%arg0: i32, %arg1: memref<5000x128xf32, #tpu.memory_space<vmem>>, %arg2: memref<5000x128xf32, #tpu.memory_space<vmem>>, %arg3: memref<128x128xf32, #tpu.memory_space<vmem>>, %arg4: memref<128x128xf32, #tpu.memory_space<vmem>>, %arg5: memref<1x128xf32, #tpu.memory_space<vmem>>) attributes {dimension_semantics = [#tpu.dimension_semantics<arbitrary>], iteration_bounds = array<i64: 2>, scalar_prefetch = 0 : i64, scratch_operands = 0 : i64, tpu.core_type = #tpu.core_type<tc>, window_params = [{transform_indices = @transform_0, window_bounds = array<i64: 5000, 128>}, {transform_indices = @transform_1, window_bounds = array<i64: 5000, 128>}, {pipeline_mode = #tpu.pipeline_mode<synchronous>, transform_indices = @transform_2, window_bounds = array<i64: 128, 128>}, {pipeline_mode = #tpu.pipeline_mode<synchronous>, transform_indices = @transform_3, window_bounds = array<i64: 128, 128>}, {pipeline_mode = #tpu.pipeline_mode<synchronous>, transform_indices = @transform_4, window_bounds = array<i64: 1, 128>}]} {
    %get3A = arith.constant 0 : index
    %get3A_0 = arith.constant 0 : index
    %get3A_1 = vector.load %arg1[%get3A, %get3A_0] : memref<5000x128xf32, #tpu.memory_space<vmem>>, vector<5000x128xf32>
    %dot_general3A = arith.constant dense<0.000000e+00> : vector<128x128xf32>
    %dot_general3A_2 = tpu.matmul %get3A_1, %get3A_1, %dot_general3A {dimension_numbers = #tpu.dot_dimension_numbers<[0], [0], [1], [1], [0, 1, 1, 1], [], []>, transpose_lhs_hint = false} : vector<5000x128xf32>, vector<5000x128xf32>, vector<128x128xf32> -> vector<128x128xf32>
    %get3A_3 = arith.constant 0 : index
    %get3A_4 = arith.constant 0 : index
    %get3A_5 = vector.load %arg2[%get3A_3, %get3A_4] : memref<5000x128xf32, #tpu.memory_space<vmem>>, vector<5000x128xf32>
    %dot_general3A_6 = arith.constant dense<0.000000e+00> : vector<128x128xf32>
    %dot_general3A_7 = tpu.matmul %get3A_1, %get3A_5, %dot_general3A_6 {dimension_numbers = #tpu.dot_dimension_numbers<[0], [0], [1], [1], [0, 1, 1, 1], [], []>, transpose_lhs_hint = false} : vector<5000x128xf32>, vector<5000x128xf32>, vector<128x128xf32> -> vector<128x128xf32>
    %reduce_sum3A = arith.constant dense<0.000000e+00> : vector<128xf32>
    %reduce_sum3A_8 = vector.multi_reduction <add>, %get3A_1, %reduce_sum3A [0] : vector<5000x128xf32> to vector<128xf32>
    %broadcast_in_dim3A = vector.shape_cast %reduce_sum3A_8 : vector<128xf32> to vector<1x128xf32>
    %eq3A = arith.constant 0 : i32
    %eq3A_9 = arith.cmpi eq, %arg0, %eq3A : i32
    %convert_element_type3A = arith.extui %eq3A_9 : i1 to i32
    %cond3A = arith.constant 0 : i32
    %cond3A_10 = arith.cmpi ne, %convert_element_type3A, %cond3A : i32
    scf.if %cond3A_10 {
      %swap3A = arith.constant 0 : index
      %swap3A_15 = arith.constant 0 : index
      %swap3A_16 = vector.load %arg3[%swap3A, %swap3A_15] : memref<128x128xf32, #tpu.memory_space<vmem>>, vector<128x128xf32>
      tpu.vector_store %arg3[%swap3A, %swap3A_15], %dot_general3A_2 {strides = array<i32>} : memref<128x128xf32, #tpu.memory_space<vmem>>, vector<128x128xf32>,
      %swap3A_17 = arith.constant 0 : index
      %swap3A_18 = arith.constant 0 : index
      %swap3A_19 = vector.load %arg4[%swap3A_17, %swap3A_18] : memref<128x128xf32, #tpu.memory_space<vmem>>, vector<128x128xf32>
      tpu.vector_store %arg4[%swap3A_17, %swap3A_18], %dot_general3A_7 {strides = array<i32>} : memref<128x128xf32, #tpu.memory_space<vmem>>, vector<128x128xf32>,
      %swap3A_20 = arith.constant 0 : index
      %swap3A_21 = arith.constant 0 : index
      %swap3A_22 = vector.load %arg5[%swap3A_20, %swap3A_21] : memref<1x128xf32, #tpu.memory_space<vmem>>, vector<1x128xf32>
      tpu.vector_store %arg5[%swap3A_20, %swap3A_21], %broadcast_in_dim3A {strides = array<i32>} : memref<1x128xf32, #tpu.memory_space<vmem>>, vector<1x128xf32>,
    } else {
    }
    %gt3A = arith.constant 0 : i32
    %gt3A_11 = arith.cmpi sgt, %arg0, %gt3A : i32
    %convert_element_type3A_12 = arith.extui %gt3A_11 : i1 to i32
    %cond3A_13 = arith.constant 0 : i32
    %cond3A_14 = arith.cmpi ne, %convert_element_type3A_12, %cond3A_13 : i32
    scf.if %cond3A_14 {
      %get3A_15 = arith.constant 0 : index
      %get3A_16 = arith.constant 0 : index
      %get3A_17 = vector.load %arg3[%get3A_15, %get3A_16] : memref<128x128xf32, #tpu.memory_space<vmem>>, vector<128x128xf32>
      %add3A = arith.addf %get3A_17, %dot_general3A_2 : vector<128x128xf32>
      %swap3A = arith.constant 0 : index
      %swap3A_18 = arith.constant 0 : index
      %swap3A_19 = vector.load %arg3[%swap3A, %swap3A_18] : memref<128x128xf32, #tpu.memory_space<vmem>>, vector<128x128xf32>
      tpu.vector_store %arg3[%swap3A, %swap3A_18], %add3A {strides = array<i32>} : memref<128x128xf32, #tpu.memory_space<vmem>>, vector<128x128xf32>,
      %get3A_20 = arith.constant 0 : index
      %get3A_21 = arith.constant 0 : index
      %get3A_22 = vector.load %arg4[%get3A_20, %get3A_21] : memref<128x128xf32, #tpu.memory_space<vmem>>, vector<128x128xf32>
      %add3A_23 = arith.addf %get3A_22, %dot_general3A_7 : vector<128x128xf32>
      %swap3A_24 = arith.constant 0 : index
      %swap3A_25 = arith.constant 0 : index
      %swap3A_26 = vector.load %arg4[%swap3A_24, %swap3A_25] : memref<128x128xf32, #tpu.memory_space<vmem>>, vector<128x128xf32>
      tpu.vector_store %arg4[%swap3A_24, %swap3A_25], %add3A_23 {strides = array<i32>} : memref<128x128xf32, #tpu.memory_space<vmem>>, vector<128x128xf32>,
      %get3A_27 = arith.constant 0 : index
      %get3A_28 = arith.constant 0 : index
      %get3A_29 = vector.load %arg5[%get3A_27, %get3A_28] : memref<1x128xf32, #tpu.memory_space<vmem>>, vector<1x128xf32>
      %add3A_30 = arith.addf %get3A_29, %broadcast_in_dim3A : vector<1x128xf32>
      %swap3A_31 = arith.constant 0 : index
      %swap3A_32 = arith.constant 0 : index
      %swap3A_33 = vector.load %arg5[%swap3A_31, %swap3A_32] : memref<1x128xf32, #tpu.memory_space<vmem>>, vector<1x128xf32>
      tpu.vector_store %arg5[%swap3A_31, %swap3A_32], %add3A_30 {strides = array<i32>} : memref<1x128xf32, #tpu.memory_space<vmem>>, vector<1x128xf32>,
    } else {
    }
    return
  }
  func.func @transform_0(%arg0: i32) -> (i32, i32) {
    %c0_i32 = arith.constant 0 : i32
    %c0_i32_0 = arith.constant 0 : i32
    return %arg0, %c0_i32 : i32, i32
  }
  func.func @transform_1(%arg0: i32) -> (i32, i32) {
    %c0_i32 = arith.constant 0 : i32
    %c0_i32_0 = arith.constant 0 : i32
    return %arg0, %c0_i32 : i32, i32
  }
  func.func @transform_2(%arg0: i32) -> (i32, i32) {
    %c0_i32 = arith.constant 0 : i32
    %c0_i32_0 = arith.constant 0 : i32
    %c0_i32_1 = arith.constant 0 : i32
    return %c0_i32, %c0_i32_0 : i32, i32
  }
  func.func @transform_3(%arg0: i32) -> (i32, i32) {
    %c0_i32 = arith.constant 0 : i32
    %c0_i32_0 = arith.constant 0 : i32
    %c0_i32_1 = arith.constant 0 : i32
    return %c0_i32, %c0_i32_0 : i32, i32
  }
  func.func @transform_4(%arg0: i32) -> (i32, i32) {
    %c0_i32 = arith.constant 0 : i32
    %c0_i32_0 = arith.constant 0 : i32
    %c0_i32_1 = arith.constant 0 : i32
    return %c0_i32, %c0_i32_0 : i32, i32
  }
}

module attributes {stable_mosaic.version = 14 : i64} {
  func.func @_tc3_body(%arg0: i32, %arg1: memref<1x5000x128xf32, #tpu.memory_space<vmem>>, %arg2: memref<1x5000x128xf32, #tpu.memory_space<vmem>>, %arg3: memref<5000x128xf32, #tpu.memory_space<vmem>>, %arg4: memref<128x128xf32, #tpu.memory_space<vmem>>, %arg5: memref<128x128xf32, #tpu.memory_space<vmem>>, %arg6: memref<1x128xf32, #tpu.memory_space<vmem>>, %arg7: memref<128x128xf32, #tpu.memory_space<vmem>>, %arg8: memref<1x1xf32, #tpu.memory_space<vmem>>, %arg9: memref<128x128xf32, #tpu.memory_space<vmem>>, %arg10: memref<1x128xf32, #tpu.memory_space<vmem>>, %arg11: memref<1xf32, #tpu.memory_space<smem>>) attributes {dimension_semantics = [#tpu.dimension_semantics<arbitrary>], iteration_bounds = array<i64: 2>, scalar_prefetch = 0 : i64, scratch_operands = 3 : i64, tpu.core_type = #tpu.core_type<tc>, window_params = [{transform_indices = @transform_0, window_bounds = array<i64: 1, 5000, 128>}, {transform_indices = @transform_1, window_bounds = array<i64: 1, 5000, 128>}, {transform_indices = @transform_2, window_bounds = array<i64: 5000, 128>}, {pipeline_mode = #tpu.pipeline_mode<synchronous>, transform_indices = @transform_3, window_bounds = array<i64: 128, 128>}, {pipeline_mode = #tpu.pipeline_mode<synchronous>, transform_indices = @transform_4, window_bounds = array<i64: 128, 128>}, {pipeline_mode = #tpu.pipeline_mode<synchronous>, transform_indices = @transform_5, window_bounds = array<i64: 1, 128>}, {pipeline_mode = #tpu.pipeline_mode<synchronous>, transform_indices = @transform_6, window_bounds = array<i64: 128, 128>}, {pipeline_mode = #tpu.pipeline_mode<synchronous>, transform_indices = @transform_7, window_bounds = array<i64: 1, 1>}]} {
    %eq3A = arith.constant 0 : i32
    %eq3A_0 = arith.cmpi eq, %arg0, %eq3A : i32
    %convert_element_type3A = arith.extui %eq3A_0 : i1 to i32
    %cond3A = arith.constant 0 : i32
    %cond3A_1 = arith.cmpi ne, %convert_element_type3A, %cond3A : i32
    scf.if %cond3A_1 {
      %broadcast_in_dim3A_48 = arith.constant 0.000000e+00 : f32
      %broadcast_in_dim3A_49 = vector.broadcast %broadcast_in_dim3A_48 : f32 to vector<128x128xf32>
      %swap3A_50 = arith.constant 0 : index
      %swap3A_51 = arith.constant 0 : index
      %swap3A_52 = vector.load %arg9[%swap3A_50, %swap3A_51] : memref<128x128xf32, #tpu.memory_space<vmem>>, vector<128x128xf32>
      tpu.vector_store %arg9[%swap3A_50, %swap3A_51], %broadcast_in_dim3A_49 {strides = array<i32>} : memref<128x128xf32, #tpu.memory_space<vmem>>, vector<128x128xf32>,
      %broadcast_in_dim3A_53 = arith.constant 0.000000e+00 : f32
      %broadcast_in_dim3A_54 = vector.broadcast %broadcast_in_dim3A_53 : f32 to vector<1x128xf32>
      %swap3A_55 = arith.constant 0 : index
      %swap3A_56 = arith.constant 0 : index
      %swap3A_57 = vector.load %arg10[%swap3A_55, %swap3A_56] : memref<1x128xf32, #tpu.memory_space<vmem>>, vector<1x128xf32>
      tpu.vector_store %arg10[%swap3A_55, %swap3A_56], %broadcast_in_dim3A_54 {strides = array<i32>} : memref<1x128xf32, #tpu.memory_space<vmem>>, vector<1x128xf32>,
      %swap3A_58 = arith.constant 0.000000e+00 : f32
      %swap3A_59 = arith.constant 0 : index
      %swap3A_60 = memref.load %arg11[%swap3A_59] : memref<1xf32, #tpu.memory_space<smem>>
      memref.store %swap3A_58, %arg11[%swap3A_59] : memref<1xf32, #tpu.memory_space<smem>>
    } else {
    }
    %get3A = arith.constant 0 : index
    %get3A_2 = arith.constant 0 : index
    %get3A_3 = arith.constant 0 : index
    %get3A_4 = vector.load %arg1[%get3A, %get3A_2, %get3A_3] : memref<1x5000x128xf32, #tpu.memory_space<vmem>>, vector<1x5000x128xf32>
    %get3A_5 = vector.shape_cast %get3A_4 : vector<1x5000x128xf32> to vector<5000x128xf32>
    %get3A_6 = arith.constant 0 : index
    %get3A_7 = arith.constant 0 : index
    %get3A_8 = arith.constant 0 : index
    %get3A_9 = vector.load %arg2[%get3A_6, %get3A_7, %get3A_8] : memref<1x5000x128xf32, #tpu.memory_space<vmem>>, vector<1x5000x128xf32>
    %get3A_10 = vector.shape_cast %get3A_9 : vector<1x5000x128xf32> to vector<5000x128xf32>
    %add3A = arith.addf %get3A_5, %get3A_10 : vector<5000x128xf32>
    %get3A_11 = arith.constant 0 : index
    %get3A_12 = arith.constant 0 : index
    %get3A_13 = vector.load %arg3[%get3A_11, %get3A_12] : memref<5000x128xf32, #tpu.memory_space<vmem>>, vector<5000x128xf32>
    %reduce_sum3A = arith.constant dense<0.000000e+00> : vector<5000xf32>
    %reduce_sum3A_14 = vector.multi_reduction <add>, %add3A, %reduce_sum3A [1] : vector<5000x128xf32> to vector<5000xf32>
    %broadcast_in_dim3A = vector.shape_cast %reduce_sum3A_14 : vector<5000xf32> to vector<5000x1xf32>
    %get3A_15 = arith.constant 0 : index
    %get3A_16 = arith.constant 0 : index
    %get3A_17 = vector.load %arg9[%get3A_15, %get3A_16] : memref<128x128xf32, #tpu.memory_space<vmem>>, vector<128x128xf32>
    %dot_general3A = arith.constant dense<0.000000e+00> : vector<128x128xf32>
    %dot_general3A_18 = tpu.matmul %get3A_13, %add3A, %dot_general3A {dimension_numbers = #tpu.dot_dimension_numbers<[0], [0], [1], [1], [0, 1, 1, 1], [], []>, transpose_lhs_hint = false} : vector<5000x128xf32>, vector<5000x128xf32>, vector<128x128xf32> -> vector<128x128xf32>
    %add3A_19 = arith.addf %get3A_17, %dot_general3A_18 : vector<128x128xf32>
    %swap3A = arith.constant 0 : index
    %swap3A_20 = arith.constant 0 : index
    %swap3A_21 = vector.load %arg9[%swap3A, %swap3A_20] : memref<128x128xf32, #tpu.memory_space<vmem>>, vector<128x128xf32>
    tpu.vector_store %arg9[%swap3A, %swap3A_20], %add3A_19 {strides = array<i32>} : memref<128x128xf32, #tpu.memory_space<vmem>>, vector<128x128xf32>,
    %get3A_22 = arith.constant 0 : index
    %get3A_23 = arith.constant 0 : index
    %get3A_24 = vector.load %arg10[%get3A_22, %get3A_23] : memref<1x128xf32, #tpu.memory_space<vmem>>, vector<1x128xf32>
    %mul3A = vector.broadcast %broadcast_in_dim3A : vector<5000x1xf32> to vector<5000x128xf32>
    %mul3A_25 = arith.mulf %get3A_13, %mul3A : vector<5000x128xf32>
    %reduce_sum3A_26 = arith.constant dense<0.000000e+00> : vector<128xf32>
    %reduce_sum3A_27 = vector.multi_reduction <add>, %mul3A_25, %reduce_sum3A_26 [0] : vector<5000x128xf32> to vector<128xf32>
    %broadcast_in_dim3A_28 = vector.shape_cast %reduce_sum3A_27 : vector<128xf32> to vector<1x128xf32>
    %add3A_29 = arith.addf %get3A_24, %broadcast_in_dim3A_28 : vector<1x128xf32>
    %swap3A_30 = arith.constant 0 : index
    %swap3A_31 = arith.constant 0 : index
    %swap3A_32 = vector.load %arg10[%swap3A_30, %swap3A_31] : memref<1x128xf32, #tpu.memory_space<vmem>>, vector<1x128xf32>
    tpu.vector_store %arg10[%swap3A_30, %swap3A_31], %add3A_29 {strides = array<i32>} : memref<1x128xf32, #tpu.memory_space<vmem>>, vector<1x128xf32>,
    %get3A_33 = arith.constant 0 : index
    %get3A_34 = memref.load %arg11[%get3A_33] : memref<1xf32, #tpu.memory_space<smem>>
    %reduce_sum3A_35 = vector.shape_cast %broadcast_in_dim3A : vector<5000x1xf32> to vector<1x5000x1xf32>
    %reduce_sum3A_36 = arith.constant dense<0.000000e+00> : vector<1xf32>
    %reduce_sum3A_37 = vector.multi_reduction <add>, %reduce_sum3A_35, %reduce_sum3A_36 [1, 2] : vector<1x5000x1xf32> to vector<1xf32>
    %reduce_sum3A_38 = vector.shape_cast %reduce_sum3A_37 : vector<1xf32> to vector<1x1x1xf32>
    %reduce_sum3A_39 = vector.extract %reduce_sum3A_38[0, 0, 0] : f32 from vector<1x1x1xf32>
    %add3A_40 = arith.addf %get3A_34, %reduce_sum3A_39 : f32
    %swap3A_41 = arith.constant 0 : index
    %swap3A_42 = memref.load %arg11[%swap3A_41] : memref<1xf32, #tpu.memory_space<smem>>
    memref.store %add3A_40, %arg11[%swap3A_41] : memref<1xf32, #tpu.memory_space<smem>>
    %eq3A_43 = arith.constant 1 : i32
    %eq3A_44 = arith.cmpi eq, %arg0, %eq3A_43 : i32
    %convert_element_type3A_45 = arith.extui %eq3A_44 : i1 to i32
    %cond3A_46 = arith.constant 0 : i32
    %cond3A_47 = arith.cmpi ne, %convert_element_type3A_45, %cond3A_46 : i32
    scf.if %cond3A_47 {
      %get3A_48 = arith.constant 0 : index
      %get3A_49 = arith.constant 0 : index
      %get3A_50 = vector.load %arg9[%get3A_48, %get3A_49] : memref<128x128xf32, #tpu.memory_space<vmem>>, vector<128x128xf32>
      %get3A_51 = arith.constant 0 : index
      %get3A_52 = arith.constant 0 : index
      %get3A_53 = vector.load %arg10[%get3A_51, %get3A_52] : memref<1x128xf32, #tpu.memory_space<vmem>>, vector<1x128xf32>
      %get3A_54 = arith.constant 0 : index
      %get3A_55 = memref.load %arg11[%get3A_54] : memref<1xf32, #tpu.memory_space<smem>>
      %mul3A_56 = arith.constant 5.000000e-01 : f32
      %mul3A_57 = arith.mulf %get3A_55, %mul3A_56 : f32
      %iota3A = tpu.iota {dimensions = array<i32: 0>} : vector<128x128xi32>
      %iota3A_58 = tpu.iota {dimensions = array<i32: 1>} : vector<128x128xi32>
      %eq3A_59 = arith.cmpi eq, %iota3A, %iota3A_58 : vector<128x128xi32>
      %convert_element_type3A_60 = arith.extui %eq3A_59 : vector<128x128xi1> to vector<128x128xi32>
      %convert_element_type3A_61 = arith.sitofp %convert_element_type3A_60 : vector<128x128xi32> to vector<128x128xf32>
      %mul3A_62 = arith.mulf %get3A_50, %convert_element_type3A_61 : vector<128x128xf32>
      %reduce_sum3A_63 = vector.shape_cast %mul3A_62 : vector<128x128xf32> to vector<1x128x128xf32>
      %reduce_sum3A_64 = arith.constant dense<0.000000e+00> : vector<1xf32>
      %reduce_sum3A_65 = vector.multi_reduction <add>, %reduce_sum3A_63, %reduce_sum3A_64 [1, 2] : vector<1x128x128xf32> to vector<1xf32>
      %reduce_sum3A_66 = vector.shape_cast %reduce_sum3A_65 : vector<1xf32> to vector<1x1x1xf32>
      %reduce_sum3A_67 = vector.extract %reduce_sum3A_66[0, 0, 0] : f32 from vector<1x1x1xf32>
      %mul3A_68 = arith.mulf %get3A_53, %get3A_53 : vector<1x128xf32>
      %reduce_sum3A_69 = vector.shape_cast %mul3A_68 : vector<1x128xf32> to vector<1x1x128xf32>
      %reduce_sum3A_70 = arith.constant dense<0.000000e+00> : vector<1xf32>
      %reduce_sum3A_71 = vector.multi_reduction <add>, %reduce_sum3A_69, %reduce_sum3A_70 [1, 2] : vector<1x1x128xf32> to vector<1xf32>
      %reduce_sum3A_72 = vector.shape_cast %reduce_sum3A_71 : vector<1xf32> to vector<1x1x1xf32>
      %reduce_sum3A_73 = vector.extract %reduce_sum3A_72[0, 0, 0] : f32 from vector<1x1x1xf32>
      %mul3A_74 = arith.constant 2.000000e+00 : f32
      %mul3A_75 = arith.mulf %mul3A_74, %mul3A_57 : f32
      %div3A = arith.divf %reduce_sum3A_73, %mul3A_75 : f32
      %sub3A = arith.subf %reduce_sum3A_67, %div3A : f32
      %neg3A = arith.constant 0.000000e+00 : f32
      %neg3A_76 = arith.subf %neg3A, %sub3A : f32
      %mul3A_77 = arith.constant 2.000000e+00 : f32
      %mul3A_78 = arith.mulf %mul3A_77, %mul3A_57 : f32
      %div3A_79 = arith.divf %neg3A_76, %mul3A_78 : f32
      %get3A_80 = arith.constant 0 : index
      %get3A_81 = arith.constant 0 : index
      %get3A_82 = vector.load %arg4[%get3A_80, %get3A_81] : memref<128x128xf32, #tpu.memory_space<vmem>>, vector<128x128xf32>
      %mul3A_83 = arith.mulf %get3A_82, %get3A_82 : vector<128x128xf32>
      %reduce_sum3A_84 = vector.shape_cast %mul3A_83 : vector<128x128xf32> to vector<1x128x128xf32>
      %reduce_sum3A_85 = arith.constant dense<0.000000e+00> : vector<1xf32>
      %reduce_sum3A_86 = vector.multi_reduction <add>, %reduce_sum3A_84, %reduce_sum3A_85 [1, 2] : vector<1x128x128xf32> to vector<1xf32>
      %reduce_sum3A_87 = vector.shape_cast %reduce_sum3A_86 : vector<1xf32> to vector<1x1x1xf32>
      %reduce_sum3A_88 = vector.extract %reduce_sum3A_87[0, 0, 0] : f32 from vector<1x1x1xf32>
      %sqrt3A = math.sqrt %reduce_sum3A_88 : f32
      %div3A_89 = vector.broadcast %sqrt3A : f32 to vector<128x128xf32>
      %div3A_90 = arith.divf %get3A_82, %div3A_89 : vector<128x128xf32>
      %sqrt3A_91 = arith.constant 1.280000e+02 : f32
      %sqrt3A_92 = math.sqrt %sqrt3A_91 : f32
      %div3A_93 = vector.broadcast %sqrt3A_92 : f32 to vector<128x128xf32>
      %div3A_94 = arith.divf %convert_element_type3A_61, %div3A_93 : vector<128x128xf32>
      %sub3A_95 = arith.subf %div3A_90, %div3A_94 : vector<128x128xf32>
      %mul3A_96 = arith.mulf %sub3A_95, %sub3A_95 : vector<128x128xf32>
      %reduce_sum3A_97 = vector.shape_cast %mul3A_96 : vector<128x128xf32> to vector<1x128x128xf32>
      %reduce_sum3A_98 = arith.constant dense<0.000000e+00> : vector<1xf32>
      %reduce_sum3A_99 = vector.multi_reduction <add>, %reduce_sum3A_97, %reduce_sum3A_98 [1, 2] : vector<1x128x128xf32> to vector<1xf32>
      %reduce_sum3A_100 = vector.shape_cast %reduce_sum3A_99 : vector<1xf32> to vector<1x1x1xf32>
      %reduce_sum3A_101 = vector.extract %reduce_sum3A_100[0, 0, 0] : f32 from vector<1x1x1xf32>
      %sqrt3A_102 = math.sqrt %reduce_sum3A_101 : f32
      %get3A_103 = arith.constant 0 : index
      %get3A_104 = arith.constant 0 : index
      %get3A_105 = vector.load %arg6[%get3A_103, %get3A_104] : memref<1x128xf32, #tpu.memory_space<vmem>>, vector<1x128xf32>
      %mul3A_106 = arith.mulf %get3A_105, %get3A_105 : vector<1x128xf32>
      %reduce_sum3A_107 = vector.shape_cast %mul3A_106 : vector<1x128xf32> to vector<1x1x128xf32>
      %reduce_sum3A_108 = arith.constant dense<0.000000e+00> : vector<1xf32>
      %reduce_sum3A_109 = vector.multi_reduction <add>, %reduce_sum3A_107, %reduce_sum3A_108 [1, 2] : vector<1x1x128xf32> to vector<1xf32>
      %reduce_sum3A_110 = vector.shape_cast %reduce_sum3A_109 : vector<1xf32> to vector<1x1x1xf32>
      %reduce_sum3A_111 = vector.extract %reduce_sum3A_110[0, 0, 0] : f32 from vector<1x1x1xf32>
      %sqrt3A_112 = math.sqrt %reduce_sum3A_111 : f32
      %div3A_113 = arith.constant 1.000000e+04 : f32
      %div3A_114 = arith.divf %sqrt3A_112, %div3A_113 : f32
      %sqrt3A_115 = arith.constant 1.280000e+02 : f32
      %sqrt3A_116 = math.sqrt %sqrt3A_115 : f32
      %mul3A_117 = arith.mulf %div3A_114, %sqrt3A_116 : f32
      %sub3A_118 = arith.constant 1.000000e+00 : f32
      %sub3A_119 = arith.subf %mul3A_117, %sub3A_118 : f32
      %add3A_120 = arith.addf %div3A_79, %sqrt3A_102 : f32
      %add3A_121 = arith.addf %add3A_120, %sub3A_119 : f32
      %broadcast_in_dim3A_122 = vector.broadcast %add3A_121 : f32 to vector<1x1xf32>
      %swap3A_123 = arith.constant 0 : index
      %swap3A_124 = arith.constant 0 : index
      %swap3A_125 = vector.load %arg8[%swap3A_123, %swap3A_124] : memref<1x1xf32, #tpu.memory_space<vmem>>, vector<1x1xf32>
      tpu.vector_store %arg8[%swap3A_123, %swap3A_124], %broadcast_in_dim3A_122 {strides = array<i32>} : memref<1x1xf32, #tpu.memory_space<vmem>>, vector<1x1xf32>,
      %get3A_126 = arith.constant 0 : index
      %get3A_127 = arith.constant 0 : index
      %get3A_128 = vector.load %arg5[%get3A_126, %get3A_127] : memref<128x128xf32, #tpu.memory_space<vmem>>, vector<128x128xf32>
      %gt3A = arith.constant 0.000000e+00 : f32
      %gt3A_129 = vector.broadcast %gt3A : f32 to vector<128x128xf32>
      %gt3A_130 = arith.cmpf ogt, %get3A_128, %gt3A_129 : vector<128x128xf32>
      %exp3A = math.exp %get3A_128 : vector<128x128xf32>
      %sub3A_131 = arith.constant 1.000000e+00 : f32
      %sub3A_132 = vector.broadcast %sub3A_131 : f32 to vector<128x128xf32>
      %sub3A_133 = arith.subf %exp3A, %sub3A_132 : vector<128x128xf32>
      %mul3A_134 = arith.constant 1.67326319 : f32
      %mul3A_135 = vector.broadcast %mul3A_134 : f32 to vector<128x128xf32>
      %mul3A_136 = arith.mulf %mul3A_135, %sub3A_133 : vector<128x128xf32>
      %select_n3A = arith.select %gt3A_130, %get3A_128, %mul3A_136 : vector<128x128xi1>, vector<128x128xf32>
      %mul3A_137 = arith.constant 1.05070102 : f32
      %mul3A_138 = vector.broadcast %mul3A_137 : f32 to vector<128x128xf32>
      %mul3A_139 = arith.mulf %mul3A_138, %select_n3A : vector<128x128xf32>
      %swap3A_140 = arith.constant 0 : index
      %swap3A_141 = arith.constant 0 : index
      %swap3A_142 = vector.load %arg7[%swap3A_140, %swap3A_141] : memref<128x128xf32, #tpu.memory_space<vmem>>, vector<128x128xf32>
      tpu.vector_store %arg7[%swap3A_140, %swap3A_141], %mul3A_139 {strides = array<i32>} : memref<128x128xf32, #tpu.memory_space<vmem>>, vector<128x128xf32>,
    } else {
    }
    return
  }
  func.func @transform_0(%arg0: i32) -> (i32, i32, i32) {
    %c0_i32 = arith.constant 0 : i32
    %c0_i32_0 = arith.constant 0 : i32
    %c0_i32_1 = arith.constant 0 : i32
    return %c0_i32, %arg0, %c0_i32_0 : i32, i32, i32
  }
  func.func @transform_1(%arg0: i32) -> (i32, i32, i32) {
    %c1_i32 = arith.constant 1 : i32
    %c0_i32 = arith.constant 0 : i32
    %c0_i32_0 = arith.constant 0 : i32
    return %c1_i32, %arg0, %c0_i32 : i32, i32, i32
  }
  func.func @transform_2(%arg0: i32) -> (i32, i32) {
    %c0_i32 = arith.constant 0 : i32
    %c0_i32_0 = arith.constant 0 : i32
    return %arg0, %c0_i32 : i32, i32
  }
  func.func @transform_3(%arg0: i32) -> (i32, i32) {
    %c0_i32 = arith.constant 0 : i32
    %c0_i32_0 = arith.constant 0 : i32
    %c0_i32_1 = arith.constant 0 : i32
    return %c0_i32, %c0_i32_0 : i32, i32
  }
  func.func @transform_4(%arg0: i32) -> (i32, i32) {
    %c0_i32 = arith.constant 0 : i32
    %c0_i32_0 = arith.constant 0 : i32
    %c0_i32_1 = arith.constant 0 : i32
    return %c0_i32, %c0_i32_0 : i32, i32
  }
  func.func @transform_5(%arg0: i32) -> (i32, i32) {
    %c0_i32 = arith.constant 0 : i32
    %c0_i32_0 = arith.constant 0 : i32
    %c0_i32_1 = arith.constant 0 : i32
    return %c0_i32, %c0_i32_0 : i32, i32
  }
  func.func @transform_6(%arg0: i32) -> (i32, i32) {
    %c0_i32 = arith.constant 0 : i32
    %c0_i32_0 = arith.constant 0 : i32
    %c0_i32_1 = arith.constant 0 : i32
    return %c0_i32, %c0_i32_0 : i32, i32
  }
  func.func @transform_7(%arg0: i32) -> (i32, i32) {
    %c0_i32 = arith.constant 0 : i32
    %c0_i32_0 = arith.constant 0 : i32
    %c0_i32_1 = arith.constant 0 : i32
    return %c0_i32, %c0_i32_0 : i32, i32
  }
}

</mosaic_0001>

<sc_bundles>
// kernel: sc_edge_scatter.11.cloned.1.call-start
scs
__scs_entry_jumppad:
0x0: {  	(pc) =	sbr.rel $0x88, $3  }
0x1: {  	(tag) =	ssettag $0x0;
	lr =	simm.s32 $0x1  }
0x2: {  	[smem:$0x3F98] =	sst lr;
	_ =	strace $0xD0000000  }
0x3: {  	_ = 	snop  }
0x4: {  	_ = 	snop  }
0x5: {  	_ = 	snop  }
0x6: {  	_ = 	snop  }
0x7: {  	_ = 	snop  }
__scs_overlays_trampoline_lowered:
0x8: {  	[smem:$0x3FA7] =	sst s0  }
0x9: {  	[smem:$0x3FA8] =	sst s1  }
0xa: {  	[smem:$0x3FA9] =	sst s2  }
0xb: {  	[smem:$0x3FAA] =	sst s3  }
0xc: {  	[smem:$0x3FAB] =	sst s4  }
0xd: {  	[smem:$0x3FAC] =	sst s5  }
0xe: {  	[smem:$0x3FAD] =	sst s6  }
0xf: {  	[smem:$0x3FAE] =	sst s7  }
0x10: {  	[smem:$0x3FAF] =	sst s8  }
0x11: {  	[smem:$0x3FB0] =	sst s9;
	s0 =	simm.s32 @!p0 $0x0  }
0x12: {  	s1 =	sld [smem:$0x3F96];
	s0 =	simm.s32 @p0 $0x1  }
0x13: {  	[smem:$0x3FB1] =	sst s0;
	s0 =	simm.s32 @!p1 $0x0  }
0x14: {  	s2 =	sld [smem:$0x3F95];
	s0 =	simm.s32 @p1 $0x1  }
0x15: {  	[smem:$0x3FB2] =	sst s0;
	s0 =	simm.s32 @!p2 $0x0  }
0x16: {  	s3 =	sld [smem:$0x3FDB];
	s0 =	simm.s32 @p2 $0x1  }
0x17: {  	s4 =	simm.s32 $0x1BF5;
	[smem:$0x3FB4] =	sst s0  }
0x18: {  	s0 =	sld [smem:$0x3F97];
	_ =	swait.ge [sflag:s4], $0x0  }
0x19: {  	s7 =	sld [smem:$0x3F98]  }
0x1a: {  	s8 =	sadd.s32 $0xFFFFE003, lr  }
0x1b: {  	s9 =	sadd.s32 $0xFFFFFEF7, lr;
	s5 =	simm.s32 $0xFFFFFFFF;
	p2 =	slt.u32 s8, $0xFFFFF086  }
0x1c: {  	p1 =	slt.u32 s9, $0xF7A;
	s5 =	simm.s32 @!p2 $0x0  }
0x1d: {  	s5 =	simm.s32 @p1 $0x1;
	p0 =	seq.s32 s7, s2  }
0x1e: {  	s7 =	smul.u32 @!p0 $0xF7A, s2;
	p2 =	seq.s32 @!p0 s5, $0x0  }
0x1f: {  	s9 =	smul.u32 $0xF7A, s1;
	s8 =	simm.s32 @!p0 $0x1BF5;
	p2 =	por !p2, p0  }
0x20: {  	[sflag:s8] =	ssyncset.s32 @!p0 $0xFFFFF086;
	s6 =	sadd.s32 @!p0 s3, s7;
	s7 =	simm.s32 @!p0 $0x108  }
0x21: {  	s3 =	sadd.s32 s3, s9;
	s6 =	sadd.s32 @!p0 $0x88, s6;
	s7 =	simm.s32 @p2 $0x1082  }
0x22: {  	[simem:s7], [sflag:s8] =	dma.local @!p0 [hbm:s6], $0xF7A  }
0x23: {  	s9 =	sor.u32 $0xD0000000, s2;
	s6 =	simm.s32 $0x108;
	_ =	swait.ge @!p0 [sflag:s8], $0x0  }
0x24: {  	s3 =	sadd.s32 $0x88, s3;
	s6 =	simm.s32 @!p1 $0x1082;
	[sflag:s4] =	ssyncset.s32 $0xFFFFF086  }
0x25: {  	[simem:s6], [sflag:s4] =	dma.local [hbm:s3], $0xF7A  }
0x26: {  	[smem:$0x3F98] =	sst s1;
	(tag) =	ssettag s2;
	_ =	strace s9  }
0x27: {  	s1 =	sld [smem:$0x3FA8]  }
0x28: {  	s2 =	sld [smem:$0x3FA9]  }
0x29: {  	s4 =	sld [smem:$0x3FAB]  }
0x2a: {  	p0 =	seq.s32 s5, $0x0;
	s5 =	sld [smem:$0x3FAC]  }
0x2b: {  	s6 =	sld [smem:$0x3FAD]  }
0x2c: {  	s7 =	sld [smem:$0x3FAE]  }
0x2d: {  	s3 =	simm.s32 $0x108;
	s8 =	sld [smem:$0x3FAF]  }
0x2e: {  	s3 =	simm.s32 @!p0 $0x1082;
	s9 =	sld [smem:$0x3FB0]  }
0x2f: {  	lr =	sadd.s32 s0, s3;
	s0 =	sld [smem:$0x3FA7]  }
0x30: {  	s3 =	sld [smem:$0x3FAA]  }
0x31: {  	[smem:$0x3FB3] =	sst s10  }
0x32: {  	s10 =	sld [smem:$0x3FB1];
	_ =	sdelay $0x3  }
0x33: {  	p0 =	seq.s32 s10, $0x1;
	s10 =	sld [smem:$0x3FB3];
	_ =	sdelay $0x3  }
0x34: {  	[smem:$0x3FB3] =	sst s10  }
0x35: {  	s10 =	sld [smem:$0x3FB2];
	_ =	sdelay $0x3  }
0x36: {  	p1 =	seq.s32 s10, $0x1;
	s10 =	sld [smem:$0x3FB3];
	_ =	sdelay $0x3  }
0x37: {  	[smem:$0x3FB3] =	sst s10  }
0x38: {  	s10 =	sld [smem:$0x3FB4]  }
0x39: {  	_ = 	snop;
	(pc) =	sbr.ind lr, $3  }
0x3a: {  	_ = 	snop  }
0x3b: {  	_ = 	snop  }
0x3c: {  	p2 =	seq.s32 s10, $0x1;
	s10 =	sld [smem:$0x3FB3]  }
0x3d: {  	_ =	shalt  }
0x3e: {  	_ =	shalt  }
0x3f: {  	_ =	shalt  }
0x40: {  	_ =	shalt  }
0x41: {  	_ =	shalt  }
0x42: {  	_ =	shalt  }
0x43: {  	_ =	shalt  }
0x44: {  	_ =	shalt  }
0x45: {  	_ =	shalt  }
0x46: {  	_ =	shalt  }
0x47: {  	_ =	shalt  }
0x48: {  	_ =	shalt  }
0x49: {  	_ =	shalt  }
0x4a: {  	_ =	shalt  }
0x4b: {  	_ =	shalt  }
0x4c: {  	_ =	shalt  }
0x4d: {  	_ =	shalt  }
0x4e: {  	_ =	shalt  }
0x4f: {  	_ =	shalt  }
0x50: {  	_ =	shalt  }
0x51: {  	_ =	shalt  }
0x52: {  	_ =	shalt  }
0x53: {  	_ =	shalt  }
0x54: {  	_ =	shalt  }
0x55: {  	_ =	shalt  }
0x56: {  	_ =	shalt  }
0x57: {  	_ =	shalt  }
0x58: {  	_ =	shalt  }
0x59: {  	_ =	shalt  }
0x5a: {  	_ =	shalt  }
0x5b: {  	_ =	shalt  }
0x5c: {  	_ =	shalt  }
0x5d: {  	_ =	shalt  }
0x5e: {  	_ =	shalt  }
0x5f: {  	_ =	shalt  }
0x60: {  	_ =	shalt  }
0x61: {  	_ =	shalt  }
0x62: {  	_ =	shalt  }
0x63: {  	_ =	shalt  }
0x64: {  	_ =	shalt  }
0x65: {  	_ =	shalt  }
0x66: {  	_ =	shalt  }
0x67: {  	_ =	shalt  }
0x68: {  	_ =	shalt  }
0x69: {  	_ =	shalt  }
0x6a: {  	_ =	shalt  }
0x6b: {  	_ =	shalt  }
0x6c: {  	_ =	shalt  }
0x6d: {  	_ =	shalt  }
0x6e: {  	_ =	shalt  }
0x6f: {  	_ =	shalt  }
0x70: {  	_ =	shalt  }
0x71: {  	_ =	shalt  }
0x72: {  	_ =	shalt  }
0x73: {  	_ =	shalt  }
0x74: {  	_ =	shalt  }
0x75: {  	_ =	shalt  }
0x76: {  	_ =	shalt  }
0x77: {  	_ =	shalt  }
0x78: {  	_ =	shalt  }
0x79: {  	_ =	shalt  }
0x7a: {  	_ =	shalt  }
0x7b: {  	_ =	shalt  }
0x7c: {  	_ =	shalt  }
0x7d: {  	_ =	shalt  }
0x7e: {  	_ =	shalt  }
0x7f: {  	_ =	shalt  }
0x80: {  	_ =	shalt  }
0x81: {  	_ =	shalt  }
0x82: {  	_ =	shalt  }
0x83: {  	_ =	shalt  }
0x84: {  	_ =	shalt  }
0x85: {  	_ =	shalt  }
0x86: {  	_ =	shalt  }
0x87: {  	_ =	shalt  }
.Lfunc_end0:
.L_simem_size_0:
called_computation.2_lowered:
.L_overlay_start_0:
0x88: {  	s2 =	sld [smem:$0x3FD9]  }
0x89: {  	s3 =	sld [smem:$0x3FFE];
	_ =	sdelay $0x1  }
0x8a: {  	s1 =	srdreg.scid  }
0x8b: {  	s0 =	sand.u32 $0x1, s1  }
0x8c: {  	s14 =	sshll.u32 s0, $0xA;
	s2 =	sadd.s32 s3, s2  }
0x8d: {  	s2 =	sadd.s32 s2, s14  }
0x8e: {  	[smem:$0x3FBF] =	sst s2  }
0x8f: {  	_ = 	snop  }
0x90: {  	s2 =	sld [smem:$0x3FD0];
	_ =	sdelay $0x2  }
0x91: {  	s15 =	simm.s32 $0xA;
	s4 =	simm.s32 $0x10  }
0x92: {  	[smem:s4], [sflag:s15] =	dma.local [hbm:s2], $0x1  }
0x93: {  	_ =	swait.eq [sflag:s15], $0x1  }
0x94: {  	[sflag:s15] =	ssyncset.done $0x0  }
0x95: {  	[sflag:s15] =	ssyncadd.s32 $0xFFFFFFFF  }
0x96: {  	s16 =	sld [smem:$0x12];
	(tm) =	ssettm $0x1  }
0x97: {  	s17 =	sld [smem:$0x3FFB];
	_ =	sdelay $0x3  }
0x98: {  	_ =	strace s17  }
0x99: {  	s3 =	sld [smem:$0x3FFC];
	_ =	sdelay $0x3  }
0x9a: {  	_ =	strace s3  }
0x9b: {  	s3 =	sld [smem:$0x3FFD];
	_ =	sdelay $0x3  }
0x9c: {  	_ =	strace s3  }
0x9d: {  	_ =	strace $0x8FFFFFFF  }
0x9e: {  	s18 =	sld [smem:$0x3FDB];
	_ =	sdelay $0x1  }
0x9f: {  	s19 =	simm.s32 $_scs_section_size  }
0xa0: {  	s5 =	simm.s32 $_size__tile_overlayer_lowered;
	s6 =	simm.s32 $_tile_overlayer_lowered  }
0xa1: {  	s22 =	simm.s32 $0x1BFF;
	s21 =	sshll.u32 s6, $0x1;
	s3 =	sadd.s32 s19, s18  }
0xa2: {  	s7 =	simm.s32 $0x0;
	s20 =	sshll.u32 s5, $0x1;
	s5 =	sadd.s32 s21, s3  }
0xa3: {  	[timem:s7], [sflag:s22] =	dma.local [hbm:s5], s20  }
0xa4: {  	_ =	swait.ge [sflag:s22], s20  }
0xa5: {  	s4 =	ssub.s32 $0x0, s20;
	[sflag:s22] =	ssyncset.done $0x0  }
0xa6: {  	[sflag:s22] =	ssyncadd.s32 s4;
	_ =	sdelay $0x1  }
0xa7: {  	s23 =	simm.s32 $0x1B8B  }
0xa8: {  	_ =	swait.ge [sflag:s23], $0x1  }
0xa9: {  	[sflag:s23] =	ssyncset.done $0x0  }
0xaa: {  	s25 =	simm.s32 $0x1B8E;
	s24 =	sld [smem:$0x3FFE];
	[sflag:s23] =	ssyncadd.s32 $0xFFFFFFFF  }
0xab: {  	s26 =	simm.s32 $execute0_lowered;
	[smem:$0x3FD2] =	sst s25  }
0xac: {  	s5 =	sshll.u32 s26, $0x1;
	_ =	strace $0x8000004C;
	[dreg:$0x1] =	wrdreg $0xFFFFFFFF  }
0xad: {  	s28 =	simm.s32 $_size_execute0_lowered;
	s3 =	sadd.s32 s3, s5;
	[dreg:$0x0] =	wrdreg $0x0  }
0xae: {  	s5 =	sshll.u32 s28, $0x1;
	[dreg:$0x2] =	wrdreg s3  }
0xaf: {  	[dreg:$0x3] =	wrdreg s5  }
0xb0: {  	[dreg:$0x4] =	wrdreg $0xC0  }
0xb1: {  	_ =	task [dreg:s7], $0x5FFFF  }
0xb2: {  	[dreg:$0x1] =	wrdreg $0xFFFFFFFF  }
0xb3: {  	[dreg:$0x0] =	wrdreg $0x60  }
0xb4: {  	[dreg:$0x2] =	wrdreg s24  }
0xb5: {  	[dreg:$0x3] =	wrdreg s16  }
0xb6: {  	[dreg:$0x4] =	wrdreg $0xA8000  }
0xb7: {  	[dreg:$0x5] =	wrdreg $0x9  }
0xb8: {  	_ =	task.clear_ibuf [dreg:s7], $0x6FFFF;
	_ =	strace $0x9000004C  }
0xb9: {  	s29 =	simm.s32 $0x9;
	_ =	strace $0x8000004E  }
0xba: {  	_ =	swait.ge [sflag:s29], $0x1  }
0xbb: {  	[sflag:s29] =	ssyncadd.s32 $0xFFFFFFFF  }
0xbc: {  	_ =	strace $0x9000004E  }
0xbd: {  	_ =	sfence  }
0xbe: {  	s30 =	sld [smem:$0x0];
	_ =	sdelay $0x2  }
0xbf: {  	s31 =	sshll.u32 s1, $0xD;
	s1 =	sshrl.u32 s1, $0x2  }
0xc0: {  	s3 =	sand.u32 $0x4000, s31;
	s1 =	sadd.s32 s1, s30  }
0xc1: {  	s0 =	sor.u32 s3, s0;
	s1 =	sshll.u32 s1, $0x11  }
0xc2: {  	s0 =	sor.u32 s1, s0  }
0xc3: {  	s0 =	sadd.s32 $0x8F2B, s0  }
0xc4: {  	[sflag:s0] =	ssyncadd.remote.s32 $0x1  }
0xc5: {  	_ =	sfence.sel $0xFFFF  }
0xc6: {  	[dreg:$0x0] =	wrdreg $0xFFFFFFFF;
	(pc) =	sbr.abs _section_cstart, $3  }
0xc7: {  	[dreg:$0x1] =	wrdreg $0xFFFFFFFF  }
0xc8: {  	_ =	task.clear_ibuf [dreg:s7], $0x2FFFF;
	_ =	strace $0x9FFFFFFF  }
0xc9: {  	(tm) =	ssettm $0x7FFFFFFF  }
tec
execute0_lowered:
.L_overlay_start_1:
0x0: {  	(tag) =	ssettag $0x1  }
0x1: {  	s0 =	rddreg [dreg:$0x0];
	s1 =	srdreg.scid  }
0x2: {  	s3 =	rddreg [dreg:$0x2];
	s9 =	stileid.u32;
	s4 =	simm.s32 $0x0  }
0x3: {  	s28 =	simm.s32 $0x6800;
	s29 =	simm.s32 $0x2800;
	s30 =	simm.s32 $0x2  }
0x4: {  	s1 =	sand.u32 $0x1, s1;
	[smem:$0x7FF] =	sst s4;
	s7 =	smul.u32 $0x50000, s9  }
0x5: {  	s5 =	sadd.s32 $0xD200, s0;
	s15 =	smul.u32 $0x14000, s9;
	s2 =	sshll.u32 s1, $0x4  }
0x6: {  	_ =	strace $0x8000004D;
	s6 =	ssub.s32 $0x2, s1;
	s1 =	smul.u32 $0x140000, s1  }
0x7: {  	s2 =	sor.u32 s9, s2;
	s8 =	sshrl.u32 s6, $0x1;
	s7 =	sshrl.u32 s7, $0x2  }
0x8: {  	s26 =	sor.u32 $0x2800, s15;
	s31 =	sadd.s32 $0x5000, s15;
	s16 =	sadd.s32 $0x7800, s15  }
0x9: {  	s17 =	sadd.s32 $0xA000, s15;
	s18 =	sadd.s32 $0xC800, s15;
	s19 =	sadd.s32 $0xF000, s15  }
0xa: {  	s2 =	smul.u32 $0x1400, s2;
	s6 =	ssub.s32 s6, s8;
	s8 =	sadd.s32 s7, s3  }
0xb: {  	s9 =	sadd.s32 s26, s3;
	s10 =	sadd.s32 s31, s3;
	s11 =	sadd.s32 s16, s3  }
0xc: {  	s12 =	sadd.s32 s17, s3;
	s13 =	sadd.s32 s18, s3;
	s14 =	sadd.s32 s19, s3  }
0xd: {  	s20 =	sadd.s32 s15, s1;
	s15 =	sadd.s32 $0x11800, s15;
	s7 =	sadd.s32 s1, s31  }
0xe: {  	s16 =	sadd.s32 s1, s16;
	s17 =	sadd.s32 s1, s17;
	s18 =	sadd.s32 s1, s18  }
0xf: {  	s21 =	sadd.s32 s1, s19;
	s20 =	sshrl.u32 s20, $0x3;
	s2 =	sshrl.u32 s2, $0x3  }
0x10: {  	s22 =	sshrl.u32 s7, $0x3;
	s23 =	sshrl.u32 s16, $0x3;
	s2 =	sadd.s32 s2, s0  }
0x11: {  	s24 =	sshrl.u32 s17, $0x3;
	s31 =	sshrl.u32 s21, $0x3;
	s25 =	sadd.s32 $0x8200, s2  }
0x12: {  	s0 =	sadd.s32 $0x34400, s0;
	s2 =	sadd.s32 $0x3200, s2;
	[dreg:$0x4] =	wrdreg s25  }
0x13: {  	s20 =	sadd.s32 s0, s20;
	[dreg:$0x5] =	wrdreg s2;
	s2 =	sadd.s32 s1, s26  }
0x14: {  	s1 =	sadd.s32 s1, s15;
	s15 =	sadd.s32 s15, s3;
	[dreg:$0x6] =	wrdreg s20  }
0x15: {  	s25 =	sadd.s32 s0, s23;
	s20 =	sadd.s32 s0, s24;
	s26 =	sshrl.u32 s18, $0x3  }
0x16: {  	s24 =	smax.u32 s6, $0x1;
	s2 =	sshrl.u32 s2, $0x3;
	[dreg:$0x9] =	wrdreg s25  }
0x17: {  	s1 =	sshrl.u32 s1, $0x3;
	s21 =	sadd.s32 s0, s26;
	s25 =	simm.s32 $0x3  }
0x18: {  	s26 =	simm.s32 $0x7D;
	s2 =	sadd.s32 s0, s2;
	s23 =	sadd.s32 s0, s1  }
0x19: {  	s1 =	simm.s32 $0x0;
	[dreg:$0x7] =	wrdreg s2;
	s2 =	sadd.s32 s0, s22  }
0x1a: {  	s22 =	sadd.s32 s0, s31;
	s0 =	simm.s32 $0x1;
	[dreg:$0x8] =	wrdreg s2  }
.LBB2_1:
0x1b: {  	s2 =	rddreg [dreg:$0x4]  }
0x1c: {  	[tilespmem:s4], [sflag:$0x3] =	stream.linear.gather [hbm4b:s2+s4], $0x1400, $0x38;
	[tilespmem:$0x1E800] =	vst v63  }
0x1d: {  	_ =	swait.ge [sflag:s25], $0x1400  }
0x1e: {  	[sflag:s25] =	ssyncset.done $0x0  }
0x1f: {  	s6 =	simm.s32 $0x1400;
	s16 =	rddreg [dreg:$0x5];
	[sflag:s25] =	ssyncadd.s32 $0xFFFFEC00  }
0x20: {  	[tilespmem:s6], [sflag:$0x3] =	stream.linear.gather [hbm4b:s16+s4], $0x1400, $0x38;
	[tilespmem:$0x1E800] =	vst v63  }
0x21: {  	_ =	swait.ge [sflag:s25], $0x1400  }
0x22: {  	[sflag:s25] =	ssyncset.done $0x0  }
0x23: {  	[sflag:s25] =	ssyncadd.s32 $0xFFFFEC00  }
0x24: {  	[tilespmem:s28], [sflag:$0x1] =	stream.indirect.gather [hbm4b:s5+s26], $0x80, s4, s26, $0xb8;
	[tilespmem:$0x1E800] =	vst v63  }
0x25: {  	s17 =	rddreg [dreg:$0x1]  }
0x26: {  	[tilespmem:s29], [sflag:$0x3] =	stream.linear.gather [hbm4b:s17+s4], $0x2800, $0x38;
	[tilespmem:$0x1E800] =	vst v63  }
0x27: {  	_ =	swait.ge [sflag:s25], $0x2800  }
0x28: {  	[sflag:s25] =	ssyncset.done $0x0  }
0x29: {  	[sflag:s25] =	ssyncadd.s32 $0xFFFFD800  }
0x2a: {  	[spmem:s8] =	stream.linear.scatter [tilespmem:s29], [sflag:$0x2], $0x2800, $0x38;
	[tilespmem:$0x1E800] =	vst v63  }
0x2b: {  	_ = 	snop  }
0x2c: {  	[spmem:s9] =	stream.linear.scatter [tilespmem:s29], [sflag:$0x2], $0x2800, $0x38;
	[tilespmem:$0x1E800] =	vst v63  }
0x2d: {  	_ = 	snop  }
0x2e: {  	[spmem:s10] =	stream.linear.scatter [tilespmem:s29], [sflag:$0x2], $0x2800, $0x38;
	[tilespmem:$0x1E800] =	vst v63  }
0x2f: {  	_ = 	snop  }
0x30: {  	[spmem:s11] =	stream.linear.scatter [tilespmem:s29], [sflag:$0x2], $0x2800, $0x38;
	[tilespmem:$0x1E800] =	vst v63  }
0x31: {  	_ = 	snop  }
0x32: {  	[spmem:s12] =	stream.linear.scatter [tilespmem:s29], [sflag:$0x2], $0x2800, $0x38;
	[tilespmem:$0x1E800] =	vst v63  }
0x33: {  	_ = 	snop  }
0x34: {  	[spmem:s13] =	stream.linear.scatter [tilespmem:s29], [sflag:$0x2], $0x2800, $0x38;
	[tilespmem:$0x1E800] =	vst v63  }
0x35: {  	_ = 	snop  }
0x36: {  	[spmem:s14] =	stream.linear.scatter [tilespmem:s29], [sflag:$0x2], $0x2800, $0x38;
	[tilespmem:$0x1E800] =	vst v63  }
0x37: {  	_ = 	snop  }
0x38: {  	[spmem:s15] =	stream.linear.scatter [tilespmem:s29], [sflag:$0x2], $0x2800, $0x38;
	[tilespmem:$0x1E800] =	vst v63  }
0x39: {  	_ =	swait.ge [sflag:s30], $0x2800  }
0x3a: {  	[sflag:s30] =	ssyncset.done $0x0  }
0x3b: {  	[sflag:s30] =	ssyncadd.s32 $0xFFFFD800  }
0x3c: {  	_ =	swait.ge [sflag:s30], $0x2800  }
0x3d: {  	[sflag:s30] =	ssyncset.done $0x0  }
0x3e: {  	[sflag:s30] =	ssyncadd.s32 $0xFFFFD800  }
0x3f: {  	_ =	swait.ge [sflag:s30], $0x2800  }
0x40: {  	[sflag:s30] =	ssyncset.done $0x0  }
0x41: {  	[sflag:s30] =	ssyncadd.s32 $0xFFFFD800  }
0x42: {  	_ =	swait.ge [sflag:s30], $0x2800  }
0x43: {  	[sflag:s30] =	ssyncset.done $0x0  }
0x44: {  	[sflag:s30] =	ssyncadd.s32 $0xFFFFD800  }
0x45: {  	_ =	swait.ge [sflag:s30], $0x2800  }
0x46: {  	[sflag:s30] =	ssyncset.done $0x0  }
0x47: {  	[sflag:s30] =	ssyncadd.s32 $0xFFFFD800  }
0x48: {  	_ =	swait.ge [sflag:s30], $0x2800  }
0x49: {  	[sflag:s30] =	ssyncset.done $0x0  }
0x4a: {  	[sflag:s30] =	ssyncadd.s32 $0xFFFFD800  }
0x4b: {  	_ =	swait.ge [sflag:s30], $0x2800  }
0x4c: {  	[sflag:s30] =	ssyncset.done $0x0  }
0x4d: {  	[sflag:s30] =	ssyncadd.s32 $0xFFFFD800  }
0x4e: {  	_ =	swait.ge [sflag:s30], $0x2800  }
0x4f: {  	[sflag:s30] =	ssyncset.done $0x0  }
0x50: {  	s18 =	simm.s32 $0x80;
	[sflag:s30] =	ssyncadd.s32 $0xFFFFD800  }
0x51: {  	[tilespmem:s29], [sflag:$0x1] =	stream.indirect.gather [hbm4b:s5+s26], $0x80, s18, s26, $0xb8;
	[tilespmem:$0x1E800] =	vst v63  }
0x52: {  	s19 =	sxor.u32 $0xFFFFFFFF, s4;
	s31 =	simm.s32 $0x10000;
	[bflag:$0x0] =	sbarrier.arrive $0xFFFF  }
0x53: {  	p0 =	por $0x0, $0x0;
	s2 =	sand.u32 $0x10000, s19;
	_ =	swait.ge [sflag:s0], $0x3E80  }
0x54: {  	s7 =	sshrl.u32 s2, $0x2;
	s2 =	simm.s32 $0x100;
	[sflag:s0] =	ssyncset.done $0x0  }
0x55: {  	s7 =	sor.u32 $0x2800, s7;
	s17 =	simm.s32 @!p0 $0x7D;
	[sflag:s0] =	ssyncadd.s32 $0xFFFFC180  }
0x56: {  	[spmem:s3] =	stream.indirect.scatter.add.f32 [tilespmem:s7], [sflag:$0x3], $0x80, s6, s26, $0xb8;
	[tilespmem:$0x1E800] =	vst v63  }
0x57: {  	s7 =	sxor.u32 @!p0 $0xFFFFFFFF, s4;
	s6 =	simm.s32 $0x1;
	_ =	swait.ge [sflag:s25], $0x3E80  }
0x58: {  	s16 =	sand.u32 @!p0 $0x10000, s7;
	s7 =	simm.s32 $0x1480;
	[sflag:s25] =	ssyncset.done $0x0  }
0x59: {  	s18 =	sshrl.u32 @!p0 s16, $0x2;
	s16 =	simm.s32 $0x100;
	[sflag:s25] =	ssyncadd.s32 $0xFFFFC180  }
.LBB2_2:
0x5a: {  	s18 =	sor.u32 @!p0 $0x2800, s18  }
0x5b: {  	s2 =	sadd.s32 $0x80, s2;
	s19 =	smov.u32 s31;
	s31 =	sadd.s32 $0x10000, s31  }
0x5c: {  	[tilespmem:s18], [sflag:$0x1] =	stream.indirect.gather @!p0 [hbm4b:s5+s17], $0x80, s16, s17, $0xb8;
	[tilespmem:$0x1E800] =	vst v63  }
0x5d: {  	p1 =	sne.s32 s31, $0x280000;
	s16 =	smov.u32 s2  }
0x5e: {  	s17 =	sxor.u32 $0xFFFFFFFF, s19  }
0x5f: {  	s17 =	sand.u32 $0x10000, s17;
	_ =	swait.ge [sflag:s0], $0x3E80  }
0x60: {  	p0 =	sgt.u32 s6, $0x25;
	s17 =	sshrl.u32 s17, $0x2;
	[sflag:s0] =	ssyncset.done $0x0  }
.Ltmp0:
0x61: {  	s17 =	sor.u32 $0x2800, s17;
	[sflag:s0] =	ssyncadd.s32 $0xFFFFC180;
	(pc) =	sbr.rel @p1 .LBB2_2-.Ltmp0, $4  }
0x62: {  	[spmem:s3] =	stream.indirect.scatter.add.f32 [tilespmem:s17], [sflag:$0x3], $0x80, s7, s26, $0xb8;
	[tilespmem:$0x1E800] =	vst v63  }
0x63: {  	s6 =	sadd.s32 $0x1, s6;
	s17 =	sxor.u32 @!p0 $0xFFFFFFFF, s19;
	_ =	swait.ge [sflag:s25], $0x3E80  }
0x64: {  	s7 =	sadd.s32 $0x80, s7;
	s17 =	sand.u32 @!p0 $0x10000, s17;
	[sflag:s25] =	ssyncset.done $0x0  }
0x65: {  	s18 =	sshrl.u32 @!p0 s17, $0x2;
	s17 =	simm.s32 @!p0 $0x7D;
	[sflag:s25] =	ssyncadd.s32 $0xFFFFC180  }
0x66: {  	s2 =	sor.u32 @!p0 $0x2800, s18  }
0x67: {  	[tilespmem:s2], [sflag:$0x1] =	stream.indirect.gather @!p0 [hbm4b:s5+s17], $0x80, s16, s17, $0xb8;
	[tilespmem:$0x1E800] =	vst v63  }
0x68: {  	[bflag:$0x0] =	sbarrier.arrive $0xFFFF  }
0x69: {  	[tilespmem:s29], [sflag:$0x3] =	stream.linear.gather [spmem:s8], $0x2800, $0x38;
	[tilespmem:$0x1E800] =	vst v63  }
0x6a: {  	_ =	swait.ge [sflag:s25], $0x2800  }
0x6b: {  	[sflag:s25] =	ssyncset.done $0x0  }
0x6c: {  	s17 =	rddreg [dreg:$0x6];
	[sflag:s25] =	ssyncadd.s32 $0xFFFFD800  }
0x6d: {  	[hbm4b:s17+s4] =	stream.linear.scatter [tilespmem:s29], [sflag:$0x2], $0x2800, $0x38;
	[tilespmem:$0x1E800] =	vst v63  }
0x6e: {  	_ = 	snop  }
0x6f: {  	[tilespmem:s28], [sflag:$0x3] =	stream.linear.gather [spmem:s9], $0x2800, $0x38;
	[tilespmem:$0x1E800] =	vst v63  }
0x70: {  	_ =	swait.ge [sflag:s25], $0x2800  }
0x71: {  	[sflag:s25] =	ssyncset.done $0x0  }
0x72: {  	s18 =	rddreg [dreg:$0x7];
	[sflag:s25] =	ssyncadd.s32 $0xFFFFD800  }
0x73: {  	[hbm4b:s18+s4] =	stream.linear.scatter [tilespmem:s28], [sflag:$0x2], $0x2800, $0x38;
	[tilespmem:$0x1E800] =	vst v63  }
0x74: {  	_ =	swait.ge [sflag:s30], $0x2800  }
0x75: {  	[sflag:s30] =	ssyncset.done $0x0  }
0x76: {  	[sflag:s30] =	ssyncadd.s32 $0xFFFFD800  }
0x77: {  	[tilespmem:s29], [sflag:$0x3] =	stream.linear.gather [spmem:s10], $0x2800, $0x38;
	[tilespmem:$0x1E800] =	vst v63  }
0x78: {  	_ =	swait.ge [sflag:s25], $0x2800  }
0x79: {  	[sflag:s25] =	ssyncset.done $0x0  }
0x7a: {  	s19 =	rddreg [dreg:$0x8];
	[sflag:s25] =	ssyncadd.s32 $0xFFFFD800  }
0x7b: {  	[hbm4b:s19+s4] =	stream.linear.scatter [tilespmem:s29], [sflag:$0x2], $0x2800, $0x38;
	[tilespmem:$0x1E800] =	vst v63  }
0x7c: {  	_ =	swait.ge [sflag:s30], $0x2800  }
0x7d: {  	[sflag:s30] =	ssyncset.done $0x0  }
0x7e: {  	[sflag:s30] =	ssyncadd.s32 $0xFFFFD800  }
0x7f: {  	[tilespmem:s28], [sflag:$0x3] =	stream.linear.gather [spmem:s11], $0x2800, $0x38;
	[tilespmem:$0x1E800] =	vst v63  }
0x80: {  	_ =	swait.ge [sflag:s25], $0x2800  }
0x81: {  	[sflag:s25] =	ssyncset.done $0x0  }
0x82: {  	s31 =	rddreg [dreg:$0x9];
	[sflag:s25] =	ssyncadd.s32 $0xFFFFD800  }
0x83: {  	[hbm4b:s31+s4] =	stream.linear.scatter [tilespmem:s28], [sflag:$0x2], $0x2800, $0x38;
	[tilespmem:$0x1E800] =	vst v63  }
0x84: {  	_ =	swait.ge [sflag:s30], $0x2800  }
0x85: {  	[sflag:s30] =	ssyncset.done $0x0  }
0x86: {  	[sflag:s30] =	ssyncadd.s32 $0xFFFFD800  }
0x87: {  	[tilespmem:s29], [sflag:$0x3] =	stream.linear.gather [spmem:s12], $0x2800, $0x38;
	[tilespmem:$0x1E800] =	vst v63  }
0x88: {  	_ =	swait.ge [sflag:s25], $0x2800  }
0x89: {  	[sflag:s25] =	ssyncset.done $0x0  }
0x8a: {  	[sflag:s25] =	ssyncadd.s32 $0xFFFFD800  }
0x8b: {  	[hbm4b:s20+s4] =	stream.linear.scatter [tilespmem:s29], [sflag:$0x2], $0x2800, $0x38;
	[tilespmem:$0x1E800] =	vst v63  }
0x8c: {  	_ =	swait.ge [sflag:s30], $0x2800  }
0x8d: {  	[sflag:s30] =	ssyncset.done $0x0  }
0x8e: {  	[sflag:s30] =	ssyncadd.s32 $0xFFFFD800  }
0x8f: {  	[tilespmem:s28], [sflag:$0x3] =	stream.linear.gather [spmem:s13], $0x2800, $0x38;
	[tilespmem:$0x1E800] =	vst v63  }
0x90: {  	_ =	swait.ge [sflag:s25], $0x2800  }
0x91: {  	[sflag:s25] =	ssyncset.done $0x0  }
0x92: {  	[sflag:s25] =	ssyncadd.s32 $0xFFFFD800  }
0x93: {  	[hbm4b:s21+s4] =	stream.linear.scatter [tilespmem:s28], [sflag:$0x2], $0x2800, $0x38;
	[tilespmem:$0x1E800] =	vst v63  }
0x94: {  	_ =	swait.ge [sflag:s30], $0x2800  }
0x95: {  	[sflag:s30] =	ssyncset.done $0x0  }
0x96: {  	[sflag:s30] =	ssyncadd.s32 $0xFFFFD800  }
0x97: {  	[tilespmem:s29], [sflag:$0x3] =	stream.linear.gather [spmem:s14], $0x2800, $0x38;
	[tilespmem:$0x1E800] =	vst v63  }
0x98: {  	_ =	swait.ge [sflag:s25], $0x2800  }
0x99: {  	[sflag:s25] =	ssyncset.done $0x0  }
0x9a: {  	[sflag:s25] =	ssyncadd.s32 $0xFFFFD800  }
0x9b: {  	[hbm4b:s22+s4] =	stream.linear.scatter [tilespmem:s29], [sflag:$0x2], $0x2800, $0x38;
	[tilespmem:$0x1E800] =	vst v63  }
0x9c: {  	_ =	swait.ge [sflag:s30], $0x2800  }
0x9d: {  	[sflag:s30] =	ssyncset.done $0x0  }
0x9e: {  	[sflag:s30] =	ssyncadd.s32 $0xFFFFD800  }
0x9f: {  	[tilespmem:s28], [sflag:$0x3] =	stream.linear.gather [spmem:s15], $0x2800, $0x38;
	[tilespmem:$0x1E800] =	vst v63  }
0xa0: {  	_ =	swait.ge [sflag:s25], $0x2800  }
0xa1: {  	[sflag:s25] =	ssyncset.done $0x0  }
0xa2: {  	s1 =	sadd.s32 $0x1, s1;
	[sflag:s25] =	ssyncadd.s32 $0xFFFFD800  }
0xa3: {  	[hbm4b:s23+s4] =	stream.linear.scatter [tilespmem:s28], [sflag:$0x2], $0x2800, $0x38;
	[tilespmem:$0x1E800] =	vst v63  }
0xa4: {  	p0 =	sne.s32 s1, s24;
	_ =	swait.ge [sflag:s30], $0x2800  }
.Ltmp1:
0xa5: {  	[sflag:s30] =	ssyncset.done $0x0;
	(pc) =	sbr.rel @p0 .LBB2_1-.Ltmp1, $4  }
0xa6: {  	[sflag:s30] =	ssyncadd.s32 $0xFFFFD800  }
0xa7: {  	_ =	swait.ge [sflag:s30], $0x2800  }
0xa8: {  	[sflag:s30] =	ssyncset.done $0x0  }
0xa9: {  	[sflag:s30] =	ssyncadd.s32 $0xFFFFD800  }
0xaa: {  	_ =	sfence.sel $0x180000  }
0xab: {  	[bflag:$0x0] =	sbarrier.arrive $0xFFFF  }
0xac: {  	_ =	strace $0x9000004D  }
0xad: {  	s0 =	stileid.u32;
	[bflag:$0x2] =	sbarrier.arrive $0xFFFF  }
0xae: {  	p0 =	sne.s32 s0, $0x0;
	s0 =	rddreg [dreg:$0x3]  }
0xaf: {  	s0 =	sadd.s32 @!p0 $0x100000, s0  }
0xb0: {  	[sflag:s0] =	ssyncadd.tile.s32 @!p0 $0x1;
	_ =	shalt  }
.Lfunc_end2:
_tile_overlayer_lowered:
.L_overlay_start_2:
0xb1: {  	(tag) =	ssettag $0x2  }
0xb2: {  	s0 =	rddreg [dreg:$0x0];
	s2 =	stileid.u32  }
0xb3: {  	s1 =	rddreg [dreg:$0x1];
	p0 =	sne.s32 s2, $0x0  }
0xb4: {  	s3 =	rddreg [dreg:$0x2];
	[bflag:$0x3] =	sbarrier.arrive $0xFFFF;
	s2 =	simm.s32 @!p0 $0x1C03  }
0xb5: {  	[timem:s3], [sflag:s2] =	dma.local @!p0 [hbm:s0], s1  }
0xb6: {  	s0 =	simm.s32 @!p0 $0x3  }
0xb7: {  	_ =	swait.ge @!p0 [sflag:s0], s1  }
0xb8: {  	s1 =	ssub.s32 @!p0 $0x0, s1;
	[sflag:s0] =	ssyncset.done @!p0 $0x0  }
0xb9: {  	[sflag:s0] =	ssyncadd.s32 @!p0 s1  }
0xba: {  	[bflag:$0x3] =	sbarrier.arrive $0xFFFF  }
0xbb: {  	_ =	shalt  }

// kernel: sc_edge_scatter.5.cloned.1.call-start
scs
__scs_entry_jumppad:
0x0: {  	(pc) =	sbr.rel $0x88, $3  }
0x1: {  	(tag) =	ssettag $0x0;
	lr =	simm.s32 $0x1  }
0x2: {  	[smem:$0x3F98] =	sst lr;
	_ =	strace $0xD0000000  }
0x3: {  	_ = 	snop  }
0x4: {  	_ = 	snop  }
0x5: {  	_ = 	snop  }
0x6: {  	_ = 	snop  }
0x7: {  	_ = 	snop  }
__scs_overlays_trampoline_lowered:
0x8: {  	[smem:$0x3FA7] =	sst s0  }
0x9: {  	[smem:$0x3FA8] =	sst s1  }
0xa: {  	[smem:$0x3FA9] =	sst s2  }
0xb: {  	[smem:$0x3FAA] =	sst s3  }
0xc: {  	[smem:$0x3FAB] =	sst s4  }
0xd: {  	[smem:$0x3FAC] =	sst s5  }
0xe: {  	[smem:$0x3FAD] =	sst s6  }
0xf: {  	[smem:$0x3FAE] =	sst s7  }
0x10: {  	[smem:$0x3FAF] =	sst s8  }
0x11: {  	[smem:$0x3FB0] =	sst s9;
	s0 =	simm.s32 @!p0 $0x0  }
0x12: {  	s1 =	sld [smem:$0x3F96];
	s0 =	simm.s32 @p0 $0x1  }
0x13: {  	[smem:$0x3FB1] =	sst s0;
	s0 =	simm.s32 @!p1 $0x0  }
0x14: {  	s2 =	sld [smem:$0x3F95];
	s0 =	simm.s32 @p1 $0x1  }
0x15: {  	[smem:$0x3FB2] =	sst s0;
	s0 =	simm.s32 @!p2 $0x0  }
0x16: {  	s3 =	sld [smem:$0x3FDB];
	s0 =	simm.s32 @p2 $0x1  }
0x17: {  	s4 =	simm.s32 $0x1BF5;
	[smem:$0x3FB4] =	sst s0  }
0x18: {  	s0 =	sld [smem:$0x3F97];
	_ =	swait.ge [sflag:s4], $0x0  }
0x19: {  	s7 =	sld [smem:$0x3F98]  }
0x1a: {  	s8 =	sadd.s32 $0xFFFFE003, lr  }
0x1b: {  	s9 =	sadd.s32 $0xFFFFFEF7, lr;
	s5 =	simm.s32 $0xFFFFFFFF;
	p2 =	slt.u32 s8, $0xFFFFF086  }
0x1c: {  	p1 =	slt.u32 s9, $0xF7A;
	s5 =	simm.s32 @!p2 $0x0  }
0x1d: {  	s5 =	simm.s32 @p1 $0x1;
	p0 =	seq.s32 s7, s2  }
0x1e: {  	s7 =	smul.u32 @!p0 $0xF7A, s2;
	p2 =	seq.s32 @!p0 s5, $0x0  }
0x1f: {  	s9 =	smul.u32 $0xF7A, s1;
	s8 =	simm.s32 @!p0 $0x1BF5;
	p2 =	por !p2, p0  }
0x20: {  	[sflag:s8] =	ssyncset.s32 @!p0 $0xFFFFF086;
	s6 =	sadd.s32 @!p0 s3, s7;
	s7 =	simm.s32 @!p0 $0x108  }
0x21: {  	s3 =	sadd.s32 s3, s9;
	s6 =	sadd.s32 @!p0 $0x88, s6;
	s7 =	simm.s32 @p2 $0x1082  }
0x22: {  	[simem:s7], [sflag:s8] =	dma.local @!p0 [hbm:s6], $0xF7A  }
0x23: {  	s9 =	sor.u32 $0xD0000000, s2;
	s6 =	simm.s32 $0x108;
	_ =	swait.ge @!p0 [sflag:s8], $0x0  }
0x24: {  	s3 =	sadd.s32 $0x88, s3;
	s6 =	simm.s32 @!p1 $0x1082;
	[sflag:s4] =	ssyncset.s32 $0xFFFFF086  }
0x25: {  	[simem:s6], [sflag:s4] =	dma.local [hbm:s3], $0xF7A  }
0x26: {  	[smem:$0x3F98] =	sst s1;
	(tag) =	ssettag s2;
	_ =	strace s9  }
0x27: {  	s1 =	sld [smem:$0x3FA8]  }
0x28: {  	s2 =	sld [smem:$0x3FA9]  }
0x29: {  	s4 =	sld [smem:$0x3FAB]  }
0x2a: {  	p0 =	seq.s32 s5, $0x0;
	s5 =	sld [smem:$0x3FAC]  }
0x2b: {  	s6 =	sld [smem:$0x3FAD]  }
0x2c: {  	s7 =	sld [smem:$0x3FAE]  }
0x2d: {  	s3 =	simm.s32 $0x108;
	s8 =	sld [smem:$0x3FAF]  }
0x2e: {  	s3 =	simm.s32 @!p0 $0x1082;
	s9 =	sld [smem:$0x3FB0]  }
0x2f: {  	lr =	sadd.s32 s0, s3;
	s0 =	sld [smem:$0x3FA7]  }
0x30: {  	s3 =	sld [smem:$0x3FAA]  }
0x31: {  	[smem:$0x3FB3] =	sst s10  }
0x32: {  	s10 =	sld [smem:$0x3FB1];
	_ =	sdelay $0x3  }
0x33: {  	p0 =	seq.s32 s10, $0x1;
	s10 =	sld [smem:$0x3FB3];
	_ =	sdelay $0x3  }
0x34: {  	[smem:$0x3FB3] =	sst s10  }
0x35: {  	s10 =	sld [smem:$0x3FB2];
	_ =	sdelay $0x3  }
0x36: {  	p1 =	seq.s32 s10, $0x1;
	s10 =	sld [smem:$0x3FB3];
	_ =	sdelay $0x3  }
0x37: {  	[smem:$0x3FB3] =	sst s10  }
0x38: {  	s10 =	sld [smem:$0x3FB4]  }
0x39: {  	_ = 	snop;
	(pc) =	sbr.ind lr, $3  }
0x3a: {  	_ = 	snop  }
0x3b: {  	_ = 	snop  }
0x3c: {  	p2 =	seq.s32 s10, $0x1;
	s10 =	sld [smem:$0x3FB3]  }
0x3d: {  	_ =	shalt  }
0x3e: {  	_ =	shalt  }
0x3f: {  	_ =	shalt  }
0x40: {  	_ =	shalt  }
0x41: {  	_ =	shalt  }
0x42: {  	_ =	shalt  }
0x43: {  	_ =	shalt  }
0x44: {  	_ =	shalt  }
0x45: {  	_ =	shalt  }
0x46: {  	_ =	shalt  }
0x47: {  	_ =	shalt  }
0x48: {  	_ =	shalt  }
0x49: {  	_ =	shalt  }
0x4a: {  	_ =	shalt  }
0x4b: {  	_ =	shalt  }
0x4c: {  	_ =	shalt  }
0x4d: {  	_ =	shalt  }
0x4e: {  	_ =	shalt  }
0x4f: {  	_ =	shalt  }
0x50: {  	_ =	shalt  }
0x51: {  	_ =	shalt  }
0x52: {  	_ =	shalt  }
0x53: {  	_ =	shalt  }
0x54: {  	_ =	shalt  }
0x55: {  	_ =	shalt  }
0x56: {  	_ =	shalt  }
0x57: {  	_ =	shalt  }
0x58: {  	_ =	shalt  }
0x59: {  	_ =	shalt  }
0x5a: {  	_ =	shalt  }
0x5b: {  	_ =	shalt  }
0x5c: {  	_ =	shalt  }
0x5d: {  	_ =	shalt  }
0x5e: {  	_ =	shalt  }
0x5f: {  	_ =	shalt  }
0x60: {  	_ =	shalt  }
0x61: {  	_ =	shalt  }
0x62: {  	_ =	shalt  }
0x63: {  	_ =	shalt  }
0x64: {  	_ =	shalt  }
0x65: {  	_ =	shalt  }
0x66: {  	_ =	shalt  }
0x67: {  	_ =	shalt  }
0x68: {  	_ =	shalt  }
0x69: {  	_ =	shalt  }
0x6a: {  	_ =	shalt  }
0x6b: {  	_ =	shalt  }
0x6c: {  	_ =	shalt  }
0x6d: {  	_ =	shalt  }
0x6e: {  	_ =	shalt  }
0x6f: {  	_ =	shalt  }
0x70: {  	_ =	shalt  }
0x71: {  	_ =	shalt  }
0x72: {  	_ =	shalt  }
0x73: {  	_ =	shalt  }
0x74: {  	_ =	shalt  }
0x75: {  	_ =	shalt  }
0x76: {  	_ =	shalt  }
0x77: {  	_ =	shalt  }
0x78: {  	_ =	shalt  }
0x79: {  	_ =	shalt  }
0x7a: {  	_ =	shalt  }
0x7b: {  	_ =	shalt  }
0x7c: {  	_ =	shalt  }
0x7d: {  	_ =	shalt  }
0x7e: {  	_ =	shalt  }
0x7f: {  	_ =	shalt  }
0x80: {  	_ =	shalt  }
0x81: {  	_ =	shalt  }
0x82: {  	_ =	shalt  }
0x83: {  	_ =	shalt  }
0x84: {  	_ =	shalt  }
0x85: {  	_ =	shalt  }
0x86: {  	_ =	shalt  }
0x87: {  	_ =	shalt  }
.Lfunc_end0:
.L_simem_size_0:
called_computation_lowered:
.L_overlay_start_0:
0x88: {  	s2 =	sld [smem:$0x3FD9]  }
0x89: {  	s3 =	sld [smem:$0x3FFE];
	_ =	sdelay $0x1  }
0x8a: {  	s1 =	srdreg.scid  }
0x8b: {  	s0 =	sand.u32 $0x1, s1  }
0x8c: {  	s14 =	sshll.u32 s0, $0xA;
	s2 =	sadd.s32 s3, s2  }
0x8d: {  	s2 =	sadd.s32 s2, s14  }
0x8e: {  	[smem:$0x3FBF] =	sst s2  }
0x8f: {  	_ = 	snop  }
0x90: {  	s2 =	sld [smem:$0x3FD0];
	_ =	sdelay $0x2  }
0x91: {  	s4 =	simm.s32 $0xA;
	s5 =	simm.s32 $0x10;
	s15 =	sld [smem:$0x3FC9]  }
0x92: {  	[smem:s5], [sflag:s4] =	dma.local [hbm:s2], $0x1  }
0x93: {  	_ =	swait.eq [sflag:s4], $0x1  }
0x94: {  	[sflag:s4] =	ssyncset.done $0x0  }
0x95: {  	[sflag:s4] =	ssyncadd.s32 $0xFFFFFFFF  }
0x96: {  	s16 =	sld [smem:$0x12];
	(tm) =	ssettm $0x1  }
0x97: {  	s17 =	sld [smem:$0x3FFB];
	_ =	sdelay $0x3  }
0x98: {  	_ =	strace s17  }
0x99: {  	s4 =	sld [smem:$0x3FFC];
	_ =	sdelay $0x3  }
0x9a: {  	_ =	strace s4  }
0x9b: {  	s4 =	sld [smem:$0x3FFD];
	_ =	sdelay $0x3  }
0x9c: {  	_ =	strace s4  }
0x9d: {  	_ =	strace $0x8FFFFFFF  }
0x9e: {  	s18 =	sld [smem:$0x3FDB];
	_ =	sdelay $0x1  }
0x9f: {  	s19 =	simm.s32 $_scs_section_size  }
0xa0: {  	s6 =	simm.s32 $_size__tile_overlayer_lowered;
	s7 =	simm.s32 $_tile_overlayer_lowered  }
0xa1: {  	s22 =	simm.s32 $0x1BFF;
	s21 =	sshll.u32 s7, $0x1;
	s4 =	sadd.s32 s19, s18  }
0xa2: {  	s8 =	simm.s32 $0x0;
	s20 =	sshll.u32 s6, $0x1;
	s6 =	sadd.s32 s21, s4  }
0xa3: {  	[timem:s8], [sflag:s22] =	dma.local [hbm:s6], s20  }
0xa4: {  	_ =	swait.ge [sflag:s22], s20  }
0xa5: {  	s5 =	ssub.s32 $0x0, s20;
	[sflag:s22] =	ssyncset.done $0x0  }
0xa6: {  	[sflag:s22] =	ssyncadd.s32 s5;
	_ =	sdelay $0x1  }
0xa7: {  	s23 =	simm.s32 $0x1B8B  }
0xa8: {  	_ =	swait.ge [sflag:s23], $0x1  }
0xa9: {  	[sflag:s23] =	ssyncset.done $0x0  }
0xaa: {  	s25 =	simm.s32 $0x1B8E;
	s24 =	sld [smem:$0x3FFE];
	[sflag:s23] =	ssyncadd.s32 $0xFFFFFFFF  }
0xab: {  	s26 =	simm.s32 $execute0_lowered;
	[smem:$0x3FD2] =	sst s25  }
0xac: {  	s6 =	sshll.u32 s26, $0x1;
	_ =	strace $0x80000046;
	[dreg:$0x1] =	wrdreg $0xFFFFFFFF  }
0xad: {  	s28 =	simm.s32 $_size_execute0_lowered;
	s4 =	sadd.s32 s4, s6;
	[dreg:$0x0] =	wrdreg $0x0  }
0xae: {  	s6 =	sshll.u32 s28, $0x1;
	[dreg:$0x2] =	wrdreg s4  }
0xaf: {  	[dreg:$0x3] =	wrdreg s6  }
0xb0: {  	[dreg:$0x4] =	wrdreg $0xC0  }
0xb1: {  	_ =	task [dreg:s8], $0x5FFFF  }
0xb2: {  	[dreg:$0x1] =	wrdreg $0xFFFFFFFF  }
0xb3: {  	[dreg:$0x0] =	wrdreg $0x60  }
0xb4: {  	[dreg:$0x2] =	wrdreg s15  }
0xb5: {  	[dreg:$0x3] =	wrdreg s24  }
0xb6: {  	[dreg:$0x4] =	wrdreg s16  }
0xb7: {  	[dreg:$0x5] =	wrdreg $0xA8000  }
0xb8: {  	[dreg:$0x6] =	wrdreg $0x9  }
0xb9: {  	_ =	task.clear_ibuf [dreg:s8], $0x7FFFF;
	_ =	strace $0x90000046  }
0xba: {  	s29 =	simm.s32 $0x9;
	_ =	strace $0x80000048  }
0xbb: {  	_ =	swait.ge [sflag:s29], $0x1  }
0xbc: {  	[sflag:s29] =	ssyncadd.s32 $0xFFFFFFFF  }
0xbd: {  	_ =	strace $0x90000048  }
0xbe: {  	_ =	sfence  }
0xbf: {  	s30 =	sld [smem:$0x0];
	_ =	sdelay $0x2  }
0xc0: {  	s31 =	sshll.u32 s1, $0xD;
	s1 =	sshrl.u32 s1, $0x2  }
0xc1: {  	s3 =	sand.u32 $0x4000, s31;
	s1 =	sadd.s32 s1, s30  }
0xc2: {  	s0 =	sor.u32 s3, s0;
	s1 =	sshll.u32 s1, $0x11  }
0xc3: {  	s0 =	sor.u32 s1, s0  }
0xc4: {  	s0 =	sadd.s32 $0x8F2B, s0  }
0xc5: {  	[sflag:s0] =	ssyncadd.remote.s32 $0x1  }
0xc6: {  	_ =	sfence.sel $0xFFFF  }
0xc7: {  	[dreg:$0x0] =	wrdreg $0xFFFFFFFF;
	(pc) =	sbr.abs _section_cstart, $3  }
0xc8: {  	[dreg:$0x1] =	wrdreg $0xFFFFFFFF  }
0xc9: {  	_ =	task.clear_ibuf [dreg:s8], $0x2FFFF;
	_ =	strace $0x9FFFFFFF  }
0xca: {  	(tm) =	ssettm $0x7FFFFFFF  }
0xcb: {  	_ =	shalt  }
tec
execute0_lowered:
.L_overlay_start_1:
0x0: {  	(tag) =	ssettag $0x1  }
0x1: {  	s0 =	rddreg [dreg:$0x0]  }
0x2: {  	s1 =	rddreg [dreg:$0x1];
	s2 =	srdreg.scid  }
0x3: {  	s4 =	rddreg [dreg:$0x3];
	s9 =	stileid.u32  }
0x4: {  	s5 =	simm.s32 $0x0;
	s28 =	simm.s32 $0x6800;
	s29 =	simm.s32 $0x2800  }
0x5: {  	s30 =	simm.s32 $0x2;
	s2 =	sand.u32 $0x1, s2;
	s7 =	smul.u32 $0x50000, s9  }
0x6: {  	[smem:$0x7FF] =	sst s5;
	s15 =	smul.u32 $0x14000, s9;
	s3 =	sshll.u32 s2, $0x4  }
0x7: {  	_ =	strace $0x80000047;
	s6 =	ssub.s32 $0x2, s2;
	s2 =	smul.u32 $0x140000, s2  }
0x8: {  	s3 =	sor.u32 s9, s3;
	s8 =	sshrl.u32 s6, $0x1;
	s7 =	sshrl.u32 s7, $0x2  }
0x9: {  	s26 =	sor.u32 $0x2800, s15;
	s31 =	sadd.s32 $0x5000, s15;
	s16 =	sadd.s32 $0x7800, s15  }
0xa: {  	s17 =	sadd.s32 $0xA000, s15;
	s18 =	sadd.s32 $0xC800, s15;
	s19 =	sadd.s32 $0xF000, s15  }
0xb: {  	s3 =	smul.u32 $0x1400, s3;
	s6 =	ssub.s32 s6, s8;
	s8 =	sadd.s32 s7, s4  }
0xc: {  	s9 =	sadd.s32 s26, s4;
	s10 =	sadd.s32 s31, s4;
	s11 =	sadd.s32 s16, s4  }
0xd: {  	s12 =	sadd.s32 s17, s4;
	s13 =	sadd.s32 s18, s4;
	s14 =	sadd.s32 s19, s4  }
0xe: {  	s20 =	sadd.s32 s15, s2;
	s15 =	sadd.s32 $0x11800, s15;
	s7 =	sadd.s32 s2, s31  }
0xf: {  	s16 =	sadd.s32 s2, s16;
	s17 =	sadd.s32 s2, s17;
	s18 =	sadd.s32 s2, s18  }
0x10: {  	s21 =	sadd.s32 s2, s19;
	s20 =	sshrl.u32 s20, $0x3;
	s3 =	sshrl.u32 s3, $0x3  }
0x11: {  	s22 =	sshrl.u32 s7, $0x3;
	s23 =	sshrl.u32 s16, $0x3;
	s3 =	sadd.s32 s3, s1  }
0x12: {  	s24 =	sshrl.u32 s17, $0x3;
	s31 =	sshrl.u32 s21, $0x3;
	s25 =	sadd.s32 $0x3200, s3  }
0x13: {  	s1 =	sadd.s32 $0xD200, s1;
	s3 =	sadd.s32 $0x8200, s3;
	[dreg:$0x5] =	wrdreg s25  }
0x14: {  	s20 =	sadd.s32 s1, s20;
	[dreg:$0x6] =	wrdreg s3;
	s3 =	sadd.s32 s2, s26  }
0x15: {  	s2 =	sadd.s32 s2, s15;
	s15 =	sadd.s32 s15, s4;
	[dreg:$0x7] =	wrdreg s20  }
0x16: {  	s25 =	sadd.s32 s1, s23;
	s20 =	sadd.s32 s1, s24;
	s26 =	sshrl.u32 s18, $0x3  }
0x17: {  	s24 =	smax.u32 s6, $0x1;
	s3 =	sshrl.u32 s3, $0x3;
	[dreg:$0xa] =	wrdreg s25  }
0x18: {  	s2 =	sshrl.u32 s2, $0x3;
	s21 =	sadd.s32 s1, s26;
	s25 =	simm.s32 $0x3  }
0x19: {  	s26 =	simm.s32 $0x7D;
	s3 =	sadd.s32 s1, s3;
	s23 =	sadd.s32 s1, s2  }
0x1a: {  	s2 =	simm.s32 $0x0;
	[dreg:$0x8] =	wrdreg s3;
	s3 =	sadd.s32 s1, s22  }
0x1b: {  	s22 =	sadd.s32 s1, s31;
	s1 =	simm.s32 $0x1;
	[dreg:$0x9] =	wrdreg s3  }
.LBB2_1:
0x1c: {  	s3 =	rddreg [dreg:$0x5]  }
0x1d: {  	[tilespmem:s5], [sflag:$0x3] =	stream.linear.gather [hbm4b:s3+s5], $0x1400, $0x38;
	[tilespmem:$0x1E800] =	vst v63  }
0x1e: {  	_ =	swait.ge [sflag:s25], $0x1400  }
0x1f: {  	[sflag:s25] =	ssyncset.done $0x0  }
0x20: {  	s6 =	simm.s32 $0x1400;
	s16 =	rddreg [dreg:$0x6];
	[sflag:s25] =	ssyncadd.s32 $0xFFFFEC00  }
0x21: {  	[tilespmem:s6], [sflag:$0x3] =	stream.linear.gather [hbm4b:s16+s5], $0x1400, $0x38;
	[tilespmem:$0x1E800] =	vst v63  }
0x22: {  	_ =	swait.ge [sflag:s25], $0x1400  }
0x23: {  	[sflag:s25] =	ssyncset.done $0x0  }
0x24: {  	[sflag:s25] =	ssyncadd.s32 $0xFFFFEC00  }
0x25: {  	[tilespmem:s28], [sflag:$0x1] =	stream.indirect.gather [hbm4b:s0+s26], $0x80, s5, s26, $0xb8;
	[tilespmem:$0x1E800] =	vst v63  }
0x26: {  	s17 =	rddreg [dreg:$0x2]  }
0x27: {  	[tilespmem:s29], [sflag:$0x3] =	stream.linear.gather [hbm4b:s17+s5], $0x2800, $0x38;
	[tilespmem:$0x1E800] =	vst v63  }
0x28: {  	_ =	swait.ge [sflag:s25], $0x2800  }
0x29: {  	[sflag:s25] =	ssyncset.done $0x0  }
0x2a: {  	[sflag:s25] =	ssyncadd.s32 $0xFFFFD800  }
0x2b: {  	[spmem:s8] =	stream.linear.scatter [tilespmem:s29], [sflag:$0x2], $0x2800, $0x38;
	[tilespmem:$0x1E800] =	vst v63  }
0x2c: {  	_ = 	snop  }
0x2d: {  	[spmem:s9] =	stream.linear.scatter [tilespmem:s29], [sflag:$0x2], $0x2800, $0x38;
	[tilespmem:$0x1E800] =	vst v63  }
0x2e: {  	_ = 	snop  }
0x2f: {  	[spmem:s10] =	stream.linear.scatter [tilespmem:s29], [sflag:$0x2], $0x2800, $0x38;
	[tilespmem:$0x1E800] =	vst v63  }
0x30: {  	_ = 	snop  }
0x31: {  	[spmem:s11] =	stream.linear.scatter [tilespmem:s29], [sflag:$0x2], $0x2800, $0x38;
	[tilespmem:$0x1E800] =	vst v63  }
0x32: {  	_ = 	snop  }
0x33: {  	[spmem:s12] =	stream.linear.scatter [tilespmem:s29], [sflag:$0x2], $0x2800, $0x38;
	[tilespmem:$0x1E800] =	vst v63  }
0x34: {  	_ = 	snop  }
0x35: {  	[spmem:s13] =	stream.linear.scatter [tilespmem:s29], [sflag:$0x2], $0x2800, $0x38;
	[tilespmem:$0x1E800] =	vst v63  }
0x36: {  	_ = 	snop  }
0x37: {  	[spmem:s14] =	stream.linear.scatter [tilespmem:s29], [sflag:$0x2], $0x2800, $0x38;
	[tilespmem:$0x1E800] =	vst v63  }
0x38: {  	_ = 	snop  }
0x39: {  	[spmem:s15] =	stream.linear.scatter [tilespmem:s29], [sflag:$0x2], $0x2800, $0x38;
	[tilespmem:$0x1E800] =	vst v63  }
0x3a: {  	_ =	swait.ge [sflag:s30], $0x2800  }
0x3b: {  	[sflag:s30] =	ssyncset.done $0x0  }
0x3c: {  	[sflag:s30] =	ssyncadd.s32 $0xFFFFD800  }
0x3d: {  	_ =	swait.ge [sflag:s30], $0x2800  }
0x3e: {  	[sflag:s30] =	ssyncset.done $0x0  }
0x3f: {  	[sflag:s30] =	ssyncadd.s32 $0xFFFFD800  }
0x40: {  	_ =	swait.ge [sflag:s30], $0x2800  }
0x41: {  	[sflag:s30] =	ssyncset.done $0x0  }
0x42: {  	[sflag:s30] =	ssyncadd.s32 $0xFFFFD800  }
0x43: {  	_ =	swait.ge [sflag:s30], $0x2800  }
0x44: {  	[sflag:s30] =	ssyncset.done $0x0  }
0x45: {  	[sflag:s30] =	ssyncadd.s32 $0xFFFFD800  }
0x46: {  	_ =	swait.ge [sflag:s30], $0x2800  }
0x47: {  	[sflag:s30] =	ssyncset.done $0x0  }
0x48: {  	[sflag:s30] =	ssyncadd.s32 $0xFFFFD800  }
0x49: {  	_ =	swait.ge [sflag:s30], $0x2800  }
0x4a: {  	[sflag:s30] =	ssyncset.done $0x0  }
0x4b: {  	[sflag:s30] =	ssyncadd.s32 $0xFFFFD800  }
0x4c: {  	_ =	swait.ge [sflag:s30], $0x2800  }
0x4d: {  	[sflag:s30] =	ssyncset.done $0x0  }
0x4e: {  	[sflag:s30] =	ssyncadd.s32 $0xFFFFD800  }
0x4f: {  	_ =	swait.ge [sflag:s30], $0x2800  }
0x50: {  	[sflag:s30] =	ssyncset.done $0x0  }
0x51: {  	s18 =	simm.s32 $0x80;
	[sflag:s30] =	ssyncadd.s32 $0xFFFFD800  }
0x52: {  	[tilespmem:s29], [sflag:$0x1] =	stream.indirect.gather [hbm4b:s0+s26], $0x80, s18, s26, $0xb8;
	[tilespmem:$0x1E800] =	vst v63  }
0x53: {  	s19 =	sxor.u32 $0xFFFFFFFF, s5;
	s31 =	simm.s32 $0x10000;
	[bflag:$0x0] =	sbarrier.arrive $0xFFFF  }
0x54: {  	p0 =	por $0x0, $0x0;
	s3 =	sand.u32 $0x10000, s19;
	_ =	swait.ge [sflag:s1], $0x3E80  }
0x55: {  	s7 =	sshrl.u32 s3, $0x2;
	s3 =	simm.s32 $0x100;
	[sflag:s1] =	ssyncset.done $0x0  }
0x56: {  	s7 =	sor.u32 $0x2800, s7;
	s17 =	simm.s32 @!p0 $0x7D;
	[sflag:s1] =	ssyncadd.s32 $0xFFFFC180  }
0x57: {  	[spmem:s4] =	stream.indirect.scatter.add.f32 [tilespmem:s7], [sflag:$0x3], $0x80, s6, s26, $0xb8;
	[tilespmem:$0x1E800] =	vst v63  }
0x58: {  	s7 =	sxor.u32 @!p0 $0xFFFFFFFF, s5;
	s6 =	simm.s32 $0x1;
	_ =	swait.ge [sflag:s25], $0x3E80  }
0x59: {  	s16 =	sand.u32 @!p0 $0x10000, s7;
	s7 =	simm.s32 $0x1480;
	[sflag:s25] =	ssyncset.done $0x0  }
0x5a: {  	s18 =	sshrl.u32 @!p0 s16, $0x2;
	s16 =	simm.s32 $0x100;
	[sflag:s25] =	ssyncadd.s32 $0xFFFFC180  }
.LBB2_2:
0x5b: {  	s18 =	sor.u32 @!p0 $0x2800, s18  }
0x5c: {  	s3 =	sadd.s32 $0x80, s3;
	s19 =	smov.u32 s31;
	s31 =	sadd.s32 $0x10000, s31  }
0x5d: {  	[tilespmem:s18], [sflag:$0x1] =	stream.indirect.gather @!p0 [hbm4b:s0+s17], $0x80, s16, s17, $0xb8;
	[tilespmem:$0x1E800] =	vst v63  }
0x5e: {  	p1 =	sne.s32 s31, $0x280000;
	s16 =	smov.u32 s3  }
0x5f: {  	s17 =	sxor.u32 $0xFFFFFFFF, s19  }
0x60: {  	s17 =	sand.u32 $0x10000, s17;
	_ =	swait.ge [sflag:s1], $0x3E80  }
0x61: {  	p0 =	sgt.u32 s6, $0x25;
	s17 =	sshrl.u32 s17, $0x2;
	[sflag:s1] =	ssyncset.done $0x0  }
.Ltmp0:
0x62: {  	s17 =	sor.u32 $0x2800, s17;
	[sflag:s1] =	ssyncadd.s32 $0xFFFFC180;
	(pc) =	sbr.rel @p1 .LBB2_2-.Ltmp0, $4  }
0x63: {  	[spmem:s4] =	stream.indirect.scatter.add.f32 [tilespmem:s17], [sflag:$0x3], $0x80, s7, s26, $0xb8;
	[tilespmem:$0x1E800] =	vst v63  }
0x64: {  	s6 =	sadd.s32 $0x1, s6;
	s17 =	sxor.u32 @!p0 $0xFFFFFFFF, s19;
	_ =	swait.ge [sflag:s25], $0x3E80  }
0x65: {  	s7 =	sadd.s32 $0x80, s7;
	s17 =	sand.u32 @!p0 $0x10000, s17;
	[sflag:s25] =	ssyncset.done $0x0  }
0x66: {  	s18 =	sshrl.u32 @!p0 s17, $0x2;
	s17 =	simm.s32 @!p0 $0x7D;
	[sflag:s25] =	ssyncadd.s32 $0xFFFFC180  }
0x67: {  	s3 =	sor.u32 @!p0 $0x2800, s18  }
0x68: {  	[tilespmem:s3], [sflag:$0x1] =	stream.indirect.gather @!p0 [hbm4b:s0+s17], $0x80, s16, s17, $0xb8;
	[tilespmem:$0x1E800] =	vst v63  }
0x69: {  	[bflag:$0x0] =	sbarrier.arrive $0xFFFF  }
0x6a: {  	[tilespmem:s29], [sflag:$0x3] =	stream.linear.gather [spmem:s8], $0x2800, $0x38;
	[tilespmem:$0x1E800] =	vst v63  }
0x6b: {  	_ =	swait.ge [sflag:s25], $0x2800  }
0x6c: {  	[sflag:s25] =	ssyncset.done $0x0  }
0x6d: {  	s17 =	rddreg [dreg:$0x7];
	[sflag:s25] =	ssyncadd.s32 $0xFFFFD800  }
0x6e: {  	[hbm4b:s17+s5] =	stream.linear.scatter [tilespmem:s29], [sflag:$0x2], $0x2800, $0x38;
	[tilespmem:$0x1E800] =	vst v63  }
0x6f: {  	_ = 	snop  }
0x70: {  	[tilespmem:s28], [sflag:$0x3] =	stream.linear.gather [spmem:s9], $0x2800, $0x38;
	[tilespmem:$0x1E800] =	vst v63  }
0x71: {  	_ =	swait.ge [sflag:s25], $0x2800  }
0x72: {  	[sflag:s25] =	ssyncset.done $0x0  }
0x73: {  	s18 =	rddreg [dreg:$0x8];
	[sflag:s25] =	ssyncadd.s32 $0xFFFFD800  }
0x74: {  	[hbm4b:s18+s5] =	stream.linear.scatter [tilespmem:s28], [sflag:$0x2], $0x2800, $0x38;
	[tilespmem:$0x1E800] =	vst v63  }
0x75: {  	_ =	swait.ge [sflag:s30], $0x2800  }
0x76: {  	[sflag:s30] =	ssyncset.done $0x0  }
0x77: {  	[sflag:s30] =	ssyncadd.s32 $0xFFFFD800  }
0x78: {  	[tilespmem:s29], [sflag:$0x3] =	stream.linear.gather [spmem:s10], $0x2800, $0x38;
	[tilespmem:$0x1E800] =	vst v63  }
0x79: {  	_ =	swait.ge [sflag:s25], $0x2800  }
0x7a: {  	[sflag:s25] =	ssyncset.done $0x0  }
0x7b: {  	s19 =	rddreg [dreg:$0x9];
	[sflag:s25] =	ssyncadd.s32 $0xFFFFD800  }
0x7c: {  	[hbm4b:s19+s5] =	stream.linear.scatter [tilespmem:s29], [sflag:$0x2], $0x2800, $0x38;
	[tilespmem:$0x1E800] =	vst v63  }
0x7d: {  	_ =	swait.ge [sflag:s30], $0x2800  }
0x7e: {  	[sflag:s30] =	ssyncset.done $0x0  }
0x7f: {  	[sflag:s30] =	ssyncadd.s32 $0xFFFFD800  }
0x80: {  	[tilespmem:s28], [sflag:$0x3] =	stream.linear.gather [spmem:s11], $0x2800, $0x38;
	[tilespmem:$0x1E800] =	vst v63  }
0x81: {  	_ =	swait.ge [sflag:s25], $0x2800  }
0x82: {  	[sflag:s25] =	ssyncset.done $0x0  }
0x83: {  	s31 =	rddreg [dreg:$0xa];
	[sflag:s25] =	ssyncadd.s32 $0xFFFFD800  }
0x84: {  	[hbm4b:s31+s5] =	stream.linear.scatter [tilespmem:s28], [sflag:$0x2], $0x2800, $0x38;
	[tilespmem:$0x1E800] =	vst v63  }
0x85: {  	_ =	swait.ge [sflag:s30], $0x2800  }
0x86: {  	[sflag:s30] =	ssyncset.done $0x0  }
0x87: {  	[sflag:s30] =	ssyncadd.s32 $0xFFFFD800  }
0x88: {  	[tilespmem:s29], [sflag:$0x3] =	stream.linear.gather [spmem:s12], $0x2800, $0x38;
	[tilespmem:$0x1E800] =	vst v63  }
0x89: {  	_ =	swait.ge [sflag:s25], $0x2800  }
0x8a: {  	[sflag:s25] =	ssyncset.done $0x0  }
0x8b: {  	[sflag:s25] =	ssyncadd.s32 $0xFFFFD800  }
0x8c: {  	[hbm4b:s20+s5] =	stream.linear.scatter [tilespmem:s29], [sflag:$0x2], $0x2800, $0x38;
	[tilespmem:$0x1E800] =	vst v63  }
0x8d: {  	_ =	swait.ge [sflag:s30], $0x2800  }
0x8e: {  	[sflag:s30] =	ssyncset.done $0x0  }
0x8f: {  	[sflag:s30] =	ssyncadd.s32 $0xFFFFD800  }
0x90: {  	[tilespmem:s28], [sflag:$0x3] =	stream.linear.gather [spmem:s13], $0x2800, $0x38;
	[tilespmem:$0x1E800] =	vst v63  }
0x91: {  	_ =	swait.ge [sflag:s25], $0x2800  }
0x92: {  	[sflag:s25] =	ssyncset.done $0x0  }
0x93: {  	[sflag:s25] =	ssyncadd.s32 $0xFFFFD800  }
0x94: {  	[hbm4b:s21+s5] =	stream.linear.scatter [tilespmem:s28], [sflag:$0x2], $0x2800, $0x38;
	[tilespmem:$0x1E800] =	vst v63  }
0x95: {  	_ =	swait.ge [sflag:s30], $0x2800  }
0x96: {  	[sflag:s30] =	ssyncset.done $0x0  }
0x97: {  	[sflag:s30] =	ssyncadd.s32 $0xFFFFD800  }
0x98: {  	[tilespmem:s29], [sflag:$0x3] =	stream.linear.gather [spmem:s14], $0x2800, $0x38;
	[tilespmem:$0x1E800] =	vst v63  }
0x99: {  	_ =	swait.ge [sflag:s25], $0x2800  }
0x9a: {  	[sflag:s25] =	ssyncset.done $0x0  }
0x9b: {  	[sflag:s25] =	ssyncadd.s32 $0xFFFFD800  }
0x9c: {  	[hbm4b:s22+s5] =	stream.linear.scatter [tilespmem:s29], [sflag:$0x2], $0x2800, $0x38;
	[tilespmem:$0x1E800] =	vst v63  }
0x9d: {  	_ =	swait.ge [sflag:s30], $0x2800  }
0x9e: {  	[sflag:s30] =	ssyncset.done $0x0  }
0x9f: {  	[sflag:s30] =	ssyncadd.s32 $0xFFFFD800  }
0xa0: {  	[tilespmem:s28], [sflag:$0x3] =	stream.linear.gather [spmem:s15], $0x2800, $0x38;
	[tilespmem:$0x1E800] =	vst v63  }
0xa1: {  	_ =	swait.ge [sflag:s25], $0x2800  }
0xa2: {  	[sflag:s25] =	ssyncset.done $0x0  }
0xa3: {  	s2 =	sadd.s32 $0x1, s2;
	[sflag:s25] =	ssyncadd.s32 $0xFFFFD800  }
0xa4: {  	[hbm4b:s23+s5] =	stream.linear.scatter [tilespmem:s28], [sflag:$0x2], $0x2800, $0x38;
	[tilespmem:$0x1E800] =	vst v63  }
0xa5: {  	p0 =	sne.s32 s2, s24;
	_ =	swait.ge [sflag:s30], $0x2800  }
.Ltmp1:
0xa6: {  	[sflag:s30] =	ssyncset.done $0x0;
	(pc) =	sbr.rel @p0 .LBB2_1-.Ltmp1, $4  }
0xa7: {  	[sflag:s30] =	ssyncadd.s32 $0xFFFFD800  }
0xa8: {  	_ =	swait.ge [sflag:s30], $0x2800  }
0xa9: {  	[sflag:s30] =	ssyncset.done $0x0  }
0xaa: {  	[sflag:s30] =	ssyncadd.s32 $0xFFFFD800  }
0xab: {  	_ =	sfence.sel $0x180000  }
0xac: {  	[bflag:$0x0] =	sbarrier.arrive $0xFFFF  }
0xad: {  	_ =	strace $0x90000047  }
0xae: {  	s0 =	stileid.u32;
	[bflag:$0x2] =	sbarrier.arrive $0xFFFF  }
0xaf: {  	p0 =	sne.s32 s0, $0x0;
	s0 =	rddreg [dreg:$0x4]  }
0xb0: {  	s0 =	sadd.s32 @!p0 $0x100000, s0  }
0xb1: {  	[sflag:s0] =	ssyncadd.tile.s32 @!p0 $0x1;
	_ =	shalt  }
.Lfunc_end2:
_tile_overlayer_lowered:
.L_overlay_start_2:
0xb2: {  	(tag) =	ssettag $0x2  }
0xb3: {  	s0 =	rddreg [dreg:$0x0];
	s2 =	stileid.u32  }
0xb4: {  	s1 =	rddreg [dreg:$0x1];
	p0 =	sne.s32 s2, $0x0  }
0xb5: {  	s3 =	rddreg [dreg:$0x2];
	[bflag:$0x3] =	sbarrier.arrive $0xFFFF;
	s2 =	simm.s32 @!p0 $0x1C03  }
0xb6: {  	[timem:s3], [sflag:s2] =	dma.local @!p0 [hbm:s0], s1  }
0xb7: {  	s0 =	simm.s32 @!p0 $0x3  }
0xb8: {  	_ =	swait.ge @!p0 [sflag:s0], s1  }
0xb9: {  	s1 =	ssub.s32 @!p0 $0x0, s1;
	[sflag:s0] =	ssyncset.done @!p0 $0x0  }
0xba: {  	[sflag:s0] =	ssyncadd.s32 @!p0 s1  }
0xbb: {  	[bflag:$0x3] =	sbarrier.arrive $0xFFFF  }
0xbc: {  	_ =	shalt  }

// kernel: sc_edge_scatter.8.cloned.1.call-start
scs
__scs_entry_jumppad:
0x0: {  	(pc) =	sbr.rel $0x88, $3  }
0x1: {  	(tag) =	ssettag $0x0;
	lr =	simm.s32 $0x1  }
0x2: {  	[smem:$0x3F98] =	sst lr;
	_ =	strace $0xD0000000  }
0x3: {  	_ = 	snop  }
0x4: {  	_ = 	snop  }
0x5: {  	_ = 	snop  }
0x6: {  	_ = 	snop  }
0x7: {  	_ = 	snop  }
__scs_overlays_trampoline_lowered:
0x8: {  	[smem:$0x3FA7] =	sst s0  }
0x9: {  	[smem:$0x3FA8] =	sst s1  }
0xa: {  	[smem:$0x3FA9] =	sst s2  }
0xb: {  	[smem:$0x3FAA] =	sst s3  }
0xc: {  	[smem:$0x3FAB] =	sst s4  }
0xd: {  	[smem:$0x3FAC] =	sst s5  }
0xe: {  	[smem:$0x3FAD] =	sst s6  }
0xf: {  	[smem:$0x3FAE] =	sst s7  }
0x10: {  	[smem:$0x3FAF] =	sst s8  }
0x11: {  	[smem:$0x3FB0] =	sst s9;
	s0 =	simm.s32 @!p0 $0x0  }
0x12: {  	s1 =	sld [smem:$0x3F96];
	s0 =	simm.s32 @p0 $0x1  }
0x13: {  	[smem:$0x3FB1] =	sst s0;
	s0 =	simm.s32 @!p1 $0x0  }
0x14: {  	s2 =	sld [smem:$0x3F95];
	s0 =	simm.s32 @p1 $0x1  }
0x15: {  	[smem:$0x3FB2] =	sst s0;
	s0 =	simm.s32 @!p2 $0x0  }
0x16: {  	s3 =	sld [smem:$0x3FDB];
	s0 =	simm.s32 @p2 $0x1  }
0x17: {  	s4 =	simm.s32 $0x1BF5;
	[smem:$0x3FB4] =	sst s0  }
0x18: {  	s0 =	sld [smem:$0x3F97];
	_ =	swait.ge [sflag:s4], $0x0  }
0x19: {  	s7 =	sld [smem:$0x3F98]  }
0x1a: {  	s8 =	sadd.s32 $0xFFFFE003, lr  }
0x1b: {  	s9 =	sadd.s32 $0xFFFFFEF7, lr;
	s5 =	simm.s32 $0xFFFFFFFF;
	p2 =	slt.u32 s8, $0xFFFFF086  }
0x1c: {  	p1 =	slt.u32 s9, $0xF7A;
	s5 =	simm.s32 @!p2 $0x0  }
0x1d: {  	s5 =	simm.s32 @p1 $0x1;
	p0 =	seq.s32 s7, s2  }
0x1e: {  	s7 =	smul.u32 @!p0 $0xF7A, s2;
	p2 =	seq.s32 @!p0 s5, $0x0  }
0x1f: {  	s9 =	smul.u32 $0xF7A, s1;
	s8 =	simm.s32 @!p0 $0x1BF5;
	p2 =	por !p2, p0  }
0x20: {  	[sflag:s8] =	ssyncset.s32 @!p0 $0xFFFFF086;
	s6 =	sadd.s32 @!p0 s3, s7;
	s7 =	simm.s32 @!p0 $0x108  }
0x21: {  	s3 =	sadd.s32 s3, s9;
	s6 =	sadd.s32 @!p0 $0x88, s6;
	s7 =	simm.s32 @p2 $0x1082  }
0x22: {  	[simem:s7], [sflag:s8] =	dma.local @!p0 [hbm:s6], $0xF7A  }
0x23: {  	s9 =	sor.u32 $0xD0000000, s2;
	s6 =	simm.s32 $0x108;
	_ =	swait.ge @!p0 [sflag:s8], $0x0  }
0x24: {  	s3 =	sadd.s32 $0x88, s3;
	s6 =	simm.s32 @!p1 $0x1082;
	[sflag:s4] =	ssyncset.s32 $0xFFFFF086  }
0x25: {  	[simem:s6], [sflag:s4] =	dma.local [hbm:s3], $0xF7A  }
0x26: {  	[smem:$0x3F98] =	sst s1;
	(tag) =	ssettag s2;
	_ =	strace s9  }
0x27: {  	s1 =	sld [smem:$0x3FA8]  }
0x28: {  	s2 =	sld [smem:$0x3FA9]  }
0x29: {  	s4 =	sld [smem:$0x3FAB]  }
0x2a: {  	p0 =	seq.s32 s5, $0x0;
	s5 =	sld [smem:$0x3FAC]  }
0x2b: {  	s6 =	sld [smem:$0x3FAD]  }
0x2c: {  	s7 =	sld [smem:$0x3FAE]  }
0x2d: {  	s3 =	simm.s32 $0x108;
	s8 =	sld [smem:$0x3FAF]  }
0x2e: {  	s3 =	simm.s32 @!p0 $0x1082;
	s9 =	sld [smem:$0x3FB0]  }
0x2f: {  	lr =	sadd.s32 s0, s3;
	s0 =	sld [smem:$0x3FA7]  }
0x30: {  	s3 =	sld [smem:$0x3FAA]  }
0x31: {  	[smem:$0x3FB3] =	sst s10  }
0x32: {  	s10 =	sld [smem:$0x3FB1];
	_ =	sdelay $0x3  }
0x33: {  	p0 =	seq.s32 s10, $0x1;
	s10 =	sld [smem:$0x3FB3];
	_ =	sdelay $0x3  }
0x34: {  	[smem:$0x3FB3] =	sst s10  }
0x35: {  	s10 =	sld [smem:$0x3FB2];
	_ =	sdelay $0x3  }
0x36: {  	p1 =	seq.s32 s10, $0x1;
	s10 =	sld [smem:$0x3FB3];
	_ =	sdelay $0x3  }
0x37: {  	[smem:$0x3FB3] =	sst s10  }
0x38: {  	s10 =	sld [smem:$0x3FB4]  }
0x39: {  	_ = 	snop;
	(pc) =	sbr.ind lr, $3  }
0x3a: {  	_ = 	snop  }
0x3b: {  	_ = 	snop  }
0x3c: {  	p2 =	seq.s32 s10, $0x1;
	s10 =	sld [smem:$0x3FB3]  }
0x3d: {  	_ =	shalt  }
0x3e: {  	_ =	shalt  }
0x3f: {  	_ =	shalt  }
0x40: {  	_ =	shalt  }
0x41: {  	_ =	shalt  }
0x42: {  	_ =	shalt  }
0x43: {  	_ =	shalt  }
0x44: {  	_ =	shalt  }
0x45: {  	_ =	shalt  }
0x46: {  	_ =	shalt  }
0x47: {  	_ =	shalt  }
0x48: {  	_ =	shalt  }
0x49: {  	_ =	shalt  }
0x4a: {  	_ =	shalt  }
0x4b: {  	_ =	shalt  }
0x4c: {  	_ =	shalt  }
0x4d: {  	_ =	shalt  }
0x4e: {  	_ =	shalt  }
0x4f: {  	_ =	shalt  }
0x50: {  	_ =	shalt  }
0x51: {  	_ =	shalt  }
0x52: {  	_ =	shalt  }
0x53: {  	_ =	shalt  }
0x54: {  	_ =	shalt  }
0x55: {  	_ =	shalt  }
0x56: {  	_ =	shalt  }
0x57: {  	_ =	shalt  }
0x58: {  	_ =	shalt  }
0x59: {  	_ =	shalt  }
0x5a: {  	_ =	shalt  }
0x5b: {  	_ =	shalt  }
0x5c: {  	_ =	shalt  }
0x5d: {  	_ =	shalt  }
0x5e: {  	_ =	shalt  }
0x5f: {  	_ =	shalt  }
0x60: {  	_ =	shalt  }
0x61: {  	_ =	shalt  }
0x62: {  	_ =	shalt  }
0x63: {  	_ =	shalt  }
0x64: {  	_ =	shalt  }
0x65: {  	_ =	shalt  }
0x66: {  	_ =	shalt  }
0x67: {  	_ =	shalt  }
0x68: {  	_ =	shalt  }
0x69: {  	_ =	shalt  }
0x6a: {  	_ =	shalt  }
0x6b: {  	_ =	shalt  }
0x6c: {  	_ =	shalt  }
0x6d: {  	_ =	shalt  }
0x6e: {  	_ =	shalt  }
0x6f: {  	_ =	shalt  }
0x70: {  	_ =	shalt  }
0x71: {  	_ =	shalt  }
0x72: {  	_ =	shalt  }
0x73: {  	_ =	shalt  }
0x74: {  	_ =	shalt  }
0x75: {  	_ =	shalt  }
0x76: {  	_ =	shalt  }
0x77: {  	_ =	shalt  }
0x78: {  	_ =	shalt  }
0x79: {  	_ =	shalt  }
0x7a: {  	_ =	shalt  }
0x7b: {  	_ =	shalt  }
0x7c: {  	_ =	shalt  }
0x7d: {  	_ =	shalt  }
0x7e: {  	_ =	shalt  }
0x7f: {  	_ =	shalt  }
0x80: {  	_ =	shalt  }
0x81: {  	_ =	shalt  }
0x82: {  	_ =	shalt  }
0x83: {  	_ =	shalt  }
0x84: {  	_ =	shalt  }
0x85: {  	_ =	shalt  }
0x86: {  	_ =	shalt  }
0x87: {  	_ =	shalt  }
.Lfunc_end0:
.L_simem_size_0:
called_computation.1_lowered:
.L_overlay_start_0:
0x88: {  	s2 =	sld [smem:$0x3FD9]  }
0x89: {  	s3 =	sld [smem:$0x3FFE];
	_ =	sdelay $0x1  }
0x8a: {  	s1 =	srdreg.scid  }
0x8b: {  	s0 =	sand.u32 $0x1, s1  }
0x8c: {  	s14 =	sshll.u32 s0, $0xA;
	s2 =	sadd.s32 s3, s2  }
0x8d: {  	s2 =	sadd.s32 s2, s14  }
0x8e: {  	[smem:$0x3FBF] =	sst s2  }
0x8f: {  	_ = 	snop  }
0x90: {  	s2 =	sld [smem:$0x3FD0];
	_ =	sdelay $0x2  }
0x91: {  	s15 =	simm.s32 $0xA;
	s4 =	simm.s32 $0x10  }
0x92: {  	[smem:s4], [sflag:s15] =	dma.local [hbm:s2], $0x1  }
0x93: {  	_ =	swait.eq [sflag:s15], $0x1  }
0x94: {  	[sflag:s15] =	ssyncset.done $0x0  }
0x95: {  	s16 =	sld [smem:$0x10];
	[sflag:s15] =	ssyncadd.s32 $0xFFFFFFFF  }
0x96: {  	s17 =	sld [smem:$0x12];
	(tm) =	ssettm $0x1  }
0x97: {  	s18 =	sld [smem:$0x3FFB];
	_ =	sdelay $0x3  }
0x98: {  	_ =	strace s18  }
0x99: {  	s4 =	sld [smem:$0x3FFC];
	_ =	sdelay $0x3  }
0x9a: {  	_ =	strace s4  }
0x9b: {  	s4 =	sld [smem:$0x3FFD];
	_ =	sdelay $0x3  }
0x9c: {  	_ =	strace s4  }
0x9d: {  	_ =	strace $0x8FFFFFFF  }
0x9e: {  	s19 =	sld [smem:$0x3FDB];
	_ =	sdelay $0x1  }
0x9f: {  	s5 =	simm.s32 $_scs_section_size  }
0xa0: {  	s6 =	simm.s32 $_size__tile_overlayer_lowered;
	s7 =	simm.s32 $_tile_overlayer_lowered  }
0xa1: {  	s22 =	simm.s32 $0x1BFF;
	s21 =	sshll.u32 s7, $0x1;
	s4 =	sadd.s32 s5, s19  }
0xa2: {  	s8 =	simm.s32 $0x0;
	s20 =	sshll.u32 s6, $0x1;
	s6 =	sadd.s32 s21, s4  }
0xa3: {  	[timem:s8], [sflag:s22] =	dma.local [hbm:s6], s20  }
0xa4: {  	_ =	swait.ge [sflag:s22], s20  }
0xa5: {  	s5 =	ssub.s32 $0x0, s20;
	[sflag:s22] =	ssyncset.done $0x0  }
0xa6: {  	[sflag:s22] =	ssyncadd.s32 s5;
	_ =	sdelay $0x1  }
0xa7: {  	s23 =	simm.s32 $0x1B8B  }
0xa8: {  	_ =	swait.ge [sflag:s23], $0x1  }
0xa9: {  	[sflag:s23] =	ssyncset.done $0x0  }
0xaa: {  	s25 =	simm.s32 $0x1B8E;
	s24 =	sld [smem:$0x3FFE];
	[sflag:s23] =	ssyncadd.s32 $0xFFFFFFFF  }
0xab: {  	s26 =	simm.s32 $execute0_lowered;
	[smem:$0x3FD2] =	sst s25  }
0xac: {  	s6 =	sshll.u32 s26, $0x1;
	_ =	strace $0x80000049;
	[dreg:$0x1] =	wrdreg $0xFFFFFFFF  }
0xad: {  	s28 =	simm.s32 $_size_execute0_lowered;
	s4 =	sadd.s32 s4, s6;
	[dreg:$0x0] =	wrdreg $0x0  }
0xae: {  	s6 =	sshll.u32 s28, $0x1;
	[dreg:$0x2] =	wrdreg s4  }
0xaf: {  	[dreg:$0x3] =	wrdreg s6  }
0xb0: {  	[dreg:$0x4] =	wrdreg $0xC0  }
0xb1: {  	_ =	task [dreg:s8], $0x5FFFF  }
0xb2: {  	[dreg:$0x1] =	wrdreg $0xFFFFFFFF  }
0xb3: {  	[dreg:$0x0] =	wrdreg $0x60  }
0xb4: {  	[dreg:$0x2] =	wrdreg s16  }
0xb5: {  	[dreg:$0x3] =	wrdreg s24  }
0xb6: {  	[dreg:$0x4] =	wrdreg s17  }
0xb7: {  	[dreg:$0x5] =	wrdreg $0xA8000  }
0xb8: {  	[dreg:$0x6] =	wrdreg $0x9  }
0xb9: {  	_ =	task.clear_ibuf [dreg:s8], $0x7FFFF;
	_ =	strace $0x90000049  }
0xba: {  	s29 =	simm.s32 $0x9;
	_ =	strace $0x8000004B  }
0xbb: {  	_ =	swait.ge [sflag:s29], $0x1  }
0xbc: {  	[sflag:s29] =	ssyncadd.s32 $0xFFFFFFFF  }
0xbd: {  	_ =	strace $0x9000004B  }
0xbe: {  	_ =	sfence  }
0xbf: {  	s30 =	sld [smem:$0x0];
	_ =	sdelay $0x2  }
0xc0: {  	s31 =	sshll.u32 s1, $0xD;
	s1 =	sshrl.u32 s1, $0x2  }
0xc1: {  	s3 =	sand.u32 $0x4000, s31;
	s1 =	sadd.s32 s1, s30  }
0xc2: {  	s0 =	sor.u32 s3, s0;
	s1 =	sshll.u32 s1, $0x11  }
0xc3: {  	s0 =	sor.u32 s1, s0  }
0xc4: {  	s0 =	sadd.s32 $0x8F2B, s0  }
0xc5: {  	[sflag:s0] =	ssyncadd.remote.s32 $0x1  }
0xc6: {  	_ =	sfence.sel $0xFFFF  }
0xc7: {  	[dreg:$0x0] =	wrdreg $0xFFFFFFFF;
	(pc) =	sbr.abs _section_cstart, $3  }
0xc8: {  	[dreg:$0x1] =	wrdreg $0xFFFFFFFF  }
0xc9: {  	_ =	task.clear_ibuf [dreg:s8], $0x2FFFF;
	_ =	strace $0x9FFFFFFF  }
0xca: {  	(tm) =	ssettm $0x7FFFFFFF  }
0xcb: {  	_ =	shalt  }
tec
execute0_lowered:
.L_overlay_start_1:
0x0: {  	(tag) =	ssettag $0x1  }
0x1: {  	s0 =	rddreg [dreg:$0x0]  }
0x2: {  	s1 =	rddreg [dreg:$0x1];
	s2 =	srdreg.scid  }
0x3: {  	s4 =	rddreg [dreg:$0x3];
	s9 =	stileid.u32  }
0x4: {  	s5 =	simm.s32 $0x0;
	s28 =	simm.s32 $0x6800;
	s29 =	simm.s32 $0x2800  }
0x5: {  	s30 =	simm.s32 $0x2;
	s2 =	sand.u32 $0x1, s2;
	s7 =	smul.u32 $0x50000, s9  }
0x6: {  	[smem:$0x7FF] =	sst s5;
	s15 =	smul.u32 $0x14000, s9;
	s3 =	sshll.u32 s2, $0x4  }
0x7: {  	_ =	strace $0x8000004A;
	s6 =	ssub.s32 $0x2, s2;
	s2 =	smul.u32 $0x140000, s2  }
0x8: {  	s3 =	sor.u32 s9, s3;
	s8 =	sshrl.u32 s6, $0x1;
	s7 =	sshrl.u32 s7, $0x2  }
0x9: {  	s26 =	sor.u32 $0x2800, s15;
	s31 =	sadd.s32 $0x5000, s15;
	s16 =	sadd.s32 $0x7800, s15  }
0xa: {  	s17 =	sadd.s32 $0xA000, s15;
	s18 =	sadd.s32 $0xC800, s15;
	s19 =	sadd.s32 $0xF000, s15  }
0xb: {  	s3 =	smul.u32 $0x1400, s3;
	s6 =	ssub.s32 s6, s8;
	s8 =	sadd.s32 s7, s4  }
0xc: {  	s9 =	sadd.s32 s26, s4;
	s10 =	sadd.s32 s31, s4;
	s11 =	sadd.s32 s16, s4  }
0xd: {  	s12 =	sadd.s32 s17, s4;
	s13 =	sadd.s32 s18, s4;
	s14 =	sadd.s32 s19, s4  }
0xe: {  	s20 =	sadd.s32 s15, s2;
	s15 =	sadd.s32 $0x11800, s15;
	s7 =	sadd.s32 s2, s31  }
0xf: {  	s16 =	sadd.s32 s2, s16;
	s17 =	sadd.s32 s2, s17;
	s18 =	sadd.s32 s2, s18  }
0x10: {  	s21 =	sadd.s32 s2, s19;
	s20 =	sshrl.u32 s20, $0x3;
	s3 =	sshrl.u32 s3, $0x3  }
0x11: {  	s22 =	sshrl.u32 s7, $0x3;
	s23 =	sshrl.u32 s16, $0x3;
	s3 =	sadd.s32 s3, s1  }
0x12: {  	s24 =	sshrl.u32 s17, $0x3;
	s31 =	sshrl.u32 s21, $0x3;
	s25 =	sadd.s32 $0x3200, s3  }
0x13: {  	s1 =	sadd.s32 $0xD200, s1;
	s3 =	sadd.s32 $0x8200, s3;
	[dreg:$0x5] =	wrdreg s25  }
0x14: {  	s20 =	sadd.s32 s1, s20;
	[dreg:$0x6] =	wrdreg s3;
	s3 =	sadd.s32 s2, s26  }
0x15: {  	s2 =	sadd.s32 s2, s15;
	s15 =	sadd.s32 s15, s4;
	[dreg:$0x7] =	wrdreg s20  }
0x16: {  	s25 =	sadd.s32 s1, s23;
	s20 =	sadd.s32 s1, s24;
	s26 =	sshrl.u32 s18, $0x3  }
0x17: {  	s24 =	smax.u32 s6, $0x1;
	s3 =	sshrl.u32 s3, $0x3;
	[dreg:$0xa] =	wrdreg s25  }
0x18: {  	s2 =	sshrl.u32 s2, $0x3;
	s21 =	sadd.s32 s1, s26;
	s25 =	simm.s32 $0x3  }
0x19: {  	s26 =	simm.s32 $0x7D;
	s3 =	sadd.s32 s1, s3;
	s23 =	sadd.s32 s1, s2  }
0x1a: {  	s2 =	simm.s32 $0x0;
	[dreg:$0x8] =	wrdreg s3;
	s3 =	sadd.s32 s1, s22  }
0x1b: {  	s22 =	sadd.s32 s1, s31;
	s1 =	simm.s32 $0x1;
	[dreg:$0x9] =	wrdreg s3  }
.LBB2_1:
0x1c: {  	s3 =	rddreg [dreg:$0x5]  }
0x1d: {  	[tilespmem:s5], [sflag:$0x3] =	stream.linear.gather [hbm4b:s3+s5], $0x1400, $0x38;
	[tilespmem:$0x1E800] =	vst v63  }
0x1e: {  	_ =	swait.ge [sflag:s25], $0x1400  }
0x1f: {  	[sflag:s25] =	ssyncset.done $0x0  }
0x20: {  	s6 =	simm.s32 $0x1400;
	s16 =	rddreg [dreg:$0x6];
	[sflag:s25] =	ssyncadd.s32 $0xFFFFEC00  }
0x21: {  	[tilespmem:s6], [sflag:$0x3] =	stream.linear.gather [hbm4b:s16+s5], $0x1400, $0x38;
	[tilespmem:$0x1E800] =	vst v63  }
0x22: {  	_ =	swait.ge [sflag:s25], $0x1400  }
0x23: {  	[sflag:s25] =	ssyncset.done $0x0  }
0x24: {  	[sflag:s25] =	ssyncadd.s32 $0xFFFFEC00  }
0x25: {  	[tilespmem:s28], [sflag:$0x1] =	stream.indirect.gather [hbm4b:s0+s26], $0x80, s5, s26, $0xb8;
	[tilespmem:$0x1E800] =	vst v63  }
0x26: {  	s17 =	rddreg [dreg:$0x2]  }
0x27: {  	[tilespmem:s29], [sflag:$0x3] =	stream.linear.gather [hbm4b:s17+s5], $0x2800, $0x38;
	[tilespmem:$0x1E800] =	vst v63  }
0x28: {  	_ =	swait.ge [sflag:s25], $0x2800  }
0x29: {  	[sflag:s25] =	ssyncset.done $0x0  }
0x2a: {  	[sflag:s25] =	ssyncadd.s32 $0xFFFFD800  }
0x2b: {  	[spmem:s8] =	stream.linear.scatter [tilespmem:s29], [sflag:$0x2], $0x2800, $0x38;
	[tilespmem:$0x1E800] =	vst v63  }
0x2c: {  	_ = 	snop  }
0x2d: {  	[spmem:s9] =	stream.linear.scatter [tilespmem:s29], [sflag:$0x2], $0x2800, $0x38;
	[tilespmem:$0x1E800] =	vst v63  }
0x2e: {  	_ = 	snop  }
0x2f: {  	[spmem:s10] =	stream.linear.scatter [tilespmem:s29], [sflag:$0x2], $0x2800, $0x38;
	[tilespmem:$0x1E800] =	vst v63  }
0x30: {  	_ = 	snop  }
0x31: {  	[spmem:s11] =	stream.linear.scatter [tilespmem:s29], [sflag:$0x2], $0x2800, $0x38;
	[tilespmem:$0x1E800] =	vst v63  }
0x32: {  	_ = 	snop  }
0x33: {  	[spmem:s12] =	stream.linear.scatter [tilespmem:s29], [sflag:$0x2], $0x2800, $0x38;
	[tilespmem:$0x1E800] =	vst v63  }
0x34: {  	_ = 	snop  }
0x35: {  	[spmem:s13] =	stream.linear.scatter [tilespmem:s29], [sflag:$0x2], $0x2800, $0x38;
	[tilespmem:$0x1E800] =	vst v63  }
0x36: {  	_ = 	snop  }
0x37: {  	[spmem:s14] =	stream.linear.scatter [tilespmem:s29], [sflag:$0x2], $0x2800, $0x38;
	[tilespmem:$0x1E800] =	vst v63  }
0x38: {  	_ = 	snop  }
0x39: {  	[spmem:s15] =	stream.linear.scatter [tilespmem:s29], [sflag:$0x2], $0x2800, $0x38;
	[tilespmem:$0x1E800] =	vst v63  }
0x3a: {  	_ =	swait.ge [sflag:s30], $0x2800  }
0x3b: {  	[sflag:s30] =	ssyncset.done $0x0  }
0x3c: {  	[sflag:s30] =	ssyncadd.s32 $0xFFFFD800  }
0x3d: {  	_ =	swait.ge [sflag:s30], $0x2800  }
0x3e: {  	[sflag:s30] =	ssyncset.done $0x0  }
0x3f: {  	[sflag:s30] =	ssyncadd.s32 $0xFFFFD800  }
0x40: {  	_ =	swait.ge [sflag:s30], $0x2800  }
0x41: {  	[sflag:s30] =	ssyncset.done $0x0  }
0x42: {  	[sflag:s30] =	ssyncadd.s32 $0xFFFFD800  }
0x43: {  	_ =	swait.ge [sflag:s30], $0x2800  }
0x44: {  	[sflag:s30] =	ssyncset.done $0x0  }
0x45: {  	[sflag:s30] =	ssyncadd.s32 $0xFFFFD800  }
0x46: {  	_ =	swait.ge [sflag:s30], $0x2800  }
0x47: {  	[sflag:s30] =	ssyncset.done $0x0  }
0x48: {  	[sflag:s30] =	ssyncadd.s32 $0xFFFFD800  }
0x49: {  	_ =	swait.ge [sflag:s30], $0x2800  }
0x4a: {  	[sflag:s30] =	ssyncset.done $0x0  }
0x4b: {  	[sflag:s30] =	ssyncadd.s32 $0xFFFFD800  }
0x4c: {  	_ =	swait.ge [sflag:s30], $0x2800  }
0x4d: {  	[sflag:s30] =	ssyncset.done $0x0  }
0x4e: {  	[sflag:s30] =	ssyncadd.s32 $0xFFFFD800  }
0x4f: {  	_ =	swait.ge [sflag:s30], $0x2800  }
0x50: {  	[sflag:s30] =	ssyncset.done $0x0  }
0x51: {  	s18 =	simm.s32 $0x80;
	[sflag:s30] =	ssyncadd.s32 $0xFFFFD800  }
0x52: {  	[tilespmem:s29], [sflag:$0x1] =	stream.indirect.gather [hbm4b:s0+s26], $0x80, s18, s26, $0xb8;
	[tilespmem:$0x1E800] =	vst v63  }
0x53: {  	s19 =	sxor.u32 $0xFFFFFFFF, s5;
	s31 =	simm.s32 $0x10000;
	[bflag:$0x0] =	sbarrier.arrive $0xFFFF  }
0x54: {  	p0 =	por $0x0, $0x0;
	s3 =	sand.u32 $0x10000, s19;
	_ =	swait.ge [sflag:s1], $0x3E80  }
0x55: {  	s7 =	sshrl.u32 s3, $0x2;
	s3 =	simm.s32 $0x100;
	[sflag:s1] =	ssyncset.done $0x0  }
0x56: {  	s7 =	sor.u32 $0x2800, s7;
	s17 =	simm.s32 @!p0 $0x7D;
	[sflag:s1] =	ssyncadd.s32 $0xFFFFC180  }
0x57: {  	[spmem:s4] =	stream.indirect.scatter.add.f32 [tilespmem:s7], [sflag:$0x3], $0x80, s6, s26, $0xb8;
	[tilespmem:$0x1E800] =	vst v63  }
0x58: {  	s7 =	sxor.u32 @!p0 $0xFFFFFFFF, s5;
	s6 =	simm.s32 $0x1;
	_ =	swait.ge [sflag:s25], $0x3E80  }
0x59: {  	s16 =	sand.u32 @!p0 $0x10000, s7;
	s7 =	simm.s32 $0x1480;
	[sflag:s25] =	ssyncset.done $0x0  }
0x5a: {  	s18 =	sshrl.u32 @!p0 s16, $0x2;
	s16 =	simm.s32 $0x100;
	[sflag:s25] =	ssyncadd.s32 $0xFFFFC180  }
.LBB2_2:
0x5b: {  	s18 =	sor.u32 @!p0 $0x2800, s18  }
0x5c: {  	s3 =	sadd.s32 $0x80, s3;
	s19 =	smov.u32 s31;
	s31 =	sadd.s32 $0x10000, s31  }
0x5d: {  	[tilespmem:s18], [sflag:$0x1] =	stream.indirect.gather @!p0 [hbm4b:s0+s17], $0x80, s16, s17, $0xb8;
	[tilespmem:$0x1E800] =	vst v63  }
0x5e: {  	p1 =	sne.s32 s31, $0x280000;
	s16 =	smov.u32 s3  }
0x5f: {  	s17 =	sxor.u32 $0xFFFFFFFF, s19  }
0x60: {  	s17 =	sand.u32 $0x10000, s17;
	_ =	swait.ge [sflag:s1], $0x3E80  }
0x61: {  	p0 =	sgt.u32 s6, $0x25;
	s17 =	sshrl.u32 s17, $0x2;
	[sflag:s1] =	ssyncset.done $0x0  }
.Ltmp0:
0x62: {  	s17 =	sor.u32 $0x2800, s17;
	[sflag:s1] =	ssyncadd.s32 $0xFFFFC180;
	(pc) =	sbr.rel @p1 .LBB2_2-.Ltmp0, $4  }
0x63: {  	[spmem:s4] =	stream.indirect.scatter.add.f32 [tilespmem:s17], [sflag:$0x3], $0x80, s7, s26, $0xb8;
	[tilespmem:$0x1E800] =	vst v63  }
0x64: {  	s6 =	sadd.s32 $0x1, s6;
	s17 =	sxor.u32 @!p0 $0xFFFFFFFF, s19;
	_ =	swait.ge [sflag:s25], $0x3E80  }
0x65: {  	s7 =	sadd.s32 $0x80, s7;
	s17 =	sand.u32 @!p0 $0x10000, s17;
	[sflag:s25] =	ssyncset.done $0x0  }
0x66: {  	s18 =	sshrl.u32 @!p0 s17, $0x2;
	s17 =	simm.s32 @!p0 $0x7D;
	[sflag:s25] =	ssyncadd.s32 $0xFFFFC180  }
0x67: {  	s3 =	sor.u32 @!p0 $0x2800, s18  }
0x68: {  	[tilespmem:s3], [sflag:$0x1] =	stream.indirect.gather @!p0 [hbm4b:s0+s17], $0x80, s16, s17, $0xb8;
	[tilespmem:$0x1E800] =	vst v63  }
0x69: {  	[bflag:$0x0] =	sbarrier.arrive $0xFFFF  }
0x6a: {  	[tilespmem:s29], [sflag:$0x3] =	stream.linear.gather [spmem:s8], $0x2800, $0x38;
	[tilespmem:$0x1E800] =	vst v63  }
0x6b: {  	_ =	swait.ge [sflag:s25], $0x2800  }
0x6c: {  	[sflag:s25] =	ssyncset.done $0x0  }
0x6d: {  	s17 =	rddreg [dreg:$0x7];
	[sflag:s25] =	ssyncadd.s32 $0xFFFFD800  }
0x6e: {  	[hbm4b:s17+s5] =	stream.linear.scatter [tilespmem:s29], [sflag:$0x2], $0x2800, $0x38;
	[tilespmem:$0x1E800] =	vst v63  }
0x6f: {  	_ = 	snop  }
0x70: {  	[tilespmem:s28], [sflag:$0x3] =	stream.linear.gather [spmem:s9], $0x2800, $0x38;
	[tilespmem:$0x1E800] =	vst v63  }
0x71: {  	_ =	swait.ge [sflag:s25], $0x2800  }
0x72: {  	[sflag:s25] =	ssyncset.done $0x0  }
0x73: {  	s18 =	rddreg [dreg:$0x8];
	[sflag:s25] =	ssyncadd.s32 $0xFFFFD800  }
0x74: {  	[hbm4b:s18+s5] =	stream.linear.scatter [tilespmem:s28], [sflag:$0x2], $0x2800, $0x38;
	[tilespmem:$0x1E800] =	vst v63  }
0x75: {  	_ =	swait.ge [sflag:s30], $0x2800  }
0x76: {  	[sflag:s30] =	ssyncset.done $0x0  }
0x77: {  	[sflag:s30] =	ssyncadd.s32 $0xFFFFD800  }
0x78: {  	[tilespmem:s29], [sflag:$0x3] =	stream.linear.gather [spmem:s10], $0x2800, $0x38;
	[tilespmem:$0x1E800] =	vst v63  }
0x79: {  	_ =	swait.ge [sflag:s25], $0x2800  }
0x7a: {  	[sflag:s25] =	ssyncset.done $0x0  }
0x7b: {  	s19 =	rddreg [dreg:$0x9];
	[sflag:s25] =	ssyncadd.s32 $0xFFFFD800  }
0x7c: {  	[hbm4b:s19+s5] =	stream.linear.scatter [tilespmem:s29], [sflag:$0x2], $0x2800, $0x38;
	[tilespmem:$0x1E800] =	vst v63  }
0x7d: {  	_ =	swait.ge [sflag:s30], $0x2800  }
0x7e: {  	[sflag:s30] =	ssyncset.done $0x0  }
0x7f: {  	[sflag:s30] =	ssyncadd.s32 $0xFFFFD800  }
0x80: {  	[tilespmem:s28], [sflag:$0x3] =	stream.linear.gather [spmem:s11], $0x2800, $0x38;
	[tilespmem:$0x1E800] =	vst v63  }
0x81: {  	_ =	swait.ge [sflag:s25], $0x2800  }
0x82: {  	[sflag:s25] =	ssyncset.done $0x0  }
0x83: {  	s31 =	rddreg [dreg:$0xa];
	[sflag:s25] =	ssyncadd.s32 $0xFFFFD800  }
0x84: {  	[hbm4b:s31+s5] =	stream.linear.scatter [tilespmem:s28], [sflag:$0x2], $0x2800, $0x38;
	[tilespmem:$0x1E800] =	vst v63  }
0x85: {  	_ =	swait.ge [sflag:s30], $0x2800  }
0x86: {  	[sflag:s30] =	ssyncset.done $0x0  }
0x87: {  	[sflag:s30] =	ssyncadd.s32 $0xFFFFD800  }
0x88: {  	[tilespmem:s29], [sflag:$0x3] =	stream.linear.gather [spmem:s12], $0x2800, $0x38;
	[tilespmem:$0x1E800] =	vst v63  }
0x89: {  	_ =	swait.ge [sflag:s25], $0x2800  }
0x8a: {  	[sflag:s25] =	ssyncset.done $0x0  }
0x8b: {  	[sflag:s25] =	ssyncadd.s32 $0xFFFFD800  }
0x8c: {  	[hbm4b:s20+s5] =	stream.linear.scatter [tilespmem:s29], [sflag:$0x2], $0x2800, $0x38;
	[tilespmem:$0x1E800] =	vst v63  }
0x8d: {  	_ =	swait.ge [sflag:s30], $0x2800  }
0x8e: {  	[sflag:s30] =	ssyncset.done $0x0  }
0x8f: {  	[sflag:s30] =	ssyncadd.s32 $0xFFFFD800  }
0x90: {  	[tilespmem:s28], [sflag:$0x3] =	stream.linear.gather [spmem:s13], $0x2800, $0x38;
	[tilespmem:$0x1E800] =	vst v63  }
0x91: {  	_ =	swait.ge [sflag:s25], $0x2800  }
0x92: {  	[sflag:s25] =	ssyncset.done $0x0  }
0x93: {  	[sflag:s25] =	ssyncadd.s32 $0xFFFFD800  }
0x94: {  	[hbm4b:s21+s5] =	stream.linear.scatter [tilespmem:s28], [sflag:$0x2], $0x2800, $0x38;
	[tilespmem:$0x1E800] =	vst v63  }
0x95: {  	_ =	swait.ge [sflag:s30], $0x2800  }
0x96: {  	[sflag:s30] =	ssyncset.done $0x0  }
0x97: {  	[sflag:s30] =	ssyncadd.s32 $0xFFFFD800  }
0x98: {  	[tilespmem:s29], [sflag:$0x3] =	stream.linear.gather [spmem:s14], $0x2800, $0x38;
	[tilespmem:$0x1E800] =	vst v63  }
0x99: {  	_ =	swait.ge [sflag:s25], $0x2800  }
0x9a: {  	[sflag:s25] =	ssyncset.done $0x0  }
0x9b: {  	[sflag:s25] =	ssyncadd.s32 $0xFFFFD800  }
0x9c: {  	[hbm4b:s22+s5] =	stream.linear.scatter [tilespmem:s29], [sflag:$0x2], $0x2800, $0x38;
	[tilespmem:$0x1E800] =	vst v63  }
0x9d: {  	_ =	swait.ge [sflag:s30], $0x2800  }
0x9e: {  	[sflag:s30] =	ssyncset.done $0x0  }
0x9f: {  	[sflag:s30] =	ssyncadd.s32 $0xFFFFD800  }
0xa0: {  	[tilespmem:s28], [sflag:$0x3] =	stream.linear.gather [spmem:s15], $0x2800, $0x38;
	[tilespmem:$0x1E800] =	vst v63  }
0xa1: {  	_ =	swait.ge [sflag:s25], $0x2800  }
0xa2: {  	[sflag:s25] =	ssyncset.done $0x0  }
0xa3: {  	s2 =	sadd.s32 $0x1, s2;
	[sflag:s25] =	ssyncadd.s32 $0xFFFFD800  }
0xa4: {  	[hbm4b:s23+s5] =	stream.linear.scatter [tilespmem:s28], [sflag:$0x2], $0x2800, $0x38;
	[tilespmem:$0x1E800] =	vst v63  }
0xa5: {  	p0 =	sne.s32 s2, s24;
	_ =	swait.ge [sflag:s30], $0x2800  }
.Ltmp1:
0xa6: {  	[sflag:s30] =	ssyncset.done $0x0;
	(pc) =	sbr.rel @p0 .LBB2_1-.Ltmp1, $4  }
0xa7: {  	[sflag:s30] =	ssyncadd.s32 $0xFFFFD800  }
0xa8: {  	_ =	swait.ge [sflag:s30], $0x2800  }
0xa9: {  	[sflag:s30] =	ssyncset.done $0x0  }
0xaa: {  	[sflag:s30] =	ssyncadd.s32 $0xFFFFD800  }
0xab: {  	_ =	sfence.sel $0x180000  }
0xac: {  	[bflag:$0x0] =	sbarrier.arrive $0xFFFF  }
0xad: {  	_ =	strace $0x9000004A  }
0xae: {  	s0 =	stileid.u32;
	[bflag:$0x2] =	sbarrier.arrive $0xFFFF  }
0xaf: {  	p0 =	sne.s32 s0, $0x0;
	s0 =	rddreg [dreg:$0x4]  }
0xb0: {  	s0 =	sadd.s32 @!p0 $0x100000, s0  }
0xb1: {  	[sflag:s0] =	ssyncadd.tile.s32 @!p0 $0x1;
	_ =	shalt  }
.Lfunc_end2:
_tile_overlayer_lowered:
.L_overlay_start_2:
0xb2: {  	(tag) =	ssettag $0x2  }
0xb3: {  	s0 =	rddreg [dreg:$0x0];
	s2 =	stileid.u32  }
0xb4: {  	s1 =	rddreg [dreg:$0x1];
	p0 =	sne.s32 s2, $0x0  }
0xb5: {  	s3 =	rddreg [dreg:$0x2];
	[bflag:$0x3] =	sbarrier.arrive $0xFFFF;
	s2 =	simm.s32 @!p0 $0x1C03  }
0xb6: {  	[timem:s3], [sflag:s2] =	dma.local @!p0 [hbm:s0], s1  }
0xb7: {  	s0 =	simm.s32 @!p0 $0x3  }
0xb8: {  	_ =	swait.ge @!p0 [sflag:s0], s1  }
0xb9: {  	s1 =	ssub.s32 @!p0 $0x0, s1;
	[sflag:s0] =	ssyncset.done @!p0 $0x0  }
0xba: {  	[sflag:s0] =	ssyncadd.s32 @!p0 s1  }
0xbb: {  	[bflag:$0x3] =	sbarrier.arrive $0xFFFF  }
0xbc: {  	_ =	shalt  }

</sc_bundles>
